<compile_context>
chip_gen: v7x
topology: tpu7x:2x2x1
jax: 0.10.2.dev20260603
libtpu: 0.0.44.dev20260713+nightly
codegen_flags: <defaults>
</compile_context>

<pallas_src>
import dataclasses
import functools

import jax
import jax.numpy as jnp
from jax import lax
from jax.experimental import pallas as pl
from jax.experimental.pallas import tpu as pltpu
from jax.experimental.pallas import tpu_sc as plsc

N = 10000
NNZ = 320000
H = 128
NE = 10000

NW = 32
BATCH = 128
NBATCH = NNZ // BATCH
FULL_T = NBATCH // NW
TAIL = NBATCH - FULL_T * NW

ROW_CHUNK = 640
ROW_TAIL = NE - 15 * ROW_CHUNK
SCAL_PAD = 10240

_SC_PARAMS = pltpu.CompilerParams()
if "needs_layout_passes" in pltpu.CompilerParams.__dataclass_fields__:
    _SC_PARAMS = dataclasses.replace(_SC_PARAMS, needs_layout_passes=False)

_MESH = dict(
    mesh=plsc.VectorSubcoreMesh(core_axis_name="c", subcore_axis_name="s"),
    compiler_params=_SC_PARAMS,
)


def _sc_pass(edge_index, table, grow, srow, bd=None):
    with_bd = bd is not None
    G = 1 if with_bd else 2
    R = G + 1
    out_type = [jax.ShapeDtypeStruct((2, NE, H), jnp.float32)]
    scratch = (
        [pltpu.VMEM((2, BATCH), jnp.int32)] * 6
        + [pltpu.VMEM((BATCH, H), jnp.float32)] * R
        + [pltpu.VMEM_SHARED((NE, H), jnp.float32)]
        + [pltpu.SemaphoreType.DMA] * (6 + 2 * R)
    )
    if with_bd:
        out_type += [jax.ShapeDtypeStruct((2, SCAL_PAD), jnp.float32)] * 2
        scratch += (
            [pltpu.VMEM((NE,), jnp.float32)]
            + [pltpu.VMEM((BATCH,), jnp.float32)] * 3
            + [pltpu.VMEM_SHARED((SCAL_PAD,), jnp.float32)] * 2
            + [pltpu.SemaphoreType.DMA] * 4
        )

    @functools.partial(pl.kernel,
                       out_type=tuple(out_type) if with_bd else out_type[0],
                       scratch_types=scratch, **_MESH)
    def k(*refs):
        it = iter(refs)
        nxt = lambda n: tuple(next(it) for _ in range(n))
        if with_bd:
            ei_hbm, tab_hbm, ew_hbm, zvec_hbm = nxt(4)
            out_hbm, b_out, d_out = nxt(3)
        else:
            ei_hbm, tab_hbm, out_hbm = nxt(3)
        idxs = nxt(6)
        rows = nxt(R)
        (acc,) = nxt(1)
        isems = nxt(6)
        gsems = nxt(R)
        ssems = nxt(R)
        if with_bd:
            (ew_v, ones_v) = nxt(2)
            ws = nxt(2)
            b_acc, d_acc = nxt(2)
            bsems = nxt(2)
            dsems = nxt(2)
        cid = lax.axis_index("c")
        sid = lax.axis_index("s")
        wid = sid * 2 + cid

        @pl.loop(0, BATCH)
        def _(r):
            for c in range(0, H, 16):
                rows[0][r, pl.ds(c, 16)] = jnp.zeros((16,), jnp.float32)

        @pl.when(sid < 15)
        def _():
            for q in range(ROW_CHUNK // BATCH):
                pltpu.sync_copy(
                    rows[0],
                    acc.at[pl.ds(sid * ROW_CHUNK + q * BATCH, BATCH)])

        @pl.when(sid == 15)
        def _():
            for q in range(ROW_TAIL // BATCH):
                pltpu.sync_copy(
                    rows[0],
                    acc.at[pl.ds(15 * ROW_CHUNK + q * BATCH, BATCH)])
            rem = ROW_TAIL % BATCH
            if rem:
                pltpu.sync_copy(
                    rows[0].at[pl.ds(0, rem)],
                    acc.at[pl.ds(15 * ROW_CHUNK + ROW_TAIL - rem, rem)])

        if with_bd:
            @pl.when(sid == 0)
            def _():
                pltpu.sync_copy(zvec_hbm, b_acc)

            @pl.when(sid == 1)
            def _():
                pltpu.sync_copy(zvec_hbm, d_acc)

            pltpu.sync_copy(ew_hbm, ew_v)
            for j in range(0, BATCH, 16):
                ones_v[pl.ds(j, 16)] = jnp.full((16,), 1.0, jnp.float32)

        plsc.subcore_barrier()

        def base_of(t):
            return (t * NW + wid) * BATCH

        def idx_cp(j, t):
            return pltpu.make_async_copy(
                ei_hbm.at[:, pl.ds(base_of(t), BATCH)], idxs[j % 6], isems[j % 6])

        def gather_cp(j):
            return pltpu.make_async_copy(
                tab_hbm.at[idxs[j % 6].at[grow]], rows[j % R], gsems[j % R])

        def scatter_cp(j):
            return pltpu.make_async_copy(
                rows[j % R], acc.at[idxs[j % 6].at[srow]], ssems[j % R])

        def b_cp(j):
            return pltpu.make_async_copy(
                ones_v, b_acc.at[idxs[j % 6].at[1]], bsems[j % 2])

        def d_cp(j):
            return pltpu.make_async_copy(
                ws[j % 2], d_acc.at[idxs[j % 6].at[0]], dsems[j % 2])

        for j in range(6):
            idx_cp(j, j).start()
        for j in range(G):
            idx_cp(j, j).wait()
            gather_cp(j).start()

        def body(k, j, wait_scatter, start_idx, gather_next, wait_bd):
            gather_cp(j).wait()
            scatter_cp(j).start(add=True)
            if wait_scatter:
                scatter_cp(j - 1).wait()
            if gather_next:
                idx_cp(j + G, k + G).wait()
                gather_cp(j + G).start()
            if with_bd and wait_bd:
                b_cp(j - 2).wait()
                d_cp(j - 2).wait()
            if start_idx:
                idx_cp(j + 4, k + 4).start()
            if with_bd:
                b_cp(j).start(add=True)
                idx_ref = idxs[j % 6]
                w_v = ws[j % 2]
                for c in range(0, BATCH, 16):
                    idx16 = idx_ref[1, pl.ds(c, 16)]
                    w_v[pl.ds(c, 16)] = plsc.load_gather(ew_v, [idx16])
                d_cp(j).start(add=True)

        body(0, 0, wait_scatter=False, start_idx=False, gather_next=True,
             wait_bd=False)
        body(1, 1, wait_scatter=True, start_idx=False, gather_next=True,
             wait_bd=False)

        @pl.loop(0, (FULL_T - 6) // 6)
        def _(m):
            k0 = 2 + m * 6
            for u in range(6):
                body(k0 + u, 2 + u, wait_scatter=True, start_idx=True,
                     gather_next=True, wait_bd=True)

        for k in range(FULL_T - 4, FULL_T):
            body(k, k % 6, wait_scatter=True, start_idx=False,
                 gather_next=(k + G < FULL_T), wait_bd=True)

        scatter_cp(FULL_T - 1).wait()
        if with_bd:
            b_cp(FULL_T - 2).wait()
            d_cp(FULL_T - 2).wait()
            b_cp(FULL_T - 1).wait()
            d_cp(FULL_T - 1).wait()

        @pl.when(wid < TAIL)
        def _():
            base = (FULL_T * NW + wid) * BATCH
            pltpu.sync_copy(ei_hbm.at[:, pl.ds(base, BATCH)], idxs[0])
            pltpu.sync_copy(tab_hbm.at[idxs[0].at[grow]], rows[0])
            pltpu.sync_copy(rows[0], acc.at[idxs[0].at[srow]], add=True)
            if with_bd:
                pltpu.sync_copy(ones_v, b_acc.at[idxs[0].at[1]], add=True)
                for c in range(0, BATCH, 16):
                    idx16 = idxs[0][1, pl.ds(c, 16)]
                    ws[0][pl.ds(c, 16)] = plsc.load_gather(ew_v, [idx16])
                pltpu.sync_copy(ws[0], d_acc.at[idxs[0].at[0]], add=True)

        plsc.subcore_barrier()

        @pl.when(sid < 15)
        def _():
            pltpu.sync_copy(acc.at[pl.ds(sid * ROW_CHUNK, ROW_CHUNK)],
                            out_hbm.at[cid, pl.ds(sid * ROW_CHUNK, ROW_CHUNK)])

        @pl.when(sid == 15)
        def _():
            pltpu.sync_copy(acc.at[pl.ds(15 * ROW_CHUNK, ROW_TAIL)],
                            out_hbm.at[cid, pl.ds(15 * ROW_CHUNK, ROW_TAIL)])

        if with_bd:
            @pl.when(sid == 0)
            def _():
                pltpu.sync_copy(b_acc, b_out.at[cid])

            @pl.when(sid == 1)
            def _():
                pltpu.sync_copy(d_acc, d_out.at[cid])

    if with_bd:
        return k(edge_index, table, bd[0], bd[1])
    return k(edge_index, table)


_BLK = 1000


def _tc_combine_scale(ef_part, b_part, lin_W):

    def body(p_ref, b_ref, w_ref, o_ref):
        b = b_ref[0] + b_ref[1]
        binv = jnp.where(b > 0, 1.0 / b, 0.0)
        pw = lax.dot_general(p_ref[0] + p_ref[1], w_ref[...],
                             (((1,), (1,)), ((), ())),
                             preferred_element_type=jnp.float32)
        o_ref[...] = pw * binv

    return pl.pallas_call(
        body,
        grid=(NE // _BLK,),
        in_specs=[
            pl.BlockSpec((2, _BLK, H), lambda i: (0, i, 0)),
            pl.BlockSpec((2, _BLK, 1), lambda i: (0, i, 0)),
            pl.BlockSpec((H, H), lambda i: (0, 0)),
        ],
        out_specs=pl.BlockSpec((_BLK, H), lambda i: (i, 0)),
        out_shape=jax.ShapeDtypeStruct((NE, H), jnp.float32),
    )(ef_part, b_part.reshape(2, SCAL_PAD, 1), lin_W)


def _tc_final(out_part, d_part, x, conv_bias, norm1_g, norm1_b,
              ffn_W1, ffn_b1, ffn_W2, ffn_b2, norm2_g, norm2_b):
    def body(q_ref, d_ref, x_ref, cb_ref, g1_ref, b1_ref,
             w1_ref, fb1_ref, w2_ref, fb2_ref, g2_ref, b2_ref, o_ref):
        q = q_ref[0] + q_ref[1]
        d = d_ref[0] + d_ref[1]
        dinv = jnp.where(d > 0, 1.0 / d, 0.0)
        h = q * dinv + cb_ref[...]
        mu = jnp.mean(h, axis=-1, keepdims=True)
        var = jnp.mean((h - mu) ** 2, axis=-1, keepdims=True)
        h = (h - mu) / jnp.sqrt(var + 1e-5) * g1_ref[...] + b1_ref[...]
        h = jnp.maximum(h, 0.0) + x_ref[...]
        f = lax.dot_general(h, w1_ref[...], (((1,), (1,)), ((), ())),
                            preferred_element_type=jnp.float32) + fb1_ref[...]
        f = jnp.maximum(f, 0.0)
        f = lax.dot_general(f, w2_ref[...], (((1,), (1,)), ((), ())),
                            preferred_element_type=jnp.float32) + fb2_ref[...]
        mu2 = jnp.mean(f, axis=-1, keepdims=True)
        var2 = jnp.mean((f - mu2) ** 2, axis=-1, keepdims=True)
        f = (f - mu2) / jnp.sqrt(var2 + 1e-5) * g2_ref[...] + b2_ref[...]
        o_ref[...] = f + h

    full = lambda shape: pl.BlockSpec(shape, lambda i: tuple(0 for _ in shape))
    return pl.pallas_call(
        body,
        grid=(N // _BLK,),
        in_specs=[
            pl.BlockSpec((2, _BLK, H), lambda i: (0, i, 0)),
            pl.BlockSpec((2, _BLK, 1), lambda i: (0, i, 0)),
            pl.BlockSpec((_BLK, H), lambda i: (i, 0)),
            full((H,)), full((H,)), full((H,)),
            full((2 * H, H)), full((2 * H,)),
            full((H, 2 * H)), full((H,)),
            full((H,)), full((H,)),
        ],
        out_specs=pl.BlockSpec((_BLK, H), lambda i: (i, 0)),
        out_shape=jax.ShapeDtypeStruct((N, H), jnp.float32),
    )(out_part, d_part.reshape(2, SCAL_PAD, 1), x, conv_bias, norm1_g, norm1_b,
      ffn_W1, ffn_b1, ffn_W2, ffn_b2, norm2_g, norm2_b)


def kernel(x, edge_index, edge_weight, lin_W, conv_bias, norm1_g, norm1_b,
           ffn_W1, ffn_b1, ffn_W2, ffn_b2, norm2_g, norm2_b):
    zvec = jnp.zeros((SCAL_PAD,), jnp.float32)
    ef_part, b_part, d_part = _sc_pass(edge_index, x, grow=0, srow=1,
                                       bd=(edge_weight, zvec))
    ef = _tc_combine_scale(ef_part, b_part, lin_W)
    out_part = _sc_pass(edge_index, ef, grow=1, srow=0)
    return _tc_final(out_part, d_part, x, conv_bias, norm1_g, norm1_b,
                     ffn_W1, ffn_b1, ffn_W2, ffn_b2, norm2_g, norm2_b)

# --- scband reference (transcript-rebuilt; emitter-appended) ---
"""Pipeline reference for scband-hypergraph-block-20220706030436 (READ-ONLY COPY).

The authoritative reference and input builder live on the scoring server;
editing this copy changes nothing except your own understanding.
"""

import jax, jax.numpy as jnp
import numpy as np

N = 10000      # num nodes
NNZ = 320000   # incidence entries (node, hyperedge) pairs
H = 128        # hidden_dim
NE = 10000     # num hyperedges


def _layer_norm(x, g, b, eps=1e-5):
    mu = jnp.mean(x, axis=-1, keepdims=True)
    var = jnp.mean((x - mu) ** 2, axis=-1, keepdims=True)
    return (x - mu) / jnp.sqrt(var + eps) * g + b


def setup_inputs(seed: int = 0) -> dict:
    key = jax.random.key(seed)
    ks = jax.random.split(key, 12)
    inp = {}
    inp["x"] = jax.random.normal(ks[0], (N, H), dtype=jnp.float32)
    inp["edge_index"] = jax.random.randint(ks[1], (2, NNZ), 0, NE, dtype=jnp.int32)
    inp["edge_weight"] = jax.random.uniform(ks[2], (NE,), dtype=jnp.float32)
    s = 1.0 / np.sqrt(H)
    inp["lin_W"] = jax.random.uniform(ks[3], (H, H), jnp.float32, -s, s)
    inp["conv_bias"] = jnp.zeros((H,), jnp.float32)
    inp["norm1_g"] = jnp.ones((H,), jnp.float32)
    inp["norm1_b"] = jnp.zeros((H,), jnp.float32)
    inp["ffn_W1"] = jax.random.uniform(ks[4], (2 * H, H), jnp.float32, -s, s)
    inp["ffn_b1"] = jax.random.uniform(ks[5], (2 * H,), jnp.float32, -s, s)
    s2 = 1.0 / np.sqrt(2 * H)
    inp["ffn_W2"] = jax.random.uniform(ks[6], (H, 2 * H), jnp.float32, -s2, s2)
    inp["ffn_b2"] = jax.random.uniform(ks[7], (H,), jnp.float32, -s2, s2)
    inp["norm2_g"] = jnp.ones((H,), jnp.float32)
    inp["norm2_b"] = jnp.zeros((H,), jnp.float32)
    return inp


def _hypergraph_conv(x, edge_index, edge_weight, lin_W, conv_bias):
    # PyG HypergraphConv (heads=1, no attention): out = D^{-1} H B^{-1} H^T (X W^T) + bias
    num_nodes = x.shape[0]
    num_edges = edge_weight.shape[0]
    node_idx = edge_index[0]
    hedge_idx = edge_index[1]
    xw = x @ lin_W.T
    # D[v] = sum over incident hyperedges of hyperedge_weight[e]
    D = jax.ops.segment_sum(edge_weight[hedge_idx], node_idx, num_segments=num_nodes)
    D = jnp.where(D > 0, 1.0 / D, 0.0)
    # B[e] = hyperedge degree
    B = jax.ops.segment_sum(jnp.ones((node_idx.shape[0],), dtype=x.dtype), hedge_idx, num_segments=num_edges)
    B = jnp.where(B > 0, 1.0 / B, 0.0)
    # node -> hyperedge: message = B[e] * xw[v]
    edge_feat = jax.ops.segment_sum(B[hedge_idx][:, None] * xw[node_idx], hedge_idx, num_segments=num_edges)
    # hyperedge -> node: message = D[v] * edge_feat[e]
    out = jax.ops.segment_sum(D[node_idx][:, None] * edge_feat[hedge_idx], node_idx, num_segments=num_nodes)
    return out + conv_bias


def reference(x, edge_index, edge_weight, lin_W, conv_bias, norm1_g, norm1_b,
              ffn_W1, ffn_b1, ffn_W2, ffn_b2, norm2_g, norm2_b):
    x_res = x
    h = _hypergraph_conv(x, edge_index, edge_weight, lin_W, conv_bias)
    h = _layer_norm(h, norm1_g, norm1_b)
    h = jax.nn.relu(h) + x_res  # dropout p=0.0 -> identity
    x_res = h
    f = h @ ffn_W1.T + ffn_b1
    f = jax.nn.relu(f)
    f = f @ ffn_W2.T + ffn_b2
    f = _layer_norm(f, norm2_g, norm2_b)
    return f + x_res

if __name__ == "__main__":
    import jax
    _d = setup_inputs()
    print(jax.jit(kernel)(*tuple(_d.values())))

</pallas_src>

<mosaic_0001>
#map = affine_map<(d0, d1) -> (0, 0)>
#map1 = affine_map<(d0, d1) -> (0)>
#map2 = affine_map<(d0, d1) -> (0, 0, 0)>
module attributes {stable_mosaic.version = 14 : i64} {
  func.func @k(%arg0: i32, %arg1: i32, %arg2: memref<2x320000xi32, #tpu.memory_space<hbm>>, %arg3: memref<10000x128xf32, #tpu.memory_space<hbm>>, %arg4: memref<10000xf32, #tpu.memory_space<hbm>>, %arg5: memref<10240xf32, #tpu.memory_space<hbm>>, %arg6: memref<2x10000x128xf32, #tpu.memory_space<hbm>>, %arg7: memref<2x10240xf32, #tpu.memory_space<hbm>>, %arg8: memref<2x10240xf32, #tpu.memory_space<hbm>>, %arg9: memref<2x128xi32, #tpu.memory_space<vmem>>, %arg10: memref<2x128xi32, #tpu.memory_space<vmem>>, %arg11: memref<2x128xi32, #tpu.memory_space<vmem>>, %arg12: memref<2x128xi32, #tpu.memory_space<vmem>>, %arg13: memref<2x128xi32, #tpu.memory_space<vmem>>, %arg14: memref<2x128xi32, #tpu.memory_space<vmem>>, %arg15: memref<128x128xf32, #tpu.memory_space<vmem>>, %arg16: memref<128x128xf32, #tpu.memory_space<vmem>>, %arg17: memref<10000x128xf32, #tpu.memory_space<vmem_shared>>, %arg18: memref<!tpu.dma_semaphore, #tpu.memory_space<semaphore_mem>>, %arg19: memref<!tpu.dma_semaphore, #tpu.memory_space<semaphore_mem>>, %arg20: memref<!tpu.dma_semaphore, #tpu.memory_space<semaphore_mem>>, %arg21: memref<!tpu.dma_semaphore, #tpu.memory_space<semaphore_mem>>, %arg22: memref<!tpu.dma_semaphore, #tpu.memory_space<semaphore_mem>>, %arg23: memref<!tpu.dma_semaphore, #tpu.memory_space<semaphore_mem>>, %arg24: memref<!tpu.dma_semaphore, #tpu.memory_space<semaphore_mem>>, %arg25: memref<!tpu.dma_semaphore, #tpu.memory_space<semaphore_mem>>, %arg26: memref<!tpu.dma_semaphore, #tpu.memory_space<semaphore_mem>>, %arg27: memref<!tpu.dma_semaphore, #tpu.memory_space<semaphore_mem>>, %arg28: memref<10000xf32, #tpu.memory_space<vmem>>, %arg29: memref<128xf32, #tpu.memory_space<vmem>>, %arg30: memref<128xf32, #tpu.memory_space<vmem>>, %arg31: memref<128xf32, #tpu.memory_space<vmem>>, %arg32: memref<10240xf32, #tpu.memory_space<vmem_shared>>, %arg33: memref<10240xf32, #tpu.memory_space<vmem_shared>>, %arg34: memref<!tpu.dma_semaphore, #tpu.memory_space<semaphore_mem>>, %arg35: memref<!tpu.dma_semaphore, #tpu.memory_space<semaphore_mem>>, %arg36: memref<!tpu.dma_semaphore, #tpu.memory_space<semaphore_mem>>, %arg37: memref<!tpu.dma_semaphore, #tpu.memory_space<semaphore_mem>>) attributes {dimension_semantics = [#tpu.dimension_semantics<core_parallel>, #tpu.dimension_semantics<subcore_parallel>], iteration_bounds = array<i64: 2, 16>, scalar_prefetch = 0 : i64, scratch_operands = 29 : i64, tpu.core_type = #tpu.core_type<sc_vector_subcore>, window_params = [{transform_indices = #map}, {transform_indices = #map}, {transform_indices = #map1}, {transform_indices = #map1}, {transform_indices = #map2}, {transform_indices = #map}, {transform_indices = #map}]} {
    %mul3A = arith.constant 2 : i32
    %mul3A_0 = arith.muli %arg1, %mul3A : i32
    %add3A = arith.addi %mul3A_0, %arg0 : i32
    %scan3A = arith.constant 0 : i32
    %scan3A_1 = arith.constant 128 : i32
    %scan3A_2 = arith.addi %scan3A, %scan3A_1 : i32
    %scan3A_3 = arith.constant 1 : i32
    scf.for %scan3A_822 = %scan3A to %scan3A_2 step %scan3A_3  : i32 {
      %mul3A_823 = arith.constant 1 : i32
      %mul3A_824 = arith.muli %scan3A_822, %mul3A_823 : i32
      %add3A_825 = arith.constant 0 : i32
      %add3A_826 = arith.addi %add3A_825, %mul3A_824 : i32
      %broadcast_in_dim3A_827 = arith.constant 0.000000e+00 : f32
      %broadcast_in_dim3A_828 = vector.broadcast %broadcast_in_dim3A_827 : f32 to vector<16xf32>
      %swap3A_829 = arith.index_cast %add3A_826 : i32 to index
      %swap3A_830 = arith.constant 0 : index
      %swap3A_831 = tpu.vector_load %arg15[%swap3A_829, %swap3A_830] {strides = array<i32>} : memref<128x128xf32, #tpu.memory_space<vmem>>, vector<16xf32>,
      tpu.vector_store %arg15[%swap3A_829, %swap3A_830], %broadcast_in_dim3A_828 {strides = array<i32>} : memref<128x128xf32, #tpu.memory_space<vmem>>, vector<16xf32>,
      %broadcast_in_dim3A_832 = arith.constant 0.000000e+00 : f32
      %broadcast_in_dim3A_833 = vector.broadcast %broadcast_in_dim3A_832 : f32 to vector<16xf32>
      %swap3A_834 = arith.index_cast %add3A_826 : i32 to index
      %swap3A_835 = arith.constant 16 : index
      %swap3A_836 = tpu.vector_load %arg15[%swap3A_834, %swap3A_835] {strides = array<i32>} : memref<128x128xf32, #tpu.memory_space<vmem>>, vector<16xf32>,
      tpu.vector_store %arg15[%swap3A_834, %swap3A_835], %broadcast_in_dim3A_833 {strides = array<i32>} : memref<128x128xf32, #tpu.memory_space<vmem>>, vector<16xf32>,
      %broadcast_in_dim3A_837 = arith.constant 0.000000e+00 : f32
      %broadcast_in_dim3A_838 = vector.broadcast %broadcast_in_dim3A_837 : f32 to vector<16xf32>
      %swap3A_839 = arith.index_cast %add3A_826 : i32 to index
      %swap3A_840 = arith.constant 32 : index
      %swap3A_841 = tpu.vector_load %arg15[%swap3A_839, %swap3A_840] {strides = array<i32>} : memref<128x128xf32, #tpu.memory_space<vmem>>, vector<16xf32>,
      tpu.vector_store %arg15[%swap3A_839, %swap3A_840], %broadcast_in_dim3A_838 {strides = array<i32>} : memref<128x128xf32, #tpu.memory_space<vmem>>, vector<16xf32>,
      %broadcast_in_dim3A_842 = arith.constant 0.000000e+00 : f32
      %broadcast_in_dim3A_843 = vector.broadcast %broadcast_in_dim3A_842 : f32 to vector<16xf32>
      %swap3A_844 = arith.index_cast %add3A_826 : i32 to index
      %swap3A_845 = arith.constant 48 : index
      %swap3A_846 = tpu.vector_load %arg15[%swap3A_844, %swap3A_845] {strides = array<i32>} : memref<128x128xf32, #tpu.memory_space<vmem>>, vector<16xf32>,
      tpu.vector_store %arg15[%swap3A_844, %swap3A_845], %broadcast_in_dim3A_843 {strides = array<i32>} : memref<128x128xf32, #tpu.memory_space<vmem>>, vector<16xf32>,
      %broadcast_in_dim3A_847 = arith.constant 0.000000e+00 : f32
      %broadcast_in_dim3A_848 = vector.broadcast %broadcast_in_dim3A_847 : f32 to vector<16xf32>
      %swap3A_849 = arith.index_cast %add3A_826 : i32 to index
      %swap3A_850 = arith.constant 64 : index
      %swap3A_851 = tpu.vector_load %arg15[%swap3A_849, %swap3A_850] {strides = array<i32>} : memref<128x128xf32, #tpu.memory_space<vmem>>, vector<16xf32>,
      tpu.vector_store %arg15[%swap3A_849, %swap3A_850], %broadcast_in_dim3A_848 {strides = array<i32>} : memref<128x128xf32, #tpu.memory_space<vmem>>, vector<16xf32>,
      %broadcast_in_dim3A_852 = arith.constant 0.000000e+00 : f32
      %broadcast_in_dim3A_853 = vector.broadcast %broadcast_in_dim3A_852 : f32 to vector<16xf32>
      %swap3A_854 = arith.index_cast %add3A_826 : i32 to index
      %swap3A_855 = arith.constant 80 : index
      %swap3A_856 = tpu.vector_load %arg15[%swap3A_854, %swap3A_855] {strides = array<i32>} : memref<128x128xf32, #tpu.memory_space<vmem>>, vector<16xf32>,
      tpu.vector_store %arg15[%swap3A_854, %swap3A_855], %broadcast_in_dim3A_853 {strides = array<i32>} : memref<128x128xf32, #tpu.memory_space<vmem>>, vector<16xf32>,
      %broadcast_in_dim3A_857 = arith.constant 0.000000e+00 : f32
      %broadcast_in_dim3A_858 = vector.broadcast %broadcast_in_dim3A_857 : f32 to vector<16xf32>
      %swap3A_859 = arith.index_cast %add3A_826 : i32 to index
      %swap3A_860 = arith.constant 96 : index
      %swap3A_861 = tpu.vector_load %arg15[%swap3A_859, %swap3A_860] {strides = array<i32>} : memref<128x128xf32, #tpu.memory_space<vmem>>, vector<16xf32>,
      tpu.vector_store %arg15[%swap3A_859, %swap3A_860], %broadcast_in_dim3A_858 {strides = array<i32>} : memref<128x128xf32, #tpu.memory_space<vmem>>, vector<16xf32>,
      %broadcast_in_dim3A_862 = arith.constant 0.000000e+00 : f32
      %broadcast_in_dim3A_863 = vector.broadcast %broadcast_in_dim3A_862 : f32 to vector<16xf32>
      %swap3A_864 = arith.index_cast %add3A_826 : i32 to index
      %swap3A_865 = arith.constant 112 : index
      %swap3A_866 = tpu.vector_load %arg15[%swap3A_864, %swap3A_865] {strides = array<i32>} : memref<128x128xf32, #tpu.memory_space<vmem>>, vector<16xf32>,
      tpu.vector_store %arg15[%swap3A_864, %swap3A_865], %broadcast_in_dim3A_863 {strides = array<i32>} : memref<128x128xf32, #tpu.memory_space<vmem>>, vector<16xf32>,
    }
    %scan3A_4 = arith.constant 128 : i32
    %lt3A = arith.constant 15 : i32
    %lt3A_5 = arith.cmpi slt, %arg1, %lt3A : i32
    %convert_element_type3A = arith.extui %lt3A_5 : i1 to i32
    %cond3A = arith.constant 0 : i32
    %cond3A_6 = arith.cmpi ne, %convert_element_type3A, %cond3A : i32
    scf.if %cond3A_6 {
      %mul3A_822 = arith.constant 640 : i32
      %mul3A_823 = arith.muli %arg1, %mul3A_822 : i32
      %add3A_824 = arith.constant 0 : i32
      %add3A_825 = arith.addi %mul3A_823, %add3A_824 : i32
      "tpu.region"() ({
        %run_scoped3A = tpu.sem_alloc : memref<!tpu.dma_semaphore, #tpu.memory_space<semaphore_mem>>
        %dma_start3A_842 = arith.constant 0 : i32
        %dma_start3A_843 = tpu.memref_slice %arg17[%add3A_825, %dma_start3A_842] : memref<10000x128xf32, #tpu.memory_space<vmem_shared>> -> memref<128x128xf32, #tpu.memory_space<vmem_shared>>
        %dma_start3A_844 = arith.constant 0 : i32
        %dma_start3A_845 = tpu.memref_slice %arg17[%add3A_825, %dma_start3A_844] : memref<10000x128xf32, #tpu.memory_space<vmem_shared>> -> memref<128x128xf32, #tpu.memory_space<vmem_shared>>
        tpu.enqueue_dma source(%arg15 : memref<128x128xf32, #tpu.memory_space<vmem>>) target(%dma_start3A_845 : memref<128x128xf32, #tpu.memory_space<vmem_shared>>) target_semaphore(%run_scoped3A : memref<!tpu.dma_semaphore, #tpu.memory_space<semaphore_mem>>)
        %dma_wait3A_846 = arith.constant 0 : i32
        %dma_wait3A_847 = tpu.memref_slice %arg17[%add3A_825, %dma_wait3A_846] : memref<10000x128xf32, #tpu.memory_space<vmem_shared>> -> memref<128x128xf32, #tpu.memory_space<vmem_shared>>
        %dma_wait3A_848 = arith.constant 0 : i32
        %dma_wait3A_849 = tpu.memref_slice %arg17[%add3A_825, %dma_wait3A_848] : memref<10000x128xf32, #tpu.memory_space<vmem_shared>> -> memref<128x128xf32, #tpu.memory_space<vmem_shared>>
        tpu.wait_dma2 semaphore(%run_scoped3A : memref<!tpu.dma_semaphore, #tpu.memory_space<semaphore_mem>>) src(%arg15 : memref<128x128xf32, #tpu.memory_space<vmem>>) dst(%dma_wait3A_849 : memref<128x128xf32, #tpu.memory_space<vmem_shared>>)
        tpu.yield
      }) : () -> ()
      %mul3A_826 = arith.constant 640 : i32
      %mul3A_827 = arith.muli %arg1, %mul3A_826 : i32
      %add3A_828 = arith.constant 128 : i32
      %add3A_829 = arith.addi %mul3A_827, %add3A_828 : i32
      "tpu.region"() ({
        %run_scoped3A = tpu.sem_alloc : memref<!tpu.dma_semaphore, #tpu.memory_space<semaphore_mem>>
        %dma_start3A_842 = arith.constant 0 : i32
        %dma_start3A_843 = tpu.memref_slice %arg17[%add3A_829, %dma_start3A_842] : memref<10000x128xf32, #tpu.memory_space<vmem_shared>> -> memref<128x128xf32, #tpu.memory_space<vmem_shared>>
        %dma_start3A_844 = arith.constant 0 : i32
        %dma_start3A_845 = tpu.memref_slice %arg17[%add3A_829, %dma_start3A_844] : memref<10000x128xf32, #tpu.memory_space<vmem_shared>> -> memref<128x128xf32, #tpu.memory_space<vmem_shared>>
        tpu.enqueue_dma source(%arg15 : memref<128x128xf32, #tpu.memory_space<vmem>>) target(%dma_start3A_845 : memref<128x128xf32, #tpu.memory_space<vmem_shared>>) target_semaphore(%run_scoped3A : memref<!tpu.dma_semaphore, #tpu.memory_space<semaphore_mem>>)
        %dma_wait3A_846 = arith.constant 0 : i32
        %dma_wait3A_847 = tpu.memref_slice %arg17[%add3A_829, %dma_wait3A_846] : memref<10000x128xf32, #tpu.memory_space<vmem_shared>> -> memref<128x128xf32, #tpu.memory_space<vmem_shared>>
        %dma_wait3A_848 = arith.constant 0 : i32
        %dma_wait3A_849 = tpu.memref_slice %arg17[%add3A_829, %dma_wait3A_848] : memref<10000x128xf32, #tpu.memory_space<vmem_shared>> -> memref<128x128xf32, #tpu.memory_space<vmem_shared>>
        tpu.wait_dma2 semaphore(%run_scoped3A : memref<!tpu.dma_semaphore, #tpu.memory_space<semaphore_mem>>) src(%arg15 : memref<128x128xf32, #tpu.memory_space<vmem>>) dst(%dma_wait3A_849 : memref<128x128xf32, #tpu.memory_space<vmem_shared>>)
        tpu.yield
      }) : () -> ()
      %mul3A_830 = arith.constant 640 : i32
      %mul3A_831 = arith.muli %arg1, %mul3A_830 : i32
      %add3A_832 = arith.constant 256 : i32
      %add3A_833 = arith.addi %mul3A_831, %add3A_832 : i32
      "tpu.region"() ({
        %run_scoped3A = tpu.sem_alloc : memref<!tpu.dma_semaphore, #tpu.memory_space<semaphore_mem>>
        %dma_start3A_842 = arith.constant 0 : i32
        %dma_start3A_843 = tpu.memref_slice %arg17[%add3A_833, %dma_start3A_842] : memref<10000x128xf32, #tpu.memory_space<vmem_shared>> -> memref<128x128xf32, #tpu.memory_space<vmem_shared>>
        %dma_start3A_844 = arith.constant 0 : i32
        %dma_start3A_845 = tpu.memref_slice %arg17[%add3A_833, %dma_start3A_844] : memref<10000x128xf32, #tpu.memory_space<vmem_shared>> -> memref<128x128xf32, #tpu.memory_space<vmem_shared>>
        tpu.enqueue_dma source(%arg15 : memref<128x128xf32, #tpu.memory_space<vmem>>) target(%dma_start3A_845 : memref<128x128xf32, #tpu.memory_space<vmem_shared>>) target_semaphore(%run_scoped3A : memref<!tpu.dma_semaphore, #tpu.memory_space<semaphore_mem>>)
        %dma_wait3A_846 = arith.constant 0 : i32
        %dma_wait3A_847 = tpu.memref_slice %arg17[%add3A_833, %dma_wait3A_846] : memref<10000x128xf32, #tpu.memory_space<vmem_shared>> -> memref<128x128xf32, #tpu.memory_space<vmem_shared>>
        %dma_wait3A_848 = arith.constant 0 : i32
        %dma_wait3A_849 = tpu.memref_slice %arg17[%add3A_833, %dma_wait3A_848] : memref<10000x128xf32, #tpu.memory_space<vmem_shared>> -> memref<128x128xf32, #tpu.memory_space<vmem_shared>>
        tpu.wait_dma2 semaphore(%run_scoped3A : memref<!tpu.dma_semaphore, #tpu.memory_space<semaphore_mem>>) src(%arg15 : memref<128x128xf32, #tpu.memory_space<vmem>>) dst(%dma_wait3A_849 : memref<128x128xf32, #tpu.memory_space<vmem_shared>>)
        tpu.yield
      }) : () -> ()
      %mul3A_834 = arith.constant 640 : i32
      %mul3A_835 = arith.muli %arg1, %mul3A_834 : i32
      %add3A_836 = arith.constant 384 : i32
      %add3A_837 = arith.addi %mul3A_835, %add3A_836 : i32
      "tpu.region"() ({
        %run_scoped3A = tpu.sem_alloc : memref<!tpu.dma_semaphore, #tpu.memory_space<semaphore_mem>>
        %dma_start3A_842 = arith.constant 0 : i32
        %dma_start3A_843 = tpu.memref_slice %arg17[%add3A_837, %dma_start3A_842] : memref<10000x128xf32, #tpu.memory_space<vmem_shared>> -> memref<128x128xf32, #tpu.memory_space<vmem_shared>>
        %dma_start3A_844 = arith.constant 0 : i32
        %dma_start3A_845 = tpu.memref_slice %arg17[%add3A_837, %dma_start3A_844] : memref<10000x128xf32, #tpu.memory_space<vmem_shared>> -> memref<128x128xf32, #tpu.memory_space<vmem_shared>>
        tpu.enqueue_dma source(%arg15 : memref<128x128xf32, #tpu.memory_space<vmem>>) target(%dma_start3A_845 : memref<128x128xf32, #tpu.memory_space<vmem_shared>>) target_semaphore(%run_scoped3A : memref<!tpu.dma_semaphore, #tpu.memory_space<semaphore_mem>>)
        %dma_wait3A_846 = arith.constant 0 : i32
        %dma_wait3A_847 = tpu.memref_slice %arg17[%add3A_837, %dma_wait3A_846] : memref<10000x128xf32, #tpu.memory_space<vmem_shared>> -> memref<128x128xf32, #tpu.memory_space<vmem_shared>>
        %dma_wait3A_848 = arith.constant 0 : i32
        %dma_wait3A_849 = tpu.memref_slice %arg17[%add3A_837, %dma_wait3A_848] : memref<10000x128xf32, #tpu.memory_space<vmem_shared>> -> memref<128x128xf32, #tpu.memory_space<vmem_shared>>
        tpu.wait_dma2 semaphore(%run_scoped3A : memref<!tpu.dma_semaphore, #tpu.memory_space<semaphore_mem>>) src(%arg15 : memref<128x128xf32, #tpu.memory_space<vmem>>) dst(%dma_wait3A_849 : memref<128x128xf32, #tpu.memory_space<vmem_shared>>)
        tpu.yield
      }) : () -> ()
      %mul3A_838 = arith.constant 640 : i32
      %mul3A_839 = arith.muli %arg1, %mul3A_838 : i32
      %add3A_840 = arith.constant 512 : i32
      %add3A_841 = arith.addi %mul3A_839, %add3A_840 : i32
      "tpu.region"() ({
        %run_scoped3A = tpu.sem_alloc : memref<!tpu.dma_semaphore, #tpu.memory_space<semaphore_mem>>
        %dma_start3A_842 = arith.constant 0 : i32
        %dma_start3A_843 = tpu.memref_slice %arg17[%add3A_841, %dma_start3A_842] : memref<10000x128xf32, #tpu.memory_space<vmem_shared>> -> memref<128x128xf32, #tpu.memory_space<vmem_shared>>
        %dma_start3A_844 = arith.constant 0 : i32
        %dma_start3A_845 = tpu.memref_slice %arg17[%add3A_841, %dma_start3A_844] : memref<10000x128xf32, #tpu.memory_space<vmem_shared>> -> memref<128x128xf32, #tpu.memory_space<vmem_shared>>
        tpu.enqueue_dma source(%arg15 : memref<128x128xf32, #tpu.memory_space<vmem>>) target(%dma_start3A_845 : memref<128x128xf32, #tpu.memory_space<vmem_shared>>) target_semaphore(%run_scoped3A : memref<!tpu.dma_semaphore, #tpu.memory_space<semaphore_mem>>)
        %dma_wait3A_846 = arith.constant 0 : i32
        %dma_wait3A_847 = tpu.memref_slice %arg17[%add3A_841, %dma_wait3A_846] : memref<10000x128xf32, #tpu.memory_space<vmem_shared>> -> memref<128x128xf32, #tpu.memory_space<vmem_shared>>
        %dma_wait3A_848 = arith.constant 0 : i32
        %dma_wait3A_849 = tpu.memref_slice %arg17[%add3A_841, %dma_wait3A_848] : memref<10000x128xf32, #tpu.memory_space<vmem_shared>> -> memref<128x128xf32, #tpu.memory_space<vmem_shared>>
        tpu.wait_dma2 semaphore(%run_scoped3A : memref<!tpu.dma_semaphore, #tpu.memory_space<semaphore_mem>>) src(%arg15 : memref<128x128xf32, #tpu.memory_space<vmem>>) dst(%dma_wait3A_849 : memref<128x128xf32, #tpu.memory_space<vmem_shared>>)
        tpu.yield
      }) : () -> ()
    } else {
    }
    %eq3A = arith.constant 15 : i32
    %eq3A_7 = arith.cmpi eq, %arg1, %eq3A : i32
    %convert_element_type3A_8 = arith.extui %eq3A_7 : i1 to i32
    %cond3A_9 = arith.constant 0 : i32
    %cond3A_10 = arith.cmpi ne, %convert_element_type3A_8, %cond3A_9 : i32
    scf.if %cond3A_10 {
      "tpu.region"() ({
        %run_scoped3A = tpu.sem_alloc : memref<!tpu.dma_semaphore, #tpu.memory_space<semaphore_mem>>
        %dma_start3A_822 = arith.constant 9600 : i32
        %dma_start3A_823 = arith.constant 0 : i32
        %dma_start3A_824 = tpu.memref_slice %arg17[%dma_start3A_822, %dma_start3A_823] : memref<10000x128xf32, #tpu.memory_space<vmem_shared>> -> memref<128x128xf32, #tpu.memory_space<vmem_shared>>
        %dma_start3A_825 = arith.constant 9600 : i32
        %dma_start3A_826 = arith.constant 0 : i32
        %dma_start3A_827 = tpu.memref_slice %arg17[%dma_start3A_825, %dma_start3A_826] : memref<10000x128xf32, #tpu.memory_space<vmem_shared>> -> memref<128x128xf32, #tpu.memory_space<vmem_shared>>
        tpu.enqueue_dma source(%arg15 : memref<128x128xf32, #tpu.memory_space<vmem>>) target(%dma_start3A_827 : memref<128x128xf32, #tpu.memory_space<vmem_shared>>) target_semaphore(%run_scoped3A : memref<!tpu.dma_semaphore, #tpu.memory_space<semaphore_mem>>)
        %dma_wait3A_828 = arith.constant 9600 : i32
        %dma_wait3A_829 = arith.constant 0 : i32
        %dma_wait3A_830 = tpu.memref_slice %arg17[%dma_wait3A_828, %dma_wait3A_829] : memref<10000x128xf32, #tpu.memory_space<vmem_shared>> -> memref<128x128xf32, #tpu.memory_space<vmem_shared>>
        %dma_wait3A_831 = arith.constant 9600 : i32
        %dma_wait3A_832 = arith.constant 0 : i32
        %dma_wait3A_833 = tpu.memref_slice %arg17[%dma_wait3A_831, %dma_wait3A_832] : memref<10000x128xf32, #tpu.memory_space<vmem_shared>> -> memref<128x128xf32, #tpu.memory_space<vmem_shared>>
        tpu.wait_dma2 semaphore(%run_scoped3A : memref<!tpu.dma_semaphore, #tpu.memory_space<semaphore_mem>>) src(%arg15 : memref<128x128xf32, #tpu.memory_space<vmem>>) dst(%dma_wait3A_833 : memref<128x128xf32, #tpu.memory_space<vmem_shared>>)
        tpu.yield
      }) : () -> ()
      "tpu.region"() ({
        %run_scoped3A = tpu.sem_alloc : memref<!tpu.dma_semaphore, #tpu.memory_space<semaphore_mem>>
        %dma_start3A_822 = arith.constant 9728 : i32
        %dma_start3A_823 = arith.constant 0 : i32
        %dma_start3A_824 = tpu.memref_slice %arg17[%dma_start3A_822, %dma_start3A_823] : memref<10000x128xf32, #tpu.memory_space<vmem_shared>> -> memref<128x128xf32, #tpu.memory_space<vmem_shared>>
        %dma_start3A_825 = arith.constant 9728 : i32
        %dma_start3A_826 = arith.constant 0 : i32
        %dma_start3A_827 = tpu.memref_slice %arg17[%dma_start3A_825, %dma_start3A_826] : memref<10000x128xf32, #tpu.memory_space<vmem_shared>> -> memref<128x128xf32, #tpu.memory_space<vmem_shared>>
        tpu.enqueue_dma source(%arg15 : memref<128x128xf32, #tpu.memory_space<vmem>>) target(%dma_start3A_827 : memref<128x128xf32, #tpu.memory_space<vmem_shared>>) target_semaphore(%run_scoped3A : memref<!tpu.dma_semaphore, #tpu.memory_space<semaphore_mem>>)
        %dma_wait3A_828 = arith.constant 9728 : i32
        %dma_wait3A_829 = arith.constant 0 : i32
        %dma_wait3A_830 = tpu.memref_slice %arg17[%dma_wait3A_828, %dma_wait3A_829] : memref<10000x128xf32, #tpu.memory_space<vmem_shared>> -> memref<128x128xf32, #tpu.memory_space<vmem_shared>>
        %dma_wait3A_831 = arith.constant 9728 : i32
        %dma_wait3A_832 = arith.constant 0 : i32
        %dma_wait3A_833 = tpu.memref_slice %arg17[%dma_wait3A_831, %dma_wait3A_832] : memref<10000x128xf32, #tpu.memory_space<vmem_shared>> -> memref<128x128xf32, #tpu.memory_space<vmem_shared>>
        tpu.wait_dma2 semaphore(%run_scoped3A : memref<!tpu.dma_semaphore, #tpu.memory_space<semaphore_mem>>) src(%arg15 : memref<128x128xf32, #tpu.memory_space<vmem>>) dst(%dma_wait3A_833 : memref<128x128xf32, #tpu.memory_space<vmem_shared>>)
        tpu.yield
      }) : () -> ()
      "tpu.region"() ({
        %run_scoped3A = tpu.sem_alloc : memref<!tpu.dma_semaphore, #tpu.memory_space<semaphore_mem>>
        %dma_start3A_822 = arith.constant 9856 : i32
        %dma_start3A_823 = arith.constant 0 : i32
        %dma_start3A_824 = tpu.memref_slice %arg17[%dma_start3A_822, %dma_start3A_823] : memref<10000x128xf32, #tpu.memory_space<vmem_shared>> -> memref<128x128xf32, #tpu.memory_space<vmem_shared>>
        %dma_start3A_825 = arith.constant 9856 : i32
        %dma_start3A_826 = arith.constant 0 : i32
        %dma_start3A_827 = tpu.memref_slice %arg17[%dma_start3A_825, %dma_start3A_826] : memref<10000x128xf32, #tpu.memory_space<vmem_shared>> -> memref<128x128xf32, #tpu.memory_space<vmem_shared>>
        tpu.enqueue_dma source(%arg15 : memref<128x128xf32, #tpu.memory_space<vmem>>) target(%dma_start3A_827 : memref<128x128xf32, #tpu.memory_space<vmem_shared>>) target_semaphore(%run_scoped3A : memref<!tpu.dma_semaphore, #tpu.memory_space<semaphore_mem>>)
        %dma_wait3A_828 = arith.constant 9856 : i32
        %dma_wait3A_829 = arith.constant 0 : i32
        %dma_wait3A_830 = tpu.memref_slice %arg17[%dma_wait3A_828, %dma_wait3A_829] : memref<10000x128xf32, #tpu.memory_space<vmem_shared>> -> memref<128x128xf32, #tpu.memory_space<vmem_shared>>
        %dma_wait3A_831 = arith.constant 9856 : i32
        %dma_wait3A_832 = arith.constant 0 : i32
        %dma_wait3A_833 = tpu.memref_slice %arg17[%dma_wait3A_831, %dma_wait3A_832] : memref<10000x128xf32, #tpu.memory_space<vmem_shared>> -> memref<128x128xf32, #tpu.memory_space<vmem_shared>>
        tpu.wait_dma2 semaphore(%run_scoped3A : memref<!tpu.dma_semaphore, #tpu.memory_space<semaphore_mem>>) src(%arg15 : memref<128x128xf32, #tpu.memory_space<vmem>>) dst(%dma_wait3A_833 : memref<128x128xf32, #tpu.memory_space<vmem_shared>>)
        tpu.yield
      }) : () -> ()
      "tpu.region"() ({
        %run_scoped3A = tpu.sem_alloc : memref<!tpu.dma_semaphore, #tpu.memory_space<semaphore_mem>>
        %dma_start3A_822 = arith.constant 0 : i32
        %dma_start3A_823 = arith.constant 0 : i32
        %dma_start3A_824 = tpu.memref_slice %arg15[%dma_start3A_822, %dma_start3A_823] : memref<128x128xf32, #tpu.memory_space<vmem>> -> memref<16x128xf32, #tpu.memory_space<vmem>>
        %dma_start3A_825 = arith.constant 9984 : i32
        %dma_start3A_826 = arith.constant 0 : i32
        %dma_start3A_827 = tpu.memref_slice %arg17[%dma_start3A_825, %dma_start3A_826] : memref<10000x128xf32, #tpu.memory_space<vmem_shared>> -> memref<16x128xf32, #tpu.memory_space<vmem_shared>>
        %dma_start3A_828 = arith.constant 9984 : i32
        %dma_start3A_829 = arith.constant 0 : i32
        %dma_start3A_830 = tpu.memref_slice %arg17[%dma_start3A_828, %dma_start3A_829] : memref<10000x128xf32, #tpu.memory_space<vmem_shared>> -> memref<16x128xf32, #tpu.memory_space<vmem_shared>>
        %dma_start3A_831 = arith.constant 0 : i32
        %dma_start3A_832 = arith.constant 0 : i32
        %dma_start3A_833 = tpu.memref_slice %arg15[%dma_start3A_831, %dma_start3A_832] : memref<128x128xf32, #tpu.memory_space<vmem>> -> memref<16x128xf32, #tpu.memory_space<vmem>>
        tpu.enqueue_dma source(%dma_start3A_833 : memref<16x128xf32, #tpu.memory_space<vmem>>) target(%dma_start3A_830 : memref<16x128xf32, #tpu.memory_space<vmem_shared>>) target_semaphore(%run_scoped3A : memref<!tpu.dma_semaphore, #tpu.memory_space<semaphore_mem>>)
        %dma_wait3A_834 = arith.constant 0 : i32
        %dma_wait3A_835 = arith.constant 0 : i32
        %dma_wait3A_836 = tpu.memref_slice %arg15[%dma_wait3A_834, %dma_wait3A_835] : memref<128x128xf32, #tpu.memory_space<vmem>> -> memref<16x128xf32, #tpu.memory_space<vmem>>
        %dma_wait3A_837 = arith.constant 9984 : i32
        %dma_wait3A_838 = arith.constant 0 : i32
        %dma_wait3A_839 = tpu.memref_slice %arg17[%dma_wait3A_837, %dma_wait3A_838] : memref<10000x128xf32, #tpu.memory_space<vmem_shared>> -> memref<16x128xf32, #tpu.memory_space<vmem_shared>>
        %dma_wait3A_840 = arith.constant 9984 : i32
        %dma_wait3A_841 = arith.constant 0 : i32
        %dma_wait3A_842 = tpu.memref_slice %arg17[%dma_wait3A_840, %dma_wait3A_841] : memref<10000x128xf32, #tpu.memory_space<vmem_shared>> -> memref<16x128xf32, #tpu.memory_space<vmem_shared>>
        %dma_wait3A_843 = arith.constant 0 : i32
        %dma_wait3A_844 = arith.constant 0 : i32
        %dma_wait3A_845 = tpu.memref_slice %arg15[%dma_wait3A_843, %dma_wait3A_844] : memref<128x128xf32, #tpu.memory_space<vmem>> -> memref<16x128xf32, #tpu.memory_space<vmem>>
        tpu.wait_dma2 semaphore(%run_scoped3A : memref<!tpu.dma_semaphore, #tpu.memory_space<semaphore_mem>>) src(%dma_wait3A_845 : memref<16x128xf32, #tpu.memory_space<vmem>>) dst(%dma_wait3A_842 : memref<16x128xf32, #tpu.memory_space<vmem_shared>>)
        tpu.yield
      }) : () -> ()
    } else {
    }
    %eq3A_11 = arith.constant 0 : i32
    %eq3A_12 = arith.cmpi eq, %arg1, %eq3A_11 : i32
    %convert_element_type3A_13 = arith.extui %eq3A_12 : i1 to i32
    %cond3A_14 = arith.constant 0 : i32
    %cond3A_15 = arith.cmpi ne, %convert_element_type3A_13, %cond3A_14 : i32
    scf.if %cond3A_15 {
      "tpu.region"() ({
        %run_scoped3A = tpu.sem_alloc : memref<!tpu.dma_semaphore, #tpu.memory_space<semaphore_mem>>
        tpu.enqueue_dma source(%arg5 : memref<10240xf32, #tpu.memory_space<hbm>>) target(%arg32 : memref<10240xf32, #tpu.memory_space<vmem_shared>>) target_semaphore(%run_scoped3A : memref<!tpu.dma_semaphore, #tpu.memory_space<semaphore_mem>>)
        tpu.wait_dma2 semaphore(%run_scoped3A : memref<!tpu.dma_semaphore, #tpu.memory_space<semaphore_mem>>) src(%arg5 : memref<10240xf32, #tpu.memory_space<hbm>>) dst(%arg32 : memref<10240xf32, #tpu.memory_space<vmem_shared>>)
        tpu.yield
      }) : () -> ()
    } else {
    }
    %eq3A_16 = arith.constant 1 : i32
    %eq3A_17 = arith.cmpi eq, %arg1, %eq3A_16 : i32
    %convert_element_type3A_18 = arith.extui %eq3A_17 : i1 to i32
    %cond3A_19 = arith.constant 0 : i32
    %cond3A_20 = arith.cmpi ne, %convert_element_type3A_18, %cond3A_19 : i32
    scf.if %cond3A_20 {
      "tpu.region"() ({
        %run_scoped3A = tpu.sem_alloc : memref<!tpu.dma_semaphore, #tpu.memory_space<semaphore_mem>>
        tpu.enqueue_dma source(%arg5 : memref<10240xf32, #tpu.memory_space<hbm>>) target(%arg33 : memref<10240xf32, #tpu.memory_space<vmem_shared>>) target_semaphore(%run_scoped3A : memref<!tpu.dma_semaphore, #tpu.memory_space<semaphore_mem>>)
        tpu.wait_dma2 semaphore(%run_scoped3A : memref<!tpu.dma_semaphore, #tpu.memory_space<semaphore_mem>>) src(%arg5 : memref<10240xf32, #tpu.memory_space<hbm>>) dst(%arg33 : memref<10240xf32, #tpu.memory_space<vmem_shared>>)
        tpu.yield
      }) : () -> ()
    } else {
    }
    "tpu.region"() ({
      %run_scoped3A = tpu.sem_alloc : memref<!tpu.dma_semaphore, #tpu.memory_space<semaphore_mem>>
      tpu.enqueue_dma source(%arg4 : memref<10000xf32, #tpu.memory_space<hbm>>) target(%arg28 : memref<10000xf32, #tpu.memory_space<vmem>>) target_semaphore(%run_scoped3A : memref<!tpu.dma_semaphore, #tpu.memory_space<semaphore_mem>>)
      tpu.wait_dma2 semaphore(%run_scoped3A : memref<!tpu.dma_semaphore, #tpu.memory_space<semaphore_mem>>) src(%arg4 : memref<10000xf32, #tpu.memory_space<hbm>>) dst(%arg28 : memref<10000xf32, #tpu.memory_space<vmem>>)
      tpu.yield
    }) : () -> ()
    %broadcast_in_dim3A = arith.constant 1.000000e+00 : f32
    %broadcast_in_dim3A_21 = vector.broadcast %broadcast_in_dim3A : f32 to vector<16xf32>
    %swap3A = arith.constant 0 : index
    %swap3A_22 = tpu.vector_load %arg29[%swap3A] {strides = array<i32>} : memref<128xf32, #tpu.memory_space<vmem>>, vector<16xf32>,
    tpu.vector_store %arg29[%swap3A], %broadcast_in_dim3A_21 {strides = array<i32>} : memref<128xf32, #tpu.memory_space<vmem>>, vector<16xf32>,
    %broadcast_in_dim3A_23 = arith.constant 1.000000e+00 : f32
    %broadcast_in_dim3A_24 = vector.broadcast %broadcast_in_dim3A_23 : f32 to vector<16xf32>
    %swap3A_25 = arith.constant 16 : index
    %swap3A_26 = tpu.vector_load %arg29[%swap3A_25] {strides = array<i32>} : memref<128xf32, #tpu.memory_space<vmem>>, vector<16xf32>,
    tpu.vector_store %arg29[%swap3A_25], %broadcast_in_dim3A_24 {strides = array<i32>} : memref<128xf32, #tpu.memory_space<vmem>>, vector<16xf32>,
    %broadcast_in_dim3A_27 = arith.constant 1.000000e+00 : f32
    %broadcast_in_dim3A_28 = vector.broadcast %broadcast_in_dim3A_27 : f32 to vector<16xf32>
    %swap3A_29 = arith.constant 32 : index
    %swap3A_30 = tpu.vector_load %arg29[%swap3A_29] {strides = array<i32>} : memref<128xf32, #tpu.memory_space<vmem>>, vector<16xf32>,
    tpu.vector_store %arg29[%swap3A_29], %broadcast_in_dim3A_28 {strides = array<i32>} : memref<128xf32, #tpu.memory_space<vmem>>, vector<16xf32>,
    %broadcast_in_dim3A_31 = arith.constant 1.000000e+00 : f32
    %broadcast_in_dim3A_32 = vector.broadcast %broadcast_in_dim3A_31 : f32 to vector<16xf32>
    %swap3A_33 = arith.constant 48 : index
    %swap3A_34 = tpu.vector_load %arg29[%swap3A_33] {strides = array<i32>} : memref<128xf32, #tpu.memory_space<vmem>>, vector<16xf32>,
    tpu.vector_store %arg29[%swap3A_33], %broadcast_in_dim3A_32 {strides = array<i32>} : memref<128xf32, #tpu.memory_space<vmem>>, vector<16xf32>,
    %broadcast_in_dim3A_35 = arith.constant 1.000000e+00 : f32
    %broadcast_in_dim3A_36 = vector.broadcast %broadcast_in_dim3A_35 : f32 to vector<16xf32>
    %swap3A_37 = arith.constant 64 : index
    %swap3A_38 = tpu.vector_load %arg29[%swap3A_37] {strides = array<i32>} : memref<128xf32, #tpu.memory_space<vmem>>, vector<16xf32>,
    tpu.vector_store %arg29[%swap3A_37], %broadcast_in_dim3A_36 {strides = array<i32>} : memref<128xf32, #tpu.memory_space<vmem>>, vector<16xf32>,
    %broadcast_in_dim3A_39 = arith.constant 1.000000e+00 : f32
    %broadcast_in_dim3A_40 = vector.broadcast %broadcast_in_dim3A_39 : f32 to vector<16xf32>
    %swap3A_41 = arith.constant 80 : index
    %swap3A_42 = tpu.vector_load %arg29[%swap3A_41] {strides = array<i32>} : memref<128xf32, #tpu.memory_space<vmem>>, vector<16xf32>,
    tpu.vector_store %arg29[%swap3A_41], %broadcast_in_dim3A_40 {strides = array<i32>} : memref<128xf32, #tpu.memory_space<vmem>>, vector<16xf32>,
    %broadcast_in_dim3A_43 = arith.constant 1.000000e+00 : f32
    %broadcast_in_dim3A_44 = vector.broadcast %broadcast_in_dim3A_43 : f32 to vector<16xf32>
    %swap3A_45 = arith.constant 96 : index
    %swap3A_46 = tpu.vector_load %arg29[%swap3A_45] {strides = array<i32>} : memref<128xf32, #tpu.memory_space<vmem>>, vector<16xf32>,
    tpu.vector_store %arg29[%swap3A_45], %broadcast_in_dim3A_44 {strides = array<i32>} : memref<128xf32, #tpu.memory_space<vmem>>, vector<16xf32>,
    %broadcast_in_dim3A_47 = arith.constant 1.000000e+00 : f32
    %broadcast_in_dim3A_48 = vector.broadcast %broadcast_in_dim3A_47 : f32 to vector<16xf32>
    %swap3A_49 = arith.constant 112 : index
    %swap3A_50 = tpu.vector_load %arg29[%swap3A_49] {strides = array<i32>} : memref<128xf32, #tpu.memory_space<vmem>>, vector<16xf32>,
    tpu.vector_store %arg29[%swap3A_49], %broadcast_in_dim3A_48 {strides = array<i32>} : memref<128xf32, #tpu.memory_space<vmem>>, vector<16xf32>,
    %barrier3A = arith.constant 0 : index
    tpu.barrier barrier_id(%barrier3A)
    %add3A_51 = arith.constant 0 : i32
    %add3A_52 = arith.addi %add3A_51, %add3A : i32
    %mul3A_53 = arith.constant 128 : i32
    %mul3A_54 = arith.muli %add3A_52, %mul3A_53 : i32
    %dma_start3A = arith.constant 0 : i32
    %dma_start3A_55 = tpu.memref_slice %arg2[%dma_start3A, %mul3A_54] : memref<2x320000xi32, #tpu.memory_space<hbm>> -> memref<2x128xi32, #tpu.memory_space<hbm>>
    %dma_start3A_56 = arith.constant 0 : i32
    %dma_start3A_57 = tpu.memref_slice %arg2[%dma_start3A_56, %mul3A_54] : memref<2x320000xi32, #tpu.memory_space<hbm>> -> memref<2x128xi32, #tpu.memory_space<hbm>>
    tpu.enqueue_dma source(%dma_start3A_57 : memref<2x128xi32, #tpu.memory_space<hbm>>) target(%arg9 : memref<2x128xi32, #tpu.memory_space<vmem>>) target_semaphore(%arg18 : memref<!tpu.dma_semaphore, #tpu.memory_space<semaphore_mem>>)
    %add3A_58 = arith.constant 32 : i32
    %add3A_59 = arith.addi %add3A_58, %add3A : i32
    %mul3A_60 = arith.constant 128 : i32
    %mul3A_61 = arith.muli %add3A_59, %mul3A_60 : i32
    %dma_start3A_62 = arith.constant 0 : i32
    %dma_start3A_63 = tpu.memref_slice %arg2[%dma_start3A_62, %mul3A_61] : memref<2x320000xi32, #tpu.memory_space<hbm>> -> memref<2x128xi32, #tpu.memory_space<hbm>>
    %dma_start3A_64 = arith.constant 0 : i32
    %dma_start3A_65 = tpu.memref_slice %arg2[%dma_start3A_64, %mul3A_61] : memref<2x320000xi32, #tpu.memory_space<hbm>> -> memref<2x128xi32, #tpu.memory_space<hbm>>
    tpu.enqueue_dma source(%dma_start3A_65 : memref<2x128xi32, #tpu.memory_space<hbm>>) target(%arg10 : memref<2x128xi32, #tpu.memory_space<vmem>>) target_semaphore(%arg19 : memref<!tpu.dma_semaphore, #tpu.memory_space<semaphore_mem>>)
    %add3A_66 = arith.constant 64 : i32
    %add3A_67 = arith.addi %add3A_66, %add3A : i32
    %mul3A_68 = arith.constant 128 : i32
    %mul3A_69 = arith.muli %add3A_67, %mul3A_68 : i32
    %dma_start3A_70 = arith.constant 0 : i32
    %dma_start3A_71 = tpu.memref_slice %arg2[%dma_start3A_70, %mul3A_69] : memref<2x320000xi32, #tpu.memory_space<hbm>> -> memref<2x128xi32, #tpu.memory_space<hbm>>
    %dma_start3A_72 = arith.constant 0 : i32
    %dma_start3A_73 = tpu.memref_slice %arg2[%dma_start3A_72, %mul3A_69] : memref<2x320000xi32, #tpu.memory_space<hbm>> -> memref<2x128xi32, #tpu.memory_space<hbm>>
    tpu.enqueue_dma source(%dma_start3A_73 : memref<2x128xi32, #tpu.memory_space<hbm>>) target(%arg11 : memref<2x128xi32, #tpu.memory_space<vmem>>) target_semaphore(%arg20 : memref<!tpu.dma_semaphore, #tpu.memory_space<semaphore_mem>>)
    %add3A_74 = arith.constant 96 : i32
    %add3A_75 = arith.addi %add3A_74, %add3A : i32
    %mul3A_76 = arith.constant 128 : i32
    %mul3A_77 = arith.muli %add3A_75, %mul3A_76 : i32
    %dma_start3A_78 = arith.constant 0 : i32
    %dma_start3A_79 = tpu.memref_slice %arg2[%dma_start3A_78, %mul3A_77] : memref<2x320000xi32, #tpu.memory_space<hbm>> -> memref<2x128xi32, #tpu.memory_space<hbm>>
    %dma_start3A_80 = arith.constant 0 : i32
    %dma_start3A_81 = tpu.memref_slice %arg2[%dma_start3A_80, %mul3A_77] : memref<2x320000xi32, #tpu.memory_space<hbm>> -> memref<2x128xi32, #tpu.memory_space<hbm>>
    tpu.enqueue_dma source(%dma_start3A_81 : memref<2x128xi32, #tpu.memory_space<hbm>>) target(%arg12 : memref<2x128xi32, #tpu.memory_space<vmem>>) target_semaphore(%arg21 : memref<!tpu.dma_semaphore, #tpu.memory_space<semaphore_mem>>)
    %add3A_82 = arith.constant 128 : i32
    %add3A_83 = arith.addi %add3A_82, %add3A : i32
    %mul3A_84 = arith.constant 128 : i32
    %mul3A_85 = arith.muli %add3A_83, %mul3A_84 : i32
    %dma_start3A_86 = arith.constant 0 : i32
    %dma_start3A_87 = tpu.memref_slice %arg2[%dma_start3A_86, %mul3A_85] : memref<2x320000xi32, #tpu.memory_space<hbm>> -> memref<2x128xi32, #tpu.memory_space<hbm>>
    %dma_start3A_88 = arith.constant 0 : i32
    %dma_start3A_89 = tpu.memref_slice %arg2[%dma_start3A_88, %mul3A_85] : memref<2x320000xi32, #tpu.memory_space<hbm>> -> memref<2x128xi32, #tpu.memory_space<hbm>>
    tpu.enqueue_dma source(%dma_start3A_89 : memref<2x128xi32, #tpu.memory_space<hbm>>) target(%arg13 : memref<2x128xi32, #tpu.memory_space<vmem>>) target_semaphore(%arg22 : memref<!tpu.dma_semaphore, #tpu.memory_space<semaphore_mem>>)
    %add3A_90 = arith.constant 160 : i32
    %add3A_91 = arith.addi %add3A_90, %add3A : i32
    %mul3A_92 = arith.constant 128 : i32
    %mul3A_93 = arith.muli %add3A_91, %mul3A_92 : i32
    %dma_start3A_94 = arith.constant 0 : i32
    %dma_start3A_95 = tpu.memref_slice %arg2[%dma_start3A_94, %mul3A_93] : memref<2x320000xi32, #tpu.memory_space<hbm>> -> memref<2x128xi32, #tpu.memory_space<hbm>>
    %dma_start3A_96 = arith.constant 0 : i32
    %dma_start3A_97 = tpu.memref_slice %arg2[%dma_start3A_96, %mul3A_93] : memref<2x320000xi32, #tpu.memory_space<hbm>> -> memref<2x128xi32, #tpu.memory_space<hbm>>
    tpu.enqueue_dma source(%dma_start3A_97 : memref<2x128xi32, #tpu.memory_space<hbm>>) target(%arg14 : memref<2x128xi32, #tpu.memory_space<vmem>>) target_semaphore(%arg23 : memref<!tpu.dma_semaphore, #tpu.memory_space<semaphore_mem>>)
    %add3A_98 = arith.constant 0 : i32
    %add3A_99 = arith.addi %add3A_98, %add3A : i32
    %mul3A_100 = arith.constant 128 : i32
    %mul3A_101 = arith.muli %add3A_99, %mul3A_100 : i32
    %dma_wait3A = arith.constant 0 : i32
    %dma_wait3A_102 = tpu.memref_slice %arg2[%dma_wait3A, %mul3A_101] : memref<2x320000xi32, #tpu.memory_space<hbm>> -> memref<2x128xi32, #tpu.memory_space<hbm>>
    %dma_wait3A_103 = arith.constant 0 : i32
    %dma_wait3A_104 = tpu.memref_slice %arg2[%dma_wait3A_103, %mul3A_101] : memref<2x320000xi32, #tpu.memory_space<hbm>> -> memref<2x128xi32, #tpu.memory_space<hbm>>
    tpu.wait_dma2 semaphore(%arg18 : memref<!tpu.dma_semaphore, #tpu.memory_space<semaphore_mem>>) src(%dma_wait3A_104 : memref<2x128xi32, #tpu.memory_space<hbm>>) dst(%arg9 : memref<2x128xi32, #tpu.memory_space<vmem>>)
    %dma_start3A_105 = arith.constant 0 : i32
    %dma_start3A_106 = arith.constant 0 : i32
    %dma_start3A_107 = tpu.memref_slice %arg9[%dma_start3A_105, %dma_start3A_106] : memref<2x128xi32, #tpu.memory_space<vmem>> -> memref<1x128xi32, #tpu.memory_space<vmem>>
    %dma_start3A_108 = tpu.memref_squeeze %dma_start3A_107 : memref<1x128xi32, #tpu.memory_space<vmem>> -> memref<128xi32, #tpu.memory_space<vmem>>
    %dma_start3A_109 = arith.constant 0 : i32
    %dma_start3A_110 = arith.constant 0 : i32
    %dma_start3A_111 = tpu.memref_slice %arg3[%dma_start3A_109, %dma_start3A_110] : memref<10000x128xf32, #tpu.memory_space<hbm>> -> memref<10000x128xf32, #tpu.memory_space<hbm>>
    tpu.enqueue_indirect_dma source(%dma_start3A_111 : memref<10000x128xf32, #tpu.memory_space<hbm>>) target(%arg15 : memref<128x128xf32, #tpu.memory_space<vmem>>) offsets(%dma_start3A_108 : memref<128xi32, #tpu.memory_space<vmem>>) semaphore(%arg24 : memref<!tpu.dma_semaphore, #tpu.memory_space<semaphore_mem>>)
    %dma_wait3A_112 = arith.constant 0 : i32
    %dma_wait3A_113 = arith.constant 0 : i32
    %dma_wait3A_114 = tpu.memref_slice %arg9[%dma_wait3A_112, %dma_wait3A_113] : memref<2x128xi32, #tpu.memory_space<vmem>> -> memref<1x128xi32, #tpu.memory_space<vmem>>
    %dma_wait3A_115 = tpu.memref_squeeze %dma_wait3A_114 : memref<1x128xi32, #tpu.memory_space<vmem>> -> memref<128xi32, #tpu.memory_space<vmem>>
    %dma_wait3A_116 = arith.constant 0 : i32
    %dma_wait3A_117 = arith.constant 0 : i32
    %dma_wait3A_118 = tpu.memref_slice %arg3[%dma_wait3A_116, %dma_wait3A_117] : memref<10000x128xf32, #tpu.memory_space<hbm>> -> memref<10000x128xf32, #tpu.memory_space<hbm>>
    tpu.wait_indirect_dma semaphore(%arg24 : memref<!tpu.dma_semaphore, #tpu.memory_space<semaphore_mem>>) src(%dma_wait3A_118 : memref<10000x128xf32, #tpu.memory_space<hbm>>) dst(%arg15 : memref<128x128xf32, #tpu.memory_space<vmem>>)
    %dma_start3A_119 = arith.constant 1 : i32
    %dma_start3A_120 = arith.constant 0 : i32
    %dma_start3A_121 = tpu.memref_slice %arg9[%dma_start3A_119, %dma_start3A_120] : memref<2x128xi32, #tpu.memory_space<vmem>> -> memref<1x128xi32, #tpu.memory_space<vmem>>
    %dma_start3A_122 = tpu.memref_squeeze %dma_start3A_121 : memref<1x128xi32, #tpu.memory_space<vmem>> -> memref<128xi32, #tpu.memory_space<vmem>>
    %dma_start3A_123 = arith.constant 0 : i32
    %dma_start3A_124 = arith.constant 0 : i32
    %dma_start3A_125 = tpu.memref_slice %arg17[%dma_start3A_123, %dma_start3A_124] : memref<10000x128xf32, #tpu.memory_space<vmem_shared>> -> memref<10000x128xf32, #tpu.memory_space<vmem_shared>>
    tpu.enqueue_indirect_dma source(%arg15 : memref<128x128xf32, #tpu.memory_space<vmem>>) target(%dma_start3A_125 : memref<10000x128xf32, #tpu.memory_space<vmem_shared>>) offsets(%dma_start3A_122 : memref<128xi32, #tpu.memory_space<vmem>>) semaphore(%arg26 : memref<!tpu.dma_semaphore, #tpu.memory_space<semaphore_mem>>) {add = true}
    %add3A_126 = arith.constant 32 : i32
    %add3A_127 = arith.addi %add3A_126, %add3A : i32
    %mul3A_128 = arith.constant 128 : i32
    %mul3A_129 = arith.muli %add3A_127, %mul3A_128 : i32
    %dma_wait3A_130 = arith.constant 0 : i32
    %dma_wait3A_131 = tpu.memref_slice %arg2[%dma_wait3A_130, %mul3A_129] : memref<2x320000xi32, #tpu.memory_space<hbm>> -> memref<2x128xi32, #tpu.memory_space<hbm>>
    %dma_wait3A_132 = arith.constant 0 : i32
    %dma_wait3A_133 = tpu.memref_slice %arg2[%dma_wait3A_132, %mul3A_129] : memref<2x320000xi32, #tpu.memory_space<hbm>> -> memref<2x128xi32, #tpu.memory_space<hbm>>
    tpu.wait_dma2 semaphore(%arg19 : memref<!tpu.dma_semaphore, #tpu.memory_space<semaphore_mem>>) src(%dma_wait3A_133 : memref<2x128xi32, #tpu.memory_space<hbm>>) dst(%arg10 : memref<2x128xi32, #tpu.memory_space<vmem>>)
    %dma_start3A_134 = arith.constant 0 : i32
    %dma_start3A_135 = arith.constant 0 : i32
    %dma_start3A_136 = tpu.memref_slice %arg10[%dma_start3A_134, %dma_start3A_135] : memref<2x128xi32, #tpu.memory_space<vmem>> -> memref<1x128xi32, #tpu.memory_space<vmem>>
    %dma_start3A_137 = tpu.memref_squeeze %dma_start3A_136 : memref<1x128xi32, #tpu.memory_space<vmem>> -> memref<128xi32, #tpu.memory_space<vmem>>
    %dma_start3A_138 = arith.constant 0 : i32
    %dma_start3A_139 = arith.constant 0 : i32
    %dma_start3A_140 = tpu.memref_slice %arg3[%dma_start3A_138, %dma_start3A_139] : memref<10000x128xf32, #tpu.memory_space<hbm>> -> memref<10000x128xf32, #tpu.memory_space<hbm>>
    tpu.enqueue_indirect_dma source(%dma_start3A_140 : memref<10000x128xf32, #tpu.memory_space<hbm>>) target(%arg16 : memref<128x128xf32, #tpu.memory_space<vmem>>) offsets(%dma_start3A_137 : memref<128xi32, #tpu.memory_space<vmem>>) semaphore(%arg25 : memref<!tpu.dma_semaphore, #tpu.memory_space<semaphore_mem>>)
    %dma_start3A_141 = arith.constant 1 : i32
    %dma_start3A_142 = arith.constant 0 : i32
    %dma_start3A_143 = tpu.memref_slice %arg9[%dma_start3A_141, %dma_start3A_142] : memref<2x128xi32, #tpu.memory_space<vmem>> -> memref<1x128xi32, #tpu.memory_space<vmem>>
    %dma_start3A_144 = tpu.memref_squeeze %dma_start3A_143 : memref<1x128xi32, #tpu.memory_space<vmem>> -> memref<128xi32, #tpu.memory_space<vmem>>
    %dma_start3A_145 = arith.constant 0 : i32
    %dma_start3A_146 = tpu.memref_slice %arg32[%dma_start3A_145] : memref<10240xf32, #tpu.memory_space<vmem_shared>> -> memref<10240xf32, #tpu.memory_space<vmem_shared>>
    tpu.enqueue_indirect_dma source(%arg29 : memref<128xf32, #tpu.memory_space<vmem>>) target(%dma_start3A_146 : memref<10240xf32, #tpu.memory_space<vmem_shared>>) offsets(%dma_start3A_144 : memref<128xi32, #tpu.memory_space<vmem>>) semaphore(%arg34 : memref<!tpu.dma_semaphore, #tpu.memory_space<semaphore_mem>>) {add = true}
    %get3A = arith.constant 1 : i32
    %get3A_147 = arith.index_cast %get3A : i32 to index
    %get3A_148 = arith.constant 0 : index
    %get3A_149 = tpu.vector_load %arg9[%get3A_147, %get3A_148] {strides = array<i32>} : memref<2x128xi32, #tpu.memory_space<vmem>>, vector<16xi32>,
    %gather3A = tpu.vector_load_idx %arg28[%get3A_149] : memref<10000xf32, #tpu.memory_space<vmem>>[vector<16xi32>], vector<16xf32>,
    %swap3A_150 = arith.constant 0 : index
    %swap3A_151 = tpu.vector_load %arg30[%swap3A_150] {strides = array<i32>} : memref<128xf32, #tpu.memory_space<vmem>>, vector<16xf32>,
    tpu.vector_store %arg30[%swap3A_150], %gather3A {strides = array<i32>} : memref<128xf32, #tpu.memory_space<vmem>>, vector<16xf32>,
    %get3A_152 = arith.constant 1 : i32
    %get3A_153 = arith.index_cast %get3A_152 : i32 to index
    %get3A_154 = arith.constant 16 : index
    %get3A_155 = tpu.vector_load %arg9[%get3A_153, %get3A_154] {strides = array<i32>} : memref<2x128xi32, #tpu.memory_space<vmem>>, vector<16xi32>,
    %gather3A_156 = tpu.vector_load_idx %arg28[%get3A_155] : memref<10000xf32, #tpu.memory_space<vmem>>[vector<16xi32>], vector<16xf32>,
    %swap3A_157 = arith.constant 16 : index
    %swap3A_158 = tpu.vector_load %arg30[%swap3A_157] {strides = array<i32>} : memref<128xf32, #tpu.memory_space<vmem>>, vector<16xf32>,
    tpu.vector_store %arg30[%swap3A_157], %gather3A_156 {strides = array<i32>} : memref<128xf32, #tpu.memory_space<vmem>>, vector<16xf32>,
    %get3A_159 = arith.constant 1 : i32
    %get3A_160 = arith.index_cast %get3A_159 : i32 to index
    %get3A_161 = arith.constant 32 : index
    %get3A_162 = tpu.vector_load %arg9[%get3A_160, %get3A_161] {strides = array<i32>} : memref<2x128xi32, #tpu.memory_space<vmem>>, vector<16xi32>,
    %gather3A_163 = tpu.vector_load_idx %arg28[%get3A_162] : memref<10000xf32, #tpu.memory_space<vmem>>[vector<16xi32>], vector<16xf32>,
    %swap3A_164 = arith.constant 32 : index
    %swap3A_165 = tpu.vector_load %arg30[%swap3A_164] {strides = array<i32>} : memref<128xf32, #tpu.memory_space<vmem>>, vector<16xf32>,
    tpu.vector_store %arg30[%swap3A_164], %gather3A_163 {strides = array<i32>} : memref<128xf32, #tpu.memory_space<vmem>>, vector<16xf32>,
    %get3A_166 = arith.constant 1 : i32
    %get3A_167 = arith.index_cast %get3A_166 : i32 to index
    %get3A_168 = arith.constant 48 : index
    %get3A_169 = tpu.vector_load %arg9[%get3A_167, %get3A_168] {strides = array<i32>} : memref<2x128xi32, #tpu.memory_space<vmem>>, vector<16xi32>,
    %gather3A_170 = tpu.vector_load_idx %arg28[%get3A_169] : memref<10000xf32, #tpu.memory_space<vmem>>[vector<16xi32>], vector<16xf32>,
    %swap3A_171 = arith.constant 48 : index
    %swap3A_172 = tpu.vector_load %arg30[%swap3A_171] {strides = array<i32>} : memref<128xf32, #tpu.memory_space<vmem>>, vector<16xf32>,
    tpu.vector_store %arg30[%swap3A_171], %gather3A_170 {strides = array<i32>} : memref<128xf32, #tpu.memory_space<vmem>>, vector<16xf32>,
    %get3A_173 = arith.constant 1 : i32
    %get3A_174 = arith.index_cast %get3A_173 : i32 to index
    %get3A_175 = arith.constant 64 : index
    %get3A_176 = tpu.vector_load %arg9[%get3A_174, %get3A_175] {strides = array<i32>} : memref<2x128xi32, #tpu.memory_space<vmem>>, vector<16xi32>,
    %gather3A_177 = tpu.vector_load_idx %arg28[%get3A_176] : memref<10000xf32, #tpu.memory_space<vmem>>[vector<16xi32>], vector<16xf32>,
    %swap3A_178 = arith.constant 64 : index
    %swap3A_179 = tpu.vector_load %arg30[%swap3A_178] {strides = array<i32>} : memref<128xf32, #tpu.memory_space<vmem>>, vector<16xf32>,
    tpu.vector_store %arg30[%swap3A_178], %gather3A_177 {strides = array<i32>} : memref<128xf32, #tpu.memory_space<vmem>>, vector<16xf32>,
    %get3A_180 = arith.constant 1 : i32
    %get3A_181 = arith.index_cast %get3A_180 : i32 to index
    %get3A_182 = arith.constant 80 : index
    %get3A_183 = tpu.vector_load %arg9[%get3A_181, %get3A_182] {strides = array<i32>} : memref<2x128xi32, #tpu.memory_space<vmem>>, vector<16xi32>,
    %gather3A_184 = tpu.vector_load_idx %arg28[%get3A_183] : memref<10000xf32, #tpu.memory_space<vmem>>[vector<16xi32>], vector<16xf32>,
    %swap3A_185 = arith.constant 80 : index
    %swap3A_186 = tpu.vector_load %arg30[%swap3A_185] {strides = array<i32>} : memref<128xf32, #tpu.memory_space<vmem>>, vector<16xf32>,
    tpu.vector_store %arg30[%swap3A_185], %gather3A_184 {strides = array<i32>} : memref<128xf32, #tpu.memory_space<vmem>>, vector<16xf32>,
    %get3A_187 = arith.constant 1 : i32
    %get3A_188 = arith.index_cast %get3A_187 : i32 to index
    %get3A_189 = arith.constant 96 : index
    %get3A_190 = tpu.vector_load %arg9[%get3A_188, %get3A_189] {strides = array<i32>} : memref<2x128xi32, #tpu.memory_space<vmem>>, vector<16xi32>,
    %gather3A_191 = tpu.vector_load_idx %arg28[%get3A_190] : memref<10000xf32, #tpu.memory_space<vmem>>[vector<16xi32>], vector<16xf32>,
    %swap3A_192 = arith.constant 96 : index
    %swap3A_193 = tpu.vector_load %arg30[%swap3A_192] {strides = array<i32>} : memref<128xf32, #tpu.memory_space<vmem>>, vector<16xf32>,
    tpu.vector_store %arg30[%swap3A_192], %gather3A_191 {strides = array<i32>} : memref<128xf32, #tpu.memory_space<vmem>>, vector<16xf32>,
    %get3A_194 = arith.constant 1 : i32
    %get3A_195 = arith.index_cast %get3A_194 : i32 to index
    %get3A_196 = arith.constant 112 : index
    %get3A_197 = tpu.vector_load %arg9[%get3A_195, %get3A_196] {strides = array<i32>} : memref<2x128xi32, #tpu.memory_space<vmem>>, vector<16xi32>,
    %gather3A_198 = tpu.vector_load_idx %arg28[%get3A_197] : memref<10000xf32, #tpu.memory_space<vmem>>[vector<16xi32>], vector<16xf32>,
    %swap3A_199 = arith.constant 112 : index
    %swap3A_200 = tpu.vector_load %arg30[%swap3A_199] {strides = array<i32>} : memref<128xf32, #tpu.memory_space<vmem>>, vector<16xf32>,
    tpu.vector_store %arg30[%swap3A_199], %gather3A_198 {strides = array<i32>} : memref<128xf32, #tpu.memory_space<vmem>>, vector<16xf32>,
    %dma_start3A_201 = arith.constant 0 : i32
    %dma_start3A_202 = arith.constant 0 : i32
    %dma_start3A_203 = tpu.memref_slice %arg9[%dma_start3A_201, %dma_start3A_202] : memref<2x128xi32, #tpu.memory_space<vmem>> -> memref<1x128xi32, #tpu.memory_space<vmem>>
    %dma_start3A_204 = tpu.memref_squeeze %dma_start3A_203 : memref<1x128xi32, #tpu.memory_space<vmem>> -> memref<128xi32, #tpu.memory_space<vmem>>
    %dma_start3A_205 = arith.constant 0 : i32
    %dma_start3A_206 = tpu.memref_slice %arg33[%dma_start3A_205] : memref<10240xf32, #tpu.memory_space<vmem_shared>> -> memref<10240xf32, #tpu.memory_space<vmem_shared>>
    tpu.enqueue_indirect_dma source(%arg30 : memref<128xf32, #tpu.memory_space<vmem>>) target(%dma_start3A_206 : memref<10240xf32, #tpu.memory_space<vmem_shared>>) offsets(%dma_start3A_204 : memref<128xi32, #tpu.memory_space<vmem>>) semaphore(%arg36 : memref<!tpu.dma_semaphore, #tpu.memory_space<semaphore_mem>>) {add = true}
    %dma_wait3A_207 = arith.constant 0 : i32
    %dma_wait3A_208 = arith.constant 0 : i32
    %dma_wait3A_209 = tpu.memref_slice %arg10[%dma_wait3A_207, %dma_wait3A_208] : memref<2x128xi32, #tpu.memory_space<vmem>> -> memref<1x128xi32, #tpu.memory_space<vmem>>
    %dma_wait3A_210 = tpu.memref_squeeze %dma_wait3A_209 : memref<1x128xi32, #tpu.memory_space<vmem>> -> memref<128xi32, #tpu.memory_space<vmem>>
    %dma_wait3A_211 = arith.constant 0 : i32
    %dma_wait3A_212 = arith.constant 0 : i32
    %dma_wait3A_213 = tpu.memref_slice %arg3[%dma_wait3A_211, %dma_wait3A_212] : memref<10000x128xf32, #tpu.memory_space<hbm>> -> memref<10000x128xf32, #tpu.memory_space<hbm>>
    tpu.wait_indirect_dma semaphore(%arg25 : memref<!tpu.dma_semaphore, #tpu.memory_space<semaphore_mem>>) src(%dma_wait3A_213 : memref<10000x128xf32, #tpu.memory_space<hbm>>) dst(%arg16 : memref<128x128xf32, #tpu.memory_space<vmem>>)
    %dma_start3A_214 = arith.constant 1 : i32
    %dma_start3A_215 = arith.constant 0 : i32
    %dma_start3A_216 = tpu.memref_slice %arg10[%dma_start3A_214, %dma_start3A_215] : memref<2x128xi32, #tpu.memory_space<vmem>> -> memref<1x128xi32, #tpu.memory_space<vmem>>
    %dma_start3A_217 = tpu.memref_squeeze %dma_start3A_216 : memref<1x128xi32, #tpu.memory_space<vmem>> -> memref<128xi32, #tpu.memory_space<vmem>>
    %dma_start3A_218 = arith.constant 0 : i32
    %dma_start3A_219 = arith.constant 0 : i32
    %dma_start3A_220 = tpu.memref_slice %arg17[%dma_start3A_218, %dma_start3A_219] : memref<10000x128xf32, #tpu.memory_space<vmem_shared>> -> memref<10000x128xf32, #tpu.memory_space<vmem_shared>>
    tpu.enqueue_indirect_dma source(%arg16 : memref<128x128xf32, #tpu.memory_space<vmem>>) target(%dma_start3A_220 : memref<10000x128xf32, #tpu.memory_space<vmem_shared>>) offsets(%dma_start3A_217 : memref<128xi32, #tpu.memory_space<vmem>>) semaphore(%arg27 : memref<!tpu.dma_semaphore, #tpu.memory_space<semaphore_mem>>) {add = true}
    %dma_wait3A_221 = arith.constant 1 : i32
    %dma_wait3A_222 = arith.constant 0 : i32
    %dma_wait3A_223 = tpu.memref_slice %arg9[%dma_wait3A_221, %dma_wait3A_222] : memref<2x128xi32, #tpu.memory_space<vmem>> -> memref<1x128xi32, #tpu.memory_space<vmem>>
    %dma_wait3A_224 = tpu.memref_squeeze %dma_wait3A_223 : memref<1x128xi32, #tpu.memory_space<vmem>> -> memref<128xi32, #tpu.memory_space<vmem>>
    %dma_wait3A_225 = arith.constant 0 : i32
    %dma_wait3A_226 = arith.constant 0 : i32
    %dma_wait3A_227 = tpu.memref_slice %arg17[%dma_wait3A_225, %dma_wait3A_226] : memref<10000x128xf32, #tpu.memory_space<vmem_shared>> -> memref<10000x128xf32, #tpu.memory_space<vmem_shared>>
    tpu.wait_indirect_dma semaphore(%arg26 : memref<!tpu.dma_semaphore, #tpu.memory_space<semaphore_mem>>) src(%arg15 : memref<128x128xf32, #tpu.memory_space<vmem>>) dst(%dma_wait3A_227 : memref<10000x128xf32, #tpu.memory_space<vmem_shared>>)
    %add3A_228 = arith.constant 64 : i32
    %add3A_229 = arith.addi %add3A_228, %add3A : i32
    %mul3A_230 = arith.constant 128 : i32
    %mul3A_231 = arith.muli %add3A_229, %mul3A_230 : i32
    %dma_wait3A_232 = arith.constant 0 : i32
    %dma_wait3A_233 = tpu.memref_slice %arg2[%dma_wait3A_232, %mul3A_231] : memref<2x320000xi32, #tpu.memory_space<hbm>> -> memref<2x128xi32, #tpu.memory_space<hbm>>
    %dma_wait3A_234 = arith.constant 0 : i32
    %dma_wait3A_235 = tpu.memref_slice %arg2[%dma_wait3A_234, %mul3A_231] : memref<2x320000xi32, #tpu.memory_space<hbm>> -> memref<2x128xi32, #tpu.memory_space<hbm>>
    tpu.wait_dma2 semaphore(%arg20 : memref<!tpu.dma_semaphore, #tpu.memory_space<semaphore_mem>>) src(%dma_wait3A_235 : memref<2x128xi32, #tpu.memory_space<hbm>>) dst(%arg11 : memref<2x128xi32, #tpu.memory_space<vmem>>)
    %dma_start3A_236 = arith.constant 0 : i32
    %dma_start3A_237 = arith.constant 0 : i32
    %dma_start3A_238 = tpu.memref_slice %arg11[%dma_start3A_236, %dma_start3A_237] : memref<2x128xi32, #tpu.memory_space<vmem>> -> memref<1x128xi32, #tpu.memory_space<vmem>>
    %dma_start3A_239 = tpu.memref_squeeze %dma_start3A_238 : memref<1x128xi32, #tpu.memory_space<vmem>> -> memref<128xi32, #tpu.memory_space<vmem>>
    %dma_start3A_240 = arith.constant 0 : i32
    %dma_start3A_241 = arith.constant 0 : i32
    %dma_start3A_242 = tpu.memref_slice %arg3[%dma_start3A_240, %dma_start3A_241] : memref<10000x128xf32, #tpu.memory_space<hbm>> -> memref<10000x128xf32, #tpu.memory_space<hbm>>
    tpu.enqueue_indirect_dma source(%dma_start3A_242 : memref<10000x128xf32, #tpu.memory_space<hbm>>) target(%arg15 : memref<128x128xf32, #tpu.memory_space<vmem>>) offsets(%dma_start3A_239 : memref<128xi32, #tpu.memory_space<vmem>>) semaphore(%arg24 : memref<!tpu.dma_semaphore, #tpu.memory_space<semaphore_mem>>)
    %dma_start3A_243 = arith.constant 1 : i32
    %dma_start3A_244 = arith.constant 0 : i32
    %dma_start3A_245 = tpu.memref_slice %arg10[%dma_start3A_243, %dma_start3A_244] : memref<2x128xi32, #tpu.memory_space<vmem>> -> memref<1x128xi32, #tpu.memory_space<vmem>>
    %dma_start3A_246 = tpu.memref_squeeze %dma_start3A_245 : memref<1x128xi32, #tpu.memory_space<vmem>> -> memref<128xi32, #tpu.memory_space<vmem>>
    %dma_start3A_247 = arith.constant 0 : i32
    %dma_start3A_248 = tpu.memref_slice %arg32[%dma_start3A_247] : memref<10240xf32, #tpu.memory_space<vmem_shared>> -> memref<10240xf32, #tpu.memory_space<vmem_shared>>
    tpu.enqueue_indirect_dma source(%arg29 : memref<128xf32, #tpu.memory_space<vmem>>) target(%dma_start3A_248 : memref<10240xf32, #tpu.memory_space<vmem_shared>>) offsets(%dma_start3A_246 : memref<128xi32, #tpu.memory_space<vmem>>) semaphore(%arg35 : memref<!tpu.dma_semaphore, #tpu.memory_space<semaphore_mem>>) {add = true}
    %get3A_249 = arith.constant 1 : i32
    %get3A_250 = arith.index_cast %get3A_249 : i32 to index
    %get3A_251 = arith.constant 0 : index
    %get3A_252 = tpu.vector_load %arg10[%get3A_250, %get3A_251] {strides = array<i32>} : memref<2x128xi32, #tpu.memory_space<vmem>>, vector<16xi32>,
    %gather3A_253 = tpu.vector_load_idx %arg28[%get3A_252] : memref<10000xf32, #tpu.memory_space<vmem>>[vector<16xi32>], vector<16xf32>,
    %swap3A_254 = arith.constant 0 : index
    %swap3A_255 = tpu.vector_load %arg31[%swap3A_254] {strides = array<i32>} : memref<128xf32, #tpu.memory_space<vmem>>, vector<16xf32>,
    tpu.vector_store %arg31[%swap3A_254], %gather3A_253 {strides = array<i32>} : memref<128xf32, #tpu.memory_space<vmem>>, vector<16xf32>,
    %get3A_256 = arith.constant 1 : i32
    %get3A_257 = arith.index_cast %get3A_256 : i32 to index
    %get3A_258 = arith.constant 16 : index
    %get3A_259 = tpu.vector_load %arg10[%get3A_257, %get3A_258] {strides = array<i32>} : memref<2x128xi32, #tpu.memory_space<vmem>>, vector<16xi32>,
    %gather3A_260 = tpu.vector_load_idx %arg28[%get3A_259] : memref<10000xf32, #tpu.memory_space<vmem>>[vector<16xi32>], vector<16xf32>,
    %swap3A_261 = arith.constant 16 : index
    %swap3A_262 = tpu.vector_load %arg31[%swap3A_261] {strides = array<i32>} : memref<128xf32, #tpu.memory_space<vmem>>, vector<16xf32>,
    tpu.vector_store %arg31[%swap3A_261], %gather3A_260 {strides = array<i32>} : memref<128xf32, #tpu.memory_space<vmem>>, vector<16xf32>,
    %get3A_263 = arith.constant 1 : i32
    %get3A_264 = arith.index_cast %get3A_263 : i32 to index
    %get3A_265 = arith.constant 32 : index
    %get3A_266 = tpu.vector_load %arg10[%get3A_264, %get3A_265] {strides = array<i32>} : memref<2x128xi32, #tpu.memory_space<vmem>>, vector<16xi32>,
    %gather3A_267 = tpu.vector_load_idx %arg28[%get3A_266] : memref<10000xf32, #tpu.memory_space<vmem>>[vector<16xi32>], vector<16xf32>,
    %swap3A_268 = arith.constant 32 : index
    %swap3A_269 = tpu.vector_load %arg31[%swap3A_268] {strides = array<i32>} : memref<128xf32, #tpu.memory_space<vmem>>, vector<16xf32>,
    tpu.vector_store %arg31[%swap3A_268], %gather3A_267 {strides = array<i32>} : memref<128xf32, #tpu.memory_space<vmem>>, vector<16xf32>,
    %get3A_270 = arith.constant 1 : i32
    %get3A_271 = arith.index_cast %get3A_270 : i32 to index
    %get3A_272 = arith.constant 48 : index
    %get3A_273 = tpu.vector_load %arg10[%get3A_271, %get3A_272] {strides = array<i32>} : memref<2x128xi32, #tpu.memory_space<vmem>>, vector<16xi32>,
    %gather3A_274 = tpu.vector_load_idx %arg28[%get3A_273] : memref<10000xf32, #tpu.memory_space<vmem>>[vector<16xi32>], vector<16xf32>,
    %swap3A_275 = arith.constant 48 : index
    %swap3A_276 = tpu.vector_load %arg31[%swap3A_275] {strides = array<i32>} : memref<128xf32, #tpu.memory_space<vmem>>, vector<16xf32>,
    tpu.vector_store %arg31[%swap3A_275], %gather3A_274 {strides = array<i32>} : memref<128xf32, #tpu.memory_space<vmem>>, vector<16xf32>,
    %get3A_277 = arith.constant 1 : i32
    %get3A_278 = arith.index_cast %get3A_277 : i32 to index
    %get3A_279 = arith.constant 64 : index
    %get3A_280 = tpu.vector_load %arg10[%get3A_278, %get3A_279] {strides = array<i32>} : memref<2x128xi32, #tpu.memory_space<vmem>>, vector<16xi32>,
    %gather3A_281 = tpu.vector_load_idx %arg28[%get3A_280] : memref<10000xf32, #tpu.memory_space<vmem>>[vector<16xi32>], vector<16xf32>,
    %swap3A_282 = arith.constant 64 : index
    %swap3A_283 = tpu.vector_load %arg31[%swap3A_282] {strides = array<i32>} : memref<128xf32, #tpu.memory_space<vmem>>, vector<16xf32>,
    tpu.vector_store %arg31[%swap3A_282], %gather3A_281 {strides = array<i32>} : memref<128xf32, #tpu.memory_space<vmem>>, vector<16xf32>,
    %get3A_284 = arith.constant 1 : i32
    %get3A_285 = arith.index_cast %get3A_284 : i32 to index
    %get3A_286 = arith.constant 80 : index
    %get3A_287 = tpu.vector_load %arg10[%get3A_285, %get3A_286] {strides = array<i32>} : memref<2x128xi32, #tpu.memory_space<vmem>>, vector<16xi32>,
    %gather3A_288 = tpu.vector_load_idx %arg28[%get3A_287] : memref<10000xf32, #tpu.memory_space<vmem>>[vector<16xi32>], vector<16xf32>,
    %swap3A_289 = arith.constant 80 : index
    %swap3A_290 = tpu.vector_load %arg31[%swap3A_289] {strides = array<i32>} : memref<128xf32, #tpu.memory_space<vmem>>, vector<16xf32>,
    tpu.vector_store %arg31[%swap3A_289], %gather3A_288 {strides = array<i32>} : memref<128xf32, #tpu.memory_space<vmem>>, vector<16xf32>,
    %get3A_291 = arith.constant 1 : i32
    %get3A_292 = arith.index_cast %get3A_291 : i32 to index
    %get3A_293 = arith.constant 96 : index
    %get3A_294 = tpu.vector_load %arg10[%get3A_292, %get3A_293] {strides = array<i32>} : memref<2x128xi32, #tpu.memory_space<vmem>>, vector<16xi32>,
    %gather3A_295 = tpu.vector_load_idx %arg28[%get3A_294] : memref<10000xf32, #tpu.memory_space<vmem>>[vector<16xi32>], vector<16xf32>,
    %swap3A_296 = arith.constant 96 : index
    %swap3A_297 = tpu.vector_load %arg31[%swap3A_296] {strides = array<i32>} : memref<128xf32, #tpu.memory_space<vmem>>, vector<16xf32>,
    tpu.vector_store %arg31[%swap3A_296], %gather3A_295 {strides = array<i32>} : memref<128xf32, #tpu.memory_space<vmem>>, vector<16xf32>,
    %get3A_298 = arith.constant 1 : i32
    %get3A_299 = arith.index_cast %get3A_298 : i32 to index
    %get3A_300 = arith.constant 112 : index
    %get3A_301 = tpu.vector_load %arg10[%get3A_299, %get3A_300] {strides = array<i32>} : memref<2x128xi32, #tpu.memory_space<vmem>>, vector<16xi32>,
    %gather3A_302 = tpu.vector_load_idx %arg28[%get3A_301] : memref<10000xf32, #tpu.memory_space<vmem>>[vector<16xi32>], vector<16xf32>,
    %swap3A_303 = arith.constant 112 : index
    %swap3A_304 = tpu.vector_load %arg31[%swap3A_303] {strides = array<i32>} : memref<128xf32, #tpu.memory_space<vmem>>, vector<16xf32>,
    tpu.vector_store %arg31[%swap3A_303], %gather3A_302 {strides = array<i32>} : memref<128xf32, #tpu.memory_space<vmem>>, vector<16xf32>,
    %dma_start3A_305 = arith.constant 0 : i32
    %dma_start3A_306 = arith.constant 0 : i32
    %dma_start3A_307 = tpu.memref_slice %arg10[%dma_start3A_305, %dma_start3A_306] : memref<2x128xi32, #tpu.memory_space<vmem>> -> memref<1x128xi32, #tpu.memory_space<vmem>>
    %dma_start3A_308 = tpu.memref_squeeze %dma_start3A_307 : memref<1x128xi32, #tpu.memory_space<vmem>> -> memref<128xi32, #tpu.memory_space<vmem>>
    %dma_start3A_309 = arith.constant 0 : i32
    %dma_start3A_310 = tpu.memref_slice %arg33[%dma_start3A_309] : memref<10240xf32, #tpu.memory_space<vmem_shared>> -> memref<10240xf32, #tpu.memory_space<vmem_shared>>
    tpu.enqueue_indirect_dma source(%arg31 : memref<128xf32, #tpu.memory_space<vmem>>) target(%dma_start3A_310 : memref<10240xf32, #tpu.memory_space<vmem_shared>>) offsets(%dma_start3A_308 : memref<128xi32, #tpu.memory_space<vmem>>) semaphore(%arg37 : memref<!tpu.dma_semaphore, #tpu.memory_space<semaphore_mem>>) {add = true}
    %scan3A_311 = arith.constant 0 : i32
    %scan3A_312 = arith.constant 12 : i32
    %scan3A_313 = arith.addi %scan3A_311, %scan3A_312 : i32
    %scan3A_314 = arith.constant 1 : i32
    scf.for %scan3A_822 = %scan3A_311 to %scan3A_313 step %scan3A_314  : i32 {
      %mul3A_823 = arith.constant 1 : i32
      %mul3A_824 = arith.muli %scan3A_822, %mul3A_823 : i32
      %add3A_825 = arith.constant 0 : i32
      %add3A_826 = arith.addi %add3A_825, %mul3A_824 : i32
      %mul3A_827 = arith.constant 6 : i32
      %mul3A_828 = arith.muli %add3A_826, %mul3A_827 : i32
      %add3A_829 = arith.constant 2 : i32
      %add3A_830 = arith.addi %add3A_829, %mul3A_828 : i32
      %add3A_831 = arith.constant 0 : i32
      %add3A_832 = arith.addi %add3A_830, %add3A_831 : i32
      %dma_wait3A_833 = arith.constant 0 : i32
      %dma_wait3A_834 = arith.constant 0 : i32
      %dma_wait3A_835 = tpu.memref_slice %arg11[%dma_wait3A_833, %dma_wait3A_834] : memref<2x128xi32, #tpu.memory_space<vmem>> -> memref<1x128xi32, #tpu.memory_space<vmem>>
      %dma_wait3A_836 = tpu.memref_squeeze %dma_wait3A_835 : memref<1x128xi32, #tpu.memory_space<vmem>> -> memref<128xi32, #tpu.memory_space<vmem>>
      %dma_wait3A_837 = arith.constant 0 : i32
      %dma_wait3A_838 = arith.constant 0 : i32
      %dma_wait3A_839 = tpu.memref_slice %arg3[%dma_wait3A_837, %dma_wait3A_838] : memref<10000x128xf32, #tpu.memory_space<hbm>> -> memref<10000x128xf32, #tpu.memory_space<hbm>>
      tpu.wait_indirect_dma semaphore(%arg24 : memref<!tpu.dma_semaphore, #tpu.memory_space<semaphore_mem>>) src(%dma_wait3A_839 : memref<10000x128xf32, #tpu.memory_space<hbm>>) dst(%arg15 : memref<128x128xf32, #tpu.memory_space<vmem>>)
      %dma_start3A_840 = arith.constant 1 : i32
      %dma_start3A_841 = arith.constant 0 : i32
      %dma_start3A_842 = tpu.memref_slice %arg11[%dma_start3A_840, %dma_start3A_841] : memref<2x128xi32, #tpu.memory_space<vmem>> -> memref<1x128xi32, #tpu.memory_space<vmem>>
      %dma_start3A_843 = tpu.memref_squeeze %dma_start3A_842 : memref<1x128xi32, #tpu.memory_space<vmem>> -> memref<128xi32, #tpu.memory_space<vmem>>
      %dma_start3A_844 = arith.constant 0 : i32
      %dma_start3A_845 = arith.constant 0 : i32
      %dma_start3A_846 = tpu.memref_slice %arg17[%dma_start3A_844, %dma_start3A_845] : memref<10000x128xf32, #tpu.memory_space<vmem_shared>> -> memref<10000x128xf32, #tpu.memory_space<vmem_shared>>
      tpu.enqueue_indirect_dma source(%arg15 : memref<128x128xf32, #tpu.memory_space<vmem>>) target(%dma_start3A_846 : memref<10000x128xf32, #tpu.memory_space<vmem_shared>>) offsets(%dma_start3A_843 : memref<128xi32, #tpu.memory_space<vmem>>) semaphore(%arg26 : memref<!tpu.dma_semaphore, #tpu.memory_space<semaphore_mem>>) {add = true}
      %dma_wait3A_847 = arith.constant 1 : i32
      %dma_wait3A_848 = arith.constant 0 : i32
      %dma_wait3A_849 = tpu.memref_slice %arg10[%dma_wait3A_847, %dma_wait3A_848] : memref<2x128xi32, #tpu.memory_space<vmem>> -> memref<1x128xi32, #tpu.memory_space<vmem>>
      %dma_wait3A_850 = tpu.memref_squeeze %dma_wait3A_849 : memref<1x128xi32, #tpu.memory_space<vmem>> -> memref<128xi32, #tpu.memory_space<vmem>>
      %dma_wait3A_851 = arith.constant 0 : i32
      %dma_wait3A_852 = arith.constant 0 : i32
      %dma_wait3A_853 = tpu.memref_slice %arg17[%dma_wait3A_851, %dma_wait3A_852] : memref<10000x128xf32, #tpu.memory_space<vmem_shared>> -> memref<10000x128xf32, #tpu.memory_space<vmem_shared>>
      tpu.wait_indirect_dma semaphore(%arg27 : memref<!tpu.dma_semaphore, #tpu.memory_space<semaphore_mem>>) src(%arg16 : memref<128x128xf32, #tpu.memory_space<vmem>>) dst(%dma_wait3A_853 : memref<10000x128xf32, #tpu.memory_space<vmem_shared>>)
      %add3A_854 = arith.constant 1 : i32
      %add3A_855 = arith.addi %add3A_832, %add3A_854 : i32
      %mul3A_856 = arith.constant 32 : i32
      %mul3A_857 = arith.muli %add3A_855, %mul3A_856 : i32
      %add3A_858 = arith.addi %mul3A_857, %add3A : i32
      %mul3A_859 = arith.constant 128 : i32
      %mul3A_860 = arith.muli %add3A_858, %mul3A_859 : i32
      %dma_wait3A_861 = arith.constant 0 : i32
      %dma_wait3A_862 = tpu.memref_slice %arg2[%dma_wait3A_861, %mul3A_860] : memref<2x320000xi32, #tpu.memory_space<hbm>> -> memref<2x128xi32, #tpu.memory_space<hbm>>
      %dma_wait3A_863 = arith.constant 0 : i32
      %dma_wait3A_864 = tpu.memref_slice %arg2[%dma_wait3A_863, %mul3A_860] : memref<2x320000xi32, #tpu.memory_space<hbm>> -> memref<2x128xi32, #tpu.memory_space<hbm>>
      tpu.wait_dma2 semaphore(%arg21 : memref<!tpu.dma_semaphore, #tpu.memory_space<semaphore_mem>>) src(%dma_wait3A_864 : memref<2x128xi32, #tpu.memory_space<hbm>>) dst(%arg12 : memref<2x128xi32, #tpu.memory_space<vmem>>)
      %dma_start3A_865 = arith.constant 0 : i32
      %dma_start3A_866 = arith.constant 0 : i32
      %dma_start3A_867 = tpu.memref_slice %arg12[%dma_start3A_865, %dma_start3A_866] : memref<2x128xi32, #tpu.memory_space<vmem>> -> memref<1x128xi32, #tpu.memory_space<vmem>>
      %dma_start3A_868 = tpu.memref_squeeze %dma_start3A_867 : memref<1x128xi32, #tpu.memory_space<vmem>> -> memref<128xi32, #tpu.memory_space<vmem>>
      %dma_start3A_869 = arith.constant 0 : i32
      %dma_start3A_870 = arith.constant 0 : i32
      %dma_start3A_871 = tpu.memref_slice %arg3[%dma_start3A_869, %dma_start3A_870] : memref<10000x128xf32, #tpu.memory_space<hbm>> -> memref<10000x128xf32, #tpu.memory_space<hbm>>
      tpu.enqueue_indirect_dma source(%dma_start3A_871 : memref<10000x128xf32, #tpu.memory_space<hbm>>) target(%arg16 : memref<128x128xf32, #tpu.memory_space<vmem>>) offsets(%dma_start3A_868 : memref<128xi32, #tpu.memory_space<vmem>>) semaphore(%arg25 : memref<!tpu.dma_semaphore, #tpu.memory_space<semaphore_mem>>)
      %dma_wait3A_872 = arith.constant 1 : i32
      %dma_wait3A_873 = arith.constant 0 : i32
      %dma_wait3A_874 = tpu.memref_slice %arg9[%dma_wait3A_872, %dma_wait3A_873] : memref<2x128xi32, #tpu.memory_space<vmem>> -> memref<1x128xi32, #tpu.memory_space<vmem>>
      %dma_wait3A_875 = tpu.memref_squeeze %dma_wait3A_874 : memref<1x128xi32, #tpu.memory_space<vmem>> -> memref<128xi32, #tpu.memory_space<vmem>>
      %dma_wait3A_876 = arith.constant 0 : i32
      %dma_wait3A_877 = tpu.memref_slice %arg32[%dma_wait3A_876] : memref<10240xf32, #tpu.memory_space<vmem_shared>> -> memref<10240xf32, #tpu.memory_space<vmem_shared>>
      tpu.wait_indirect_dma semaphore(%arg34 : memref<!tpu.dma_semaphore, #tpu.memory_space<semaphore_mem>>) src(%arg29 : memref<128xf32, #tpu.memory_space<vmem>>) dst(%dma_wait3A_877 : memref<10240xf32, #tpu.memory_space<vmem_shared>>)
      %dma_wait3A_878 = arith.constant 0 : i32
      %dma_wait3A_879 = arith.constant 0 : i32
      %dma_wait3A_880 = tpu.memref_slice %arg9[%dma_wait3A_878, %dma_wait3A_879] : memref<2x128xi32, #tpu.memory_space<vmem>> -> memref<1x128xi32, #tpu.memory_space<vmem>>
      %dma_wait3A_881 = tpu.memref_squeeze %dma_wait3A_880 : memref<1x128xi32, #tpu.memory_space<vmem>> -> memref<128xi32, #tpu.memory_space<vmem>>
      %dma_wait3A_882 = arith.constant 0 : i32
      %dma_wait3A_883 = tpu.memref_slice %arg33[%dma_wait3A_882] : memref<10240xf32, #tpu.memory_space<vmem_shared>> -> memref<10240xf32, #tpu.memory_space<vmem_shared>>
      tpu.wait_indirect_dma semaphore(%arg36 : memref<!tpu.dma_semaphore, #tpu.memory_space<semaphore_mem>>) src(%arg30 : memref<128xf32, #tpu.memory_space<vmem>>) dst(%dma_wait3A_883 : memref<10240xf32, #tpu.memory_space<vmem_shared>>)
      %add3A_884 = arith.constant 4 : i32
      %add3A_885 = arith.addi %add3A_832, %add3A_884 : i32
      %mul3A_886 = arith.constant 32 : i32
      %mul3A_887 = arith.muli %add3A_885, %mul3A_886 : i32
      %add3A_888 = arith.addi %mul3A_887, %add3A : i32
      %mul3A_889 = arith.constant 128 : i32
      %mul3A_890 = arith.muli %add3A_888, %mul3A_889 : i32
      %dma_start3A_891 = arith.constant 0 : i32
      %dma_start3A_892 = tpu.memref_slice %arg2[%dma_start3A_891, %mul3A_890] : memref<2x320000xi32, #tpu.memory_space<hbm>> -> memref<2x128xi32, #tpu.memory_space<hbm>>
      %dma_start3A_893 = arith.constant 0 : i32
      %dma_start3A_894 = tpu.memref_slice %arg2[%dma_start3A_893, %mul3A_890] : memref<2x320000xi32, #tpu.memory_space<hbm>> -> memref<2x128xi32, #tpu.memory_space<hbm>>
      tpu.enqueue_dma source(%dma_start3A_894 : memref<2x128xi32, #tpu.memory_space<hbm>>) target(%arg9 : memref<2x128xi32, #tpu.memory_space<vmem>>) target_semaphore(%arg18 : memref<!tpu.dma_semaphore, #tpu.memory_space<semaphore_mem>>)
      %dma_start3A_895 = arith.constant 1 : i32
      %dma_start3A_896 = arith.constant 0 : i32
      %dma_start3A_897 = tpu.memref_slice %arg11[%dma_start3A_895, %dma_start3A_896] : memref<2x128xi32, #tpu.memory_space<vmem>> -> memref<1x128xi32, #tpu.memory_space<vmem>>
      %dma_start3A_898 = tpu.memref_squeeze %dma_start3A_897 : memref<1x128xi32, #tpu.memory_space<vmem>> -> memref<128xi32, #tpu.memory_space<vmem>>
      %dma_start3A_899 = arith.constant 0 : i32
      %dma_start3A_900 = tpu.memref_slice %arg32[%dma_start3A_899] : memref<10240xf32, #tpu.memory_space<vmem_shared>> -> memref<10240xf32, #tpu.memory_space<vmem_shared>>
      tpu.enqueue_indirect_dma source(%arg29 : memref<128xf32, #tpu.memory_space<vmem>>) target(%dma_start3A_900 : memref<10240xf32, #tpu.memory_space<vmem_shared>>) offsets(%dma_start3A_898 : memref<128xi32, #tpu.memory_space<vmem>>) semaphore(%arg34 : memref<!tpu.dma_semaphore, #tpu.memory_space<semaphore_mem>>) {add = true}
      %get3A_901 = arith.constant 1 : i32
      %get3A_902 = arith.index_cast %get3A_901 : i32 to index
      %get3A_903 = arith.constant 0 : index
      %get3A_904 = tpu.vector_load %arg11[%get3A_902, %get3A_903] {strides = array<i32>} : memref<2x128xi32, #tpu.memory_space<vmem>>, vector<16xi32>,
      %gather3A_905 = tpu.vector_load_idx %arg28[%get3A_904] : memref<10000xf32, #tpu.memory_space<vmem>>[vector<16xi32>], vector<16xf32>,
      %swap3A_906 = arith.constant 0 : index
      %swap3A_907 = tpu.vector_load %arg30[%swap3A_906] {strides = array<i32>} : memref<128xf32, #tpu.memory_space<vmem>>, vector<16xf32>,
      tpu.vector_store %arg30[%swap3A_906], %gather3A_905 {strides = array<i32>} : memref<128xf32, #tpu.memory_space<vmem>>, vector<16xf32>,
      %get3A_908 = arith.constant 1 : i32
      %get3A_909 = arith.index_cast %get3A_908 : i32 to index
      %get3A_910 = arith.constant 16 : index
      %get3A_911 = tpu.vector_load %arg11[%get3A_909, %get3A_910] {strides = array<i32>} : memref<2x128xi32, #tpu.memory_space<vmem>>, vector<16xi32>,
      %gather3A_912 = tpu.vector_load_idx %arg28[%get3A_911] : memref<10000xf32, #tpu.memory_space<vmem>>[vector<16xi32>], vector<16xf32>,
      %swap3A_913 = arith.constant 16 : index
      %swap3A_914 = tpu.vector_load %arg30[%swap3A_913] {strides = array<i32>} : memref<128xf32, #tpu.memory_space<vmem>>, vector<16xf32>,
      tpu.vector_store %arg30[%swap3A_913], %gather3A_912 {strides = array<i32>} : memref<128xf32, #tpu.memory_space<vmem>>, vector<16xf32>,
      %get3A_915 = arith.constant 1 : i32
      %get3A_916 = arith.index_cast %get3A_915 : i32 to index
      %get3A_917 = arith.constant 32 : index
      %get3A_918 = tpu.vector_load %arg11[%get3A_916, %get3A_917] {strides = array<i32>} : memref<2x128xi32, #tpu.memory_space<vmem>>, vector<16xi32>,
      %gather3A_919 = tpu.vector_load_idx %arg28[%get3A_918] : memref<10000xf32, #tpu.memory_space<vmem>>[vector<16xi32>], vector<16xf32>,
      %swap3A_920 = arith.constant 32 : index
      %swap3A_921 = tpu.vector_load %arg30[%swap3A_920] {strides = array<i32>} : memref<128xf32, #tpu.memory_space<vmem>>, vector<16xf32>,
      tpu.vector_store %arg30[%swap3A_920], %gather3A_919 {strides = array<i32>} : memref<128xf32, #tpu.memory_space<vmem>>, vector<16xf32>,
      %get3A_922 = arith.constant 1 : i32
      %get3A_923 = arith.index_cast %get3A_922 : i32 to index
      %get3A_924 = arith.constant 48 : index
      %get3A_925 = tpu.vector_load %arg11[%get3A_923, %get3A_924] {strides = array<i32>} : memref<2x128xi32, #tpu.memory_space<vmem>>, vector<16xi32>,
      %gather3A_926 = tpu.vector_load_idx %arg28[%get3A_925] : memref<10000xf32, #tpu.memory_space<vmem>>[vector<16xi32>], vector<16xf32>,
      %swap3A_927 = arith.constant 48 : index
      %swap3A_928 = tpu.vector_load %arg30[%swap3A_927] {strides = array<i32>} : memref<128xf32, #tpu.memory_space<vmem>>, vector<16xf32>,
      tpu.vector_store %arg30[%swap3A_927], %gather3A_926 {strides = array<i32>} : memref<128xf32, #tpu.memory_space<vmem>>, vector<16xf32>,
      %get3A_929 = arith.constant 1 : i32
      %get3A_930 = arith.index_cast %get3A_929 : i32 to index
      %get3A_931 = arith.constant 64 : index
      %get3A_932 = tpu.vector_load %arg11[%get3A_930, %get3A_931] {strides = array<i32>} : memref<2x128xi32, #tpu.memory_space<vmem>>, vector<16xi32>,
      %gather3A_933 = tpu.vector_load_idx %arg28[%get3A_932] : memref<10000xf32, #tpu.memory_space<vmem>>[vector<16xi32>], vector<16xf32>,
      %swap3A_934 = arith.constant 64 : index
      %swap3A_935 = tpu.vector_load %arg30[%swap3A_934] {strides = array<i32>} : memref<128xf32, #tpu.memory_space<vmem>>, vector<16xf32>,
      tpu.vector_store %arg30[%swap3A_934], %gather3A_933 {strides = array<i32>} : memref<128xf32, #tpu.memory_space<vmem>>, vector<16xf32>,
      %get3A_936 = arith.constant 1 : i32
      %get3A_937 = arith.index_cast %get3A_936 : i32 to index
      %get3A_938 = arith.constant 80 : index
      %get3A_939 = tpu.vector_load %arg11[%get3A_937, %get3A_938] {strides = array<i32>} : memref<2x128xi32, #tpu.memory_space<vmem>>, vector<16xi32>,
      %gather3A_940 = tpu.vector_load_idx %arg28[%get3A_939] : memref<10000xf32, #tpu.memory_space<vmem>>[vector<16xi32>], vector<16xf32>,
      %swap3A_941 = arith.constant 80 : index
      %swap3A_942 = tpu.vector_load %arg30[%swap3A_941] {strides = array<i32>} : memref<128xf32, #tpu.memory_space<vmem>>, vector<16xf32>,
      tpu.vector_store %arg30[%swap3A_941], %gather3A_940 {strides = array<i32>} : memref<128xf32, #tpu.memory_space<vmem>>, vector<16xf32>,
      %get3A_943 = arith.constant 1 : i32
      %get3A_944 = arith.index_cast %get3A_943 : i32 to index
      %get3A_945 = arith.constant 96 : index
      %get3A_946 = tpu.vector_load %arg11[%get3A_944, %get3A_945] {strides = array<i32>} : memref<2x128xi32, #tpu.memory_space<vmem>>, vector<16xi32>,
      %gather3A_947 = tpu.vector_load_idx %arg28[%get3A_946] : memref<10000xf32, #tpu.memory_space<vmem>>[vector<16xi32>], vector<16xf32>,
      %swap3A_948 = arith.constant 96 : index
      %swap3A_949 = tpu.vector_load %arg30[%swap3A_948] {strides = array<i32>} : memref<128xf32, #tpu.memory_space<vmem>>, vector<16xf32>,
      tpu.vector_store %arg30[%swap3A_948], %gather3A_947 {strides = array<i32>} : memref<128xf32, #tpu.memory_space<vmem>>, vector<16xf32>,
      %get3A_950 = arith.constant 1 : i32
      %get3A_951 = arith.index_cast %get3A_950 : i32 to index
      %get3A_952 = arith.constant 112 : index
      %get3A_953 = tpu.vector_load %arg11[%get3A_951, %get3A_952] {strides = array<i32>} : memref<2x128xi32, #tpu.memory_space<vmem>>, vector<16xi32>,
      %gather3A_954 = tpu.vector_load_idx %arg28[%get3A_953] : memref<10000xf32, #tpu.memory_space<vmem>>[vector<16xi32>], vector<16xf32>,
      %swap3A_955 = arith.constant 112 : index
      %swap3A_956 = tpu.vector_load %arg30[%swap3A_955] {strides = array<i32>} : memref<128xf32, #tpu.memory_space<vmem>>, vector<16xf32>,
      tpu.vector_store %arg30[%swap3A_955], %gather3A_954 {strides = array<i32>} : memref<128xf32, #tpu.memory_space<vmem>>, vector<16xf32>,
      %dma_start3A_957 = arith.constant 0 : i32
      %dma_start3A_958 = arith.constant 0 : i32
      %dma_start3A_959 = tpu.memref_slice %arg11[%dma_start3A_957, %dma_start3A_958] : memref<2x128xi32, #tpu.memory_space<vmem>> -> memref<1x128xi32, #tpu.memory_space<vmem>>
      %dma_start3A_960 = tpu.memref_squeeze %dma_start3A_959 : memref<1x128xi32, #tpu.memory_space<vmem>> -> memref<128xi32, #tpu.memory_space<vmem>>
      %dma_start3A_961 = arith.constant 0 : i32
      %dma_start3A_962 = tpu.memref_slice %arg33[%dma_start3A_961] : memref<10240xf32, #tpu.memory_space<vmem_shared>> -> memref<10240xf32, #tpu.memory_space<vmem_shared>>
      tpu.enqueue_indirect_dma source(%arg30 : memref<128xf32, #tpu.memory_space<vmem>>) target(%dma_start3A_962 : memref<10240xf32, #tpu.memory_space<vmem_shared>>) offsets(%dma_start3A_960 : memref<128xi32, #tpu.memory_space<vmem>>) semaphore(%arg36 : memref<!tpu.dma_semaphore, #tpu.memory_space<semaphore_mem>>) {add = true}
      %add3A_963 = arith.constant 1 : i32
      %add3A_964 = arith.addi %add3A_830, %add3A_963 : i32
      %dma_wait3A_965 = arith.constant 0 : i32
      %dma_wait3A_966 = arith.constant 0 : i32
      %dma_wait3A_967 = tpu.memref_slice %arg12[%dma_wait3A_965, %dma_wait3A_966] : memref<2x128xi32, #tpu.memory_space<vmem>> -> memref<1x128xi32, #tpu.memory_space<vmem>>
      %dma_wait3A_968 = tpu.memref_squeeze %dma_wait3A_967 : memref<1x128xi32, #tpu.memory_space<vmem>> -> memref<128xi32, #tpu.memory_space<vmem>>
      %dma_wait3A_969 = arith.constant 0 : i32
      %dma_wait3A_970 = arith.constant 0 : i32
      %dma_wait3A_971 = tpu.memref_slice %arg3[%dma_wait3A_969, %dma_wait3A_970] : memref<10000x128xf32, #tpu.memory_space<hbm>> -> memref<10000x128xf32, #tpu.memory_space<hbm>>
      tpu.wait_indirect_dma semaphore(%arg25 : memref<!tpu.dma_semaphore, #tpu.memory_space<semaphore_mem>>) src(%dma_wait3A_971 : memref<10000x128xf32, #tpu.memory_space<hbm>>) dst(%arg16 : memref<128x128xf32, #tpu.memory_space<vmem>>)
      %dma_start3A_972 = arith.constant 1 : i32
      %dma_start3A_973 = arith.constant 0 : i32
      %dma_start3A_974 = tpu.memref_slice %arg12[%dma_start3A_972, %dma_start3A_973] : memref<2x128xi32, #tpu.memory_space<vmem>> -> memref<1x128xi32, #tpu.memory_space<vmem>>
      %dma_start3A_975 = tpu.memref_squeeze %dma_start3A_974 : memref<1x128xi32, #tpu.memory_space<vmem>> -> memref<128xi32, #tpu.memory_space<vmem>>
      %dma_start3A_976 = arith.constant 0 : i32
      %dma_start3A_977 = arith.constant 0 : i32
      %dma_start3A_978 = tpu.memref_slice %arg17[%dma_start3A_976, %dma_start3A_977] : memref<10000x128xf32, #tpu.memory_space<vmem_shared>> -> memref<10000x128xf32, #tpu.memory_space<vmem_shared>>
      tpu.enqueue_indirect_dma source(%arg16 : memref<128x128xf32, #tpu.memory_space<vmem>>) target(%dma_start3A_978 : memref<10000x128xf32, #tpu.memory_space<vmem_shared>>) offsets(%dma_start3A_975 : memref<128xi32, #tpu.memory_space<vmem>>) semaphore(%arg27 : memref<!tpu.dma_semaphore, #tpu.memory_space<semaphore_mem>>) {add = true}
      %dma_wait3A_979 = arith.constant 1 : i32
      %dma_wait3A_980 = arith.constant 0 : i32
      %dma_wait3A_981 = tpu.memref_slice %arg11[%dma_wait3A_979, %dma_wait3A_980] : memref<2x128xi32, #tpu.memory_space<vmem>> -> memref<1x128xi32, #tpu.memory_space<vmem>>
      %dma_wait3A_982 = tpu.memref_squeeze %dma_wait3A_981 : memref<1x128xi32, #tpu.memory_space<vmem>> -> memref<128xi32, #tpu.memory_space<vmem>>
      %dma_wait3A_983 = arith.constant 0 : i32
      %dma_wait3A_984 = arith.constant 0 : i32
      %dma_wait3A_985 = tpu.memref_slice %arg17[%dma_wait3A_983, %dma_wait3A_984] : memref<10000x128xf32, #tpu.memory_space<vmem_shared>> -> memref<10000x128xf32, #tpu.memory_space<vmem_shared>>
      tpu.wait_indirect_dma semaphore(%arg26 : memref<!tpu.dma_semaphore, #tpu.memory_space<semaphore_mem>>) src(%arg15 : memref<128x128xf32, #tpu.memory_space<vmem>>) dst(%dma_wait3A_985 : memref<10000x128xf32, #tpu.memory_space<vmem_shared>>)
      %add3A_986 = arith.constant 1 : i32
      %add3A_987 = arith.addi %add3A_964, %add3A_986 : i32
      %mul3A_988 = arith.constant 32 : i32
      %mul3A_989 = arith.muli %add3A_987, %mul3A_988 : i32
      %add3A_990 = arith.addi %mul3A_989, %add3A : i32
      %mul3A_991 = arith.constant 128 : i32
      %mul3A_992 = arith.muli %add3A_990, %mul3A_991 : i32
      %dma_wait3A_993 = arith.constant 0 : i32
      %dma_wait3A_994 = tpu.memref_slice %arg2[%dma_wait3A_993, %mul3A_992] : memref<2x320000xi32, #tpu.memory_space<hbm>> -> memref<2x128xi32, #tpu.memory_space<hbm>>
      %dma_wait3A_995 = arith.constant 0 : i32
      %dma_wait3A_996 = tpu.memref_slice %arg2[%dma_wait3A_995, %mul3A_992] : memref<2x320000xi32, #tpu.memory_space<hbm>> -> memref<2x128xi32, #tpu.memory_space<hbm>>
      tpu.wait_dma2 semaphore(%arg22 : memref<!tpu.dma_semaphore, #tpu.memory_space<semaphore_mem>>) src(%dma_wait3A_996 : memref<2x128xi32, #tpu.memory_space<hbm>>) dst(%arg13 : memref<2x128xi32, #tpu.memory_space<vmem>>)
      %dma_start3A_997 = arith.constant 0 : i32
      %dma_start3A_998 = arith.constant 0 : i32
      %dma_start3A_999 = tpu.memref_slice %arg13[%dma_start3A_997, %dma_start3A_998] : memref<2x128xi32, #tpu.memory_space<vmem>> -> memref<1x128xi32, #tpu.memory_space<vmem>>
      %dma_start3A_1000 = tpu.memref_squeeze %dma_start3A_999 : memref<1x128xi32, #tpu.memory_space<vmem>> -> memref<128xi32, #tpu.memory_space<vmem>>
      %dma_start3A_1001 = arith.constant 0 : i32
      %dma_start3A_1002 = arith.constant 0 : i32
      %dma_start3A_1003 = tpu.memref_slice %arg3[%dma_start3A_1001, %dma_start3A_1002] : memref<10000x128xf32, #tpu.memory_space<hbm>> -> memref<10000x128xf32, #tpu.memory_space<hbm>>
      tpu.enqueue_indirect_dma source(%dma_start3A_1003 : memref<10000x128xf32, #tpu.memory_space<hbm>>) target(%arg15 : memref<128x128xf32, #tpu.memory_space<vmem>>) offsets(%dma_start3A_1000 : memref<128xi32, #tpu.memory_space<vmem>>) semaphore(%arg24 : memref<!tpu.dma_semaphore, #tpu.memory_space<semaphore_mem>>)
      %dma_wait3A_1004 = arith.constant 1 : i32
      %dma_wait3A_1005 = arith.constant 0 : i32
      %dma_wait3A_1006 = tpu.memref_slice %arg10[%dma_wait3A_1004, %dma_wait3A_1005] : memref<2x128xi32, #tpu.memory_space<vmem>> -> memref<1x128xi32, #tpu.memory_space<vmem>>
      %dma_wait3A_1007 = tpu.memref_squeeze %dma_wait3A_1006 : memref<1x128xi32, #tpu.memory_space<vmem>> -> memref<128xi32, #tpu.memory_space<vmem>>
      %dma_wait3A_1008 = arith.constant 0 : i32
      %dma_wait3A_1009 = tpu.memref_slice %arg32[%dma_wait3A_1008] : memref<10240xf32, #tpu.memory_space<vmem_shared>> -> memref<10240xf32, #tpu.memory_space<vmem_shared>>
      tpu.wait_indirect_dma semaphore(%arg35 : memref<!tpu.dma_semaphore, #tpu.memory_space<semaphore_mem>>) src(%arg29 : memref<128xf32, #tpu.memory_space<vmem>>) dst(%dma_wait3A_1009 : memref<10240xf32, #tpu.memory_space<vmem_shared>>)
      %dma_wait3A_1010 = arith.constant 0 : i32
      %dma_wait3A_1011 = arith.constant 0 : i32
      %dma_wait3A_1012 = tpu.memref_slice %arg10[%dma_wait3A_1010, %dma_wait3A_1011] : memref<2x128xi32, #tpu.memory_space<vmem>> -> memref<1x128xi32, #tpu.memory_space<vmem>>
      %dma_wait3A_1013 = tpu.memref_squeeze %dma_wait3A_1012 : memref<1x128xi32, #tpu.memory_space<vmem>> -> memref<128xi32, #tpu.memory_space<vmem>>
      %dma_wait3A_1014 = arith.constant 0 : i32
      %dma_wait3A_1015 = tpu.memref_slice %arg33[%dma_wait3A_1014] : memref<10240xf32, #tpu.memory_space<vmem_shared>> -> memref<10240xf32, #tpu.memory_space<vmem_shared>>
      tpu.wait_indirect_dma semaphore(%arg37 : memref<!tpu.dma_semaphore, #tpu.memory_space<semaphore_mem>>) src(%arg31 : memref<128xf32, #tpu.memory_space<vmem>>) dst(%dma_wait3A_1015 : memref<10240xf32, #tpu.memory_space<vmem_shared>>)
      %add3A_1016 = arith.constant 4 : i32
      %add3A_1017 = arith.addi %add3A_964, %add3A_1016 : i32
      %mul3A_1018 = arith.constant 32 : i32
      %mul3A_1019 = arith.muli %add3A_1017, %mul3A_1018 : i32
      %add3A_1020 = arith.addi %mul3A_1019, %add3A : i32
      %mul3A_1021 = arith.constant 128 : i32
      %mul3A_1022 = arith.muli %add3A_1020, %mul3A_1021 : i32
      %dma_start3A_1023 = arith.constant 0 : i32
      %dma_start3A_1024 = tpu.memref_slice %arg2[%dma_start3A_1023, %mul3A_1022] : memref<2x320000xi32, #tpu.memory_space<hbm>> -> memref<2x128xi32, #tpu.memory_space<hbm>>
      %dma_start3A_1025 = arith.constant 0 : i32
      %dma_start3A_1026 = tpu.memref_slice %arg2[%dma_start3A_1025, %mul3A_1022] : memref<2x320000xi32, #tpu.memory_space<hbm>> -> memref<2x128xi32, #tpu.memory_space<hbm>>
      tpu.enqueue_dma source(%dma_start3A_1026 : memref<2x128xi32, #tpu.memory_space<hbm>>) target(%arg10 : memref<2x128xi32, #tpu.memory_space<vmem>>) target_semaphore(%arg19 : memref<!tpu.dma_semaphore, #tpu.memory_space<semaphore_mem>>)
      %dma_start3A_1027 = arith.constant 1 : i32
      %dma_start3A_1028 = arith.constant 0 : i32
      %dma_start3A_1029 = tpu.memref_slice %arg12[%dma_start3A_1027, %dma_start3A_1028] : memref<2x128xi32, #tpu.memory_space<vmem>> -> memref<1x128xi32, #tpu.memory_space<vmem>>
      %dma_start3A_1030 = tpu.memref_squeeze %dma_start3A_1029 : memref<1x128xi32, #tpu.memory_space<vmem>> -> memref<128xi32, #tpu.memory_space<vmem>>
      %dma_start3A_1031 = arith.constant 0 : i32
      %dma_start3A_1032 = tpu.memref_slice %arg32[%dma_start3A_1031] : memref<10240xf32, #tpu.memory_space<vmem_shared>> -> memref<10240xf32, #tpu.memory_space<vmem_shared>>
      tpu.enqueue_indirect_dma source(%arg29 : memref<128xf32, #tpu.memory_space<vmem>>) target(%dma_start3A_1032 : memref<10240xf32, #tpu.memory_space<vmem_shared>>) offsets(%dma_start3A_1030 : memref<128xi32, #tpu.memory_space<vmem>>) semaphore(%arg35 : memref<!tpu.dma_semaphore, #tpu.memory_space<semaphore_mem>>) {add = true}
      %get3A_1033 = arith.constant 1 : i32
      %get3A_1034 = arith.index_cast %get3A_1033 : i32 to index
      %get3A_1035 = arith.constant 0 : index
      %get3A_1036 = tpu.vector_load %arg12[%get3A_1034, %get3A_1035] {strides = array<i32>} : memref<2x128xi32, #tpu.memory_space<vmem>>, vector<16xi32>,
      %gather3A_1037 = tpu.vector_load_idx %arg28[%get3A_1036] : memref<10000xf32, #tpu.memory_space<vmem>>[vector<16xi32>], vector<16xf32>,
      %swap3A_1038 = arith.constant 0 : index
      %swap3A_1039 = tpu.vector_load %arg31[%swap3A_1038] {strides = array<i32>} : memref<128xf32, #tpu.memory_space<vmem>>, vector<16xf32>,
      tpu.vector_store %arg31[%swap3A_1038], %gather3A_1037 {strides = array<i32>} : memref<128xf32, #tpu.memory_space<vmem>>, vector<16xf32>,
      %get3A_1040 = arith.constant 1 : i32
      %get3A_1041 = arith.index_cast %get3A_1040 : i32 to index
      %get3A_1042 = arith.constant 16 : index
      %get3A_1043 = tpu.vector_load %arg12[%get3A_1041, %get3A_1042] {strides = array<i32>} : memref<2x128xi32, #tpu.memory_space<vmem>>, vector<16xi32>,
      %gather3A_1044 = tpu.vector_load_idx %arg28[%get3A_1043] : memref<10000xf32, #tpu.memory_space<vmem>>[vector<16xi32>], vector<16xf32>,
      %swap3A_1045 = arith.constant 16 : index
      %swap3A_1046 = tpu.vector_load %arg31[%swap3A_1045] {strides = array<i32>} : memref<128xf32, #tpu.memory_space<vmem>>, vector<16xf32>,
      tpu.vector_store %arg31[%swap3A_1045], %gather3A_1044 {strides = array<i32>} : memref<128xf32, #tpu.memory_space<vmem>>, vector<16xf32>,
      %get3A_1047 = arith.constant 1 : i32
      %get3A_1048 = arith.index_cast %get3A_1047 : i32 to index
      %get3A_1049 = arith.constant 32 : index
      %get3A_1050 = tpu.vector_load %arg12[%get3A_1048, %get3A_1049] {strides = array<i32>} : memref<2x128xi32, #tpu.memory_space<vmem>>, vector<16xi32>,
      %gather3A_1051 = tpu.vector_load_idx %arg28[%get3A_1050] : memref<10000xf32, #tpu.memory_space<vmem>>[vector<16xi32>], vector<16xf32>,
      %swap3A_1052 = arith.constant 32 : index
      %swap3A_1053 = tpu.vector_load %arg31[%swap3A_1052] {strides = array<i32>} : memref<128xf32, #tpu.memory_space<vmem>>, vector<16xf32>,
      tpu.vector_store %arg31[%swap3A_1052], %gather3A_1051 {strides = array<i32>} : memref<128xf32, #tpu.memory_space<vmem>>, vector<16xf32>,
      %get3A_1054 = arith.constant 1 : i32
      %get3A_1055 = arith.index_cast %get3A_1054 : i32 to index
      %get3A_1056 = arith.constant 48 : index
      %get3A_1057 = tpu.vector_load %arg12[%get3A_1055, %get3A_1056] {strides = array<i32>} : memref<2x128xi32, #tpu.memory_space<vmem>>, vector<16xi32>,
      %gather3A_1058 = tpu.vector_load_idx %arg28[%get3A_1057] : memref<10000xf32, #tpu.memory_space<vmem>>[vector<16xi32>], vector<16xf32>,
      %swap3A_1059 = arith.constant 48 : index
      %swap3A_1060 = tpu.vector_load %arg31[%swap3A_1059] {strides = array<i32>} : memref<128xf32, #tpu.memory_space<vmem>>, vector<16xf32>,
      tpu.vector_store %arg31[%swap3A_1059], %gather3A_1058 {strides = array<i32>} : memref<128xf32, #tpu.memory_space<vmem>>, vector<16xf32>,
      %get3A_1061 = arith.constant 1 : i32
      %get3A_1062 = arith.index_cast %get3A_1061 : i32 to index
      %get3A_1063 = arith.constant 64 : index
      %get3A_1064 = tpu.vector_load %arg12[%get3A_1062, %get3A_1063] {strides = array<i32>} : memref<2x128xi32, #tpu.memory_space<vmem>>, vector<16xi32>,
      %gather3A_1065 = tpu.vector_load_idx %arg28[%get3A_1064] : memref<10000xf32, #tpu.memory_space<vmem>>[vector<16xi32>], vector<16xf32>,
      %swap3A_1066 = arith.constant 64 : index
      %swap3A_1067 = tpu.vector_load %arg31[%swap3A_1066] {strides = array<i32>} : memref<128xf32, #tpu.memory_space<vmem>>, vector<16xf32>,
      tpu.vector_store %arg31[%swap3A_1066], %gather3A_1065 {strides = array<i32>} : memref<128xf32, #tpu.memory_space<vmem>>, vector<16xf32>,
      %get3A_1068 = arith.constant 1 : i32
      %get3A_1069 = arith.index_cast %get3A_1068 : i32 to index
      %get3A_1070 = arith.constant 80 : index
      %get3A_1071 = tpu.vector_load %arg12[%get3A_1069, %get3A_1070] {strides = array<i32>} : memref<2x128xi32, #tpu.memory_space<vmem>>, vector<16xi32>,
      %gather3A_1072 = tpu.vector_load_idx %arg28[%get3A_1071] : memref<10000xf32, #tpu.memory_space<vmem>>[vector<16xi32>], vector<16xf32>,
      %swap3A_1073 = arith.constant 80 : index
      %swap3A_1074 = tpu.vector_load %arg31[%swap3A_1073] {strides = array<i32>} : memref<128xf32, #tpu.memory_space<vmem>>, vector<16xf32>,
      tpu.vector_store %arg31[%swap3A_1073], %gather3A_1072 {strides = array<i32>} : memref<128xf32, #tpu.memory_space<vmem>>, vector<16xf32>,
      %get3A_1075 = arith.constant 1 : i32
      %get3A_1076 = arith.index_cast %get3A_1075 : i32 to index
      %get3A_1077 = arith.constant 96 : index
      %get3A_1078 = tpu.vector_load %arg12[%get3A_1076, %get3A_1077] {strides = array<i32>} : memref<2x128xi32, #tpu.memory_space<vmem>>, vector<16xi32>,
      %gather3A_1079 = tpu.vector_load_idx %arg28[%get3A_1078] : memref<10000xf32, #tpu.memory_space<vmem>>[vector<16xi32>], vector<16xf32>,
      %swap3A_1080 = arith.constant 96 : index
      %swap3A_1081 = tpu.vector_load %arg31[%swap3A_1080] {strides = array<i32>} : memref<128xf32, #tpu.memory_space<vmem>>, vector<16xf32>,
      tpu.vector_store %arg31[%swap3A_1080], %gather3A_1079 {strides = array<i32>} : memref<128xf32, #tpu.memory_space<vmem>>, vector<16xf32>,
      %get3A_1082 = arith.constant 1 : i32
      %get3A_1083 = arith.index_cast %get3A_1082 : i32 to index
      %get3A_1084 = arith.constant 112 : index
      %get3A_1085 = tpu.vector_load %arg12[%get3A_1083, %get3A_1084] {strides = array<i32>} : memref<2x128xi32, #tpu.memory_space<vmem>>, vector<16xi32>,
      %gather3A_1086 = tpu.vector_load_idx %arg28[%get3A_1085] : memref<10000xf32, #tpu.memory_space<vmem>>[vector<16xi32>], vector<16xf32>,
      %swap3A_1087 = arith.constant 112 : index
      %swap3A_1088 = tpu.vector_load %arg31[%swap3A_1087] {strides = array<i32>} : memref<128xf32, #tpu.memory_space<vmem>>, vector<16xf32>,
      tpu.vector_store %arg31[%swap3A_1087], %gather3A_1086 {strides = array<i32>} : memref<128xf32, #tpu.memory_space<vmem>>, vector<16xf32>,
      %dma_start3A_1089 = arith.constant 0 : i32
      %dma_start3A_1090 = arith.constant 0 : i32
      %dma_start3A_1091 = tpu.memref_slice %arg12[%dma_start3A_1089, %dma_start3A_1090] : memref<2x128xi32, #tpu.memory_space<vmem>> -> memref<1x128xi32, #tpu.memory_space<vmem>>
      %dma_start3A_1092 = tpu.memref_squeeze %dma_start3A_1091 : memref<1x128xi32, #tpu.memory_space<vmem>> -> memref<128xi32, #tpu.memory_space<vmem>>
      %dma_start3A_1093 = arith.constant 0 : i32
      %dma_start3A_1094 = tpu.memref_slice %arg33[%dma_start3A_1093] : memref<10240xf32, #tpu.memory_space<vmem_shared>> -> memref<10240xf32, #tpu.memory_space<vmem_shared>>
      tpu.enqueue_indirect_dma source(%arg31 : memref<128xf32, #tpu.memory_space<vmem>>) target(%dma_start3A_1094 : memref<10240xf32, #tpu.memory_space<vmem_shared>>) offsets(%dma_start3A_1092 : memref<128xi32, #tpu.memory_space<vmem>>) semaphore(%arg37 : memref<!tpu.dma_semaphore, #tpu.memory_space<semaphore_mem>>) {add = true}
      %add3A_1095 = arith.constant 2 : i32
      %add3A_1096 = arith.addi %add3A_830, %add3A_1095 : i32
      %dma_wait3A_1097 = arith.constant 0 : i32
      %dma_wait3A_1098 = arith.constant 0 : i32
      %dma_wait3A_1099 = tpu.memref_slice %arg13[%dma_wait3A_1097, %dma_wait3A_1098] : memref<2x128xi32, #tpu.memory_space<vmem>> -> memref<1x128xi32, #tpu.memory_space<vmem>>
      %dma_wait3A_1100 = tpu.memref_squeeze %dma_wait3A_1099 : memref<1x128xi32, #tpu.memory_space<vmem>> -> memref<128xi32, #tpu.memory_space<vmem>>
      %dma_wait3A_1101 = arith.constant 0 : i32
      %dma_wait3A_1102 = arith.constant 0 : i32
      %dma_wait3A_1103 = tpu.memref_slice %arg3[%dma_wait3A_1101, %dma_wait3A_1102] : memref<10000x128xf32, #tpu.memory_space<hbm>> -> memref<10000x128xf32, #tpu.memory_space<hbm>>
      tpu.wait_indirect_dma semaphore(%arg24 : memref<!tpu.dma_semaphore, #tpu.memory_space<semaphore_mem>>) src(%dma_wait3A_1103 : memref<10000x128xf32, #tpu.memory_space<hbm>>) dst(%arg15 : memref<128x128xf32, #tpu.memory_space<vmem>>)
      %dma_start3A_1104 = arith.constant 1 : i32
      %dma_start3A_1105 = arith.constant 0 : i32
      %dma_start3A_1106 = tpu.memref_slice %arg13[%dma_start3A_1104, %dma_start3A_1105] : memref<2x128xi32, #tpu.memory_space<vmem>> -> memref<1x128xi32, #tpu.memory_space<vmem>>
      %dma_start3A_1107 = tpu.memref_squeeze %dma_start3A_1106 : memref<1x128xi32, #tpu.memory_space<vmem>> -> memref<128xi32, #tpu.memory_space<vmem>>
      %dma_start3A_1108 = arith.constant 0 : i32
      %dma_start3A_1109 = arith.constant 0 : i32
      %dma_start3A_1110 = tpu.memref_slice %arg17[%dma_start3A_1108, %dma_start3A_1109] : memref<10000x128xf32, #tpu.memory_space<vmem_shared>> -> memref<10000x128xf32, #tpu.memory_space<vmem_shared>>
      tpu.enqueue_indirect_dma source(%arg15 : memref<128x128xf32, #tpu.memory_space<vmem>>) target(%dma_start3A_1110 : memref<10000x128xf32, #tpu.memory_space<vmem_shared>>) offsets(%dma_start3A_1107 : memref<128xi32, #tpu.memory_space<vmem>>) semaphore(%arg26 : memref<!tpu.dma_semaphore, #tpu.memory_space<semaphore_mem>>) {add = true}
      %dma_wait3A_1111 = arith.constant 1 : i32
      %dma_wait3A_1112 = arith.constant 0 : i32
      %dma_wait3A_1113 = tpu.memref_slice %arg12[%dma_wait3A_1111, %dma_wait3A_1112] : memref<2x128xi32, #tpu.memory_space<vmem>> -> memref<1x128xi32, #tpu.memory_space<vmem>>
      %dma_wait3A_1114 = tpu.memref_squeeze %dma_wait3A_1113 : memref<1x128xi32, #tpu.memory_space<vmem>> -> memref<128xi32, #tpu.memory_space<vmem>>
      %dma_wait3A_1115 = arith.constant 0 : i32
      %dma_wait3A_1116 = arith.constant 0 : i32
      %dma_wait3A_1117 = tpu.memref_slice %arg17[%dma_wait3A_1115, %dma_wait3A_1116] : memref<10000x128xf32, #tpu.memory_space<vmem_shared>> -> memref<10000x128xf32, #tpu.memory_space<vmem_shared>>
      tpu.wait_indirect_dma semaphore(%arg27 : memref<!tpu.dma_semaphore, #tpu.memory_space<semaphore_mem>>) src(%arg16 : memref<128x128xf32, #tpu.memory_space<vmem>>) dst(%dma_wait3A_1117 : memref<10000x128xf32, #tpu.memory_space<vmem_shared>>)
      %add3A_1118 = arith.constant 1 : i32
      %add3A_1119 = arith.addi %add3A_1096, %add3A_1118 : i32
      %mul3A_1120 = arith.constant 32 : i32
      %mul3A_1121 = arith.muli %add3A_1119, %mul3A_1120 : i32
      %add3A_1122 = arith.addi %mul3A_1121, %add3A : i32
      %mul3A_1123 = arith.constant 128 : i32
      %mul3A_1124 = arith.muli %add3A_1122, %mul3A_1123 : i32
      %dma_wait3A_1125 = arith.constant 0 : i32
      %dma_wait3A_1126 = tpu.memref_slice %arg2[%dma_wait3A_1125, %mul3A_1124] : memref<2x320000xi32, #tpu.memory_space<hbm>> -> memref<2x128xi32, #tpu.memory_space<hbm>>
      %dma_wait3A_1127 = arith.constant 0 : i32
      %dma_wait3A_1128 = tpu.memref_slice %arg2[%dma_wait3A_1127, %mul3A_1124] : memref<2x320000xi32, #tpu.memory_space<hbm>> -> memref<2x128xi32, #tpu.memory_space<hbm>>
      tpu.wait_dma2 semaphore(%arg23 : memref<!tpu.dma_semaphore, #tpu.memory_space<semaphore_mem>>) src(%dma_wait3A_1128 : memref<2x128xi32, #tpu.memory_space<hbm>>) dst(%arg14 : memref<2x128xi32, #tpu.memory_space<vmem>>)
      %dma_start3A_1129 = arith.constant 0 : i32
      %dma_start3A_1130 = arith.constant 0 : i32
      %dma_start3A_1131 = tpu.memref_slice %arg14[%dma_start3A_1129, %dma_start3A_1130] : memref<2x128xi32, #tpu.memory_space<vmem>> -> memref<1x128xi32, #tpu.memory_space<vmem>>
      %dma_start3A_1132 = tpu.memref_squeeze %dma_start3A_1131 : memref<1x128xi32, #tpu.memory_space<vmem>> -> memref<128xi32, #tpu.memory_space<vmem>>
      %dma_start3A_1133 = arith.constant 0 : i32
      %dma_start3A_1134 = arith.constant 0 : i32
      %dma_start3A_1135 = tpu.memref_slice %arg3[%dma_start3A_1133, %dma_start3A_1134] : memref<10000x128xf32, #tpu.memory_space<hbm>> -> memref<10000x128xf32, #tpu.memory_space<hbm>>
      tpu.enqueue_indirect_dma source(%dma_start3A_1135 : memref<10000x128xf32, #tpu.memory_space<hbm>>) target(%arg16 : memref<128x128xf32, #tpu.memory_space<vmem>>) offsets(%dma_start3A_1132 : memref<128xi32, #tpu.memory_space<vmem>>) semaphore(%arg25 : memref<!tpu.dma_semaphore, #tpu.memory_space<semaphore_mem>>)
      %dma_wait3A_1136 = arith.constant 1 : i32
      %dma_wait3A_1137 = arith.constant 0 : i32
      %dma_wait3A_1138 = tpu.memref_slice %arg11[%dma_wait3A_1136, %dma_wait3A_1137] : memref<2x128xi32, #tpu.memory_space<vmem>> -> memref<1x128xi32, #tpu.memory_space<vmem>>
      %dma_wait3A_1139 = tpu.memref_squeeze %dma_wait3A_1138 : memref<1x128xi32, #tpu.memory_space<vmem>> -> memref<128xi32, #tpu.memory_space<vmem>>
      %dma_wait3A_1140 = arith.constant 0 : i32
      %dma_wait3A_1141 = tpu.memref_slice %arg32[%dma_wait3A_1140] : memref<10240xf32, #tpu.memory_space<vmem_shared>> -> memref<10240xf32, #tpu.memory_space<vmem_shared>>
      tpu.wait_indirect_dma semaphore(%arg34 : memref<!tpu.dma_semaphore, #tpu.memory_space<semaphore_mem>>) src(%arg29 : memref<128xf32, #tpu.memory_space<vmem>>) dst(%dma_wait3A_1141 : memref<10240xf32, #tpu.memory_space<vmem_shared>>)
      %dma_wait3A_1142 = arith.constant 0 : i32
      %dma_wait3A_1143 = arith.constant 0 : i32
      %dma_wait3A_1144 = tpu.memref_slice %arg11[%dma_wait3A_1142, %dma_wait3A_1143] : memref<2x128xi32, #tpu.memory_space<vmem>> -> memref<1x128xi32, #tpu.memory_space<vmem>>
      %dma_wait3A_1145 = tpu.memref_squeeze %dma_wait3A_1144 : memref<1x128xi32, #tpu.memory_space<vmem>> -> memref<128xi32, #tpu.memory_space<vmem>>
      %dma_wait3A_1146 = arith.constant 0 : i32
      %dma_wait3A_1147 = tpu.memref_slice %arg33[%dma_wait3A_1146] : memref<10240xf32, #tpu.memory_space<vmem_shared>> -> memref<10240xf32, #tpu.memory_space<vmem_shared>>
      tpu.wait_indirect_dma semaphore(%arg36 : memref<!tpu.dma_semaphore, #tpu.memory_space<semaphore_mem>>) src(%arg30 : memref<128xf32, #tpu.memory_space<vmem>>) dst(%dma_wait3A_1147 : memref<10240xf32, #tpu.memory_space<vmem_shared>>)
      %add3A_1148 = arith.constant 4 : i32
      %add3A_1149 = arith.addi %add3A_1096, %add3A_1148 : i32
      %mul3A_1150 = arith.constant 32 : i32
      %mul3A_1151 = arith.muli %add3A_1149, %mul3A_1150 : i32
      %add3A_1152 = arith.addi %mul3A_1151, %add3A : i32
      %mul3A_1153 = arith.constant 128 : i32
      %mul3A_1154 = arith.muli %add3A_1152, %mul3A_1153 : i32
      %dma_start3A_1155 = arith.constant 0 : i32
      %dma_start3A_1156 = tpu.memref_slice %arg2[%dma_start3A_1155, %mul3A_1154] : memref<2x320000xi32, #tpu.memory_space<hbm>> -> memref<2x128xi32, #tpu.memory_space<hbm>>
      %dma_start3A_1157 = arith.constant 0 : i32
      %dma_start3A_1158 = tpu.memref_slice %arg2[%dma_start3A_1157, %mul3A_1154] : memref<2x320000xi32, #tpu.memory_space<hbm>> -> memref<2x128xi32, #tpu.memory_space<hbm>>
      tpu.enqueue_dma source(%dma_start3A_1158 : memref<2x128xi32, #tpu.memory_space<hbm>>) target(%arg11 : memref<2x128xi32, #tpu.memory_space<vmem>>) target_semaphore(%arg20 : memref<!tpu.dma_semaphore, #tpu.memory_space<semaphore_mem>>)
      %dma_start3A_1159 = arith.constant 1 : i32
      %dma_start3A_1160 = arith.constant 0 : i32
      %dma_start3A_1161 = tpu.memref_slice %arg13[%dma_start3A_1159, %dma_start3A_1160] : memref<2x128xi32, #tpu.memory_space<vmem>> -> memref<1x128xi32, #tpu.memory_space<vmem>>
      %dma_start3A_1162 = tpu.memref_squeeze %dma_start3A_1161 : memref<1x128xi32, #tpu.memory_space<vmem>> -> memref<128xi32, #tpu.memory_space<vmem>>
      %dma_start3A_1163 = arith.constant 0 : i32
      %dma_start3A_1164 = tpu.memref_slice %arg32[%dma_start3A_1163] : memref<10240xf32, #tpu.memory_space<vmem_shared>> -> memref<10240xf32, #tpu.memory_space<vmem_shared>>
      tpu.enqueue_indirect_dma source(%arg29 : memref<128xf32, #tpu.memory_space<vmem>>) target(%dma_start3A_1164 : memref<10240xf32, #tpu.memory_space<vmem_shared>>) offsets(%dma_start3A_1162 : memref<128xi32, #tpu.memory_space<vmem>>) semaphore(%arg34 : memref<!tpu.dma_semaphore, #tpu.memory_space<semaphore_mem>>) {add = true}
      %get3A_1165 = arith.constant 1 : i32
      %get3A_1166 = arith.index_cast %get3A_1165 : i32 to index
      %get3A_1167 = arith.constant 0 : index
      %get3A_1168 = tpu.vector_load %arg13[%get3A_1166, %get3A_1167] {strides = array<i32>} : memref<2x128xi32, #tpu.memory_space<vmem>>, vector<16xi32>,
      %gather3A_1169 = tpu.vector_load_idx %arg28[%get3A_1168] : memref<10000xf32, #tpu.memory_space<vmem>>[vector<16xi32>], vector<16xf32>,
      %swap3A_1170 = arith.constant 0 : index
      %swap3A_1171 = tpu.vector_load %arg30[%swap3A_1170] {strides = array<i32>} : memref<128xf32, #tpu.memory_space<vmem>>, vector<16xf32>,
      tpu.vector_store %arg30[%swap3A_1170], %gather3A_1169 {strides = array<i32>} : memref<128xf32, #tpu.memory_space<vmem>>, vector<16xf32>,
      %get3A_1172 = arith.constant 1 : i32
      %get3A_1173 = arith.index_cast %get3A_1172 : i32 to index
      %get3A_1174 = arith.constant 16 : index
      %get3A_1175 = tpu.vector_load %arg13[%get3A_1173, %get3A_1174] {strides = array<i32>} : memref<2x128xi32, #tpu.memory_space<vmem>>, vector<16xi32>,
      %gather3A_1176 = tpu.vector_load_idx %arg28[%get3A_1175] : memref<10000xf32, #tpu.memory_space<vmem>>[vector<16xi32>], vector<16xf32>,
      %swap3A_1177 = arith.constant 16 : index
      %swap3A_1178 = tpu.vector_load %arg30[%swap3A_1177] {strides = array<i32>} : memref<128xf32, #tpu.memory_space<vmem>>, vector<16xf32>,
      tpu.vector_store %arg30[%swap3A_1177], %gather3A_1176 {strides = array<i32>} : memref<128xf32, #tpu.memory_space<vmem>>, vector<16xf32>,
      %get3A_1179 = arith.constant 1 : i32
      %get3A_1180 = arith.index_cast %get3A_1179 : i32 to index
      %get3A_1181 = arith.constant 32 : index
      %get3A_1182 = tpu.vector_load %arg13[%get3A_1180, %get3A_1181] {strides = array<i32>} : memref<2x128xi32, #tpu.memory_space<vmem>>, vector<16xi32>,
      %gather3A_1183 = tpu.vector_load_idx %arg28[%get3A_1182] : memref<10000xf32, #tpu.memory_space<vmem>>[vector<16xi32>], vector<16xf32>,
      %swap3A_1184 = arith.constant 32 : index
      %swap3A_1185 = tpu.vector_load %arg30[%swap3A_1184] {strides = array<i32>} : memref<128xf32, #tpu.memory_space<vmem>>, vector<16xf32>,
      tpu.vector_store %arg30[%swap3A_1184], %gather3A_1183 {strides = array<i32>} : memref<128xf32, #tpu.memory_space<vmem>>, vector<16xf32>,
      %get3A_1186 = arith.constant 1 : i32
      %get3A_1187 = arith.index_cast %get3A_1186 : i32 to index
      %get3A_1188 = arith.constant 48 : index
      %get3A_1189 = tpu.vector_load %arg13[%get3A_1187, %get3A_1188] {strides = array<i32>} : memref<2x128xi32, #tpu.memory_space<vmem>>, vector<16xi32>,
      %gather3A_1190 = tpu.vector_load_idx %arg28[%get3A_1189] : memref<10000xf32, #tpu.memory_space<vmem>>[vector<16xi32>], vector<16xf32>,
      %swap3A_1191 = arith.constant 48 : index
      %swap3A_1192 = tpu.vector_load %arg30[%swap3A_1191] {strides = array<i32>} : memref<128xf32, #tpu.memory_space<vmem>>, vector<16xf32>,
      tpu.vector_store %arg30[%swap3A_1191], %gather3A_1190 {strides = array<i32>} : memref<128xf32, #tpu.memory_space<vmem>>, vector<16xf32>,
      %get3A_1193 = arith.constant 1 : i32
      %get3A_1194 = arith.index_cast %get3A_1193 : i32 to index
      %get3A_1195 = arith.constant 64 : index
      %get3A_1196 = tpu.vector_load %arg13[%get3A_1194, %get3A_1195] {strides = array<i32>} : memref<2x128xi32, #tpu.memory_space<vmem>>, vector<16xi32>,
      %gather3A_1197 = tpu.vector_load_idx %arg28[%get3A_1196] : memref<10000xf32, #tpu.memory_space<vmem>>[vector<16xi32>], vector<16xf32>,
      %swap3A_1198 = arith.constant 64 : index
      %swap3A_1199 = tpu.vector_load %arg30[%swap3A_1198] {strides = array<i32>} : memref<128xf32, #tpu.memory_space<vmem>>, vector<16xf32>,
      tpu.vector_store %arg30[%swap3A_1198], %gather3A_1197 {strides = array<i32>} : memref<128xf32, #tpu.memory_space<vmem>>, vector<16xf32>,
      %get3A_1200 = arith.constant 1 : i32
      %get3A_1201 = arith.index_cast %get3A_1200 : i32 to index
      %get3A_1202 = arith.constant 80 : index
      %get3A_1203 = tpu.vector_load %arg13[%get3A_1201, %get3A_1202] {strides = array<i32>} : memref<2x128xi32, #tpu.memory_space<vmem>>, vector<16xi32>,
      %gather3A_1204 = tpu.vector_load_idx %arg28[%get3A_1203] : memref<10000xf32, #tpu.memory_space<vmem>>[vector<16xi32>], vector<16xf32>,
      %swap3A_1205 = arith.constant 80 : index
      %swap3A_1206 = tpu.vector_load %arg30[%swap3A_1205] {strides = array<i32>} : memref<128xf32, #tpu.memory_space<vmem>>, vector<16xf32>,
      tpu.vector_store %arg30[%swap3A_1205], %gather3A_1204 {strides = array<i32>} : memref<128xf32, #tpu.memory_space<vmem>>, vector<16xf32>,
      %get3A_1207 = arith.constant 1 : i32
      %get3A_1208 = arith.index_cast %get3A_1207 : i32 to index
      %get3A_1209 = arith.constant 96 : index
      %get3A_1210 = tpu.vector_load %arg13[%get3A_1208, %get3A_1209] {strides = array<i32>} : memref<2x128xi32, #tpu.memory_space<vmem>>, vector<16xi32>,
      %gather3A_1211 = tpu.vector_load_idx %arg28[%get3A_1210] : memref<10000xf32, #tpu.memory_space<vmem>>[vector<16xi32>], vector<16xf32>,
      %swap3A_1212 = arith.constant 96 : index
      %swap3A_1213 = tpu.vector_load %arg30[%swap3A_1212] {strides = array<i32>} : memref<128xf32, #tpu.memory_space<vmem>>, vector<16xf32>,
      tpu.vector_store %arg30[%swap3A_1212], %gather3A_1211 {strides = array<i32>} : memref<128xf32, #tpu.memory_space<vmem>>, vector<16xf32>,
      %get3A_1214 = arith.constant 1 : i32
      %get3A_1215 = arith.index_cast %get3A_1214 : i32 to index
      %get3A_1216 = arith.constant 112 : index
      %get3A_1217 = tpu.vector_load %arg13[%get3A_1215, %get3A_1216] {strides = array<i32>} : memref<2x128xi32, #tpu.memory_space<vmem>>, vector<16xi32>,
      %gather3A_1218 = tpu.vector_load_idx %arg28[%get3A_1217] : memref<10000xf32, #tpu.memory_space<vmem>>[vector<16xi32>], vector<16xf32>,
      %swap3A_1219 = arith.constant 112 : index
      %swap3A_1220 = tpu.vector_load %arg30[%swap3A_1219] {strides = array<i32>} : memref<128xf32, #tpu.memory_space<vmem>>, vector<16xf32>,
      tpu.vector_store %arg30[%swap3A_1219], %gather3A_1218 {strides = array<i32>} : memref<128xf32, #tpu.memory_space<vmem>>, vector<16xf32>,
      %dma_start3A_1221 = arith.constant 0 : i32
      %dma_start3A_1222 = arith.constant 0 : i32
      %dma_start3A_1223 = tpu.memref_slice %arg13[%dma_start3A_1221, %dma_start3A_1222] : memref<2x128xi32, #tpu.memory_space<vmem>> -> memref<1x128xi32, #tpu.memory_space<vmem>>
      %dma_start3A_1224 = tpu.memref_squeeze %dma_start3A_1223 : memref<1x128xi32, #tpu.memory_space<vmem>> -> memref<128xi32, #tpu.memory_space<vmem>>
      %dma_start3A_1225 = arith.constant 0 : i32
      %dma_start3A_1226 = tpu.memref_slice %arg33[%dma_start3A_1225] : memref<10240xf32, #tpu.memory_space<vmem_shared>> -> memref<10240xf32, #tpu.memory_space<vmem_shared>>
      tpu.enqueue_indirect_dma source(%arg30 : memref<128xf32, #tpu.memory_space<vmem>>) target(%dma_start3A_1226 : memref<10240xf32, #tpu.memory_space<vmem_shared>>) offsets(%dma_start3A_1224 : memref<128xi32, #tpu.memory_space<vmem>>) semaphore(%arg36 : memref<!tpu.dma_semaphore, #tpu.memory_space<semaphore_mem>>) {add = true}
      %add3A_1227 = arith.constant 3 : i32
      %add3A_1228 = arith.addi %add3A_830, %add3A_1227 : i32
      %dma_wait3A_1229 = arith.constant 0 : i32
      %dma_wait3A_1230 = arith.constant 0 : i32
      %dma_wait3A_1231 = tpu.memref_slice %arg14[%dma_wait3A_1229, %dma_wait3A_1230] : memref<2x128xi32, #tpu.memory_space<vmem>> -> memref<1x128xi32, #tpu.memory_space<vmem>>
      %dma_wait3A_1232 = tpu.memref_squeeze %dma_wait3A_1231 : memref<1x128xi32, #tpu.memory_space<vmem>> -> memref<128xi32, #tpu.memory_space<vmem>>
      %dma_wait3A_1233 = arith.constant 0 : i32
      %dma_wait3A_1234 = arith.constant 0 : i32
      %dma_wait3A_1235 = tpu.memref_slice %arg3[%dma_wait3A_1233, %dma_wait3A_1234] : memref<10000x128xf32, #tpu.memory_space<hbm>> -> memref<10000x128xf32, #tpu.memory_space<hbm>>
      tpu.wait_indirect_dma semaphore(%arg25 : memref<!tpu.dma_semaphore, #tpu.memory_space<semaphore_mem>>) src(%dma_wait3A_1235 : memref<10000x128xf32, #tpu.memory_space<hbm>>) dst(%arg16 : memref<128x128xf32, #tpu.memory_space<vmem>>)
      %dma_start3A_1236 = arith.constant 1 : i32
      %dma_start3A_1237 = arith.constant 0 : i32
      %dma_start3A_1238 = tpu.memref_slice %arg14[%dma_start3A_1236, %dma_start3A_1237] : memref<2x128xi32, #tpu.memory_space<vmem>> -> memref<1x128xi32, #tpu.memory_space<vmem>>
      %dma_start3A_1239 = tpu.memref_squeeze %dma_start3A_1238 : memref<1x128xi32, #tpu.memory_space<vmem>> -> memref<128xi32, #tpu.memory_space<vmem>>
      %dma_start3A_1240 = arith.constant 0 : i32
      %dma_start3A_1241 = arith.constant 0 : i32
      %dma_start3A_1242 = tpu.memref_slice %arg17[%dma_start3A_1240, %dma_start3A_1241] : memref<10000x128xf32, #tpu.memory_space<vmem_shared>> -> memref<10000x128xf32, #tpu.memory_space<vmem_shared>>
      tpu.enqueue_indirect_dma source(%arg16 : memref<128x128xf32, #tpu.memory_space<vmem>>) target(%dma_start3A_1242 : memref<10000x128xf32, #tpu.memory_space<vmem_shared>>) offsets(%dma_start3A_1239 : memref<128xi32, #tpu.memory_space<vmem>>) semaphore(%arg27 : memref<!tpu.dma_semaphore, #tpu.memory_space<semaphore_mem>>) {add = true}
      %dma_wait3A_1243 = arith.constant 1 : i32
      %dma_wait3A_1244 = arith.constant 0 : i32
      %dma_wait3A_1245 = tpu.memref_slice %arg13[%dma_wait3A_1243, %dma_wait3A_1244] : memref<2x128xi32, #tpu.memory_space<vmem>> -> memref<1x128xi32, #tpu.memory_space<vmem>>
      %dma_wait3A_1246 = tpu.memref_squeeze %dma_wait3A_1245 : memref<1x128xi32, #tpu.memory_space<vmem>> -> memref<128xi32, #tpu.memory_space<vmem>>
      %dma_wait3A_1247 = arith.constant 0 : i32
      %dma_wait3A_1248 = arith.constant 0 : i32
      %dma_wait3A_1249 = tpu.memref_slice %arg17[%dma_wait3A_1247, %dma_wait3A_1248] : memref<10000x128xf32, #tpu.memory_space<vmem_shared>> -> memref<10000x128xf32, #tpu.memory_space<vmem_shared>>
      tpu.wait_indirect_dma semaphore(%arg26 : memref<!tpu.dma_semaphore, #tpu.memory_space<semaphore_mem>>) src(%arg15 : memref<128x128xf32, #tpu.memory_space<vmem>>) dst(%dma_wait3A_1249 : memref<10000x128xf32, #tpu.memory_space<vmem_shared>>)
      %add3A_1250 = arith.constant 1 : i32
      %add3A_1251 = arith.addi %add3A_1228, %add3A_1250 : i32
      %mul3A_1252 = arith.constant 32 : i32
      %mul3A_1253 = arith.muli %add3A_1251, %mul3A_1252 : i32
      %add3A_1254 = arith.addi %mul3A_1253, %add3A : i32
      %mul3A_1255 = arith.constant 128 : i32
      %mul3A_1256 = arith.muli %add3A_1254, %mul3A_1255 : i32
      %dma_wait3A_1257 = arith.constant 0 : i32
      %dma_wait3A_1258 = tpu.memref_slice %arg2[%dma_wait3A_1257, %mul3A_1256] : memref<2x320000xi32, #tpu.memory_space<hbm>> -> memref<2x128xi32, #tpu.memory_space<hbm>>
      %dma_wait3A_1259 = arith.constant 0 : i32
      %dma_wait3A_1260 = tpu.memref_slice %arg2[%dma_wait3A_1259, %mul3A_1256] : memref<2x320000xi32, #tpu.memory_space<hbm>> -> memref<2x128xi32, #tpu.memory_space<hbm>>
      tpu.wait_dma2 semaphore(%arg18 : memref<!tpu.dma_semaphore, #tpu.memory_space<semaphore_mem>>) src(%dma_wait3A_1260 : memref<2x128xi32, #tpu.memory_space<hbm>>) dst(%arg9 : memref<2x128xi32, #tpu.memory_space<vmem>>)
      %dma_start3A_1261 = arith.constant 0 : i32
      %dma_start3A_1262 = arith.constant 0 : i32
      %dma_start3A_1263 = tpu.memref_slice %arg9[%dma_start3A_1261, %dma_start3A_1262] : memref<2x128xi32, #tpu.memory_space<vmem>> -> memref<1x128xi32, #tpu.memory_space<vmem>>
      %dma_start3A_1264 = tpu.memref_squeeze %dma_start3A_1263 : memref<1x128xi32, #tpu.memory_space<vmem>> -> memref<128xi32, #tpu.memory_space<vmem>>
      %dma_start3A_1265 = arith.constant 0 : i32
      %dma_start3A_1266 = arith.constant 0 : i32
      %dma_start3A_1267 = tpu.memref_slice %arg3[%dma_start3A_1265, %dma_start3A_1266] : memref<10000x128xf32, #tpu.memory_space<hbm>> -> memref<10000x128xf32, #tpu.memory_space<hbm>>
      tpu.enqueue_indirect_dma source(%dma_start3A_1267 : memref<10000x128xf32, #tpu.memory_space<hbm>>) target(%arg15 : memref<128x128xf32, #tpu.memory_space<vmem>>) offsets(%dma_start3A_1264 : memref<128xi32, #tpu.memory_space<vmem>>) semaphore(%arg24 : memref<!tpu.dma_semaphore, #tpu.memory_space<semaphore_mem>>)
      %dma_wait3A_1268 = arith.constant 1 : i32
      %dma_wait3A_1269 = arith.constant 0 : i32
      %dma_wait3A_1270 = tpu.memref_slice %arg12[%dma_wait3A_1268, %dma_wait3A_1269] : memref<2x128xi32, #tpu.memory_space<vmem>> -> memref<1x128xi32, #tpu.memory_space<vmem>>
      %dma_wait3A_1271 = tpu.memref_squeeze %dma_wait3A_1270 : memref<1x128xi32, #tpu.memory_space<vmem>> -> memref<128xi32, #tpu.memory_space<vmem>>
      %dma_wait3A_1272 = arith.constant 0 : i32
      %dma_wait3A_1273 = tpu.memref_slice %arg32[%dma_wait3A_1272] : memref<10240xf32, #tpu.memory_space<vmem_shared>> -> memref<10240xf32, #tpu.memory_space<vmem_shared>>
      tpu.wait_indirect_dma semaphore(%arg35 : memref<!tpu.dma_semaphore, #tpu.memory_space<semaphore_mem>>) src(%arg29 : memref<128xf32, #tpu.memory_space<vmem>>) dst(%dma_wait3A_1273 : memref<10240xf32, #tpu.memory_space<vmem_shared>>)
      %dma_wait3A_1274 = arith.constant 0 : i32
      %dma_wait3A_1275 = arith.constant 0 : i32
      %dma_wait3A_1276 = tpu.memref_slice %arg12[%dma_wait3A_1274, %dma_wait3A_1275] : memref<2x128xi32, #tpu.memory_space<vmem>> -> memref<1x128xi32, #tpu.memory_space<vmem>>
      %dma_wait3A_1277 = tpu.memref_squeeze %dma_wait3A_1276 : memref<1x128xi32, #tpu.memory_space<vmem>> -> memref<128xi32, #tpu.memory_space<vmem>>
      %dma_wait3A_1278 = arith.constant 0 : i32
      %dma_wait3A_1279 = tpu.memref_slice %arg33[%dma_wait3A_1278] : memref<10240xf32, #tpu.memory_space<vmem_shared>> -> memref<10240xf32, #tpu.memory_space<vmem_shared>>
      tpu.wait_indirect_dma semaphore(%arg37 : memref<!tpu.dma_semaphore, #tpu.memory_space<semaphore_mem>>) src(%arg31 : memref<128xf32, #tpu.memory_space<vmem>>) dst(%dma_wait3A_1279 : memref<10240xf32, #tpu.memory_space<vmem_shared>>)
      %add3A_1280 = arith.constant 4 : i32
      %add3A_1281 = arith.addi %add3A_1228, %add3A_1280 : i32
      %mul3A_1282 = arith.constant 32 : i32
      %mul3A_1283 = arith.muli %add3A_1281, %mul3A_1282 : i32
      %add3A_1284 = arith.addi %mul3A_1283, %add3A : i32
      %mul3A_1285 = arith.constant 128 : i32
      %mul3A_1286 = arith.muli %add3A_1284, %mul3A_1285 : i32
      %dma_start3A_1287 = arith.constant 0 : i32
      %dma_start3A_1288 = tpu.memref_slice %arg2[%dma_start3A_1287, %mul3A_1286] : memref<2x320000xi32, #tpu.memory_space<hbm>> -> memref<2x128xi32, #tpu.memory_space<hbm>>
      %dma_start3A_1289 = arith.constant 0 : i32
      %dma_start3A_1290 = tpu.memref_slice %arg2[%dma_start3A_1289, %mul3A_1286] : memref<2x320000xi32, #tpu.memory_space<hbm>> -> memref<2x128xi32, #tpu.memory_space<hbm>>
      tpu.enqueue_dma source(%dma_start3A_1290 : memref<2x128xi32, #tpu.memory_space<hbm>>) target(%arg12 : memref<2x128xi32, #tpu.memory_space<vmem>>) target_semaphore(%arg21 : memref<!tpu.dma_semaphore, #tpu.memory_space<semaphore_mem>>)
      %dma_start3A_1291 = arith.constant 1 : i32
      %dma_start3A_1292 = arith.constant 0 : i32
      %dma_start3A_1293 = tpu.memref_slice %arg14[%dma_start3A_1291, %dma_start3A_1292] : memref<2x128xi32, #tpu.memory_space<vmem>> -> memref<1x128xi32, #tpu.memory_space<vmem>>
      %dma_start3A_1294 = tpu.memref_squeeze %dma_start3A_1293 : memref<1x128xi32, #tpu.memory_space<vmem>> -> memref<128xi32, #tpu.memory_space<vmem>>
      %dma_start3A_1295 = arith.constant 0 : i32
      %dma_start3A_1296 = tpu.memref_slice %arg32[%dma_start3A_1295] : memref<10240xf32, #tpu.memory_space<vmem_shared>> -> memref<10240xf32, #tpu.memory_space<vmem_shared>>
      tpu.enqueue_indirect_dma source(%arg29 : memref<128xf32, #tpu.memory_space<vmem>>) target(%dma_start3A_1296 : memref<10240xf32, #tpu.memory_space<vmem_shared>>) offsets(%dma_start3A_1294 : memref<128xi32, #tpu.memory_space<vmem>>) semaphore(%arg35 : memref<!tpu.dma_semaphore, #tpu.memory_space<semaphore_mem>>) {add = true}
      %get3A_1297 = arith.constant 1 : i32
      %get3A_1298 = arith.index_cast %get3A_1297 : i32 to index
      %get3A_1299 = arith.constant 0 : index
      %get3A_1300 = tpu.vector_load %arg14[%get3A_1298, %get3A_1299] {strides = array<i32>} : memref<2x128xi32, #tpu.memory_space<vmem>>, vector<16xi32>,
      %gather3A_1301 = tpu.vector_load_idx %arg28[%get3A_1300] : memref<10000xf32, #tpu.memory_space<vmem>>[vector<16xi32>], vector<16xf32>,
      %swap3A_1302 = arith.constant 0 : index
      %swap3A_1303 = tpu.vector_load %arg31[%swap3A_1302] {strides = array<i32>} : memref<128xf32, #tpu.memory_space<vmem>>, vector<16xf32>,
      tpu.vector_store %arg31[%swap3A_1302], %gather3A_1301 {strides = array<i32>} : memref<128xf32, #tpu.memory_space<vmem>>, vector<16xf32>,
      %get3A_1304 = arith.constant 1 : i32
      %get3A_1305 = arith.index_cast %get3A_1304 : i32 to index
      %get3A_1306 = arith.constant 16 : index
      %get3A_1307 = tpu.vector_load %arg14[%get3A_1305, %get3A_1306] {strides = array<i32>} : memref<2x128xi32, #tpu.memory_space<vmem>>, vector<16xi32>,
      %gather3A_1308 = tpu.vector_load_idx %arg28[%get3A_1307] : memref<10000xf32, #tpu.memory_space<vmem>>[vector<16xi32>], vector<16xf32>,
      %swap3A_1309 = arith.constant 16 : index
      %swap3A_1310 = tpu.vector_load %arg31[%swap3A_1309] {strides = array<i32>} : memref<128xf32, #tpu.memory_space<vmem>>, vector<16xf32>,
      tpu.vector_store %arg31[%swap3A_1309], %gather3A_1308 {strides = array<i32>} : memref<128xf32, #tpu.memory_space<vmem>>, vector<16xf32>,
      %get3A_1311 = arith.constant 1 : i32
      %get3A_1312 = arith.index_cast %get3A_1311 : i32 to index
      %get3A_1313 = arith.constant 32 : index
      %get3A_1314 = tpu.vector_load %arg14[%get3A_1312, %get3A_1313] {strides = array<i32>} : memref<2x128xi32, #tpu.memory_space<vmem>>, vector<16xi32>,
      %gather3A_1315 = tpu.vector_load_idx %arg28[%get3A_1314] : memref<10000xf32, #tpu.memory_space<vmem>>[vector<16xi32>], vector<16xf32>,
      %swap3A_1316 = arith.constant 32 : index
      %swap3A_1317 = tpu.vector_load %arg31[%swap3A_1316] {strides = array<i32>} : memref<128xf32, #tpu.memory_space<vmem>>, vector<16xf32>,
      tpu.vector_store %arg31[%swap3A_1316], %gather3A_1315 {strides = array<i32>} : memref<128xf32, #tpu.memory_space<vmem>>, vector<16xf32>,
      %get3A_1318 = arith.constant 1 : i32
      %get3A_1319 = arith.index_cast %get3A_1318 : i32 to index
      %get3A_1320 = arith.constant 48 : index
      %get3A_1321 = tpu.vector_load %arg14[%get3A_1319, %get3A_1320] {strides = array<i32>} : memref<2x128xi32, #tpu.memory_space<vmem>>, vector<16xi32>,
      %gather3A_1322 = tpu.vector_load_idx %arg28[%get3A_1321] : memref<10000xf32, #tpu.memory_space<vmem>>[vector<16xi32>], vector<16xf32>,
      %swap3A_1323 = arith.constant 48 : index
      %swap3A_1324 = tpu.vector_load %arg31[%swap3A_1323] {strides = array<i32>} : memref<128xf32, #tpu.memory_space<vmem>>, vector<16xf32>,
      tpu.vector_store %arg31[%swap3A_1323], %gather3A_1322 {strides = array<i32>} : memref<128xf32, #tpu.memory_space<vmem>>, vector<16xf32>,
      %get3A_1325 = arith.constant 1 : i32
      %get3A_1326 = arith.index_cast %get3A_1325 : i32 to index
      %get3A_1327 = arith.constant 64 : index
      %get3A_1328 = tpu.vector_load %arg14[%get3A_1326, %get3A_1327] {strides = array<i32>} : memref<2x128xi32, #tpu.memory_space<vmem>>, vector<16xi32>,
      %gather3A_1329 = tpu.vector_load_idx %arg28[%get3A_1328] : memref<10000xf32, #tpu.memory_space<vmem>>[vector<16xi32>], vector<16xf32>,
      %swap3A_1330 = arith.constant 64 : index
      %swap3A_1331 = tpu.vector_load %arg31[%swap3A_1330] {strides = array<i32>} : memref<128xf32, #tpu.memory_space<vmem>>, vector<16xf32>,
      tpu.vector_store %arg31[%swap3A_1330], %gather3A_1329 {strides = array<i32>} : memref<128xf32, #tpu.memory_space<vmem>>, vector<16xf32>,
      %get3A_1332 = arith.constant 1 : i32
      %get3A_1333 = arith.index_cast %get3A_1332 : i32 to index
      %get3A_1334 = arith.constant 80 : index
      %get3A_1335 = tpu.vector_load %arg14[%get3A_1333, %get3A_1334] {strides = array<i32>} : memref<2x128xi32, #tpu.memory_space<vmem>>, vector<16xi32>,
      %gather3A_1336 = tpu.vector_load_idx %arg28[%get3A_1335] : memref<10000xf32, #tpu.memory_space<vmem>>[vector<16xi32>], vector<16xf32>,
      %swap3A_1337 = arith.constant 80 : index
      %swap3A_1338 = tpu.vector_load %arg31[%swap3A_1337] {strides = array<i32>} : memref<128xf32, #tpu.memory_space<vmem>>, vector<16xf32>,
      tpu.vector_store %arg31[%swap3A_1337], %gather3A_1336 {strides = array<i32>} : memref<128xf32, #tpu.memory_space<vmem>>, vector<16xf32>,
      %get3A_1339 = arith.constant 1 : i32
      %get3A_1340 = arith.index_cast %get3A_1339 : i32 to index
      %get3A_1341 = arith.constant 96 : index
      %get3A_1342 = tpu.vector_load %arg14[%get3A_1340, %get3A_1341] {strides = array<i32>} : memref<2x128xi32, #tpu.memory_space<vmem>>, vector<16xi32>,
      %gather3A_1343 = tpu.vector_load_idx %arg28[%get3A_1342] : memref<10000xf32, #tpu.memory_space<vmem>>[vector<16xi32>], vector<16xf32>,
      %swap3A_1344 = arith.constant 96 : index
      %swap3A_1345 = tpu.vector_load %arg31[%swap3A_1344] {strides = array<i32>} : memref<128xf32, #tpu.memory_space<vmem>>, vector<16xf32>,
      tpu.vector_store %arg31[%swap3A_1344], %gather3A_1343 {strides = array<i32>} : memref<128xf32, #tpu.memory_space<vmem>>, vector<16xf32>,
      %get3A_1346 = arith.constant 1 : i32
      %get3A_1347 = arith.index_cast %get3A_1346 : i32 to index
      %get3A_1348 = arith.constant 112 : index
      %get3A_1349 = tpu.vector_load %arg14[%get3A_1347, %get3A_1348] {strides = array<i32>} : memref<2x128xi32, #tpu.memory_space<vmem>>, vector<16xi32>,
      %gather3A_1350 = tpu.vector_load_idx %arg28[%get3A_1349] : memref<10000xf32, #tpu.memory_space<vmem>>[vector<16xi32>], vector<16xf32>,
      %swap3A_1351 = arith.constant 112 : index
      %swap3A_1352 = tpu.vector_load %arg31[%swap3A_1351] {strides = array<i32>} : memref<128xf32, #tpu.memory_space<vmem>>, vector<16xf32>,
      tpu.vector_store %arg31[%swap3A_1351], %gather3A_1350 {strides = array<i32>} : memref<128xf32, #tpu.memory_space<vmem>>, vector<16xf32>,
      %dma_start3A_1353 = arith.constant 0 : i32
      %dma_start3A_1354 = arith.constant 0 : i32
      %dma_start3A_1355 = tpu.memref_slice %arg14[%dma_start3A_1353, %dma_start3A_1354] : memref<2x128xi32, #tpu.memory_space<vmem>> -> memref<1x128xi32, #tpu.memory_space<vmem>>
      %dma_start3A_1356 = tpu.memref_squeeze %dma_start3A_1355 : memref<1x128xi32, #tpu.memory_space<vmem>> -> memref<128xi32, #tpu.memory_space<vmem>>
      %dma_start3A_1357 = arith.constant 0 : i32
      %dma_start3A_1358 = tpu.memref_slice %arg33[%dma_start3A_1357] : memref<10240xf32, #tpu.memory_space<vmem_shared>> -> memref<10240xf32, #tpu.memory_space<vmem_shared>>
      tpu.enqueue_indirect_dma source(%arg31 : memref<128xf32, #tpu.memory_space<vmem>>) target(%dma_start3A_1358 : memref<10240xf32, #tpu.memory_space<vmem_shared>>) offsets(%dma_start3A_1356 : memref<128xi32, #tpu.memory_space<vmem>>) semaphore(%arg37 : memref<!tpu.dma_semaphore, #tpu.memory_space<semaphore_mem>>) {add = true}
      %add3A_1359 = arith.constant 4 : i32
      %add3A_1360 = arith.addi %add3A_830, %add3A_1359 : i32
      %dma_wait3A_1361 = arith.constant 0 : i32
      %dma_wait3A_1362 = arith.constant 0 : i32
      %dma_wait3A_1363 = tpu.memref_slice %arg9[%dma_wait3A_1361, %dma_wait3A_1362] : memref<2x128xi32, #tpu.memory_space<vmem>> -> memref<1x128xi32, #tpu.memory_space<vmem>>
      %dma_wait3A_1364 = tpu.memref_squeeze %dma_wait3A_1363 : memref<1x128xi32, #tpu.memory_space<vmem>> -> memref<128xi32, #tpu.memory_space<vmem>>
      %dma_wait3A_1365 = arith.constant 0 : i32
      %dma_wait3A_1366 = arith.constant 0 : i32
      %dma_wait3A_1367 = tpu.memref_slice %arg3[%dma_wait3A_1365, %dma_wait3A_1366] : memref<10000x128xf32, #tpu.memory_space<hbm>> -> memref<10000x128xf32, #tpu.memory_space<hbm>>
      tpu.wait_indirect_dma semaphore(%arg24 : memref<!tpu.dma_semaphore, #tpu.memory_space<semaphore_mem>>) src(%dma_wait3A_1367 : memref<10000x128xf32, #tpu.memory_space<hbm>>) dst(%arg15 : memref<128x128xf32, #tpu.memory_space<vmem>>)
      %dma_start3A_1368 = arith.constant 1 : i32
      %dma_start3A_1369 = arith.constant 0 : i32
      %dma_start3A_1370 = tpu.memref_slice %arg9[%dma_start3A_1368, %dma_start3A_1369] : memref<2x128xi32, #tpu.memory_space<vmem>> -> memref<1x128xi32, #tpu.memory_space<vmem>>
      %dma_start3A_1371 = tpu.memref_squeeze %dma_start3A_1370 : memref<1x128xi32, #tpu.memory_space<vmem>> -> memref<128xi32, #tpu.memory_space<vmem>>
      %dma_start3A_1372 = arith.constant 0 : i32
      %dma_start3A_1373 = arith.constant 0 : i32
      %dma_start3A_1374 = tpu.memref_slice %arg17[%dma_start3A_1372, %dma_start3A_1373] : memref<10000x128xf32, #tpu.memory_space<vmem_shared>> -> memref<10000x128xf32, #tpu.memory_space<vmem_shared>>
      tpu.enqueue_indirect_dma source(%arg15 : memref<128x128xf32, #tpu.memory_space<vmem>>) target(%dma_start3A_1374 : memref<10000x128xf32, #tpu.memory_space<vmem_shared>>) offsets(%dma_start3A_1371 : memref<128xi32, #tpu.memory_space<vmem>>) semaphore(%arg26 : memref<!tpu.dma_semaphore, #tpu.memory_space<semaphore_mem>>) {add = true}
      %dma_wait3A_1375 = arith.constant 1 : i32
      %dma_wait3A_1376 = arith.constant 0 : i32
      %dma_wait3A_1377 = tpu.memref_slice %arg14[%dma_wait3A_1375, %dma_wait3A_1376] : memref<2x128xi32, #tpu.memory_space<vmem>> -> memref<1x128xi32, #tpu.memory_space<vmem>>
      %dma_wait3A_1378 = tpu.memref_squeeze %dma_wait3A_1377 : memref<1x128xi32, #tpu.memory_space<vmem>> -> memref<128xi32, #tpu.memory_space<vmem>>
      %dma_wait3A_1379 = arith.constant 0 : i32
      %dma_wait3A_1380 = arith.constant 0 : i32
      %dma_wait3A_1381 = tpu.memref_slice %arg17[%dma_wait3A_1379, %dma_wait3A_1380] : memref<10000x128xf32, #tpu.memory_space<vmem_shared>> -> memref<10000x128xf32, #tpu.memory_space<vmem_shared>>
      tpu.wait_indirect_dma semaphore(%arg27 : memref<!tpu.dma_semaphore, #tpu.memory_space<semaphore_mem>>) src(%arg16 : memref<128x128xf32, #tpu.memory_space<vmem>>) dst(%dma_wait3A_1381 : memref<10000x128xf32, #tpu.memory_space<vmem_shared>>)
      %add3A_1382 = arith.constant 1 : i32
      %add3A_1383 = arith.addi %add3A_1360, %add3A_1382 : i32
      %mul3A_1384 = arith.constant 32 : i32
      %mul3A_1385 = arith.muli %add3A_1383, %mul3A_1384 : i32
      %add3A_1386 = arith.addi %mul3A_1385, %add3A : i32
      %mul3A_1387 = arith.constant 128 : i32
      %mul3A_1388 = arith.muli %add3A_1386, %mul3A_1387 : i32
      %dma_wait3A_1389 = arith.constant 0 : i32
      %dma_wait3A_1390 = tpu.memref_slice %arg2[%dma_wait3A_1389, %mul3A_1388] : memref<2x320000xi32, #tpu.memory_space<hbm>> -> memref<2x128xi32, #tpu.memory_space<hbm>>
      %dma_wait3A_1391 = arith.constant 0 : i32
      %dma_wait3A_1392 = tpu.memref_slice %arg2[%dma_wait3A_1391, %mul3A_1388] : memref<2x320000xi32, #tpu.memory_space<hbm>> -> memref<2x128xi32, #tpu.memory_space<hbm>>
      tpu.wait_dma2 semaphore(%arg19 : memref<!tpu.dma_semaphore, #tpu.memory_space<semaphore_mem>>) src(%dma_wait3A_1392 : memref<2x128xi32, #tpu.memory_space<hbm>>) dst(%arg10 : memref<2x128xi32, #tpu.memory_space<vmem>>)
      %dma_start3A_1393 = arith.constant 0 : i32
      %dma_start3A_1394 = arith.constant 0 : i32
      %dma_start3A_1395 = tpu.memref_slice %arg10[%dma_start3A_1393, %dma_start3A_1394] : memref<2x128xi32, #tpu.memory_space<vmem>> -> memref<1x128xi32, #tpu.memory_space<vmem>>
      %dma_start3A_1396 = tpu.memref_squeeze %dma_start3A_1395 : memref<1x128xi32, #tpu.memory_space<vmem>> -> memref<128xi32, #tpu.memory_space<vmem>>
      %dma_start3A_1397 = arith.constant 0 : i32
      %dma_start3A_1398 = arith.constant 0 : i32
      %dma_start3A_1399 = tpu.memref_slice %arg3[%dma_start3A_1397, %dma_start3A_1398] : memref<10000x128xf32, #tpu.memory_space<hbm>> -> memref<10000x128xf32, #tpu.memory_space<hbm>>
      tpu.enqueue_indirect_dma source(%dma_start3A_1399 : memref<10000x128xf32, #tpu.memory_space<hbm>>) target(%arg16 : memref<128x128xf32, #tpu.memory_space<vmem>>) offsets(%dma_start3A_1396 : memref<128xi32, #tpu.memory_space<vmem>>) semaphore(%arg25 : memref<!tpu.dma_semaphore, #tpu.memory_space<semaphore_mem>>)
      %dma_wait3A_1400 = arith.constant 1 : i32
      %dma_wait3A_1401 = arith.constant 0 : i32
      %dma_wait3A_1402 = tpu.memref_slice %arg13[%dma_wait3A_1400, %dma_wait3A_1401] : memref<2x128xi32, #tpu.memory_space<vmem>> -> memref<1x128xi32, #tpu.memory_space<vmem>>
      %dma_wait3A_1403 = tpu.memref_squeeze %dma_wait3A_1402 : memref<1x128xi32, #tpu.memory_space<vmem>> -> memref<128xi32, #tpu.memory_space<vmem>>
      %dma_wait3A_1404 = arith.constant 0 : i32
      %dma_wait3A_1405 = tpu.memref_slice %arg32[%dma_wait3A_1404] : memref<10240xf32, #tpu.memory_space<vmem_shared>> -> memref<10240xf32, #tpu.memory_space<vmem_shared>>
      tpu.wait_indirect_dma semaphore(%arg34 : memref<!tpu.dma_semaphore, #tpu.memory_space<semaphore_mem>>) src(%arg29 : memref<128xf32, #tpu.memory_space<vmem>>) dst(%dma_wait3A_1405 : memref<10240xf32, #tpu.memory_space<vmem_shared>>)
      %dma_wait3A_1406 = arith.constant 0 : i32
      %dma_wait3A_1407 = arith.constant 0 : i32
      %dma_wait3A_1408 = tpu.memref_slice %arg13[%dma_wait3A_1406, %dma_wait3A_1407] : memref<2x128xi32, #tpu.memory_space<vmem>> -> memref<1x128xi32, #tpu.memory_space<vmem>>
      %dma_wait3A_1409 = tpu.memref_squeeze %dma_wait3A_1408 : memref<1x128xi32, #tpu.memory_space<vmem>> -> memref<128xi32, #tpu.memory_space<vmem>>
      %dma_wait3A_1410 = arith.constant 0 : i32
      %dma_wait3A_1411 = tpu.memref_slice %arg33[%dma_wait3A_1410] : memref<10240xf32, #tpu.memory_space<vmem_shared>> -> memref<10240xf32, #tpu.memory_space<vmem_shared>>
      tpu.wait_indirect_dma semaphore(%arg36 : memref<!tpu.dma_semaphore, #tpu.memory_space<semaphore_mem>>) src(%arg30 : memref<128xf32, #tpu.memory_space<vmem>>) dst(%dma_wait3A_1411 : memref<10240xf32, #tpu.memory_space<vmem_shared>>)
      %add3A_1412 = arith.constant 4 : i32
      %add3A_1413 = arith.addi %add3A_1360, %add3A_1412 : i32
      %mul3A_1414 = arith.constant 32 : i32
      %mul3A_1415 = arith.muli %add3A_1413, %mul3A_1414 : i32
      %add3A_1416 = arith.addi %mul3A_1415, %add3A : i32
      %mul3A_1417 = arith.constant 128 : i32
      %mul3A_1418 = arith.muli %add3A_1416, %mul3A_1417 : i32
      %dma_start3A_1419 = arith.constant 0 : i32
      %dma_start3A_1420 = tpu.memref_slice %arg2[%dma_start3A_1419, %mul3A_1418] : memref<2x320000xi32, #tpu.memory_space<hbm>> -> memref<2x128xi32, #tpu.memory_space<hbm>>
      %dma_start3A_1421 = arith.constant 0 : i32
      %dma_start3A_1422 = tpu.memref_slice %arg2[%dma_start3A_1421, %mul3A_1418] : memref<2x320000xi32, #tpu.memory_space<hbm>> -> memref<2x128xi32, #tpu.memory_space<hbm>>
      tpu.enqueue_dma source(%dma_start3A_1422 : memref<2x128xi32, #tpu.memory_space<hbm>>) target(%arg13 : memref<2x128xi32, #tpu.memory_space<vmem>>) target_semaphore(%arg22 : memref<!tpu.dma_semaphore, #tpu.memory_space<semaphore_mem>>)
      %dma_start3A_1423 = arith.constant 1 : i32
      %dma_start3A_1424 = arith.constant 0 : i32
      %dma_start3A_1425 = tpu.memref_slice %arg9[%dma_start3A_1423, %dma_start3A_1424] : memref<2x128xi32, #tpu.memory_space<vmem>> -> memref<1x128xi32, #tpu.memory_space<vmem>>
      %dma_start3A_1426 = tpu.memref_squeeze %dma_start3A_1425 : memref<1x128xi32, #tpu.memory_space<vmem>> -> memref<128xi32, #tpu.memory_space<vmem>>
      %dma_start3A_1427 = arith.constant 0 : i32
      %dma_start3A_1428 = tpu.memref_slice %arg32[%dma_start3A_1427] : memref<10240xf32, #tpu.memory_space<vmem_shared>> -> memref<10240xf32, #tpu.memory_space<vmem_shared>>
      tpu.enqueue_indirect_dma source(%arg29 : memref<128xf32, #tpu.memory_space<vmem>>) target(%dma_start3A_1428 : memref<10240xf32, #tpu.memory_space<vmem_shared>>) offsets(%dma_start3A_1426 : memref<128xi32, #tpu.memory_space<vmem>>) semaphore(%arg34 : memref<!tpu.dma_semaphore, #tpu.memory_space<semaphore_mem>>) {add = true}
      %get3A_1429 = arith.constant 1 : i32
      %get3A_1430 = arith.index_cast %get3A_1429 : i32 to index
      %get3A_1431 = arith.constant 0 : index
      %get3A_1432 = tpu.vector_load %arg9[%get3A_1430, %get3A_1431] {strides = array<i32>} : memref<2x128xi32, #tpu.memory_space<vmem>>, vector<16xi32>,
      %gather3A_1433 = tpu.vector_load_idx %arg28[%get3A_1432] : memref<10000xf32, #tpu.memory_space<vmem>>[vector<16xi32>], vector<16xf32>,
      %swap3A_1434 = arith.constant 0 : index
      %swap3A_1435 = tpu.vector_load %arg30[%swap3A_1434] {strides = array<i32>} : memref<128xf32, #tpu.memory_space<vmem>>, vector<16xf32>,
      tpu.vector_store %arg30[%swap3A_1434], %gather3A_1433 {strides = array<i32>} : memref<128xf32, #tpu.memory_space<vmem>>, vector<16xf32>,
      %get3A_1436 = arith.constant 1 : i32
      %get3A_1437 = arith.index_cast %get3A_1436 : i32 to index
      %get3A_1438 = arith.constant 16 : index
      %get3A_1439 = tpu.vector_load %arg9[%get3A_1437, %get3A_1438] {strides = array<i32>} : memref<2x128xi32, #tpu.memory_space<vmem>>, vector<16xi32>,
      %gather3A_1440 = tpu.vector_load_idx %arg28[%get3A_1439] : memref<10000xf32, #tpu.memory_space<vmem>>[vector<16xi32>], vector<16xf32>,
      %swap3A_1441 = arith.constant 16 : index
      %swap3A_1442 = tpu.vector_load %arg30[%swap3A_1441] {strides = array<i32>} : memref<128xf32, #tpu.memory_space<vmem>>, vector<16xf32>,
      tpu.vector_store %arg30[%swap3A_1441], %gather3A_1440 {strides = array<i32>} : memref<128xf32, #tpu.memory_space<vmem>>, vector<16xf32>,
      %get3A_1443 = arith.constant 1 : i32
      %get3A_1444 = arith.index_cast %get3A_1443 : i32 to index
      %get3A_1445 = arith.constant 32 : index
      %get3A_1446 = tpu.vector_load %arg9[%get3A_1444, %get3A_1445] {strides = array<i32>} : memref<2x128xi32, #tpu.memory_space<vmem>>, vector<16xi32>,
      %gather3A_1447 = tpu.vector_load_idx %arg28[%get3A_1446] : memref<10000xf32, #tpu.memory_space<vmem>>[vector<16xi32>], vector<16xf32>,
      %swap3A_1448 = arith.constant 32 : index
      %swap3A_1449 = tpu.vector_load %arg30[%swap3A_1448] {strides = array<i32>} : memref<128xf32, #tpu.memory_space<vmem>>, vector<16xf32>,
      tpu.vector_store %arg30[%swap3A_1448], %gather3A_1447 {strides = array<i32>} : memref<128xf32, #tpu.memory_space<vmem>>, vector<16xf32>,
      %get3A_1450 = arith.constant 1 : i32
      %get3A_1451 = arith.index_cast %get3A_1450 : i32 to index
      %get3A_1452 = arith.constant 48 : index
      %get3A_1453 = tpu.vector_load %arg9[%get3A_1451, %get3A_1452] {strides = array<i32>} : memref<2x128xi32, #tpu.memory_space<vmem>>, vector<16xi32>,
      %gather3A_1454 = tpu.vector_load_idx %arg28[%get3A_1453] : memref<10000xf32, #tpu.memory_space<vmem>>[vector<16xi32>], vector<16xf32>,
      %swap3A_1455 = arith.constant 48 : index
      %swap3A_1456 = tpu.vector_load %arg30[%swap3A_1455] {strides = array<i32>} : memref<128xf32, #tpu.memory_space<vmem>>, vector<16xf32>,
      tpu.vector_store %arg30[%swap3A_1455], %gather3A_1454 {strides = array<i32>} : memref<128xf32, #tpu.memory_space<vmem>>, vector<16xf32>,
      %get3A_1457 = arith.constant 1 : i32
      %get3A_1458 = arith.index_cast %get3A_1457 : i32 to index
      %get3A_1459 = arith.constant 64 : index
      %get3A_1460 = tpu.vector_load %arg9[%get3A_1458, %get3A_1459] {strides = array<i32>} : memref<2x128xi32, #tpu.memory_space<vmem>>, vector<16xi32>,
      %gather3A_1461 = tpu.vector_load_idx %arg28[%get3A_1460] : memref<10000xf32, #tpu.memory_space<vmem>>[vector<16xi32>], vector<16xf32>,
      %swap3A_1462 = arith.constant 64 : index
      %swap3A_1463 = tpu.vector_load %arg30[%swap3A_1462] {strides = array<i32>} : memref<128xf32, #tpu.memory_space<vmem>>, vector<16xf32>,
      tpu.vector_store %arg30[%swap3A_1462], %gather3A_1461 {strides = array<i32>} : memref<128xf32, #tpu.memory_space<vmem>>, vector<16xf32>,
      %get3A_1464 = arith.constant 1 : i32
      %get3A_1465 = arith.index_cast %get3A_1464 : i32 to index
      %get3A_1466 = arith.constant 80 : index
      %get3A_1467 = tpu.vector_load %arg9[%get3A_1465, %get3A_1466] {strides = array<i32>} : memref<2x128xi32, #tpu.memory_space<vmem>>, vector<16xi32>,
      %gather3A_1468 = tpu.vector_load_idx %arg28[%get3A_1467] : memref<10000xf32, #tpu.memory_space<vmem>>[vector<16xi32>], vector<16xf32>,
      %swap3A_1469 = arith.constant 80 : index
      %swap3A_1470 = tpu.vector_load %arg30[%swap3A_1469] {strides = array<i32>} : memref<128xf32, #tpu.memory_space<vmem>>, vector<16xf32>,
      tpu.vector_store %arg30[%swap3A_1469], %gather3A_1468 {strides = array<i32>} : memref<128xf32, #tpu.memory_space<vmem>>, vector<16xf32>,
      %get3A_1471 = arith.constant 1 : i32
      %get3A_1472 = arith.index_cast %get3A_1471 : i32 to index
      %get3A_1473 = arith.constant 96 : index
      %get3A_1474 = tpu.vector_load %arg9[%get3A_1472, %get3A_1473] {strides = array<i32>} : memref<2x128xi32, #tpu.memory_space<vmem>>, vector<16xi32>,
      %gather3A_1475 = tpu.vector_load_idx %arg28[%get3A_1474] : memref<10000xf32, #tpu.memory_space<vmem>>[vector<16xi32>], vector<16xf32>,
      %swap3A_1476 = arith.constant 96 : index
      %swap3A_1477 = tpu.vector_load %arg30[%swap3A_1476] {strides = array<i32>} : memref<128xf32, #tpu.memory_space<vmem>>, vector<16xf32>,
      tpu.vector_store %arg30[%swap3A_1476], %gather3A_1475 {strides = array<i32>} : memref<128xf32, #tpu.memory_space<vmem>>, vector<16xf32>,
      %get3A_1478 = arith.constant 1 : i32
      %get3A_1479 = arith.index_cast %get3A_1478 : i32 to index
      %get3A_1480 = arith.constant 112 : index
      %get3A_1481 = tpu.vector_load %arg9[%get3A_1479, %get3A_1480] {strides = array<i32>} : memref<2x128xi32, #tpu.memory_space<vmem>>, vector<16xi32>,
      %gather3A_1482 = tpu.vector_load_idx %arg28[%get3A_1481] : memref<10000xf32, #tpu.memory_space<vmem>>[vector<16xi32>], vector<16xf32>,
      %swap3A_1483 = arith.constant 112 : index
      %swap3A_1484 = tpu.vector_load %arg30[%swap3A_1483] {strides = array<i32>} : memref<128xf32, #tpu.memory_space<vmem>>, vector<16xf32>,
      tpu.vector_store %arg30[%swap3A_1483], %gather3A_1482 {strides = array<i32>} : memref<128xf32, #tpu.memory_space<vmem>>, vector<16xf32>,
      %dma_start3A_1485 = arith.constant 0 : i32
      %dma_start3A_1486 = arith.constant 0 : i32
      %dma_start3A_1487 = tpu.memref_slice %arg9[%dma_start3A_1485, %dma_start3A_1486] : memref<2x128xi32, #tpu.memory_space<vmem>> -> memref<1x128xi32, #tpu.memory_space<vmem>>
      %dma_start3A_1488 = tpu.memref_squeeze %dma_start3A_1487 : memref<1x128xi32, #tpu.memory_space<vmem>> -> memref<128xi32, #tpu.memory_space<vmem>>
      %dma_start3A_1489 = arith.constant 0 : i32
      %dma_start3A_1490 = tpu.memref_slice %arg33[%dma_start3A_1489] : memref<10240xf32, #tpu.memory_space<vmem_shared>> -> memref<10240xf32, #tpu.memory_space<vmem_shared>>
      tpu.enqueue_indirect_dma source(%arg30 : memref<128xf32, #tpu.memory_space<vmem>>) target(%dma_start3A_1490 : memref<10240xf32, #tpu.memory_space<vmem_shared>>) offsets(%dma_start3A_1488 : memref<128xi32, #tpu.memory_space<vmem>>) semaphore(%arg36 : memref<!tpu.dma_semaphore, #tpu.memory_space<semaphore_mem>>) {add = true}
      %add3A_1491 = arith.constant 5 : i32
      %add3A_1492 = arith.addi %add3A_830, %add3A_1491 : i32
      %dma_wait3A_1493 = arith.constant 0 : i32
      %dma_wait3A_1494 = arith.constant 0 : i32
      %dma_wait3A_1495 = tpu.memref_slice %arg10[%dma_wait3A_1493, %dma_wait3A_1494] : memref<2x128xi32, #tpu.memory_space<vmem>> -> memref<1x128xi32, #tpu.memory_space<vmem>>
      %dma_wait3A_1496 = tpu.memref_squeeze %dma_wait3A_1495 : memref<1x128xi32, #tpu.memory_space<vmem>> -> memref<128xi32, #tpu.memory_space<vmem>>
      %dma_wait3A_1497 = arith.constant 0 : i32
      %dma_wait3A_1498 = arith.constant 0 : i32
      %dma_wait3A_1499 = tpu.memref_slice %arg3[%dma_wait3A_1497, %dma_wait3A_1498] : memref<10000x128xf32, #tpu.memory_space<hbm>> -> memref<10000x128xf32, #tpu.memory_space<hbm>>
      tpu.wait_indirect_dma semaphore(%arg25 : memref<!tpu.dma_semaphore, #tpu.memory_space<semaphore_mem>>) src(%dma_wait3A_1499 : memref<10000x128xf32, #tpu.memory_space<hbm>>) dst(%arg16 : memref<128x128xf32, #tpu.memory_space<vmem>>)
      %dma_start3A_1500 = arith.constant 1 : i32
      %dma_start3A_1501 = arith.constant 0 : i32
      %dma_start3A_1502 = tpu.memref_slice %arg10[%dma_start3A_1500, %dma_start3A_1501] : memref<2x128xi32, #tpu.memory_space<vmem>> -> memref<1x128xi32, #tpu.memory_space<vmem>>
      %dma_start3A_1503 = tpu.memref_squeeze %dma_start3A_1502 : memref<1x128xi32, #tpu.memory_space<vmem>> -> memref<128xi32, #tpu.memory_space<vmem>>
      %dma_start3A_1504 = arith.constant 0 : i32
      %dma_start3A_1505 = arith.constant 0 : i32
      %dma_start3A_1506 = tpu.memref_slice %arg17[%dma_start3A_1504, %dma_start3A_1505] : memref<10000x128xf32, #tpu.memory_space<vmem_shared>> -> memref<10000x128xf32, #tpu.memory_space<vmem_shared>>
      tpu.enqueue_indirect_dma source(%arg16 : memref<128x128xf32, #tpu.memory_space<vmem>>) target(%dma_start3A_1506 : memref<10000x128xf32, #tpu.memory_space<vmem_shared>>) offsets(%dma_start3A_1503 : memref<128xi32, #tpu.memory_space<vmem>>) semaphore(%arg27 : memref<!tpu.dma_semaphore, #tpu.memory_space<semaphore_mem>>) {add = true}
      %dma_wait3A_1507 = arith.constant 1 : i32
      %dma_wait3A_1508 = arith.constant 0 : i32
      %dma_wait3A_1509 = tpu.memref_slice %arg9[%dma_wait3A_1507, %dma_wait3A_1508] : memref<2x128xi32, #tpu.memory_space<vmem>> -> memref<1x128xi32, #tpu.memory_space<vmem>>
      %dma_wait3A_1510 = tpu.memref_squeeze %dma_wait3A_1509 : memref<1x128xi32, #tpu.memory_space<vmem>> -> memref<128xi32, #tpu.memory_space<vmem>>
      %dma_wait3A_1511 = arith.constant 0 : i32
      %dma_wait3A_1512 = arith.constant 0 : i32
      %dma_wait3A_1513 = tpu.memref_slice %arg17[%dma_wait3A_1511, %dma_wait3A_1512] : memref<10000x128xf32, #tpu.memory_space<vmem_shared>> -> memref<10000x128xf32, #tpu.memory_space<vmem_shared>>
      tpu.wait_indirect_dma semaphore(%arg26 : memref<!tpu.dma_semaphore, #tpu.memory_space<semaphore_mem>>) src(%arg15 : memref<128x128xf32, #tpu.memory_space<vmem>>) dst(%dma_wait3A_1513 : memref<10000x128xf32, #tpu.memory_space<vmem_shared>>)
      %add3A_1514 = arith.constant 1 : i32
      %add3A_1515 = arith.addi %add3A_1492, %add3A_1514 : i32
      %mul3A_1516 = arith.constant 32 : i32
      %mul3A_1517 = arith.muli %add3A_1515, %mul3A_1516 : i32
      %add3A_1518 = arith.addi %mul3A_1517, %add3A : i32
      %mul3A_1519 = arith.constant 128 : i32
      %mul3A_1520 = arith.muli %add3A_1518, %mul3A_1519 : i32
      %dma_wait3A_1521 = arith.constant 0 : i32
      %dma_wait3A_1522 = tpu.memref_slice %arg2[%dma_wait3A_1521, %mul3A_1520] : memref<2x320000xi32, #tpu.memory_space<hbm>> -> memref<2x128xi32, #tpu.memory_space<hbm>>
      %dma_wait3A_1523 = arith.constant 0 : i32
      %dma_wait3A_1524 = tpu.memref_slice %arg2[%dma_wait3A_1523, %mul3A_1520] : memref<2x320000xi32, #tpu.memory_space<hbm>> -> memref<2x128xi32, #tpu.memory_space<hbm>>
      tpu.wait_dma2 semaphore(%arg20 : memref<!tpu.dma_semaphore, #tpu.memory_space<semaphore_mem>>) src(%dma_wait3A_1524 : memref<2x128xi32, #tpu.memory_space<hbm>>) dst(%arg11 : memref<2x128xi32, #tpu.memory_space<vmem>>)
      %dma_start3A_1525 = arith.constant 0 : i32
      %dma_start3A_1526 = arith.constant 0 : i32
      %dma_start3A_1527 = tpu.memref_slice %arg11[%dma_start3A_1525, %dma_start3A_1526] : memref<2x128xi32, #tpu.memory_space<vmem>> -> memref<1x128xi32, #tpu.memory_space<vmem>>
      %dma_start3A_1528 = tpu.memref_squeeze %dma_start3A_1527 : memref<1x128xi32, #tpu.memory_space<vmem>> -> memref<128xi32, #tpu.memory_space<vmem>>
      %dma_start3A_1529 = arith.constant 0 : i32
      %dma_start3A_1530 = arith.constant 0 : i32
      %dma_start3A_1531 = tpu.memref_slice %arg3[%dma_start3A_1529, %dma_start3A_1530] : memref<10000x128xf32, #tpu.memory_space<hbm>> -> memref<10000x128xf32, #tpu.memory_space<hbm>>
      tpu.enqueue_indirect_dma source(%dma_start3A_1531 : memref<10000x128xf32, #tpu.memory_space<hbm>>) target(%arg15 : memref<128x128xf32, #tpu.memory_space<vmem>>) offsets(%dma_start3A_1528 : memref<128xi32, #tpu.memory_space<vmem>>) semaphore(%arg24 : memref<!tpu.dma_semaphore, #tpu.memory_space<semaphore_mem>>)
      %dma_wait3A_1532 = arith.constant 1 : i32
      %dma_wait3A_1533 = arith.constant 0 : i32
      %dma_wait3A_1534 = tpu.memref_slice %arg14[%dma_wait3A_1532, %dma_wait3A_1533] : memref<2x128xi32, #tpu.memory_space<vmem>> -> memref<1x128xi32, #tpu.memory_space<vmem>>
      %dma_wait3A_1535 = tpu.memref_squeeze %dma_wait3A_1534 : memref<1x128xi32, #tpu.memory_space<vmem>> -> memref<128xi32, #tpu.memory_space<vmem>>
      %dma_wait3A_1536 = arith.constant 0 : i32
      %dma_wait3A_1537 = tpu.memref_slice %arg32[%dma_wait3A_1536] : memref<10240xf32, #tpu.memory_space<vmem_shared>> -> memref<10240xf32, #tpu.memory_space<vmem_shared>>
      tpu.wait_indirect_dma semaphore(%arg35 : memref<!tpu.dma_semaphore, #tpu.memory_space<semaphore_mem>>) src(%arg29 : memref<128xf32, #tpu.memory_space<vmem>>) dst(%dma_wait3A_1537 : memref<10240xf32, #tpu.memory_space<vmem_shared>>)
      %dma_wait3A_1538 = arith.constant 0 : i32
      %dma_wait3A_1539 = arith.constant 0 : i32
      %dma_wait3A_1540 = tpu.memref_slice %arg14[%dma_wait3A_1538, %dma_wait3A_1539] : memref<2x128xi32, #tpu.memory_space<vmem>> -> memref<1x128xi32, #tpu.memory_space<vmem>>
      %dma_wait3A_1541 = tpu.memref_squeeze %dma_wait3A_1540 : memref<1x128xi32, #tpu.memory_space<vmem>> -> memref<128xi32, #tpu.memory_space<vmem>>
      %dma_wait3A_1542 = arith.constant 0 : i32
      %dma_wait3A_1543 = tpu.memref_slice %arg33[%dma_wait3A_1542] : memref<10240xf32, #tpu.memory_space<vmem_shared>> -> memref<10240xf32, #tpu.memory_space<vmem_shared>>
      tpu.wait_indirect_dma semaphore(%arg37 : memref<!tpu.dma_semaphore, #tpu.memory_space<semaphore_mem>>) src(%arg31 : memref<128xf32, #tpu.memory_space<vmem>>) dst(%dma_wait3A_1543 : memref<10240xf32, #tpu.memory_space<vmem_shared>>)
      %add3A_1544 = arith.constant 4 : i32
      %add3A_1545 = arith.addi %add3A_1492, %add3A_1544 : i32
      %mul3A_1546 = arith.constant 32 : i32
      %mul3A_1547 = arith.muli %add3A_1545, %mul3A_1546 : i32
      %add3A_1548 = arith.addi %mul3A_1547, %add3A : i32
      %mul3A_1549 = arith.constant 128 : i32
      %mul3A_1550 = arith.muli %add3A_1548, %mul3A_1549 : i32
      %dma_start3A_1551 = arith.constant 0 : i32
      %dma_start3A_1552 = tpu.memref_slice %arg2[%dma_start3A_1551, %mul3A_1550] : memref<2x320000xi32, #tpu.memory_space<hbm>> -> memref<2x128xi32, #tpu.memory_space<hbm>>
      %dma_start3A_1553 = arith.constant 0 : i32
      %dma_start3A_1554 = tpu.memref_slice %arg2[%dma_start3A_1553, %mul3A_1550] : memref<2x320000xi32, #tpu.memory_space<hbm>> -> memref<2x128xi32, #tpu.memory_space<hbm>>
      tpu.enqueue_dma source(%dma_start3A_1554 : memref<2x128xi32, #tpu.memory_space<hbm>>) target(%arg14 : memref<2x128xi32, #tpu.memory_space<vmem>>) target_semaphore(%arg23 : memref<!tpu.dma_semaphore, #tpu.memory_space<semaphore_mem>>)
      %dma_start3A_1555 = arith.constant 1 : i32
      %dma_start3A_1556 = arith.constant 0 : i32
      %dma_start3A_1557 = tpu.memref_slice %arg10[%dma_start3A_1555, %dma_start3A_1556] : memref<2x128xi32, #tpu.memory_space<vmem>> -> memref<1x128xi32, #tpu.memory_space<vmem>>
      %dma_start3A_1558 = tpu.memref_squeeze %dma_start3A_1557 : memref<1x128xi32, #tpu.memory_space<vmem>> -> memref<128xi32, #tpu.memory_space<vmem>>
      %dma_start3A_1559 = arith.constant 0 : i32
      %dma_start3A_1560 = tpu.memref_slice %arg32[%dma_start3A_1559] : memref<10240xf32, #tpu.memory_space<vmem_shared>> -> memref<10240xf32, #tpu.memory_space<vmem_shared>>
      tpu.enqueue_indirect_dma source(%arg29 : memref<128xf32, #tpu.memory_space<vmem>>) target(%dma_start3A_1560 : memref<10240xf32, #tpu.memory_space<vmem_shared>>) offsets(%dma_start3A_1558 : memref<128xi32, #tpu.memory_space<vmem>>) semaphore(%arg35 : memref<!tpu.dma_semaphore, #tpu.memory_space<semaphore_mem>>) {add = true}
      %get3A_1561 = arith.constant 1 : i32
      %get3A_1562 = arith.index_cast %get3A_1561 : i32 to index
      %get3A_1563 = arith.constant 0 : index
      %get3A_1564 = tpu.vector_load %arg10[%get3A_1562, %get3A_1563] {strides = array<i32>} : memref<2x128xi32, #tpu.memory_space<vmem>>, vector<16xi32>,
      %gather3A_1565 = tpu.vector_load_idx %arg28[%get3A_1564] : memref<10000xf32, #tpu.memory_space<vmem>>[vector<16xi32>], vector<16xf32>,
      %swap3A_1566 = arith.constant 0 : index
      %swap3A_1567 = tpu.vector_load %arg31[%swap3A_1566] {strides = array<i32>} : memref<128xf32, #tpu.memory_space<vmem>>, vector<16xf32>,
      tpu.vector_store %arg31[%swap3A_1566], %gather3A_1565 {strides = array<i32>} : memref<128xf32, #tpu.memory_space<vmem>>, vector<16xf32>,
      %get3A_1568 = arith.constant 1 : i32
      %get3A_1569 = arith.index_cast %get3A_1568 : i32 to index
      %get3A_1570 = arith.constant 16 : index
      %get3A_1571 = tpu.vector_load %arg10[%get3A_1569, %get3A_1570] {strides = array<i32>} : memref<2x128xi32, #tpu.memory_space<vmem>>, vector<16xi32>,
      %gather3A_1572 = tpu.vector_load_idx %arg28[%get3A_1571] : memref<10000xf32, #tpu.memory_space<vmem>>[vector<16xi32>], vector<16xf32>,
      %swap3A_1573 = arith.constant 16 : index
      %swap3A_1574 = tpu.vector_load %arg31[%swap3A_1573] {strides = array<i32>} : memref<128xf32, #tpu.memory_space<vmem>>, vector<16xf32>,
      tpu.vector_store %arg31[%swap3A_1573], %gather3A_1572 {strides = array<i32>} : memref<128xf32, #tpu.memory_space<vmem>>, vector<16xf32>,
      %get3A_1575 = arith.constant 1 : i32
      %get3A_1576 = arith.index_cast %get3A_1575 : i32 to index
      %get3A_1577 = arith.constant 32 : index
      %get3A_1578 = tpu.vector_load %arg10[%get3A_1576, %get3A_1577] {strides = array<i32>} : memref<2x128xi32, #tpu.memory_space<vmem>>, vector<16xi32>,
      %gather3A_1579 = tpu.vector_load_idx %arg28[%get3A_1578] : memref<10000xf32, #tpu.memory_space<vmem>>[vector<16xi32>], vector<16xf32>,
      %swap3A_1580 = arith.constant 32 : index
      %swap3A_1581 = tpu.vector_load %arg31[%swap3A_1580] {strides = array<i32>} : memref<128xf32, #tpu.memory_space<vmem>>, vector<16xf32>,
      tpu.vector_store %arg31[%swap3A_1580], %gather3A_1579 {strides = array<i32>} : memref<128xf32, #tpu.memory_space<vmem>>, vector<16xf32>,
      %get3A_1582 = arith.constant 1 : i32
      %get3A_1583 = arith.index_cast %get3A_1582 : i32 to index
      %get3A_1584 = arith.constant 48 : index
      %get3A_1585 = tpu.vector_load %arg10[%get3A_1583, %get3A_1584] {strides = array<i32>} : memref<2x128xi32, #tpu.memory_space<vmem>>, vector<16xi32>,
      %gather3A_1586 = tpu.vector_load_idx %arg28[%get3A_1585] : memref<10000xf32, #tpu.memory_space<vmem>>[vector<16xi32>], vector<16xf32>,
      %swap3A_1587 = arith.constant 48 : index
      %swap3A_1588 = tpu.vector_load %arg31[%swap3A_1587] {strides = array<i32>} : memref<128xf32, #tpu.memory_space<vmem>>, vector<16xf32>,
      tpu.vector_store %arg31[%swap3A_1587], %gather3A_1586 {strides = array<i32>} : memref<128xf32, #tpu.memory_space<vmem>>, vector<16xf32>,
      %get3A_1589 = arith.constant 1 : i32
      %get3A_1590 = arith.index_cast %get3A_1589 : i32 to index
      %get3A_1591 = arith.constant 64 : index
      %get3A_1592 = tpu.vector_load %arg10[%get3A_1590, %get3A_1591] {strides = array<i32>} : memref<2x128xi32, #tpu.memory_space<vmem>>, vector<16xi32>,
      %gather3A_1593 = tpu.vector_load_idx %arg28[%get3A_1592] : memref<10000xf32, #tpu.memory_space<vmem>>[vector<16xi32>], vector<16xf32>,
      %swap3A_1594 = arith.constant 64 : index
      %swap3A_1595 = tpu.vector_load %arg31[%swap3A_1594] {strides = array<i32>} : memref<128xf32, #tpu.memory_space<vmem>>, vector<16xf32>,
      tpu.vector_store %arg31[%swap3A_1594], %gather3A_1593 {strides = array<i32>} : memref<128xf32, #tpu.memory_space<vmem>>, vector<16xf32>,
      %get3A_1596 = arith.constant 1 : i32
      %get3A_1597 = arith.index_cast %get3A_1596 : i32 to index
      %get3A_1598 = arith.constant 80 : index
      %get3A_1599 = tpu.vector_load %arg10[%get3A_1597, %get3A_1598] {strides = array<i32>} : memref<2x128xi32, #tpu.memory_space<vmem>>, vector<16xi32>,
      %gather3A_1600 = tpu.vector_load_idx %arg28[%get3A_1599] : memref<10000xf32, #tpu.memory_space<vmem>>[vector<16xi32>], vector<16xf32>,
      %swap3A_1601 = arith.constant 80 : index
      %swap3A_1602 = tpu.vector_load %arg31[%swap3A_1601] {strides = array<i32>} : memref<128xf32, #tpu.memory_space<vmem>>, vector<16xf32>,
      tpu.vector_store %arg31[%swap3A_1601], %gather3A_1600 {strides = array<i32>} : memref<128xf32, #tpu.memory_space<vmem>>, vector<16xf32>,
      %get3A_1603 = arith.constant 1 : i32
      %get3A_1604 = arith.index_cast %get3A_1603 : i32 to index
      %get3A_1605 = arith.constant 96 : index
      %get3A_1606 = tpu.vector_load %arg10[%get3A_1604, %get3A_1605] {strides = array<i32>} : memref<2x128xi32, #tpu.memory_space<vmem>>, vector<16xi32>,
      %gather3A_1607 = tpu.vector_load_idx %arg28[%get3A_1606] : memref<10000xf32, #tpu.memory_space<vmem>>[vector<16xi32>], vector<16xf32>,
      %swap3A_1608 = arith.constant 96 : index
      %swap3A_1609 = tpu.vector_load %arg31[%swap3A_1608] {strides = array<i32>} : memref<128xf32, #tpu.memory_space<vmem>>, vector<16xf32>,
      tpu.vector_store %arg31[%swap3A_1608], %gather3A_1607 {strides = array<i32>} : memref<128xf32, #tpu.memory_space<vmem>>, vector<16xf32>,
      %get3A_1610 = arith.constant 1 : i32
      %get3A_1611 = arith.index_cast %get3A_1610 : i32 to index
      %get3A_1612 = arith.constant 112 : index
      %get3A_1613 = tpu.vector_load %arg10[%get3A_1611, %get3A_1612] {strides = array<i32>} : memref<2x128xi32, #tpu.memory_space<vmem>>, vector<16xi32>,
      %gather3A_1614 = tpu.vector_load_idx %arg28[%get3A_1613] : memref<10000xf32, #tpu.memory_space<vmem>>[vector<16xi32>], vector<16xf32>,
      %swap3A_1615 = arith.constant 112 : index
      %swap3A_1616 = tpu.vector_load %arg31[%swap3A_1615] {strides = array<i32>} : memref<128xf32, #tpu.memory_space<vmem>>, vector<16xf32>,
      tpu.vector_store %arg31[%swap3A_1615], %gather3A_1614 {strides = array<i32>} : memref<128xf32, #tpu.memory_space<vmem>>, vector<16xf32>,
      %dma_start3A_1617 = arith.constant 0 : i32
      %dma_start3A_1618 = arith.constant 0 : i32
      %dma_start3A_1619 = tpu.memref_slice %arg10[%dma_start3A_1617, %dma_start3A_1618] : memref<2x128xi32, #tpu.memory_space<vmem>> -> memref<1x128xi32, #tpu.memory_space<vmem>>
      %dma_start3A_1620 = tpu.memref_squeeze %dma_start3A_1619 : memref<1x128xi32, #tpu.memory_space<vmem>> -> memref<128xi32, #tpu.memory_space<vmem>>
      %dma_start3A_1621 = arith.constant 0 : i32
      %dma_start3A_1622 = tpu.memref_slice %arg33[%dma_start3A_1621] : memref<10240xf32, #tpu.memory_space<vmem_shared>> -> memref<10240xf32, #tpu.memory_space<vmem_shared>>
      tpu.enqueue_indirect_dma source(%arg31 : memref<128xf32, #tpu.memory_space<vmem>>) target(%dma_start3A_1622 : memref<10240xf32, #tpu.memory_space<vmem_shared>>) offsets(%dma_start3A_1620 : memref<128xi32, #tpu.memory_space<vmem>>) semaphore(%arg37 : memref<!tpu.dma_semaphore, #tpu.memory_space<semaphore_mem>>) {add = true}
    }
    %scan3A_315 = arith.constant 12 : i32
    %dma_wait3A_316 = arith.constant 0 : i32
    %dma_wait3A_317 = arith.constant 0 : i32
    %dma_wait3A_318 = tpu.memref_slice %arg11[%dma_wait3A_316, %dma_wait3A_317] : memref<2x128xi32, #tpu.memory_space<vmem>> -> memref<1x128xi32, #tpu.memory_space<vmem>>
    %dma_wait3A_319 = tpu.memref_squeeze %dma_wait3A_318 : memref<1x128xi32, #tpu.memory_space<vmem>> -> memref<128xi32, #tpu.memory_space<vmem>>
    %dma_wait3A_320 = arith.constant 0 : i32
    %dma_wait3A_321 = arith.constant 0 : i32
    %dma_wait3A_322 = tpu.memref_slice %arg3[%dma_wait3A_320, %dma_wait3A_321] : memref<10000x128xf32, #tpu.memory_space<hbm>> -> memref<10000x128xf32, #tpu.memory_space<hbm>>
    tpu.wait_indirect_dma semaphore(%arg24 : memref<!tpu.dma_semaphore, #tpu.memory_space<semaphore_mem>>) src(%dma_wait3A_322 : memref<10000x128xf32, #tpu.memory_space<hbm>>) dst(%arg15 : memref<128x128xf32, #tpu.memory_space<vmem>>)
    %dma_start3A_323 = arith.constant 1 : i32
    %dma_start3A_324 = arith.constant 0 : i32
    %dma_start3A_325 = tpu.memref_slice %arg11[%dma_start3A_323, %dma_start3A_324] : memref<2x128xi32, #tpu.memory_space<vmem>> -> memref<1x128xi32, #tpu.memory_space<vmem>>
    %dma_start3A_326 = tpu.memref_squeeze %dma_start3A_325 : memref<1x128xi32, #tpu.memory_space<vmem>> -> memref<128xi32, #tpu.memory_space<vmem>>
    %dma_start3A_327 = arith.constant 0 : i32
    %dma_start3A_328 = arith.constant 0 : i32
    %dma_start3A_329 = tpu.memref_slice %arg17[%dma_start3A_327, %dma_start3A_328] : memref<10000x128xf32, #tpu.memory_space<vmem_shared>> -> memref<10000x128xf32, #tpu.memory_space<vmem_shared>>
    tpu.enqueue_indirect_dma source(%arg15 : memref<128x128xf32, #tpu.memory_space<vmem>>) target(%dma_start3A_329 : memref<10000x128xf32, #tpu.memory_space<vmem_shared>>) offsets(%dma_start3A_326 : memref<128xi32, #tpu.memory_space<vmem>>) semaphore(%arg26 : memref<!tpu.dma_semaphore, #tpu.memory_space<semaphore_mem>>) {add = true}
    %dma_wait3A_330 = arith.constant 1 : i32
    %dma_wait3A_331 = arith.constant 0 : i32
    %dma_wait3A_332 = tpu.memref_slice %arg10[%dma_wait3A_330, %dma_wait3A_331] : memref<2x128xi32, #tpu.memory_space<vmem>> -> memref<1x128xi32, #tpu.memory_space<vmem>>
    %dma_wait3A_333 = tpu.memref_squeeze %dma_wait3A_332 : memref<1x128xi32, #tpu.memory_space<vmem>> -> memref<128xi32, #tpu.memory_space<vmem>>
    %dma_wait3A_334 = arith.constant 0 : i32
    %dma_wait3A_335 = arith.constant 0 : i32
    %dma_wait3A_336 = tpu.memref_slice %arg17[%dma_wait3A_334, %dma_wait3A_335] : memref<10000x128xf32, #tpu.memory_space<vmem_shared>> -> memref<10000x128xf32, #tpu.memory_space<vmem_shared>>
    tpu.wait_indirect_dma semaphore(%arg27 : memref<!tpu.dma_semaphore, #tpu.memory_space<semaphore_mem>>) src(%arg16 : memref<128x128xf32, #tpu.memory_space<vmem>>) dst(%dma_wait3A_336 : memref<10000x128xf32, #tpu.memory_space<vmem_shared>>)
    %add3A_337 = arith.constant 2400 : i32
    %add3A_338 = arith.addi %add3A_337, %add3A : i32
    %mul3A_339 = arith.constant 128 : i32
    %mul3A_340 = arith.muli %add3A_338, %mul3A_339 : i32
    %dma_wait3A_341 = arith.constant 0 : i32
    %dma_wait3A_342 = tpu.memref_slice %arg2[%dma_wait3A_341, %mul3A_340] : memref<2x320000xi32, #tpu.memory_space<hbm>> -> memref<2x128xi32, #tpu.memory_space<hbm>>
    %dma_wait3A_343 = arith.constant 0 : i32
    %dma_wait3A_344 = tpu.memref_slice %arg2[%dma_wait3A_343, %mul3A_340] : memref<2x320000xi32, #tpu.memory_space<hbm>> -> memref<2x128xi32, #tpu.memory_space<hbm>>
    tpu.wait_dma2 semaphore(%arg21 : memref<!tpu.dma_semaphore, #tpu.memory_space<semaphore_mem>>) src(%dma_wait3A_344 : memref<2x128xi32, #tpu.memory_space<hbm>>) dst(%arg12 : memref<2x128xi32, #tpu.memory_space<vmem>>)
    %dma_start3A_345 = arith.constant 0 : i32
    %dma_start3A_346 = arith.constant 0 : i32
    %dma_start3A_347 = tpu.memref_slice %arg12[%dma_start3A_345, %dma_start3A_346] : memref<2x128xi32, #tpu.memory_space<vmem>> -> memref<1x128xi32, #tpu.memory_space<vmem>>
    %dma_start3A_348 = tpu.memref_squeeze %dma_start3A_347 : memref<1x128xi32, #tpu.memory_space<vmem>> -> memref<128xi32, #tpu.memory_space<vmem>>
    %dma_start3A_349 = arith.constant 0 : i32
    %dma_start3A_350 = arith.constant 0 : i32
    %dma_start3A_351 = tpu.memref_slice %arg3[%dma_start3A_349, %dma_start3A_350] : memref<10000x128xf32, #tpu.memory_space<hbm>> -> memref<10000x128xf32, #tpu.memory_space<hbm>>
    tpu.enqueue_indirect_dma source(%dma_start3A_351 : memref<10000x128xf32, #tpu.memory_space<hbm>>) target(%arg16 : memref<128x128xf32, #tpu.memory_space<vmem>>) offsets(%dma_start3A_348 : memref<128xi32, #tpu.memory_space<vmem>>) semaphore(%arg25 : memref<!tpu.dma_semaphore, #tpu.memory_space<semaphore_mem>>)
    %dma_wait3A_352 = arith.constant 1 : i32
    %dma_wait3A_353 = arith.constant 0 : i32
    %dma_wait3A_354 = tpu.memref_slice %arg9[%dma_wait3A_352, %dma_wait3A_353] : memref<2x128xi32, #tpu.memory_space<vmem>> -> memref<1x128xi32, #tpu.memory_space<vmem>>
    %dma_wait3A_355 = tpu.memref_squeeze %dma_wait3A_354 : memref<1x128xi32, #tpu.memory_space<vmem>> -> memref<128xi32, #tpu.memory_space<vmem>>
    %dma_wait3A_356 = arith.constant 0 : i32
    %dma_wait3A_357 = tpu.memref_slice %arg32[%dma_wait3A_356] : memref<10240xf32, #tpu.memory_space<vmem_shared>> -> memref<10240xf32, #tpu.memory_space<vmem_shared>>
    tpu.wait_indirect_dma semaphore(%arg34 : memref<!tpu.dma_semaphore, #tpu.memory_space<semaphore_mem>>) src(%arg29 : memref<128xf32, #tpu.memory_space<vmem>>) dst(%dma_wait3A_357 : memref<10240xf32, #tpu.memory_space<vmem_shared>>)
    %dma_wait3A_358 = arith.constant 0 : i32
    %dma_wait3A_359 = arith.constant 0 : i32
    %dma_wait3A_360 = tpu.memref_slice %arg9[%dma_wait3A_358, %dma_wait3A_359] : memref<2x128xi32, #tpu.memory_space<vmem>> -> memref<1x128xi32, #tpu.memory_space<vmem>>
    %dma_wait3A_361 = tpu.memref_squeeze %dma_wait3A_360 : memref<1x128xi32, #tpu.memory_space<vmem>> -> memref<128xi32, #tpu.memory_space<vmem>>
    %dma_wait3A_362 = arith.constant 0 : i32
    %dma_wait3A_363 = tpu.memref_slice %arg33[%dma_wait3A_362] : memref<10240xf32, #tpu.memory_space<vmem_shared>> -> memref<10240xf32, #tpu.memory_space<vmem_shared>>
    tpu.wait_indirect_dma semaphore(%arg36 : memref<!tpu.dma_semaphore, #tpu.memory_space<semaphore_mem>>) src(%arg30 : memref<128xf32, #tpu.memory_space<vmem>>) dst(%dma_wait3A_363 : memref<10240xf32, #tpu.memory_space<vmem_shared>>)
    %dma_start3A_364 = arith.constant 1 : i32
    %dma_start3A_365 = arith.constant 0 : i32
    %dma_start3A_366 = tpu.memref_slice %arg11[%dma_start3A_364, %dma_start3A_365] : memref<2x128xi32, #tpu.memory_space<vmem>> -> memref<1x128xi32, #tpu.memory_space<vmem>>
    %dma_start3A_367 = tpu.memref_squeeze %dma_start3A_366 : memref<1x128xi32, #tpu.memory_space<vmem>> -> memref<128xi32, #tpu.memory_space<vmem>>
    %dma_start3A_368 = arith.constant 0 : i32
    %dma_start3A_369 = tpu.memref_slice %arg32[%dma_start3A_368] : memref<10240xf32, #tpu.memory_space<vmem_shared>> -> memref<10240xf32, #tpu.memory_space<vmem_shared>>
    tpu.enqueue_indirect_dma source(%arg29 : memref<128xf32, #tpu.memory_space<vmem>>) target(%dma_start3A_369 : memref<10240xf32, #tpu.memory_space<vmem_shared>>) offsets(%dma_start3A_367 : memref<128xi32, #tpu.memory_space<vmem>>) semaphore(%arg34 : memref<!tpu.dma_semaphore, #tpu.memory_space<semaphore_mem>>) {add = true}
    %get3A_370 = arith.constant 1 : i32
    %get3A_371 = arith.index_cast %get3A_370 : i32 to index
    %get3A_372 = arith.constant 0 : index
    %get3A_373 = tpu.vector_load %arg11[%get3A_371, %get3A_372] {strides = array<i32>} : memref<2x128xi32, #tpu.memory_space<vmem>>, vector<16xi32>,
    %gather3A_374 = tpu.vector_load_idx %arg28[%get3A_373] : memref<10000xf32, #tpu.memory_space<vmem>>[vector<16xi32>], vector<16xf32>,
    %swap3A_375 = arith.constant 0 : index
    %swap3A_376 = tpu.vector_load %arg30[%swap3A_375] {strides = array<i32>} : memref<128xf32, #tpu.memory_space<vmem>>, vector<16xf32>,
    tpu.vector_store %arg30[%swap3A_375], %gather3A_374 {strides = array<i32>} : memref<128xf32, #tpu.memory_space<vmem>>, vector<16xf32>,
    %get3A_377 = arith.constant 1 : i32
    %get3A_378 = arith.index_cast %get3A_377 : i32 to index
    %get3A_379 = arith.constant 16 : index
    %get3A_380 = tpu.vector_load %arg11[%get3A_378, %get3A_379] {strides = array<i32>} : memref<2x128xi32, #tpu.memory_space<vmem>>, vector<16xi32>,
    %gather3A_381 = tpu.vector_load_idx %arg28[%get3A_380] : memref<10000xf32, #tpu.memory_space<vmem>>[vector<16xi32>], vector<16xf32>,
    %swap3A_382 = arith.constant 16 : index
    %swap3A_383 = tpu.vector_load %arg30[%swap3A_382] {strides = array<i32>} : memref<128xf32, #tpu.memory_space<vmem>>, vector<16xf32>,
    tpu.vector_store %arg30[%swap3A_382], %gather3A_381 {strides = array<i32>} : memref<128xf32, #tpu.memory_space<vmem>>, vector<16xf32>,
    %get3A_384 = arith.constant 1 : i32
    %get3A_385 = arith.index_cast %get3A_384 : i32 to index
    %get3A_386 = arith.constant 32 : index
    %get3A_387 = tpu.vector_load %arg11[%get3A_385, %get3A_386] {strides = array<i32>} : memref<2x128xi32, #tpu.memory_space<vmem>>, vector<16xi32>,
    %gather3A_388 = tpu.vector_load_idx %arg28[%get3A_387] : memref<10000xf32, #tpu.memory_space<vmem>>[vector<16xi32>], vector<16xf32>,
    %swap3A_389 = arith.constant 32 : index
    %swap3A_390 = tpu.vector_load %arg30[%swap3A_389] {strides = array<i32>} : memref<128xf32, #tpu.memory_space<vmem>>, vector<16xf32>,
    tpu.vector_store %arg30[%swap3A_389], %gather3A_388 {strides = array<i32>} : memref<128xf32, #tpu.memory_space<vmem>>, vector<16xf32>,
    %get3A_391 = arith.constant 1 : i32
    %get3A_392 = arith.index_cast %get3A_391 : i32 to index
    %get3A_393 = arith.constant 48 : index
    %get3A_394 = tpu.vector_load %arg11[%get3A_392, %get3A_393] {strides = array<i32>} : memref<2x128xi32, #tpu.memory_space<vmem>>, vector<16xi32>,
    %gather3A_395 = tpu.vector_load_idx %arg28[%get3A_394] : memref<10000xf32, #tpu.memory_space<vmem>>[vector<16xi32>], vector<16xf32>,
    %swap3A_396 = arith.constant 48 : index
    %swap3A_397 = tpu.vector_load %arg30[%swap3A_396] {strides = array<i32>} : memref<128xf32, #tpu.memory_space<vmem>>, vector<16xf32>,
    tpu.vector_store %arg30[%swap3A_396], %gather3A_395 {strides = array<i32>} : memref<128xf32, #tpu.memory_space<vmem>>, vector<16xf32>,
    %get3A_398 = arith.constant 1 : i32
    %get3A_399 = arith.index_cast %get3A_398 : i32 to index
    %get3A_400 = arith.constant 64 : index
    %get3A_401 = tpu.vector_load %arg11[%get3A_399, %get3A_400] {strides = array<i32>} : memref<2x128xi32, #tpu.memory_space<vmem>>, vector<16xi32>,
    %gather3A_402 = tpu.vector_load_idx %arg28[%get3A_401] : memref<10000xf32, #tpu.memory_space<vmem>>[vector<16xi32>], vector<16xf32>,
    %swap3A_403 = arith.constant 64 : index
    %swap3A_404 = tpu.vector_load %arg30[%swap3A_403] {strides = array<i32>} : memref<128xf32, #tpu.memory_space<vmem>>, vector<16xf32>,
    tpu.vector_store %arg30[%swap3A_403], %gather3A_402 {strides = array<i32>} : memref<128xf32, #tpu.memory_space<vmem>>, vector<16xf32>,
    %get3A_405 = arith.constant 1 : i32
    %get3A_406 = arith.index_cast %get3A_405 : i32 to index
    %get3A_407 = arith.constant 80 : index
    %get3A_408 = tpu.vector_load %arg11[%get3A_406, %get3A_407] {strides = array<i32>} : memref<2x128xi32, #tpu.memory_space<vmem>>, vector<16xi32>,
    %gather3A_409 = tpu.vector_load_idx %arg28[%get3A_408] : memref<10000xf32, #tpu.memory_space<vmem>>[vector<16xi32>], vector<16xf32>,
    %swap3A_410 = arith.constant 80 : index
    %swap3A_411 = tpu.vector_load %arg30[%swap3A_410] {strides = array<i32>} : memref<128xf32, #tpu.memory_space<vmem>>, vector<16xf32>,
    tpu.vector_store %arg30[%swap3A_410], %gather3A_409 {strides = array<i32>} : memref<128xf32, #tpu.memory_space<vmem>>, vector<16xf32>,
    %get3A_412 = arith.constant 1 : i32
    %get3A_413 = arith.index_cast %get3A_412 : i32 to index
    %get3A_414 = arith.constant 96 : index
    %get3A_415 = tpu.vector_load %arg11[%get3A_413, %get3A_414] {strides = array<i32>} : memref<2x128xi32, #tpu.memory_space<vmem>>, vector<16xi32>,
    %gather3A_416 = tpu.vector_load_idx %arg28[%get3A_415] : memref<10000xf32, #tpu.memory_space<vmem>>[vector<16xi32>], vector<16xf32>,
    %swap3A_417 = arith.constant 96 : index
    %swap3A_418 = tpu.vector_load %arg30[%swap3A_417] {strides = array<i32>} : memref<128xf32, #tpu.memory_space<vmem>>, vector<16xf32>,
    tpu.vector_store %arg30[%swap3A_417], %gather3A_416 {strides = array<i32>} : memref<128xf32, #tpu.memory_space<vmem>>, vector<16xf32>,
    %get3A_419 = arith.constant 1 : i32
    %get3A_420 = arith.index_cast %get3A_419 : i32 to index
    %get3A_421 = arith.constant 112 : index
    %get3A_422 = tpu.vector_load %arg11[%get3A_420, %get3A_421] {strides = array<i32>} : memref<2x128xi32, #tpu.memory_space<vmem>>, vector<16xi32>,
    %gather3A_423 = tpu.vector_load_idx %arg28[%get3A_422] : memref<10000xf32, #tpu.memory_space<vmem>>[vector<16xi32>], vector<16xf32>,
    %swap3A_424 = arith.constant 112 : index
    %swap3A_425 = tpu.vector_load %arg30[%swap3A_424] {strides = array<i32>} : memref<128xf32, #tpu.memory_space<vmem>>, vector<16xf32>,
    tpu.vector_store %arg30[%swap3A_424], %gather3A_423 {strides = array<i32>} : memref<128xf32, #tpu.memory_space<vmem>>, vector<16xf32>,
    %dma_start3A_426 = arith.constant 0 : i32
    %dma_start3A_427 = arith.constant 0 : i32
    %dma_start3A_428 = tpu.memref_slice %arg11[%dma_start3A_426, %dma_start3A_427] : memref<2x128xi32, #tpu.memory_space<vmem>> -> memref<1x128xi32, #tpu.memory_space<vmem>>
    %dma_start3A_429 = tpu.memref_squeeze %dma_start3A_428 : memref<1x128xi32, #tpu.memory_space<vmem>> -> memref<128xi32, #tpu.memory_space<vmem>>
    %dma_start3A_430 = arith.constant 0 : i32
    %dma_start3A_431 = tpu.memref_slice %arg33[%dma_start3A_430] : memref<10240xf32, #tpu.memory_space<vmem_shared>> -> memref<10240xf32, #tpu.memory_space<vmem_shared>>
    tpu.enqueue_indirect_dma source(%arg30 : memref<128xf32, #tpu.memory_space<vmem>>) target(%dma_start3A_431 : memref<10240xf32, #tpu.memory_space<vmem_shared>>) offsets(%dma_start3A_429 : memref<128xi32, #tpu.memory_space<vmem>>) semaphore(%arg36 : memref<!tpu.dma_semaphore, #tpu.memory_space<semaphore_mem>>) {add = true}
    %dma_wait3A_432 = arith.constant 0 : i32
    %dma_wait3A_433 = arith.constant 0 : i32
    %dma_wait3A_434 = tpu.memref_slice %arg12[%dma_wait3A_432, %dma_wait3A_433] : memref<2x128xi32, #tpu.memory_space<vmem>> -> memref<1x128xi32, #tpu.memory_space<vmem>>
    %dma_wait3A_435 = tpu.memref_squeeze %dma_wait3A_434 : memref<1x128xi32, #tpu.memory_space<vmem>> -> memref<128xi32, #tpu.memory_space<vmem>>
    %dma_wait3A_436 = arith.constant 0 : i32
    %dma_wait3A_437 = arith.constant 0 : i32
    %dma_wait3A_438 = tpu.memref_slice %arg3[%dma_wait3A_436, %dma_wait3A_437] : memref<10000x128xf32, #tpu.memory_space<hbm>> -> memref<10000x128xf32, #tpu.memory_space<hbm>>
    tpu.wait_indirect_dma semaphore(%arg25 : memref<!tpu.dma_semaphore, #tpu.memory_space<semaphore_mem>>) src(%dma_wait3A_438 : memref<10000x128xf32, #tpu.memory_space<hbm>>) dst(%arg16 : memref<128x128xf32, #tpu.memory_space<vmem>>)
    %dma_start3A_439 = arith.constant 1 : i32
    %dma_start3A_440 = arith.constant 0 : i32
    %dma_start3A_441 = tpu.memref_slice %arg12[%dma_start3A_439, %dma_start3A_440] : memref<2x128xi32, #tpu.memory_space<vmem>> -> memref<1x128xi32, #tpu.memory_space<vmem>>
    %dma_start3A_442 = tpu.memref_squeeze %dma_start3A_441 : memref<1x128xi32, #tpu.memory_space<vmem>> -> memref<128xi32, #tpu.memory_space<vmem>>
    %dma_start3A_443 = arith.constant 0 : i32
    %dma_start3A_444 = arith.constant 0 : i32
    %dma_start3A_445 = tpu.memref_slice %arg17[%dma_start3A_443, %dma_start3A_444] : memref<10000x128xf32, #tpu.memory_space<vmem_shared>> -> memref<10000x128xf32, #tpu.memory_space<vmem_shared>>
    tpu.enqueue_indirect_dma source(%arg16 : memref<128x128xf32, #tpu.memory_space<vmem>>) target(%dma_start3A_445 : memref<10000x128xf32, #tpu.memory_space<vmem_shared>>) offsets(%dma_start3A_442 : memref<128xi32, #tpu.memory_space<vmem>>) semaphore(%arg27 : memref<!tpu.dma_semaphore, #tpu.memory_space<semaphore_mem>>) {add = true}
    %dma_wait3A_446 = arith.constant 1 : i32
    %dma_wait3A_447 = arith.constant 0 : i32
    %dma_wait3A_448 = tpu.memref_slice %arg11[%dma_wait3A_446, %dma_wait3A_447] : memref<2x128xi32, #tpu.memory_space<vmem>> -> memref<1x128xi32, #tpu.memory_space<vmem>>
    %dma_wait3A_449 = tpu.memref_squeeze %dma_wait3A_448 : memref<1x128xi32, #tpu.memory_space<vmem>> -> memref<128xi32, #tpu.memory_space<vmem>>
    %dma_wait3A_450 = arith.constant 0 : i32
    %dma_wait3A_451 = arith.constant 0 : i32
    %dma_wait3A_452 = tpu.memref_slice %arg17[%dma_wait3A_450, %dma_wait3A_451] : memref<10000x128xf32, #tpu.memory_space<vmem_shared>> -> memref<10000x128xf32, #tpu.memory_space<vmem_shared>>
    tpu.wait_indirect_dma semaphore(%arg26 : memref<!tpu.dma_semaphore, #tpu.memory_space<semaphore_mem>>) src(%arg15 : memref<128x128xf32, #tpu.memory_space<vmem>>) dst(%dma_wait3A_452 : memref<10000x128xf32, #tpu.memory_space<vmem_shared>>)
    %add3A_453 = arith.constant 2432 : i32
    %add3A_454 = arith.addi %add3A_453, %add3A : i32
    %mul3A_455 = arith.constant 128 : i32
    %mul3A_456 = arith.muli %add3A_454, %mul3A_455 : i32
    %dma_wait3A_457 = arith.constant 0 : i32
    %dma_wait3A_458 = tpu.memref_slice %arg2[%dma_wait3A_457, %mul3A_456] : memref<2x320000xi32, #tpu.memory_space<hbm>> -> memref<2x128xi32, #tpu.memory_space<hbm>>
    %dma_wait3A_459 = arith.constant 0 : i32
    %dma_wait3A_460 = tpu.memref_slice %arg2[%dma_wait3A_459, %mul3A_456] : memref<2x320000xi32, #tpu.memory_space<hbm>> -> memref<2x128xi32, #tpu.memory_space<hbm>>
    tpu.wait_dma2 semaphore(%arg22 : memref<!tpu.dma_semaphore, #tpu.memory_space<semaphore_mem>>) src(%dma_wait3A_460 : memref<2x128xi32, #tpu.memory_space<hbm>>) dst(%arg13 : memref<2x128xi32, #tpu.memory_space<vmem>>)
    %dma_start3A_461 = arith.constant 0 : i32
    %dma_start3A_462 = arith.constant 0 : i32
    %dma_start3A_463 = tpu.memref_slice %arg13[%dma_start3A_461, %dma_start3A_462] : memref<2x128xi32, #tpu.memory_space<vmem>> -> memref<1x128xi32, #tpu.memory_space<vmem>>
    %dma_start3A_464 = tpu.memref_squeeze %dma_start3A_463 : memref<1x128xi32, #tpu.memory_space<vmem>> -> memref<128xi32, #tpu.memory_space<vmem>>
    %dma_start3A_465 = arith.constant 0 : i32
    %dma_start3A_466 = arith.constant 0 : i32
    %dma_start3A_467 = tpu.memref_slice %arg3[%dma_start3A_465, %dma_start3A_466] : memref<10000x128xf32, #tpu.memory_space<hbm>> -> memref<10000x128xf32, #tpu.memory_space<hbm>>
    tpu.enqueue_indirect_dma source(%dma_start3A_467 : memref<10000x128xf32, #tpu.memory_space<hbm>>) target(%arg15 : memref<128x128xf32, #tpu.memory_space<vmem>>) offsets(%dma_start3A_464 : memref<128xi32, #tpu.memory_space<vmem>>) semaphore(%arg24 : memref<!tpu.dma_semaphore, #tpu.memory_space<semaphore_mem>>)
    %dma_wait3A_468 = arith.constant 1 : i32
    %dma_wait3A_469 = arith.constant 0 : i32
    %dma_wait3A_470 = tpu.memref_slice %arg10[%dma_wait3A_468, %dma_wait3A_469] : memref<2x128xi32, #tpu.memory_space<vmem>> -> memref<1x128xi32, #tpu.memory_space<vmem>>
    %dma_wait3A_471 = tpu.memref_squeeze %dma_wait3A_470 : memref<1x128xi32, #tpu.memory_space<vmem>> -> memref<128xi32, #tpu.memory_space<vmem>>
    %dma_wait3A_472 = arith.constant 0 : i32
    %dma_wait3A_473 = tpu.memref_slice %arg32[%dma_wait3A_472] : memref<10240xf32, #tpu.memory_space<vmem_shared>> -> memref<10240xf32, #tpu.memory_space<vmem_shared>>
    tpu.wait_indirect_dma semaphore(%arg35 : memref<!tpu.dma_semaphore, #tpu.memory_space<semaphore_mem>>) src(%arg29 : memref<128xf32, #tpu.memory_space<vmem>>) dst(%dma_wait3A_473 : memref<10240xf32, #tpu.memory_space<vmem_shared>>)
    %dma_wait3A_474 = arith.constant 0 : i32
    %dma_wait3A_475 = arith.constant 0 : i32
    %dma_wait3A_476 = tpu.memref_slice %arg10[%dma_wait3A_474, %dma_wait3A_475] : memref<2x128xi32, #tpu.memory_space<vmem>> -> memref<1x128xi32, #tpu.memory_space<vmem>>
    %dma_wait3A_477 = tpu.memref_squeeze %dma_wait3A_476 : memref<1x128xi32, #tpu.memory_space<vmem>> -> memref<128xi32, #tpu.memory_space<vmem>>
    %dma_wait3A_478 = arith.constant 0 : i32
    %dma_wait3A_479 = tpu.memref_slice %arg33[%dma_wait3A_478] : memref<10240xf32, #tpu.memory_space<vmem_shared>> -> memref<10240xf32, #tpu.memory_space<vmem_shared>>
    tpu.wait_indirect_dma semaphore(%arg37 : memref<!tpu.dma_semaphore, #tpu.memory_space<semaphore_mem>>) src(%arg31 : memref<128xf32, #tpu.memory_space<vmem>>) dst(%dma_wait3A_479 : memref<10240xf32, #tpu.memory_space<vmem_shared>>)
    %dma_start3A_480 = arith.constant 1 : i32
    %dma_start3A_481 = arith.constant 0 : i32
    %dma_start3A_482 = tpu.memref_slice %arg12[%dma_start3A_480, %dma_start3A_481] : memref<2x128xi32, #tpu.memory_space<vmem>> -> memref<1x128xi32, #tpu.memory_space<vmem>>
    %dma_start3A_483 = tpu.memref_squeeze %dma_start3A_482 : memref<1x128xi32, #tpu.memory_space<vmem>> -> memref<128xi32, #tpu.memory_space<vmem>>
    %dma_start3A_484 = arith.constant 0 : i32
    %dma_start3A_485 = tpu.memref_slice %arg32[%dma_start3A_484] : memref<10240xf32, #tpu.memory_space<vmem_shared>> -> memref<10240xf32, #tpu.memory_space<vmem_shared>>
    tpu.enqueue_indirect_dma source(%arg29 : memref<128xf32, #tpu.memory_space<vmem>>) target(%dma_start3A_485 : memref<10240xf32, #tpu.memory_space<vmem_shared>>) offsets(%dma_start3A_483 : memref<128xi32, #tpu.memory_space<vmem>>) semaphore(%arg35 : memref<!tpu.dma_semaphore, #tpu.memory_space<semaphore_mem>>) {add = true}
    %get3A_486 = arith.constant 1 : i32
    %get3A_487 = arith.index_cast %get3A_486 : i32 to index
    %get3A_488 = arith.constant 0 : index
    %get3A_489 = tpu.vector_load %arg12[%get3A_487, %get3A_488] {strides = array<i32>} : memref<2x128xi32, #tpu.memory_space<vmem>>, vector<16xi32>,
    %gather3A_490 = tpu.vector_load_idx %arg28[%get3A_489] : memref<10000xf32, #tpu.memory_space<vmem>>[vector<16xi32>], vector<16xf32>,
    %swap3A_491 = arith.constant 0 : index
    %swap3A_492 = tpu.vector_load %arg31[%swap3A_491] {strides = array<i32>} : memref<128xf32, #tpu.memory_space<vmem>>, vector<16xf32>,
    tpu.vector_store %arg31[%swap3A_491], %gather3A_490 {strides = array<i32>} : memref<128xf32, #tpu.memory_space<vmem>>, vector<16xf32>,
    %get3A_493 = arith.constant 1 : i32
    %get3A_494 = arith.index_cast %get3A_493 : i32 to index
    %get3A_495 = arith.constant 16 : index
    %get3A_496 = tpu.vector_load %arg12[%get3A_494, %get3A_495] {strides = array<i32>} : memref<2x128xi32, #tpu.memory_space<vmem>>, vector<16xi32>,
    %gather3A_497 = tpu.vector_load_idx %arg28[%get3A_496] : memref<10000xf32, #tpu.memory_space<vmem>>[vector<16xi32>], vector<16xf32>,
    %swap3A_498 = arith.constant 16 : index
    %swap3A_499 = tpu.vector_load %arg31[%swap3A_498] {strides = array<i32>} : memref<128xf32, #tpu.memory_space<vmem>>, vector<16xf32>,
    tpu.vector_store %arg31[%swap3A_498], %gather3A_497 {strides = array<i32>} : memref<128xf32, #tpu.memory_space<vmem>>, vector<16xf32>,
    %get3A_500 = arith.constant 1 : i32
    %get3A_501 = arith.index_cast %get3A_500 : i32 to index
    %get3A_502 = arith.constant 32 : index
    %get3A_503 = tpu.vector_load %arg12[%get3A_501, %get3A_502] {strides = array<i32>} : memref<2x128xi32, #tpu.memory_space<vmem>>, vector<16xi32>,
    %gather3A_504 = tpu.vector_load_idx %arg28[%get3A_503] : memref<10000xf32, #tpu.memory_space<vmem>>[vector<16xi32>], vector<16xf32>,
    %swap3A_505 = arith.constant 32 : index
    %swap3A_506 = tpu.vector_load %arg31[%swap3A_505] {strides = array<i32>} : memref<128xf32, #tpu.memory_space<vmem>>, vector<16xf32>,
    tpu.vector_store %arg31[%swap3A_505], %gather3A_504 {strides = array<i32>} : memref<128xf32, #tpu.memory_space<vmem>>, vector<16xf32>,
    %get3A_507 = arith.constant 1 : i32
    %get3A_508 = arith.index_cast %get3A_507 : i32 to index
    %get3A_509 = arith.constant 48 : index
    %get3A_510 = tpu.vector_load %arg12[%get3A_508, %get3A_509] {strides = array<i32>} : memref<2x128xi32, #tpu.memory_space<vmem>>, vector<16xi32>,
    %gather3A_511 = tpu.vector_load_idx %arg28[%get3A_510] : memref<10000xf32, #tpu.memory_space<vmem>>[vector<16xi32>], vector<16xf32>,
    %swap3A_512 = arith.constant 48 : index
    %swap3A_513 = tpu.vector_load %arg31[%swap3A_512] {strides = array<i32>} : memref<128xf32, #tpu.memory_space<vmem>>, vector<16xf32>,
    tpu.vector_store %arg31[%swap3A_512], %gather3A_511 {strides = array<i32>} : memref<128xf32, #tpu.memory_space<vmem>>, vector<16xf32>,
    %get3A_514 = arith.constant 1 : i32
    %get3A_515 = arith.index_cast %get3A_514 : i32 to index
    %get3A_516 = arith.constant 64 : index
    %get3A_517 = tpu.vector_load %arg12[%get3A_515, %get3A_516] {strides = array<i32>} : memref<2x128xi32, #tpu.memory_space<vmem>>, vector<16xi32>,
    %gather3A_518 = tpu.vector_load_idx %arg28[%get3A_517] : memref<10000xf32, #tpu.memory_space<vmem>>[vector<16xi32>], vector<16xf32>,
    %swap3A_519 = arith.constant 64 : index
    %swap3A_520 = tpu.vector_load %arg31[%swap3A_519] {strides = array<i32>} : memref<128xf32, #tpu.memory_space<vmem>>, vector<16xf32>,
    tpu.vector_store %arg31[%swap3A_519], %gather3A_518 {strides = array<i32>} : memref<128xf32, #tpu.memory_space<vmem>>, vector<16xf32>,
    %get3A_521 = arith.constant 1 : i32
    %get3A_522 = arith.index_cast %get3A_521 : i32 to index
    %get3A_523 = arith.constant 80 : index
    %get3A_524 = tpu.vector_load %arg12[%get3A_522, %get3A_523] {strides = array<i32>} : memref<2x128xi32, #tpu.memory_space<vmem>>, vector<16xi32>,
    %gather3A_525 = tpu.vector_load_idx %arg28[%get3A_524] : memref<10000xf32, #tpu.memory_space<vmem>>[vector<16xi32>], vector<16xf32>,
    %swap3A_526 = arith.constant 80 : index
    %swap3A_527 = tpu.vector_load %arg31[%swap3A_526] {strides = array<i32>} : memref<128xf32, #tpu.memory_space<vmem>>, vector<16xf32>,
    tpu.vector_store %arg31[%swap3A_526], %gather3A_525 {strides = array<i32>} : memref<128xf32, #tpu.memory_space<vmem>>, vector<16xf32>,
    %get3A_528 = arith.constant 1 : i32
    %get3A_529 = arith.index_cast %get3A_528 : i32 to index
    %get3A_530 = arith.constant 96 : index
    %get3A_531 = tpu.vector_load %arg12[%get3A_529, %get3A_530] {strides = array<i32>} : memref<2x128xi32, #tpu.memory_space<vmem>>, vector<16xi32>,
    %gather3A_532 = tpu.vector_load_idx %arg28[%get3A_531] : memref<10000xf32, #tpu.memory_space<vmem>>[vector<16xi32>], vector<16xf32>,
    %swap3A_533 = arith.constant 96 : index
    %swap3A_534 = tpu.vector_load %arg31[%swap3A_533] {strides = array<i32>} : memref<128xf32, #tpu.memory_space<vmem>>, vector<16xf32>,
    tpu.vector_store %arg31[%swap3A_533], %gather3A_532 {strides = array<i32>} : memref<128xf32, #tpu.memory_space<vmem>>, vector<16xf32>,
    %get3A_535 = arith.constant 1 : i32
    %get3A_536 = arith.index_cast %get3A_535 : i32 to index
    %get3A_537 = arith.constant 112 : index
    %get3A_538 = tpu.vector_load %arg12[%get3A_536, %get3A_537] {strides = array<i32>} : memref<2x128xi32, #tpu.memory_space<vmem>>, vector<16xi32>,
    %gather3A_539 = tpu.vector_load_idx %arg28[%get3A_538] : memref<10000xf32, #tpu.memory_space<vmem>>[vector<16xi32>], vector<16xf32>,
    %swap3A_540 = arith.constant 112 : index
    %swap3A_541 = tpu.vector_load %arg31[%swap3A_540] {strides = array<i32>} : memref<128xf32, #tpu.memory_space<vmem>>, vector<16xf32>,
    tpu.vector_store %arg31[%swap3A_540], %gather3A_539 {strides = array<i32>} : memref<128xf32, #tpu.memory_space<vmem>>, vector<16xf32>,
    %dma_start3A_542 = arith.constant 0 : i32
    %dma_start3A_543 = arith.constant 0 : i32
    %dma_start3A_544 = tpu.memref_slice %arg12[%dma_start3A_542, %dma_start3A_543] : memref<2x128xi32, #tpu.memory_space<vmem>> -> memref<1x128xi32, #tpu.memory_space<vmem>>
    %dma_start3A_545 = tpu.memref_squeeze %dma_start3A_544 : memref<1x128xi32, #tpu.memory_space<vmem>> -> memref<128xi32, #tpu.memory_space<vmem>>
    %dma_start3A_546 = arith.constant 0 : i32
    %dma_start3A_547 = tpu.memref_slice %arg33[%dma_start3A_546] : memref<10240xf32, #tpu.memory_space<vmem_shared>> -> memref<10240xf32, #tpu.memory_space<vmem_shared>>
    tpu.enqueue_indirect_dma source(%arg31 : memref<128xf32, #tpu.memory_space<vmem>>) target(%dma_start3A_547 : memref<10240xf32, #tpu.memory_space<vmem_shared>>) offsets(%dma_start3A_545 : memref<128xi32, #tpu.memory_space<vmem>>) semaphore(%arg37 : memref<!tpu.dma_semaphore, #tpu.memory_space<semaphore_mem>>) {add = true}
    %dma_wait3A_548 = arith.constant 0 : i32
    %dma_wait3A_549 = arith.constant 0 : i32
    %dma_wait3A_550 = tpu.memref_slice %arg13[%dma_wait3A_548, %dma_wait3A_549] : memref<2x128xi32, #tpu.memory_space<vmem>> -> memref<1x128xi32, #tpu.memory_space<vmem>>
    %dma_wait3A_551 = tpu.memref_squeeze %dma_wait3A_550 : memref<1x128xi32, #tpu.memory_space<vmem>> -> memref<128xi32, #tpu.memory_space<vmem>>
    %dma_wait3A_552 = arith.constant 0 : i32
    %dma_wait3A_553 = arith.constant 0 : i32
    %dma_wait3A_554 = tpu.memref_slice %arg3[%dma_wait3A_552, %dma_wait3A_553] : memref<10000x128xf32, #tpu.memory_space<hbm>> -> memref<10000x128xf32, #tpu.memory_space<hbm>>
    tpu.wait_indirect_dma semaphore(%arg24 : memref<!tpu.dma_semaphore, #tpu.memory_space<semaphore_mem>>) src(%dma_wait3A_554 : memref<10000x128xf32, #tpu.memory_space<hbm>>) dst(%arg15 : memref<128x128xf32, #tpu.memory_space<vmem>>)
    %dma_start3A_555 = arith.constant 1 : i32
    %dma_start3A_556 = arith.constant 0 : i32
    %dma_start3A_557 = tpu.memref_slice %arg13[%dma_start3A_555, %dma_start3A_556] : memref<2x128xi32, #tpu.memory_space<vmem>> -> memref<1x128xi32, #tpu.memory_space<vmem>>
    %dma_start3A_558 = tpu.memref_squeeze %dma_start3A_557 : memref<1x128xi32, #tpu.memory_space<vmem>> -> memref<128xi32, #tpu.memory_space<vmem>>
    %dma_start3A_559 = arith.constant 0 : i32
    %dma_start3A_560 = arith.constant 0 : i32
    %dma_start3A_561 = tpu.memref_slice %arg17[%dma_start3A_559, %dma_start3A_560] : memref<10000x128xf32, #tpu.memory_space<vmem_shared>> -> memref<10000x128xf32, #tpu.memory_space<vmem_shared>>
    tpu.enqueue_indirect_dma source(%arg15 : memref<128x128xf32, #tpu.memory_space<vmem>>) target(%dma_start3A_561 : memref<10000x128xf32, #tpu.memory_space<vmem_shared>>) offsets(%dma_start3A_558 : memref<128xi32, #tpu.memory_space<vmem>>) semaphore(%arg26 : memref<!tpu.dma_semaphore, #tpu.memory_space<semaphore_mem>>) {add = true}
    %dma_wait3A_562 = arith.constant 1 : i32
    %dma_wait3A_563 = arith.constant 0 : i32
    %dma_wait3A_564 = tpu.memref_slice %arg12[%dma_wait3A_562, %dma_wait3A_563] : memref<2x128xi32, #tpu.memory_space<vmem>> -> memref<1x128xi32, #tpu.memory_space<vmem>>
    %dma_wait3A_565 = tpu.memref_squeeze %dma_wait3A_564 : memref<1x128xi32, #tpu.memory_space<vmem>> -> memref<128xi32, #tpu.memory_space<vmem>>
    %dma_wait3A_566 = arith.constant 0 : i32
    %dma_wait3A_567 = arith.constant 0 : i32
    %dma_wait3A_568 = tpu.memref_slice %arg17[%dma_wait3A_566, %dma_wait3A_567] : memref<10000x128xf32, #tpu.memory_space<vmem_shared>> -> memref<10000x128xf32, #tpu.memory_space<vmem_shared>>
    tpu.wait_indirect_dma semaphore(%arg27 : memref<!tpu.dma_semaphore, #tpu.memory_space<semaphore_mem>>) src(%arg16 : memref<128x128xf32, #tpu.memory_space<vmem>>) dst(%dma_wait3A_568 : memref<10000x128xf32, #tpu.memory_space<vmem_shared>>)
    %add3A_569 = arith.constant 2464 : i32
    %add3A_570 = arith.addi %add3A_569, %add3A : i32
    %mul3A_571 = arith.constant 128 : i32
    %mul3A_572 = arith.muli %add3A_570, %mul3A_571 : i32
    %dma_wait3A_573 = arith.constant 0 : i32
    %dma_wait3A_574 = tpu.memref_slice %arg2[%dma_wait3A_573, %mul3A_572] : memref<2x320000xi32, #tpu.memory_space<hbm>> -> memref<2x128xi32, #tpu.memory_space<hbm>>
    %dma_wait3A_575 = arith.constant 0 : i32
    %dma_wait3A_576 = tpu.memref_slice %arg2[%dma_wait3A_575, %mul3A_572] : memref<2x320000xi32, #tpu.memory_space<hbm>> -> memref<2x128xi32, #tpu.memory_space<hbm>>
    tpu.wait_dma2 semaphore(%arg23 : memref<!tpu.dma_semaphore, #tpu.memory_space<semaphore_mem>>) src(%dma_wait3A_576 : memref<2x128xi32, #tpu.memory_space<hbm>>) dst(%arg14 : memref<2x128xi32, #tpu.memory_space<vmem>>)
    %dma_start3A_577 = arith.constant 0 : i32
    %dma_start3A_578 = arith.constant 0 : i32
    %dma_start3A_579 = tpu.memref_slice %arg14[%dma_start3A_577, %dma_start3A_578] : memref<2x128xi32, #tpu.memory_space<vmem>> -> memref<1x128xi32, #tpu.memory_space<vmem>>
    %dma_start3A_580 = tpu.memref_squeeze %dma_start3A_579 : memref<1x128xi32, #tpu.memory_space<vmem>> -> memref<128xi32, #tpu.memory_space<vmem>>
    %dma_start3A_581 = arith.constant 0 : i32
    %dma_start3A_582 = arith.constant 0 : i32
    %dma_start3A_583 = tpu.memref_slice %arg3[%dma_start3A_581, %dma_start3A_582] : memref<10000x128xf32, #tpu.memory_space<hbm>> -> memref<10000x128xf32, #tpu.memory_space<hbm>>
    tpu.enqueue_indirect_dma source(%dma_start3A_583 : memref<10000x128xf32, #tpu.memory_space<hbm>>) target(%arg16 : memref<128x128xf32, #tpu.memory_space<vmem>>) offsets(%dma_start3A_580 : memref<128xi32, #tpu.memory_space<vmem>>) semaphore(%arg25 : memref<!tpu.dma_semaphore, #tpu.memory_space<semaphore_mem>>)
    %dma_wait3A_584 = arith.constant 1 : i32
    %dma_wait3A_585 = arith.constant 0 : i32
    %dma_wait3A_586 = tpu.memref_slice %arg11[%dma_wait3A_584, %dma_wait3A_585] : memref<2x128xi32, #tpu.memory_space<vmem>> -> memref<1x128xi32, #tpu.memory_space<vmem>>
    %dma_wait3A_587 = tpu.memref_squeeze %dma_wait3A_586 : memref<1x128xi32, #tpu.memory_space<vmem>> -> memref<128xi32, #tpu.memory_space<vmem>>
    %dma_wait3A_588 = arith.constant 0 : i32
    %dma_wait3A_589 = tpu.memref_slice %arg32[%dma_wait3A_588] : memref<10240xf32, #tpu.memory_space<vmem_shared>> -> memref<10240xf32, #tpu.memory_space<vmem_shared>>
    tpu.wait_indirect_dma semaphore(%arg34 : memref<!tpu.dma_semaphore, #tpu.memory_space<semaphore_mem>>) src(%arg29 : memref<128xf32, #tpu.memory_space<vmem>>) dst(%dma_wait3A_589 : memref<10240xf32, #tpu.memory_space<vmem_shared>>)
    %dma_wait3A_590 = arith.constant 0 : i32
    %dma_wait3A_591 = arith.constant 0 : i32
    %dma_wait3A_592 = tpu.memref_slice %arg11[%dma_wait3A_590, %dma_wait3A_591] : memref<2x128xi32, #tpu.memory_space<vmem>> -> memref<1x128xi32, #tpu.memory_space<vmem>>
    %dma_wait3A_593 = tpu.memref_squeeze %dma_wait3A_592 : memref<1x128xi32, #tpu.memory_space<vmem>> -> memref<128xi32, #tpu.memory_space<vmem>>
    %dma_wait3A_594 = arith.constant 0 : i32
    %dma_wait3A_595 = tpu.memref_slice %arg33[%dma_wait3A_594] : memref<10240xf32, #tpu.memory_space<vmem_shared>> -> memref<10240xf32, #tpu.memory_space<vmem_shared>>
    tpu.wait_indirect_dma semaphore(%arg36 : memref<!tpu.dma_semaphore, #tpu.memory_space<semaphore_mem>>) src(%arg30 : memref<128xf32, #tpu.memory_space<vmem>>) dst(%dma_wait3A_595 : memref<10240xf32, #tpu.memory_space<vmem_shared>>)
    %dma_start3A_596 = arith.constant 1 : i32
    %dma_start3A_597 = arith.constant 0 : i32
    %dma_start3A_598 = tpu.memref_slice %arg13[%dma_start3A_596, %dma_start3A_597] : memref<2x128xi32, #tpu.memory_space<vmem>> -> memref<1x128xi32, #tpu.memory_space<vmem>>
    %dma_start3A_599 = tpu.memref_squeeze %dma_start3A_598 : memref<1x128xi32, #tpu.memory_space<vmem>> -> memref<128xi32, #tpu.memory_space<vmem>>
    %dma_start3A_600 = arith.constant 0 : i32
    %dma_start3A_601 = tpu.memref_slice %arg32[%dma_start3A_600] : memref<10240xf32, #tpu.memory_space<vmem_shared>> -> memref<10240xf32, #tpu.memory_space<vmem_shared>>
    tpu.enqueue_indirect_dma source(%arg29 : memref<128xf32, #tpu.memory_space<vmem>>) target(%dma_start3A_601 : memref<10240xf32, #tpu.memory_space<vmem_shared>>) offsets(%dma_start3A_599 : memref<128xi32, #tpu.memory_space<vmem>>) semaphore(%arg34 : memref<!tpu.dma_semaphore, #tpu.memory_space<semaphore_mem>>) {add = true}
    %get3A_602 = arith.constant 1 : i32
    %get3A_603 = arith.index_cast %get3A_602 : i32 to index
    %get3A_604 = arith.constant 0 : index
    %get3A_605 = tpu.vector_load %arg13[%get3A_603, %get3A_604] {strides = array<i32>} : memref<2x128xi32, #tpu.memory_space<vmem>>, vector<16xi32>,
    %gather3A_606 = tpu.vector_load_idx %arg28[%get3A_605] : memref<10000xf32, #tpu.memory_space<vmem>>[vector<16xi32>], vector<16xf32>,
    %swap3A_607 = arith.constant 0 : index
    %swap3A_608 = tpu.vector_load %arg30[%swap3A_607] {strides = array<i32>} : memref<128xf32, #tpu.memory_space<vmem>>, vector<16xf32>,
    tpu.vector_store %arg30[%swap3A_607], %gather3A_606 {strides = array<i32>} : memref<128xf32, #tpu.memory_space<vmem>>, vector<16xf32>,
    %get3A_609 = arith.constant 1 : i32
    %get3A_610 = arith.index_cast %get3A_609 : i32 to index
    %get3A_611 = arith.constant 16 : index
    %get3A_612 = tpu.vector_load %arg13[%get3A_610, %get3A_611] {strides = array<i32>} : memref<2x128xi32, #tpu.memory_space<vmem>>, vector<16xi32>,
    %gather3A_613 = tpu.vector_load_idx %arg28[%get3A_612] : memref<10000xf32, #tpu.memory_space<vmem>>[vector<16xi32>], vector<16xf32>,
    %swap3A_614 = arith.constant 16 : index
    %swap3A_615 = tpu.vector_load %arg30[%swap3A_614] {strides = array<i32>} : memref<128xf32, #tpu.memory_space<vmem>>, vector<16xf32>,
    tpu.vector_store %arg30[%swap3A_614], %gather3A_613 {strides = array<i32>} : memref<128xf32, #tpu.memory_space<vmem>>, vector<16xf32>,
    %get3A_616 = arith.constant 1 : i32
    %get3A_617 = arith.index_cast %get3A_616 : i32 to index
    %get3A_618 = arith.constant 32 : index
    %get3A_619 = tpu.vector_load %arg13[%get3A_617, %get3A_618] {strides = array<i32>} : memref<2x128xi32, #tpu.memory_space<vmem>>, vector<16xi32>,
    %gather3A_620 = tpu.vector_load_idx %arg28[%get3A_619] : memref<10000xf32, #tpu.memory_space<vmem>>[vector<16xi32>], vector<16xf32>,
    %swap3A_621 = arith.constant 32 : index
    %swap3A_622 = tpu.vector_load %arg30[%swap3A_621] {strides = array<i32>} : memref<128xf32, #tpu.memory_space<vmem>>, vector<16xf32>,
    tpu.vector_store %arg30[%swap3A_621], %gather3A_620 {strides = array<i32>} : memref<128xf32, #tpu.memory_space<vmem>>, vector<16xf32>,
    %get3A_623 = arith.constant 1 : i32
    %get3A_624 = arith.index_cast %get3A_623 : i32 to index
    %get3A_625 = arith.constant 48 : index
    %get3A_626 = tpu.vector_load %arg13[%get3A_624, %get3A_625] {strides = array<i32>} : memref<2x128xi32, #tpu.memory_space<vmem>>, vector<16xi32>,
    %gather3A_627 = tpu.vector_load_idx %arg28[%get3A_626] : memref<10000xf32, #tpu.memory_space<vmem>>[vector<16xi32>], vector<16xf32>,
    %swap3A_628 = arith.constant 48 : index
    %swap3A_629 = tpu.vector_load %arg30[%swap3A_628] {strides = array<i32>} : memref<128xf32, #tpu.memory_space<vmem>>, vector<16xf32>,
    tpu.vector_store %arg30[%swap3A_628], %gather3A_627 {strides = array<i32>} : memref<128xf32, #tpu.memory_space<vmem>>, vector<16xf32>,
    %get3A_630 = arith.constant 1 : i32
    %get3A_631 = arith.index_cast %get3A_630 : i32 to index
    %get3A_632 = arith.constant 64 : index
    %get3A_633 = tpu.vector_load %arg13[%get3A_631, %get3A_632] {strides = array<i32>} : memref<2x128xi32, #tpu.memory_space<vmem>>, vector<16xi32>,
    %gather3A_634 = tpu.vector_load_idx %arg28[%get3A_633] : memref<10000xf32, #tpu.memory_space<vmem>>[vector<16xi32>], vector<16xf32>,
    %swap3A_635 = arith.constant 64 : index
    %swap3A_636 = tpu.vector_load %arg30[%swap3A_635] {strides = array<i32>} : memref<128xf32, #tpu.memory_space<vmem>>, vector<16xf32>,
    tpu.vector_store %arg30[%swap3A_635], %gather3A_634 {strides = array<i32>} : memref<128xf32, #tpu.memory_space<vmem>>, vector<16xf32>,
    %get3A_637 = arith.constant 1 : i32
    %get3A_638 = arith.index_cast %get3A_637 : i32 to index
    %get3A_639 = arith.constant 80 : index
    %get3A_640 = tpu.vector_load %arg13[%get3A_638, %get3A_639] {strides = array<i32>} : memref<2x128xi32, #tpu.memory_space<vmem>>, vector<16xi32>,
    %gather3A_641 = tpu.vector_load_idx %arg28[%get3A_640] : memref<10000xf32, #tpu.memory_space<vmem>>[vector<16xi32>], vector<16xf32>,
    %swap3A_642 = arith.constant 80 : index
    %swap3A_643 = tpu.vector_load %arg30[%swap3A_642] {strides = array<i32>} : memref<128xf32, #tpu.memory_space<vmem>>, vector<16xf32>,
    tpu.vector_store %arg30[%swap3A_642], %gather3A_641 {strides = array<i32>} : memref<128xf32, #tpu.memory_space<vmem>>, vector<16xf32>,
    %get3A_644 = arith.constant 1 : i32
    %get3A_645 = arith.index_cast %get3A_644 : i32 to index
    %get3A_646 = arith.constant 96 : index
    %get3A_647 = tpu.vector_load %arg13[%get3A_645, %get3A_646] {strides = array<i32>} : memref<2x128xi32, #tpu.memory_space<vmem>>, vector<16xi32>,
    %gather3A_648 = tpu.vector_load_idx %arg28[%get3A_647] : memref<10000xf32, #tpu.memory_space<vmem>>[vector<16xi32>], vector<16xf32>,
    %swap3A_649 = arith.constant 96 : index
    %swap3A_650 = tpu.vector_load %arg30[%swap3A_649] {strides = array<i32>} : memref<128xf32, #tpu.memory_space<vmem>>, vector<16xf32>,
    tpu.vector_store %arg30[%swap3A_649], %gather3A_648 {strides = array<i32>} : memref<128xf32, #tpu.memory_space<vmem>>, vector<16xf32>,
    %get3A_651 = arith.constant 1 : i32
    %get3A_652 = arith.index_cast %get3A_651 : i32 to index
    %get3A_653 = arith.constant 112 : index
    %get3A_654 = tpu.vector_load %arg13[%get3A_652, %get3A_653] {strides = array<i32>} : memref<2x128xi32, #tpu.memory_space<vmem>>, vector<16xi32>,
    %gather3A_655 = tpu.vector_load_idx %arg28[%get3A_654] : memref<10000xf32, #tpu.memory_space<vmem>>[vector<16xi32>], vector<16xf32>,
    %swap3A_656 = arith.constant 112 : index
    %swap3A_657 = tpu.vector_load %arg30[%swap3A_656] {strides = array<i32>} : memref<128xf32, #tpu.memory_space<vmem>>, vector<16xf32>,
    tpu.vector_store %arg30[%swap3A_656], %gather3A_655 {strides = array<i32>} : memref<128xf32, #tpu.memory_space<vmem>>, vector<16xf32>,
    %dma_start3A_658 = arith.constant 0 : i32
    %dma_start3A_659 = arith.constant 0 : i32
    %dma_start3A_660 = tpu.memref_slice %arg13[%dma_start3A_658, %dma_start3A_659] : memref<2x128xi32, #tpu.memory_space<vmem>> -> memref<1x128xi32, #tpu.memory_space<vmem>>
    %dma_start3A_661 = tpu.memref_squeeze %dma_start3A_660 : memref<1x128xi32, #tpu.memory_space<vmem>> -> memref<128xi32, #tpu.memory_space<vmem>>
    %dma_start3A_662 = arith.constant 0 : i32
    %dma_start3A_663 = tpu.memref_slice %arg33[%dma_start3A_662] : memref<10240xf32, #tpu.memory_space<vmem_shared>> -> memref<10240xf32, #tpu.memory_space<vmem_shared>>
    tpu.enqueue_indirect_dma source(%arg30 : memref<128xf32, #tpu.memory_space<vmem>>) target(%dma_start3A_663 : memref<10240xf32, #tpu.memory_space<vmem_shared>>) offsets(%dma_start3A_661 : memref<128xi32, #tpu.memory_space<vmem>>) semaphore(%arg36 : memref<!tpu.dma_semaphore, #tpu.memory_space<semaphore_mem>>) {add = true}
    %dma_wait3A_664 = arith.constant 0 : i32
    %dma_wait3A_665 = arith.constant 0 : i32
    %dma_wait3A_666 = tpu.memref_slice %arg14[%dma_wait3A_664, %dma_wait3A_665] : memref<2x128xi32, #tpu.memory_space<vmem>> -> memref<1x128xi32, #tpu.memory_space<vmem>>
    %dma_wait3A_667 = tpu.memref_squeeze %dma_wait3A_666 : memref<1x128xi32, #tpu.memory_space<vmem>> -> memref<128xi32, #tpu.memory_space<vmem>>
    %dma_wait3A_668 = arith.constant 0 : i32
    %dma_wait3A_669 = arith.constant 0 : i32
    %dma_wait3A_670 = tpu.memref_slice %arg3[%dma_wait3A_668, %dma_wait3A_669] : memref<10000x128xf32, #tpu.memory_space<hbm>> -> memref<10000x128xf32, #tpu.memory_space<hbm>>
    tpu.wait_indirect_dma semaphore(%arg25 : memref<!tpu.dma_semaphore, #tpu.memory_space<semaphore_mem>>) src(%dma_wait3A_670 : memref<10000x128xf32, #tpu.memory_space<hbm>>) dst(%arg16 : memref<128x128xf32, #tpu.memory_space<vmem>>)
    %dma_start3A_671 = arith.constant 1 : i32
    %dma_start3A_672 = arith.constant 0 : i32
    %dma_start3A_673 = tpu.memref_slice %arg14[%dma_start3A_671, %dma_start3A_672] : memref<2x128xi32, #tpu.memory_space<vmem>> -> memref<1x128xi32, #tpu.memory_space<vmem>>
    %dma_start3A_674 = tpu.memref_squeeze %dma_start3A_673 : memref<1x128xi32, #tpu.memory_space<vmem>> -> memref<128xi32, #tpu.memory_space<vmem>>
    %dma_start3A_675 = arith.constant 0 : i32
    %dma_start3A_676 = arith.constant 0 : i32
    %dma_start3A_677 = tpu.memref_slice %arg17[%dma_start3A_675, %dma_start3A_676] : memref<10000x128xf32, #tpu.memory_space<vmem_shared>> -> memref<10000x128xf32, #tpu.memory_space<vmem_shared>>
    tpu.enqueue_indirect_dma source(%arg16 : memref<128x128xf32, #tpu.memory_space<vmem>>) target(%dma_start3A_677 : memref<10000x128xf32, #tpu.memory_space<vmem_shared>>) offsets(%dma_start3A_674 : memref<128xi32, #tpu.memory_space<vmem>>) semaphore(%arg27 : memref<!tpu.dma_semaphore, #tpu.memory_space<semaphore_mem>>) {add = true}
    %dma_wait3A_678 = arith.constant 1 : i32
    %dma_wait3A_679 = arith.constant 0 : i32
    %dma_wait3A_680 = tpu.memref_slice %arg13[%dma_wait3A_678, %dma_wait3A_679] : memref<2x128xi32, #tpu.memory_space<vmem>> -> memref<1x128xi32, #tpu.memory_space<vmem>>
    %dma_wait3A_681 = tpu.memref_squeeze %dma_wait3A_680 : memref<1x128xi32, #tpu.memory_space<vmem>> -> memref<128xi32, #tpu.memory_space<vmem>>
    %dma_wait3A_682 = arith.constant 0 : i32
    %dma_wait3A_683 = arith.constant 0 : i32
    %dma_wait3A_684 = tpu.memref_slice %arg17[%dma_wait3A_682, %dma_wait3A_683] : memref<10000x128xf32, #tpu.memory_space<vmem_shared>> -> memref<10000x128xf32, #tpu.memory_space<vmem_shared>>
    tpu.wait_indirect_dma semaphore(%arg26 : memref<!tpu.dma_semaphore, #tpu.memory_space<semaphore_mem>>) src(%arg15 : memref<128x128xf32, #tpu.memory_space<vmem>>) dst(%dma_wait3A_684 : memref<10000x128xf32, #tpu.memory_space<vmem_shared>>)
    %dma_wait3A_685 = arith.constant 1 : i32
    %dma_wait3A_686 = arith.constant 0 : i32
    %dma_wait3A_687 = tpu.memref_slice %arg12[%dma_wait3A_685, %dma_wait3A_686] : memref<2x128xi32, #tpu.memory_space<vmem>> -> memref<1x128xi32, #tpu.memory_space<vmem>>
    %dma_wait3A_688 = tpu.memref_squeeze %dma_wait3A_687 : memref<1x128xi32, #tpu.memory_space<vmem>> -> memref<128xi32, #tpu.memory_space<vmem>>
    %dma_wait3A_689 = arith.constant 0 : i32
    %dma_wait3A_690 = tpu.memref_slice %arg32[%dma_wait3A_689] : memref<10240xf32, #tpu.memory_space<vmem_shared>> -> memref<10240xf32, #tpu.memory_space<vmem_shared>>
    tpu.wait_indirect_dma semaphore(%arg35 : memref<!tpu.dma_semaphore, #tpu.memory_space<semaphore_mem>>) src(%arg29 : memref<128xf32, #tpu.memory_space<vmem>>) dst(%dma_wait3A_690 : memref<10240xf32, #tpu.memory_space<vmem_shared>>)
    %dma_wait3A_691 = arith.constant 0 : i32
    %dma_wait3A_692 = arith.constant 0 : i32
    %dma_wait3A_693 = tpu.memref_slice %arg12[%dma_wait3A_691, %dma_wait3A_692] : memref<2x128xi32, #tpu.memory_space<vmem>> -> memref<1x128xi32, #tpu.memory_space<vmem>>
    %dma_wait3A_694 = tpu.memref_squeeze %dma_wait3A_693 : memref<1x128xi32, #tpu.memory_space<vmem>> -> memref<128xi32, #tpu.memory_space<vmem>>
    %dma_wait3A_695 = arith.constant 0 : i32
    %dma_wait3A_696 = tpu.memref_slice %arg33[%dma_wait3A_695] : memref<10240xf32, #tpu.memory_space<vmem_shared>> -> memref<10240xf32, #tpu.memory_space<vmem_shared>>
    tpu.wait_indirect_dma semaphore(%arg37 : memref<!tpu.dma_semaphore, #tpu.memory_space<semaphore_mem>>) src(%arg31 : memref<128xf32, #tpu.memory_space<vmem>>) dst(%dma_wait3A_696 : memref<10240xf32, #tpu.memory_space<vmem_shared>>)
    %dma_start3A_697 = arith.constant 1 : i32
    %dma_start3A_698 = arith.constant 0 : i32
    %dma_start3A_699 = tpu.memref_slice %arg14[%dma_start3A_697, %dma_start3A_698] : memref<2x128xi32, #tpu.memory_space<vmem>> -> memref<1x128xi32, #tpu.memory_space<vmem>>
    %dma_start3A_700 = tpu.memref_squeeze %dma_start3A_699 : memref<1x128xi32, #tpu.memory_space<vmem>> -> memref<128xi32, #tpu.memory_space<vmem>>
    %dma_start3A_701 = arith.constant 0 : i32
    %dma_start3A_702 = tpu.memref_slice %arg32[%dma_start3A_701] : memref<10240xf32, #tpu.memory_space<vmem_shared>> -> memref<10240xf32, #tpu.memory_space<vmem_shared>>
    tpu.enqueue_indirect_dma source(%arg29 : memref<128xf32, #tpu.memory_space<vmem>>) target(%dma_start3A_702 : memref<10240xf32, #tpu.memory_space<vmem_shared>>) offsets(%dma_start3A_700 : memref<128xi32, #tpu.memory_space<vmem>>) semaphore(%arg35 : memref<!tpu.dma_semaphore, #tpu.memory_space<semaphore_mem>>) {add = true}
    %get3A_703 = arith.constant 1 : i32
    %get3A_704 = arith.index_cast %get3A_703 : i32 to index
    %get3A_705 = arith.constant 0 : index
    %get3A_706 = tpu.vector_load %arg14[%get3A_704, %get3A_705] {strides = array<i32>} : memref<2x128xi32, #tpu.memory_space<vmem>>, vector<16xi32>,
    %gather3A_707 = tpu.vector_load_idx %arg28[%get3A_706] : memref<10000xf32, #tpu.memory_space<vmem>>[vector<16xi32>], vector<16xf32>,
    %swap3A_708 = arith.constant 0 : index
    %swap3A_709 = tpu.vector_load %arg31[%swap3A_708] {strides = array<i32>} : memref<128xf32, #tpu.memory_space<vmem>>, vector<16xf32>,
    tpu.vector_store %arg31[%swap3A_708], %gather3A_707 {strides = array<i32>} : memref<128xf32, #tpu.memory_space<vmem>>, vector<16xf32>,
    %get3A_710 = arith.constant 1 : i32
    %get3A_711 = arith.index_cast %get3A_710 : i32 to index
    %get3A_712 = arith.constant 16 : index
    %get3A_713 = tpu.vector_load %arg14[%get3A_711, %get3A_712] {strides = array<i32>} : memref<2x128xi32, #tpu.memory_space<vmem>>, vector<16xi32>,
    %gather3A_714 = tpu.vector_load_idx %arg28[%get3A_713] : memref<10000xf32, #tpu.memory_space<vmem>>[vector<16xi32>], vector<16xf32>,
    %swap3A_715 = arith.constant 16 : index
    %swap3A_716 = tpu.vector_load %arg31[%swap3A_715] {strides = array<i32>} : memref<128xf32, #tpu.memory_space<vmem>>, vector<16xf32>,
    tpu.vector_store %arg31[%swap3A_715], %gather3A_714 {strides = array<i32>} : memref<128xf32, #tpu.memory_space<vmem>>, vector<16xf32>,
    %get3A_717 = arith.constant 1 : i32
    %get3A_718 = arith.index_cast %get3A_717 : i32 to index
    %get3A_719 = arith.constant 32 : index
    %get3A_720 = tpu.vector_load %arg14[%get3A_718, %get3A_719] {strides = array<i32>} : memref<2x128xi32, #tpu.memory_space<vmem>>, vector<16xi32>,
    %gather3A_721 = tpu.vector_load_idx %arg28[%get3A_720] : memref<10000xf32, #tpu.memory_space<vmem>>[vector<16xi32>], vector<16xf32>,
    %swap3A_722 = arith.constant 32 : index
    %swap3A_723 = tpu.vector_load %arg31[%swap3A_722] {strides = array<i32>} : memref<128xf32, #tpu.memory_space<vmem>>, vector<16xf32>,
    tpu.vector_store %arg31[%swap3A_722], %gather3A_721 {strides = array<i32>} : memref<128xf32, #tpu.memory_space<vmem>>, vector<16xf32>,
    %get3A_724 = arith.constant 1 : i32
    %get3A_725 = arith.index_cast %get3A_724 : i32 to index
    %get3A_726 = arith.constant 48 : index
    %get3A_727 = tpu.vector_load %arg14[%get3A_725, %get3A_726] {strides = array<i32>} : memref<2x128xi32, #tpu.memory_space<vmem>>, vector<16xi32>,
    %gather3A_728 = tpu.vector_load_idx %arg28[%get3A_727] : memref<10000xf32, #tpu.memory_space<vmem>>[vector<16xi32>], vector<16xf32>,
    %swap3A_729 = arith.constant 48 : index
    %swap3A_730 = tpu.vector_load %arg31[%swap3A_729] {strides = array<i32>} : memref<128xf32, #tpu.memory_space<vmem>>, vector<16xf32>,
    tpu.vector_store %arg31[%swap3A_729], %gather3A_728 {strides = array<i32>} : memref<128xf32, #tpu.memory_space<vmem>>, vector<16xf32>,
    %get3A_731 = arith.constant 1 : i32
    %get3A_732 = arith.index_cast %get3A_731 : i32 to index
    %get3A_733 = arith.constant 64 : index
    %get3A_734 = tpu.vector_load %arg14[%get3A_732, %get3A_733] {strides = array<i32>} : memref<2x128xi32, #tpu.memory_space<vmem>>, vector<16xi32>,
    %gather3A_735 = tpu.vector_load_idx %arg28[%get3A_734] : memref<10000xf32, #tpu.memory_space<vmem>>[vector<16xi32>], vector<16xf32>,
    %swap3A_736 = arith.constant 64 : index
    %swap3A_737 = tpu.vector_load %arg31[%swap3A_736] {strides = array<i32>} : memref<128xf32, #tpu.memory_space<vmem>>, vector<16xf32>,
    tpu.vector_store %arg31[%swap3A_736], %gather3A_735 {strides = array<i32>} : memref<128xf32, #tpu.memory_space<vmem>>, vector<16xf32>,
    %get3A_738 = arith.constant 1 : i32
    %get3A_739 = arith.index_cast %get3A_738 : i32 to index
    %get3A_740 = arith.constant 80 : index
    %get3A_741 = tpu.vector_load %arg14[%get3A_739, %get3A_740] {strides = array<i32>} : memref<2x128xi32, #tpu.memory_space<vmem>>, vector<16xi32>,
    %gather3A_742 = tpu.vector_load_idx %arg28[%get3A_741] : memref<10000xf32, #tpu.memory_space<vmem>>[vector<16xi32>], vector<16xf32>,
    %swap3A_743 = arith.constant 80 : index
    %swap3A_744 = tpu.vector_load %arg31[%swap3A_743] {strides = array<i32>} : memref<128xf32, #tpu.memory_space<vmem>>, vector<16xf32>,
    tpu.vector_store %arg31[%swap3A_743], %gather3A_742 {strides = array<i32>} : memref<128xf32, #tpu.memory_space<vmem>>, vector<16xf32>,
    %get3A_745 = arith.constant 1 : i32
    %get3A_746 = arith.index_cast %get3A_745 : i32 to index
    %get3A_747 = arith.constant 96 : index
    %get3A_748 = tpu.vector_load %arg14[%get3A_746, %get3A_747] {strides = array<i32>} : memref<2x128xi32, #tpu.memory_space<vmem>>, vector<16xi32>,
    %gather3A_749 = tpu.vector_load_idx %arg28[%get3A_748] : memref<10000xf32, #tpu.memory_space<vmem>>[vector<16xi32>], vector<16xf32>,
    %swap3A_750 = arith.constant 96 : index
    %swap3A_751 = tpu.vector_load %arg31[%swap3A_750] {strides = array<i32>} : memref<128xf32, #tpu.memory_space<vmem>>, vector<16xf32>,
    tpu.vector_store %arg31[%swap3A_750], %gather3A_749 {strides = array<i32>} : memref<128xf32, #tpu.memory_space<vmem>>, vector<16xf32>,
    %get3A_752 = arith.constant 1 : i32
    %get3A_753 = arith.index_cast %get3A_752 : i32 to index
    %get3A_754 = arith.constant 112 : index
    %get3A_755 = tpu.vector_load %arg14[%get3A_753, %get3A_754] {strides = array<i32>} : memref<2x128xi32, #tpu.memory_space<vmem>>, vector<16xi32>,
    %gather3A_756 = tpu.vector_load_idx %arg28[%get3A_755] : memref<10000xf32, #tpu.memory_space<vmem>>[vector<16xi32>], vector<16xf32>,
    %swap3A_757 = arith.constant 112 : index
    %swap3A_758 = tpu.vector_load %arg31[%swap3A_757] {strides = array<i32>} : memref<128xf32, #tpu.memory_space<vmem>>, vector<16xf32>,
    tpu.vector_store %arg31[%swap3A_757], %gather3A_756 {strides = array<i32>} : memref<128xf32, #tpu.memory_space<vmem>>, vector<16xf32>,
    %dma_start3A_759 = arith.constant 0 : i32
    %dma_start3A_760 = arith.constant 0 : i32
    %dma_start3A_761 = tpu.memref_slice %arg14[%dma_start3A_759, %dma_start3A_760] : memref<2x128xi32, #tpu.memory_space<vmem>> -> memref<1x128xi32, #tpu.memory_space<vmem>>
    %dma_start3A_762 = tpu.memref_squeeze %dma_start3A_761 : memref<1x128xi32, #tpu.memory_space<vmem>> -> memref<128xi32, #tpu.memory_space<vmem>>
    %dma_start3A_763 = arith.constant 0 : i32
    %dma_start3A_764 = tpu.memref_slice %arg33[%dma_start3A_763] : memref<10240xf32, #tpu.memory_space<vmem_shared>> -> memref<10240xf32, #tpu.memory_space<vmem_shared>>
    tpu.enqueue_indirect_dma source(%arg31 : memref<128xf32, #tpu.memory_space<vmem>>) target(%dma_start3A_764 : memref<10240xf32, #tpu.memory_space<vmem_shared>>) offsets(%dma_start3A_762 : memref<128xi32, #tpu.memory_space<vmem>>) semaphore(%arg37 : memref<!tpu.dma_semaphore, #tpu.memory_space<semaphore_mem>>) {add = true}
    %dma_wait3A_765 = arith.constant 1 : i32
    %dma_wait3A_766 = arith.constant 0 : i32
    %dma_wait3A_767 = tpu.memref_slice %arg14[%dma_wait3A_765, %dma_wait3A_766] : memref<2x128xi32, #tpu.memory_space<vmem>> -> memref<1x128xi32, #tpu.memory_space<vmem>>
    %dma_wait3A_768 = tpu.memref_squeeze %dma_wait3A_767 : memref<1x128xi32, #tpu.memory_space<vmem>> -> memref<128xi32, #tpu.memory_space<vmem>>
    %dma_wait3A_769 = arith.constant 0 : i32
    %dma_wait3A_770 = arith.constant 0 : i32
    %dma_wait3A_771 = tpu.memref_slice %arg17[%dma_wait3A_769, %dma_wait3A_770] : memref<10000x128xf32, #tpu.memory_space<vmem_shared>> -> memref<10000x128xf32, #tpu.memory_space<vmem_shared>>
    tpu.wait_indirect_dma semaphore(%arg27 : memref<!tpu.dma_semaphore, #tpu.memory_space<semaphore_mem>>) src(%arg16 : memref<128x128xf32, #tpu.memory_space<vmem>>) dst(%dma_wait3A_771 : memref<10000x128xf32, #tpu.memory_space<vmem_shared>>)
    %dma_wait3A_772 = arith.constant 1 : i32
    %dma_wait3A_773 = arith.constant 0 : i32
    %dma_wait3A_774 = tpu.memref_slice %arg13[%dma_wait3A_772, %dma_wait3A_773] : memref<2x128xi32, #tpu.memory_space<vmem>> -> memref<1x128xi32, #tpu.memory_space<vmem>>
    %dma_wait3A_775 = tpu.memref_squeeze %dma_wait3A_774 : memref<1x128xi32, #tpu.memory_space<vmem>> -> memref<128xi32, #tpu.memory_space<vmem>>
    %dma_wait3A_776 = arith.constant 0 : i32
    %dma_wait3A_777 = tpu.memref_slice %arg32[%dma_wait3A_776] : memref<10240xf32, #tpu.memory_space<vmem_shared>> -> memref<10240xf32, #tpu.memory_space<vmem_shared>>
    tpu.wait_indirect_dma semaphore(%arg34 : memref<!tpu.dma_semaphore, #tpu.memory_space<semaphore_mem>>) src(%arg29 : memref<128xf32, #tpu.memory_space<vmem>>) dst(%dma_wait3A_777 : memref<10240xf32, #tpu.memory_space<vmem_shared>>)
    %dma_wait3A_778 = arith.constant 0 : i32
    %dma_wait3A_779 = arith.constant 0 : i32
    %dma_wait3A_780 = tpu.memref_slice %arg13[%dma_wait3A_778, %dma_wait3A_779] : memref<2x128xi32, #tpu.memory_space<vmem>> -> memref<1x128xi32, #tpu.memory_space<vmem>>
    %dma_wait3A_781 = tpu.memref_squeeze %dma_wait3A_780 : memref<1x128xi32, #tpu.memory_space<vmem>> -> memref<128xi32, #tpu.memory_space<vmem>>
    %dma_wait3A_782 = arith.constant 0 : i32
    %dma_wait3A_783 = tpu.memref_slice %arg33[%dma_wait3A_782] : memref<10240xf32, #tpu.memory_space<vmem_shared>> -> memref<10240xf32, #tpu.memory_space<vmem_shared>>
    tpu.wait_indirect_dma semaphore(%arg36 : memref<!tpu.dma_semaphore, #tpu.memory_space<semaphore_mem>>) src(%arg30 : memref<128xf32, #tpu.memory_space<vmem>>) dst(%dma_wait3A_783 : memref<10240xf32, #tpu.memory_space<vmem_shared>>)
    %dma_wait3A_784 = arith.constant 1 : i32
    %dma_wait3A_785 = arith.constant 0 : i32
    %dma_wait3A_786 = tpu.memref_slice %arg14[%dma_wait3A_784, %dma_wait3A_785] : memref<2x128xi32, #tpu.memory_space<vmem>> -> memref<1x128xi32, #tpu.memory_space<vmem>>
    %dma_wait3A_787 = tpu.memref_squeeze %dma_wait3A_786 : memref<1x128xi32, #tpu.memory_space<vmem>> -> memref<128xi32, #tpu.memory_space<vmem>>
    %dma_wait3A_788 = arith.constant 0 : i32
    %dma_wait3A_789 = tpu.memref_slice %arg32[%dma_wait3A_788] : memref<10240xf32, #tpu.memory_space<vmem_shared>> -> memref<10240xf32, #tpu.memory_space<vmem_shared>>
    tpu.wait_indirect_dma semaphore(%arg35 : memref<!tpu.dma_semaphore, #tpu.memory_space<semaphore_mem>>) src(%arg29 : memref<128xf32, #tpu.memory_space<vmem>>) dst(%dma_wait3A_789 : memref<10240xf32, #tpu.memory_space<vmem_shared>>)
    %dma_wait3A_790 = arith.constant 0 : i32
    %dma_wait3A_791 = arith.constant 0 : i32
    %dma_wait3A_792 = tpu.memref_slice %arg14[%dma_wait3A_790, %dma_wait3A_791] : memref<2x128xi32, #tpu.memory_space<vmem>> -> memref<1x128xi32, #tpu.memory_space<vmem>>
    %dma_wait3A_793 = tpu.memref_squeeze %dma_wait3A_792 : memref<1x128xi32, #tpu.memory_space<vmem>> -> memref<128xi32, #tpu.memory_space<vmem>>
    %dma_wait3A_794 = arith.constant 0 : i32
    %dma_wait3A_795 = tpu.memref_slice %arg33[%dma_wait3A_794] : memref<10240xf32, #tpu.memory_space<vmem_shared>> -> memref<10240xf32, #tpu.memory_space<vmem_shared>>
    tpu.wait_indirect_dma semaphore(%arg37 : memref<!tpu.dma_semaphore, #tpu.memory_space<semaphore_mem>>) src(%arg31 : memref<128xf32, #tpu.memory_space<vmem>>) dst(%dma_wait3A_795 : memref<10240xf32, #tpu.memory_space<vmem_shared>>)
    %lt3A_796 = arith.constant 4 : i32
    %lt3A_797 = arith.cmpi slt, %add3A, %lt3A_796 : i32
    %convert_element_type3A_798 = arith.extui %lt3A_797 : i1 to i32
    %cond3A_799 = arith.constant 0 : i32
    %cond3A_800 = arith.cmpi ne, %convert_element_type3A_798, %cond3A_799 : i32
    scf.if %cond3A_800 {
      %add3A_822 = arith.constant 2496 : i32
      %add3A_823 = arith.addi %add3A_822, %add3A : i32
      %mul3A_824 = arith.constant 128 : i32
      %mul3A_825 = arith.muli %add3A_823, %mul3A_824 : i32
      "tpu.region"() ({
        %run_scoped3A_885 = tpu.sem_alloc : memref<!tpu.dma_semaphore, #tpu.memory_space<semaphore_mem>>
        %dma_start3A_886 = arith.constant 0 : i32
        %dma_start3A_887 = tpu.memref_slice %arg2[%dma_start3A_886, %mul3A_825] : memref<2x320000xi32, #tpu.memory_space<hbm>> -> memref<2x128xi32, #tpu.memory_space<hbm>>
        %dma_start3A_888 = arith.constant 0 : i32
        %dma_start3A_889 = tpu.memref_slice %arg2[%dma_start3A_888, %mul3A_825] : memref<2x320000xi32, #tpu.memory_space<hbm>> -> memref<2x128xi32, #tpu.memory_space<hbm>>
        tpu.enqueue_dma source(%dma_start3A_889 : memref<2x128xi32, #tpu.memory_space<hbm>>) target(%arg9 : memref<2x128xi32, #tpu.memory_space<vmem>>) target_semaphore(%run_scoped3A_885 : memref<!tpu.dma_semaphore, #tpu.memory_space<semaphore_mem>>)
        %dma_wait3A_890 = arith.constant 0 : i32
        %dma_wait3A_891 = tpu.memref_slice %arg2[%dma_wait3A_890, %mul3A_825] : memref<2x320000xi32, #tpu.memory_space<hbm>> -> memref<2x128xi32, #tpu.memory_space<hbm>>
        %dma_wait3A_892 = arith.constant 0 : i32
        %dma_wait3A_893 = tpu.memref_slice %arg2[%dma_wait3A_892, %mul3A_825] : memref<2x320000xi32, #tpu.memory_space<hbm>> -> memref<2x128xi32, #tpu.memory_space<hbm>>
        tpu.wait_dma2 semaphore(%run_scoped3A_885 : memref<!tpu.dma_semaphore, #tpu.memory_space<semaphore_mem>>) src(%dma_wait3A_893 : memref<2x128xi32, #tpu.memory_space<hbm>>) dst(%arg9 : memref<2x128xi32, #tpu.memory_space<vmem>>)
        tpu.yield
      }) : () -> ()
      %run_scoped3A = arith.constant 0 : i32
      "tpu.region"() ({
        %run_scoped3A_885 = tpu.sem_alloc : memref<!tpu.dma_semaphore, #tpu.memory_space<semaphore_mem>>
        %dma_start3A_886 = arith.constant 0 : i32
        %dma_start3A_887 = tpu.memref_slice %arg9[%run_scoped3A, %dma_start3A_886] : memref<2x128xi32, #tpu.memory_space<vmem>> -> memref<1x128xi32, #tpu.memory_space<vmem>>
        %dma_start3A_888 = tpu.memref_squeeze %dma_start3A_887 : memref<1x128xi32, #tpu.memory_space<vmem>> -> memref<128xi32, #tpu.memory_space<vmem>>
        %dma_start3A_889 = arith.constant 0 : i32
        %dma_start3A_890 = arith.constant 0 : i32
        %dma_start3A_891 = tpu.memref_slice %arg3[%dma_start3A_889, %dma_start3A_890] : memref<10000x128xf32, #tpu.memory_space<hbm>> -> memref<10000x128xf32, #tpu.memory_space<hbm>>
        tpu.enqueue_indirect_dma source(%dma_start3A_891 : memref<10000x128xf32, #tpu.memory_space<hbm>>) target(%arg15 : memref<128x128xf32, #tpu.memory_space<vmem>>) offsets(%dma_start3A_888 : memref<128xi32, #tpu.memory_space<vmem>>) semaphore(%run_scoped3A_885 : memref<!tpu.dma_semaphore, #tpu.memory_space<semaphore_mem>>)
        %dma_wait3A_892 = arith.constant 0 : i32
        %dma_wait3A_893 = tpu.memref_slice %arg9[%run_scoped3A, %dma_wait3A_892] : memref<2x128xi32, #tpu.memory_space<vmem>> -> memref<1x128xi32, #tpu.memory_space<vmem>>
        %dma_wait3A_894 = tpu.memref_squeeze %dma_wait3A_893 : memref<1x128xi32, #tpu.memory_space<vmem>> -> memref<128xi32, #tpu.memory_space<vmem>>
        %dma_wait3A_895 = arith.constant 0 : i32
        %dma_wait3A_896 = arith.constant 0 : i32
        %dma_wait3A_897 = tpu.memref_slice %arg3[%dma_wait3A_895, %dma_wait3A_896] : memref<10000x128xf32, #tpu.memory_space<hbm>> -> memref<10000x128xf32, #tpu.memory_space<hbm>>
        tpu.wait_indirect_dma semaphore(%run_scoped3A_885 : memref<!tpu.dma_semaphore, #tpu.memory_space<semaphore_mem>>) src(%dma_wait3A_897 : memref<10000x128xf32, #tpu.memory_space<hbm>>) dst(%arg15 : memref<128x128xf32, #tpu.memory_space<vmem>>)
        tpu.yield
      }) : () -> ()
      %run_scoped3A_826 = arith.constant 1 : i32
      "tpu.region"() ({
        %run_scoped3A_885 = tpu.sem_alloc : memref<!tpu.dma_semaphore, #tpu.memory_space<semaphore_mem>>
        %dma_start3A_886 = arith.constant 0 : i32
        %dma_start3A_887 = tpu.memref_slice %arg9[%run_scoped3A_826, %dma_start3A_886] : memref<2x128xi32, #tpu.memory_space<vmem>> -> memref<1x128xi32, #tpu.memory_space<vmem>>
        %dma_start3A_888 = tpu.memref_squeeze %dma_start3A_887 : memref<1x128xi32, #tpu.memory_space<vmem>> -> memref<128xi32, #tpu.memory_space<vmem>>
        %dma_start3A_889 = arith.constant 0 : i32
        %dma_start3A_890 = arith.constant 0 : i32
        %dma_start3A_891 = tpu.memref_slice %arg17[%dma_start3A_889, %dma_start3A_890] : memref<10000x128xf32, #tpu.memory_space<vmem_shared>> -> memref<10000x128xf32, #tpu.memory_space<vmem_shared>>
        tpu.enqueue_indirect_dma source(%arg15 : memref<128x128xf32, #tpu.memory_space<vmem>>) target(%dma_start3A_891 : memref<10000x128xf32, #tpu.memory_space<vmem_shared>>) offsets(%dma_start3A_888 : memref<128xi32, #tpu.memory_space<vmem>>) semaphore(%run_scoped3A_885 : memref<!tpu.dma_semaphore, #tpu.memory_space<semaphore_mem>>) {add = true}
        %dma_wait3A_892 = arith.constant 0 : i32
        %dma_wait3A_893 = tpu.memref_slice %arg9[%run_scoped3A_826, %dma_wait3A_892] : memref<2x128xi32, #tpu.memory_space<vmem>> -> memref<1x128xi32, #tpu.memory_space<vmem>>
        %dma_wait3A_894 = tpu.memref_squeeze %dma_wait3A_893 : memref<1x128xi32, #tpu.memory_space<vmem>> -> memref<128xi32, #tpu.memory_space<vmem>>
        %dma_wait3A_895 = arith.constant 0 : i32
        %dma_wait3A_896 = arith.constant 0 : i32
        %dma_wait3A_897 = tpu.memref_slice %arg17[%dma_wait3A_895, %dma_wait3A_896] : memref<10000x128xf32, #tpu.memory_space<vmem_shared>> -> memref<10000x128xf32, #tpu.memory_space<vmem_shared>>
        tpu.wait_indirect_dma semaphore(%run_scoped3A_885 : memref<!tpu.dma_semaphore, #tpu.memory_space<semaphore_mem>>) src(%arg15 : memref<128x128xf32, #tpu.memory_space<vmem>>) dst(%dma_wait3A_897 : memref<10000x128xf32, #tpu.memory_space<vmem_shared>>)
        tpu.yield
      }) : () -> ()
      %run_scoped3A_827 = arith.constant 1 : i32
      "tpu.region"() ({
        %run_scoped3A_885 = tpu.sem_alloc : memref<!tpu.dma_semaphore, #tpu.memory_space<semaphore_mem>>
        %dma_start3A_886 = arith.constant 0 : i32
        %dma_start3A_887 = tpu.memref_slice %arg9[%run_scoped3A_827, %dma_start3A_886] : memref<2x128xi32, #tpu.memory_space<vmem>> -> memref<1x128xi32, #tpu.memory_space<vmem>>
        %dma_start3A_888 = tpu.memref_squeeze %dma_start3A_887 : memref<1x128xi32, #tpu.memory_space<vmem>> -> memref<128xi32, #tpu.memory_space<vmem>>
        %dma_start3A_889 = arith.constant 0 : i32
        %dma_start3A_890 = tpu.memref_slice %arg32[%dma_start3A_889] : memref<10240xf32, #tpu.memory_space<vmem_shared>> -> memref<10240xf32, #tpu.memory_space<vmem_shared>>
        tpu.enqueue_indirect_dma source(%arg29 : memref<128xf32, #tpu.memory_space<vmem>>) target(%dma_start3A_890 : memref<10240xf32, #tpu.memory_space<vmem_shared>>) offsets(%dma_start3A_888 : memref<128xi32, #tpu.memory_space<vmem>>) semaphore(%run_scoped3A_885 : memref<!tpu.dma_semaphore, #tpu.memory_space<semaphore_mem>>) {add = true}
        %dma_wait3A_891 = arith.constant 0 : i32
        %dma_wait3A_892 = tpu.memref_slice %arg9[%run_scoped3A_827, %dma_wait3A_891] : memref<2x128xi32, #tpu.memory_space<vmem>> -> memref<1x128xi32, #tpu.memory_space<vmem>>
        %dma_wait3A_893 = tpu.memref_squeeze %dma_wait3A_892 : memref<1x128xi32, #tpu.memory_space<vmem>> -> memref<128xi32, #tpu.memory_space<vmem>>
        %dma_wait3A_894 = arith.constant 0 : i32
        %dma_wait3A_895 = tpu.memref_slice %arg32[%dma_wait3A_894] : memref<10240xf32, #tpu.memory_space<vmem_shared>> -> memref<10240xf32, #tpu.memory_space<vmem_shared>>
        tpu.wait_indirect_dma semaphore(%run_scoped3A_885 : memref<!tpu.dma_semaphore, #tpu.memory_space<semaphore_mem>>) src(%arg29 : memref<128xf32, #tpu.memory_space<vmem>>) dst(%dma_wait3A_895 : memref<10240xf32, #tpu.memory_space<vmem_shared>>)
        tpu.yield
      }) : () -> ()
      %get3A_828 = arith.constant 1 : i32
      %get3A_829 = arith.index_cast %get3A_828 : i32 to index
      %get3A_830 = arith.constant 0 : index
      %get3A_831 = tpu.vector_load %arg9[%get3A_829, %get3A_830] {strides = array<i32>} : memref<2x128xi32, #tpu.memory_space<vmem>>, vector<16xi32>,
      %gather3A_832 = tpu.vector_load_idx %arg28[%get3A_831] : memref<10000xf32, #tpu.memory_space<vmem>>[vector<16xi32>], vector<16xf32>,
      %swap3A_833 = arith.constant 0 : index
      %swap3A_834 = tpu.vector_load %arg30[%swap3A_833] {strides = array<i32>} : memref<128xf32, #tpu.memory_space<vmem>>, vector<16xf32>,
      tpu.vector_store %arg30[%swap3A_833], %gather3A_832 {strides = array<i32>} : memref<128xf32, #tpu.memory_space<vmem>>, vector<16xf32>,
      %get3A_835 = arith.constant 1 : i32
      %get3A_836 = arith.index_cast %get3A_835 : i32 to index
      %get3A_837 = arith.constant 16 : index
      %get3A_838 = tpu.vector_load %arg9[%get3A_836, %get3A_837] {strides = array<i32>} : memref<2x128xi32, #tpu.memory_space<vmem>>, vector<16xi32>,
      %gather3A_839 = tpu.vector_load_idx %arg28[%get3A_838] : memref<10000xf32, #tpu.memory_space<vmem>>[vector<16xi32>], vector<16xf32>,
      %swap3A_840 = arith.constant 16 : index
      %swap3A_841 = tpu.vector_load %arg30[%swap3A_840] {strides = array<i32>} : memref<128xf32, #tpu.memory_space<vmem>>, vector<16xf32>,
      tpu.vector_store %arg30[%swap3A_840], %gather3A_839 {strides = array<i32>} : memref<128xf32, #tpu.memory_space<vmem>>, vector<16xf32>,
      %get3A_842 = arith.constant 1 : i32
      %get3A_843 = arith.index_cast %get3A_842 : i32 to index
      %get3A_844 = arith.constant 32 : index
      %get3A_845 = tpu.vector_load %arg9[%get3A_843, %get3A_844] {strides = array<i32>} : memref<2x128xi32, #tpu.memory_space<vmem>>, vector<16xi32>,
      %gather3A_846 = tpu.vector_load_idx %arg28[%get3A_845] : memref<10000xf32, #tpu.memory_space<vmem>>[vector<16xi32>], vector<16xf32>,
      %swap3A_847 = arith.constant 32 : index
      %swap3A_848 = tpu.vector_load %arg30[%swap3A_847] {strides = array<i32>} : memref<128xf32, #tpu.memory_space<vmem>>, vector<16xf32>,
      tpu.vector_store %arg30[%swap3A_847], %gather3A_846 {strides = array<i32>} : memref<128xf32, #tpu.memory_space<vmem>>, vector<16xf32>,
      %get3A_849 = arith.constant 1 : i32
      %get3A_850 = arith.index_cast %get3A_849 : i32 to index
      %get3A_851 = arith.constant 48 : index
      %get3A_852 = tpu.vector_load %arg9[%get3A_850, %get3A_851] {strides = array<i32>} : memref<2x128xi32, #tpu.memory_space<vmem>>, vector<16xi32>,
      %gather3A_853 = tpu.vector_load_idx %arg28[%get3A_852] : memref<10000xf32, #tpu.memory_space<vmem>>[vector<16xi32>], vector<16xf32>,
      %swap3A_854 = arith.constant 48 : index
      %swap3A_855 = tpu.vector_load %arg30[%swap3A_854] {strides = array<i32>} : memref<128xf32, #tpu.memory_space<vmem>>, vector<16xf32>,
      tpu.vector_store %arg30[%swap3A_854], %gather3A_853 {strides = array<i32>} : memref<128xf32, #tpu.memory_space<vmem>>, vector<16xf32>,
      %get3A_856 = arith.constant 1 : i32
      %get3A_857 = arith.index_cast %get3A_856 : i32 to index
      %get3A_858 = arith.constant 64 : index
      %get3A_859 = tpu.vector_load %arg9[%get3A_857, %get3A_858] {strides = array<i32>} : memref<2x128xi32, #tpu.memory_space<vmem>>, vector<16xi32>,
      %gather3A_860 = tpu.vector_load_idx %arg28[%get3A_859] : memref<10000xf32, #tpu.memory_space<vmem>>[vector<16xi32>], vector<16xf32>,
      %swap3A_861 = arith.constant 64 : index
      %swap3A_862 = tpu.vector_load %arg30[%swap3A_861] {strides = array<i32>} : memref<128xf32, #tpu.memory_space<vmem>>, vector<16xf32>,
      tpu.vector_store %arg30[%swap3A_861], %gather3A_860 {strides = array<i32>} : memref<128xf32, #tpu.memory_space<vmem>>, vector<16xf32>,
      %get3A_863 = arith.constant 1 : i32
      %get3A_864 = arith.index_cast %get3A_863 : i32 to index
      %get3A_865 = arith.constant 80 : index
      %get3A_866 = tpu.vector_load %arg9[%get3A_864, %get3A_865] {strides = array<i32>} : memref<2x128xi32, #tpu.memory_space<vmem>>, vector<16xi32>,
      %gather3A_867 = tpu.vector_load_idx %arg28[%get3A_866] : memref<10000xf32, #tpu.memory_space<vmem>>[vector<16xi32>], vector<16xf32>,
      %swap3A_868 = arith.constant 80 : index
      %swap3A_869 = tpu.vector_load %arg30[%swap3A_868] {strides = array<i32>} : memref<128xf32, #tpu.memory_space<vmem>>, vector<16xf32>,
      tpu.vector_store %arg30[%swap3A_868], %gather3A_867 {strides = array<i32>} : memref<128xf32, #tpu.memory_space<vmem>>, vector<16xf32>,
      %get3A_870 = arith.constant 1 : i32
      %get3A_871 = arith.index_cast %get3A_870 : i32 to index
      %get3A_872 = arith.constant 96 : index
      %get3A_873 = tpu.vector_load %arg9[%get3A_871, %get3A_872] {strides = array<i32>} : memref<2x128xi32, #tpu.memory_space<vmem>>, vector<16xi32>,
      %gather3A_874 = tpu.vector_load_idx %arg28[%get3A_873] : memref<10000xf32, #tpu.memory_space<vmem>>[vector<16xi32>], vector<16xf32>,
      %swap3A_875 = arith.constant 96 : index
      %swap3A_876 = tpu.vector_load %arg30[%swap3A_875] {strides = array<i32>} : memref<128xf32, #tpu.memory_space<vmem>>, vector<16xf32>,
      tpu.vector_store %arg30[%swap3A_875], %gather3A_874 {strides = array<i32>} : memref<128xf32, #tpu.memory_space<vmem>>, vector<16xf32>,
      %get3A_877 = arith.constant 1 : i32
      %get3A_878 = arith.index_cast %get3A_877 : i32 to index
      %get3A_879 = arith.constant 112 : index
      %get3A_880 = tpu.vector_load %arg9[%get3A_878, %get3A_879] {strides = array<i32>} : memref<2x128xi32, #tpu.memory_space<vmem>>, vector<16xi32>,
      %gather3A_881 = tpu.vector_load_idx %arg28[%get3A_880] : memref<10000xf32, #tpu.memory_space<vmem>>[vector<16xi32>], vector<16xf32>,
      %swap3A_882 = arith.constant 112 : index
      %swap3A_883 = tpu.vector_load %arg30[%swap3A_882] {strides = array<i32>} : memref<128xf32, #tpu.memory_space<vmem>>, vector<16xf32>,
      tpu.vector_store %arg30[%swap3A_882], %gather3A_881 {strides = array<i32>} : memref<128xf32, #tpu.memory_space<vmem>>, vector<16xf32>,
      %run_scoped3A_884 = arith.constant 0 : i32
      "tpu.region"() ({
        %run_scoped3A_885 = tpu.sem_alloc : memref<!tpu.dma_semaphore, #tpu.memory_space<semaphore_mem>>
        %dma_start3A_886 = arith.constant 0 : i32
        %dma_start3A_887 = tpu.memref_slice %arg9[%run_scoped3A_884, %dma_start3A_886] : memref<2x128xi32, #tpu.memory_space<vmem>> -> memref<1x128xi32, #tpu.memory_space<vmem>>
        %dma_start3A_888 = tpu.memref_squeeze %dma_start3A_887 : memref<1x128xi32, #tpu.memory_space<vmem>> -> memref<128xi32, #tpu.memory_space<vmem>>
        %dma_start3A_889 = arith.constant 0 : i32
        %dma_start3A_890 = tpu.memref_slice %arg33[%dma_start3A_889] : memref<10240xf32, #tpu.memory_space<vmem_shared>> -> memref<10240xf32, #tpu.memory_space<vmem_shared>>
        tpu.enqueue_indirect_dma source(%arg30 : memref<128xf32, #tpu.memory_space<vmem>>) target(%dma_start3A_890 : memref<10240xf32, #tpu.memory_space<vmem_shared>>) offsets(%dma_start3A_888 : memref<128xi32, #tpu.memory_space<vmem>>) semaphore(%run_scoped3A_885 : memref<!tpu.dma_semaphore, #tpu.memory_space<semaphore_mem>>) {add = true}
        %dma_wait3A_891 = arith.constant 0 : i32
        %dma_wait3A_892 = tpu.memref_slice %arg9[%run_scoped3A_884, %dma_wait3A_891] : memref<2x128xi32, #tpu.memory_space<vmem>> -> memref<1x128xi32, #tpu.memory_space<vmem>>
        %dma_wait3A_893 = tpu.memref_squeeze %dma_wait3A_892 : memref<1x128xi32, #tpu.memory_space<vmem>> -> memref<128xi32, #tpu.memory_space<vmem>>
        %dma_wait3A_894 = arith.constant 0 : i32
        %dma_wait3A_895 = tpu.memref_slice %arg33[%dma_wait3A_894] : memref<10240xf32, #tpu.memory_space<vmem_shared>> -> memref<10240xf32, #tpu.memory_space<vmem_shared>>
        tpu.wait_indirect_dma semaphore(%run_scoped3A_885 : memref<!tpu.dma_semaphore, #tpu.memory_space<semaphore_mem>>) src(%arg30 : memref<128xf32, #tpu.memory_space<vmem>>) dst(%dma_wait3A_895 : memref<10240xf32, #tpu.memory_space<vmem_shared>>)
        tpu.yield
      }) : () -> ()
    } else {
    }
    %barrier3A_801 = arith.constant 0 : index
    tpu.barrier barrier_id(%barrier3A_801)
    %lt3A_802 = arith.constant 15 : i32
    %lt3A_803 = arith.cmpi slt, %arg1, %lt3A_802 : i32
    %convert_element_type3A_804 = arith.extui %lt3A_803 : i1 to i32
    %cond3A_805 = arith.constant 0 : i32
    %cond3A_806 = arith.cmpi ne, %convert_element_type3A_804, %cond3A_805 : i32
    scf.if %cond3A_806 {
      %mul3A_822 = arith.constant 640 : i32
      %mul3A_823 = arith.muli %arg1, %mul3A_822 : i32
      %mul3A_824 = arith.constant 640 : i32
      %mul3A_825 = arith.muli %arg1, %mul3A_824 : i32
      "tpu.region"() ({
        %run_scoped3A = tpu.sem_alloc : memref<!tpu.dma_semaphore, #tpu.memory_space<semaphore_mem>>
        %dma_start3A_826 = arith.constant 0 : i32
        %dma_start3A_827 = tpu.memref_slice %arg6[%arg0, %mul3A_825, %dma_start3A_826] : memref<2x10000x128xf32, #tpu.memory_space<hbm>> -> memref<1x640x128xf32, #tpu.memory_space<hbm>>
        %dma_start3A_828 = tpu.memref_squeeze %dma_start3A_827 : memref<1x640x128xf32, #tpu.memory_space<hbm>> -> memref<640x128xf32, #tpu.memory_space<hbm>>
        %dma_start3A_829 = arith.constant 0 : i32
        %dma_start3A_830 = tpu.memref_slice %arg17[%mul3A_823, %dma_start3A_829] : memref<10000x128xf32, #tpu.memory_space<vmem_shared>> -> memref<640x128xf32, #tpu.memory_space<vmem_shared>>
        tpu.enqueue_dma source(%dma_start3A_830 : memref<640x128xf32, #tpu.memory_space<vmem_shared>>) target(%dma_start3A_828 : memref<640x128xf32, #tpu.memory_space<hbm>>) target_semaphore(%run_scoped3A : memref<!tpu.dma_semaphore, #tpu.memory_space<semaphore_mem>>)
        %dma_wait3A_831 = arith.constant 0 : i32
        %dma_wait3A_832 = tpu.memref_slice %arg6[%arg0, %mul3A_825, %dma_wait3A_831] : memref<2x10000x128xf32, #tpu.memory_space<hbm>> -> memref<1x640x128xf32, #tpu.memory_space<hbm>>
        %dma_wait3A_833 = tpu.memref_squeeze %dma_wait3A_832 : memref<1x640x128xf32, #tpu.memory_space<hbm>> -> memref<640x128xf32, #tpu.memory_space<hbm>>
        %dma_wait3A_834 = arith.constant 0 : i32
        %dma_wait3A_835 = tpu.memref_slice %arg17[%mul3A_823, %dma_wait3A_834] : memref<10000x128xf32, #tpu.memory_space<vmem_shared>> -> memref<640x128xf32, #tpu.memory_space<vmem_shared>>
        tpu.wait_dma2 semaphore(%run_scoped3A : memref<!tpu.dma_semaphore, #tpu.memory_space<semaphore_mem>>) src(%dma_wait3A_835 : memref<640x128xf32, #tpu.memory_space<vmem_shared>>) dst(%dma_wait3A_833 : memref<640x128xf32, #tpu.memory_space<hbm>>)
        tpu.yield
      }) : () -> ()
    } else {
    }
    %eq3A_807 = arith.constant 15 : i32
    %eq3A_808 = arith.cmpi eq, %arg1, %eq3A_807 : i32
    %convert_element_type3A_809 = arith.extui %eq3A_808 : i1 to i32
    %cond3A_810 = arith.constant 0 : i32
    %cond3A_811 = arith.cmpi ne, %convert_element_type3A_809, %cond3A_810 : i32
    scf.if %cond3A_811 {
      "tpu.region"() ({
        %run_scoped3A = tpu.sem_alloc : memref<!tpu.dma_semaphore, #tpu.memory_space<semaphore_mem>>
        %dma_start3A_822 = arith.constant 9600 : i32
        %dma_start3A_823 = arith.constant 0 : i32
        %dma_start3A_824 = tpu.memref_slice %arg6[%arg0, %dma_start3A_822, %dma_start3A_823] : memref<2x10000x128xf32, #tpu.memory_space<hbm>> -> memref<1x400x128xf32, #tpu.memory_space<hbm>>
        %dma_start3A_825 = tpu.memref_squeeze %dma_start3A_824 : memref<1x400x128xf32, #tpu.memory_space<hbm>> -> memref<400x128xf32, #tpu.memory_space<hbm>>
        %dma_start3A_826 = arith.constant 9600 : i32
        %dma_start3A_827 = arith.constant 0 : i32
        %dma_start3A_828 = tpu.memref_slice %arg17[%dma_start3A_826, %dma_start3A_827] : memref<10000x128xf32, #tpu.memory_space<vmem_shared>> -> memref<400x128xf32, #tpu.memory_space<vmem_shared>>
        tpu.enqueue_dma source(%dma_start3A_828 : memref<400x128xf32, #tpu.memory_space<vmem_shared>>) target(%dma_start3A_825 : memref<400x128xf32, #tpu.memory_space<hbm>>) target_semaphore(%run_scoped3A : memref<!tpu.dma_semaphore, #tpu.memory_space<semaphore_mem>>)
        %dma_wait3A_829 = arith.constant 9600 : i32
        %dma_wait3A_830 = arith.constant 0 : i32
        %dma_wait3A_831 = tpu.memref_slice %arg6[%arg0, %dma_wait3A_829, %dma_wait3A_830] : memref<2x10000x128xf32, #tpu.memory_space<hbm>> -> memref<1x400x128xf32, #tpu.memory_space<hbm>>
        %dma_wait3A_832 = tpu.memref_squeeze %dma_wait3A_831 : memref<1x400x128xf32, #tpu.memory_space<hbm>> -> memref<400x128xf32, #tpu.memory_space<hbm>>
        %dma_wait3A_833 = arith.constant 9600 : i32
        %dma_wait3A_834 = arith.constant 0 : i32
        %dma_wait3A_835 = tpu.memref_slice %arg17[%dma_wait3A_833, %dma_wait3A_834] : memref<10000x128xf32, #tpu.memory_space<vmem_shared>> -> memref<400x128xf32, #tpu.memory_space<vmem_shared>>
        tpu.wait_dma2 semaphore(%run_scoped3A : memref<!tpu.dma_semaphore, #tpu.memory_space<semaphore_mem>>) src(%dma_wait3A_835 : memref<400x128xf32, #tpu.memory_space<vmem_shared>>) dst(%dma_wait3A_832 : memref<400x128xf32, #tpu.memory_space<hbm>>)
        tpu.yield
      }) : () -> ()
    } else {
    }
    %eq3A_812 = arith.constant 0 : i32
    %eq3A_813 = arith.cmpi eq, %arg1, %eq3A_812 : i32
    %convert_element_type3A_814 = arith.extui %eq3A_813 : i1 to i32
    %cond3A_815 = arith.constant 0 : i32
    %cond3A_816 = arith.cmpi ne, %convert_element_type3A_814, %cond3A_815 : i32
    scf.if %cond3A_816 {
      "tpu.region"() ({
        %run_scoped3A = tpu.sem_alloc : memref<!tpu.dma_semaphore, #tpu.memory_space<semaphore_mem>>
        %dma_start3A_822 = arith.constant 0 : i32
        %dma_start3A_823 = tpu.memref_slice %arg7[%arg0, %dma_start3A_822] : memref<2x10240xf32, #tpu.memory_space<hbm>> -> memref<1x10240xf32, #tpu.memory_space<hbm>>
        %dma_start3A_824 = tpu.memref_squeeze %dma_start3A_823 : memref<1x10240xf32, #tpu.memory_space<hbm>> -> memref<10240xf32, #tpu.memory_space<hbm>>
        tpu.enqueue_dma source(%arg32 : memref<10240xf32, #tpu.memory_space<vmem_shared>>) target(%dma_start3A_824 : memref<10240xf32, #tpu.memory_space<hbm>>) target_semaphore(%run_scoped3A : memref<!tpu.dma_semaphore, #tpu.memory_space<semaphore_mem>>)
        %dma_wait3A_825 = arith.constant 0 : i32
        %dma_wait3A_826 = tpu.memref_slice %arg7[%arg0, %dma_wait3A_825] : memref<2x10240xf32, #tpu.memory_space<hbm>> -> memref<1x10240xf32, #tpu.memory_space<hbm>>
        %dma_wait3A_827 = tpu.memref_squeeze %dma_wait3A_826 : memref<1x10240xf32, #tpu.memory_space<hbm>> -> memref<10240xf32, #tpu.memory_space<hbm>>
        tpu.wait_dma2 semaphore(%run_scoped3A : memref<!tpu.dma_semaphore, #tpu.memory_space<semaphore_mem>>) src(%arg32 : memref<10240xf32, #tpu.memory_space<vmem_shared>>) dst(%dma_wait3A_827 : memref<10240xf32, #tpu.memory_space<hbm>>)
        tpu.yield
      }) : () -> ()
    } else {
    }
    %eq3A_817 = arith.constant 1 : i32
    %eq3A_818 = arith.cmpi eq, %arg1, %eq3A_817 : i32
    %convert_element_type3A_819 = arith.extui %eq3A_818 : i1 to i32
    %cond3A_820 = arith.constant 0 : i32
    %cond3A_821 = arith.cmpi ne, %convert_element_type3A_819, %cond3A_820 : i32
    scf.if %cond3A_821 {
      "tpu.region"() ({
        %run_scoped3A = tpu.sem_alloc : memref<!tpu.dma_semaphore, #tpu.memory_space<semaphore_mem>>
        %dma_start3A_822 = arith.constant 0 : i32
        %dma_start3A_823 = tpu.memref_slice %arg8[%arg0, %dma_start3A_822] : memref<2x10240xf32, #tpu.memory_space<hbm>> -> memref<1x10240xf32, #tpu.memory_space<hbm>>
        %dma_start3A_824 = tpu.memref_squeeze %dma_start3A_823 : memref<1x10240xf32, #tpu.memory_space<hbm>> -> memref<10240xf32, #tpu.memory_space<hbm>>
        tpu.enqueue_dma source(%arg33 : memref<10240xf32, #tpu.memory_space<vmem_shared>>) target(%dma_start3A_824 : memref<10240xf32, #tpu.memory_space<hbm>>) target_semaphore(%run_scoped3A : memref<!tpu.dma_semaphore, #tpu.memory_space<semaphore_mem>>)
        %dma_wait3A_825 = arith.constant 0 : i32
        %dma_wait3A_826 = tpu.memref_slice %arg8[%arg0, %dma_wait3A_825] : memref<2x10240xf32, #tpu.memory_space<hbm>> -> memref<1x10240xf32, #tpu.memory_space<hbm>>
        %dma_wait3A_827 = tpu.memref_squeeze %dma_wait3A_826 : memref<1x10240xf32, #tpu.memory_space<hbm>> -> memref<10240xf32, #tpu.memory_space<hbm>>
        tpu.wait_dma2 semaphore(%run_scoped3A : memref<!tpu.dma_semaphore, #tpu.memory_space<semaphore_mem>>) src(%arg33 : memref<10240xf32, #tpu.memory_space<vmem_shared>>) dst(%dma_wait3A_827 : memref<10240xf32, #tpu.memory_space<hbm>>)
        tpu.yield
      }) : () -> ()
    } else {
    }
    return
  }
}

#map = affine_map<(d0, d1) -> (0, 0)>
#map1 = affine_map<(d0, d1) -> (0, 0, 0)>
module attributes {stable_mosaic.version = 14 : i64} {
  func.func @k(%arg0: i32, %arg1: i32, %arg2: memref<2x320000xi32, #tpu.memory_space<hbm>>, %arg3: memref<10000x128xf32, #tpu.memory_space<hbm>>, %arg4: memref<2x10000x128xf32, #tpu.memory_space<hbm>>, %arg5: memref<2x128xi32, #tpu.memory_space<vmem>>, %arg6: memref<2x128xi32, #tpu.memory_space<vmem>>, %arg7: memref<2x128xi32, #tpu.memory_space<vmem>>, %arg8: memref<2x128xi32, #tpu.memory_space<vmem>>, %arg9: memref<2x128xi32, #tpu.memory_space<vmem>>, %arg10: memref<2x128xi32, #tpu.memory_space<vmem>>, %arg11: memref<128x128xf32, #tpu.memory_space<vmem>>, %arg12: memref<128x128xf32, #tpu.memory_space<vmem>>, %arg13: memref<128x128xf32, #tpu.memory_space<vmem>>, %arg14: memref<10000x128xf32, #tpu.memory_space<vmem_shared>>, %arg15: memref<!tpu.dma_semaphore, #tpu.memory_space<semaphore_mem>>, %arg16: memref<!tpu.dma_semaphore, #tpu.memory_space<semaphore_mem>>, %arg17: memref<!tpu.dma_semaphore, #tpu.memory_space<semaphore_mem>>, %arg18: memref<!tpu.dma_semaphore, #tpu.memory_space<semaphore_mem>>, %arg19: memref<!tpu.dma_semaphore, #tpu.memory_space<semaphore_mem>>, %arg20: memref<!tpu.dma_semaphore, #tpu.memory_space<semaphore_mem>>, %arg21: memref<!tpu.dma_semaphore, #tpu.memory_space<semaphore_mem>>, %arg22: memref<!tpu.dma_semaphore, #tpu.memory_space<semaphore_mem>>, %arg23: memref<!tpu.dma_semaphore, #tpu.memory_space<semaphore_mem>>, %arg24: memref<!tpu.dma_semaphore, #tpu.memory_space<semaphore_mem>>, %arg25: memref<!tpu.dma_semaphore, #tpu.memory_space<semaphore_mem>>, %arg26: memref<!tpu.dma_semaphore, #tpu.memory_space<semaphore_mem>>) attributes {dimension_semantics = [#tpu.dimension_semantics<core_parallel>, #tpu.dimension_semantics<subcore_parallel>], iteration_bounds = array<i64: 2, 16>, scalar_prefetch = 0 : i64, scratch_operands = 22 : i64, tpu.core_type = #tpu.core_type<sc_vector_subcore>, window_params = [{transform_indices = #map}, {transform_indices = #map}, {transform_indices = #map1}]} {
    %mul3A = arith.constant 2 : i32
    %mul3A_0 = arith.muli %arg1, %mul3A : i32
    %add3A = arith.addi %mul3A_0, %arg0 : i32
    %scan3A = arith.constant 0 : i32
    %scan3A_1 = arith.constant 128 : i32
    %scan3A_2 = arith.addi %scan3A, %scan3A_1 : i32
    %scan3A_3 = arith.constant 1 : i32
    scf.for %scan3A_294 = %scan3A to %scan3A_2 step %scan3A_3  : i32 {
      %mul3A_295 = arith.constant 1 : i32
      %mul3A_296 = arith.muli %scan3A_294, %mul3A_295 : i32
      %add3A_297 = arith.constant 0 : i32
      %add3A_298 = arith.addi %add3A_297, %mul3A_296 : i32
      %broadcast_in_dim3A = arith.constant 0.000000e+00 : f32
      %broadcast_in_dim3A_299 = vector.broadcast %broadcast_in_dim3A : f32 to vector<16xf32>
      %swap3A = arith.index_cast %add3A_298 : i32 to index
      %swap3A_300 = arith.constant 0 : index
      %swap3A_301 = tpu.vector_load %arg11[%swap3A, %swap3A_300] {strides = array<i32>} : memref<128x128xf32, #tpu.memory_space<vmem>>, vector<16xf32>,
      tpu.vector_store %arg11[%swap3A, %swap3A_300], %broadcast_in_dim3A_299 {strides = array<i32>} : memref<128x128xf32, #tpu.memory_space<vmem>>, vector<16xf32>,
      %broadcast_in_dim3A_302 = arith.constant 0.000000e+00 : f32
      %broadcast_in_dim3A_303 = vector.broadcast %broadcast_in_dim3A_302 : f32 to vector<16xf32>
      %swap3A_304 = arith.index_cast %add3A_298 : i32 to index
      %swap3A_305 = arith.constant 16 : index
      %swap3A_306 = tpu.vector_load %arg11[%swap3A_304, %swap3A_305] {strides = array<i32>} : memref<128x128xf32, #tpu.memory_space<vmem>>, vector<16xf32>,
      tpu.vector_store %arg11[%swap3A_304, %swap3A_305], %broadcast_in_dim3A_303 {strides = array<i32>} : memref<128x128xf32, #tpu.memory_space<vmem>>, vector<16xf32>,
      %broadcast_in_dim3A_307 = arith.constant 0.000000e+00 : f32
      %broadcast_in_dim3A_308 = vector.broadcast %broadcast_in_dim3A_307 : f32 to vector<16xf32>
      %swap3A_309 = arith.index_cast %add3A_298 : i32 to index
      %swap3A_310 = arith.constant 32 : index
      %swap3A_311 = tpu.vector_load %arg11[%swap3A_309, %swap3A_310] {strides = array<i32>} : memref<128x128xf32, #tpu.memory_space<vmem>>, vector<16xf32>,
      tpu.vector_store %arg11[%swap3A_309, %swap3A_310], %broadcast_in_dim3A_308 {strides = array<i32>} : memref<128x128xf32, #tpu.memory_space<vmem>>, vector<16xf32>,
      %broadcast_in_dim3A_312 = arith.constant 0.000000e+00 : f32
      %broadcast_in_dim3A_313 = vector.broadcast %broadcast_in_dim3A_312 : f32 to vector<16xf32>
      %swap3A_314 = arith.index_cast %add3A_298 : i32 to index
      %swap3A_315 = arith.constant 48 : index
      %swap3A_316 = tpu.vector_load %arg11[%swap3A_314, %swap3A_315] {strides = array<i32>} : memref<128x128xf32, #tpu.memory_space<vmem>>, vector<16xf32>,
      tpu.vector_store %arg11[%swap3A_314, %swap3A_315], %broadcast_in_dim3A_313 {strides = array<i32>} : memref<128x128xf32, #tpu.memory_space<vmem>>, vector<16xf32>,
      %broadcast_in_dim3A_317 = arith.constant 0.000000e+00 : f32
      %broadcast_in_dim3A_318 = vector.broadcast %broadcast_in_dim3A_317 : f32 to vector<16xf32>
      %swap3A_319 = arith.index_cast %add3A_298 : i32 to index
      %swap3A_320 = arith.constant 64 : index
      %swap3A_321 = tpu.vector_load %arg11[%swap3A_319, %swap3A_320] {strides = array<i32>} : memref<128x128xf32, #tpu.memory_space<vmem>>, vector<16xf32>,
      tpu.vector_store %arg11[%swap3A_319, %swap3A_320], %broadcast_in_dim3A_318 {strides = array<i32>} : memref<128x128xf32, #tpu.memory_space<vmem>>, vector<16xf32>,
      %broadcast_in_dim3A_322 = arith.constant 0.000000e+00 : f32
      %broadcast_in_dim3A_323 = vector.broadcast %broadcast_in_dim3A_322 : f32 to vector<16xf32>
      %swap3A_324 = arith.index_cast %add3A_298 : i32 to index
      %swap3A_325 = arith.constant 80 : index
      %swap3A_326 = tpu.vector_load %arg11[%swap3A_324, %swap3A_325] {strides = array<i32>} : memref<128x128xf32, #tpu.memory_space<vmem>>, vector<16xf32>,
      tpu.vector_store %arg11[%swap3A_324, %swap3A_325], %broadcast_in_dim3A_323 {strides = array<i32>} : memref<128x128xf32, #tpu.memory_space<vmem>>, vector<16xf32>,
      %broadcast_in_dim3A_327 = arith.constant 0.000000e+00 : f32
      %broadcast_in_dim3A_328 = vector.broadcast %broadcast_in_dim3A_327 : f32 to vector<16xf32>
      %swap3A_329 = arith.index_cast %add3A_298 : i32 to index
      %swap3A_330 = arith.constant 96 : index
      %swap3A_331 = tpu.vector_load %arg11[%swap3A_329, %swap3A_330] {strides = array<i32>} : memref<128x128xf32, #tpu.memory_space<vmem>>, vector<16xf32>,
      tpu.vector_store %arg11[%swap3A_329, %swap3A_330], %broadcast_in_dim3A_328 {strides = array<i32>} : memref<128x128xf32, #tpu.memory_space<vmem>>, vector<16xf32>,
      %broadcast_in_dim3A_332 = arith.constant 0.000000e+00 : f32
      %broadcast_in_dim3A_333 = vector.broadcast %broadcast_in_dim3A_332 : f32 to vector<16xf32>
      %swap3A_334 = arith.index_cast %add3A_298 : i32 to index
      %swap3A_335 = arith.constant 112 : index
      %swap3A_336 = tpu.vector_load %arg11[%swap3A_334, %swap3A_335] {strides = array<i32>} : memref<128x128xf32, #tpu.memory_space<vmem>>, vector<16xf32>,
      tpu.vector_store %arg11[%swap3A_334, %swap3A_335], %broadcast_in_dim3A_333 {strides = array<i32>} : memref<128x128xf32, #tpu.memory_space<vmem>>, vector<16xf32>,
    }
    %scan3A_4 = arith.constant 128 : i32
    %lt3A = arith.constant 15 : i32
    %lt3A_5 = arith.cmpi slt, %arg1, %lt3A : i32
    %convert_element_type3A = arith.extui %lt3A_5 : i1 to i32
    %cond3A = arith.constant 0 : i32
    %cond3A_6 = arith.cmpi ne, %convert_element_type3A, %cond3A : i32
    scf.if %cond3A_6 {
      %mul3A_294 = arith.constant 640 : i32
      %mul3A_295 = arith.muli %arg1, %mul3A_294 : i32
      %add3A_296 = arith.constant 0 : i32
      %add3A_297 = arith.addi %mul3A_295, %add3A_296 : i32
      "tpu.region"() ({
        %run_scoped3A = tpu.sem_alloc : memref<!tpu.dma_semaphore, #tpu.memory_space<semaphore_mem>>
        %dma_start3A_314 = arith.constant 0 : i32
        %dma_start3A_315 = tpu.memref_slice %arg14[%add3A_297, %dma_start3A_314] : memref<10000x128xf32, #tpu.memory_space<vmem_shared>> -> memref<128x128xf32, #tpu.memory_space<vmem_shared>>
        %dma_start3A_316 = arith.constant 0 : i32
        %dma_start3A_317 = tpu.memref_slice %arg14[%add3A_297, %dma_start3A_316] : memref<10000x128xf32, #tpu.memory_space<vmem_shared>> -> memref<128x128xf32, #tpu.memory_space<vmem_shared>>
        tpu.enqueue_dma source(%arg11 : memref<128x128xf32, #tpu.memory_space<vmem>>) target(%dma_start3A_317 : memref<128x128xf32, #tpu.memory_space<vmem_shared>>) target_semaphore(%run_scoped3A : memref<!tpu.dma_semaphore, #tpu.memory_space<semaphore_mem>>)
        %dma_wait3A_318 = arith.constant 0 : i32
        %dma_wait3A_319 = tpu.memref_slice %arg14[%add3A_297, %dma_wait3A_318] : memref<10000x128xf32, #tpu.memory_space<vmem_shared>> -> memref<128x128xf32, #tpu.memory_space<vmem_shared>>
        %dma_wait3A_320 = arith.constant 0 : i32
        %dma_wait3A_321 = tpu.memref_slice %arg14[%add3A_297, %dma_wait3A_320] : memref<10000x128xf32, #tpu.memory_space<vmem_shared>> -> memref<128x128xf32, #tpu.memory_space<vmem_shared>>
        tpu.wait_dma2 semaphore(%run_scoped3A : memref<!tpu.dma_semaphore, #tpu.memory_space<semaphore_mem>>) src(%arg11 : memref<128x128xf32, #tpu.memory_space<vmem>>) dst(%dma_wait3A_321 : memref<128x128xf32, #tpu.memory_space<vmem_shared>>)
        tpu.yield
      }) : () -> ()
      %mul3A_298 = arith.constant 640 : i32
      %mul3A_299 = arith.muli %arg1, %mul3A_298 : i32
      %add3A_300 = arith.constant 128 : i32
      %add3A_301 = arith.addi %mul3A_299, %add3A_300 : i32
      "tpu.region"() ({
        %run_scoped3A = tpu.sem_alloc : memref<!tpu.dma_semaphore, #tpu.memory_space<semaphore_mem>>
        %dma_start3A_314 = arith.constant 0 : i32
        %dma_start3A_315 = tpu.memref_slice %arg14[%add3A_301, %dma_start3A_314] : memref<10000x128xf32, #tpu.memory_space<vmem_shared>> -> memref<128x128xf32, #tpu.memory_space<vmem_shared>>
        %dma_start3A_316 = arith.constant 0 : i32
        %dma_start3A_317 = tpu.memref_slice %arg14[%add3A_301, %dma_start3A_316] : memref<10000x128xf32, #tpu.memory_space<vmem_shared>> -> memref<128x128xf32, #tpu.memory_space<vmem_shared>>
        tpu.enqueue_dma source(%arg11 : memref<128x128xf32, #tpu.memory_space<vmem>>) target(%dma_start3A_317 : memref<128x128xf32, #tpu.memory_space<vmem_shared>>) target_semaphore(%run_scoped3A : memref<!tpu.dma_semaphore, #tpu.memory_space<semaphore_mem>>)
        %dma_wait3A_318 = arith.constant 0 : i32
        %dma_wait3A_319 = tpu.memref_slice %arg14[%add3A_301, %dma_wait3A_318] : memref<10000x128xf32, #tpu.memory_space<vmem_shared>> -> memref<128x128xf32, #tpu.memory_space<vmem_shared>>
        %dma_wait3A_320 = arith.constant 0 : i32
        %dma_wait3A_321 = tpu.memref_slice %arg14[%add3A_301, %dma_wait3A_320] : memref<10000x128xf32, #tpu.memory_space<vmem_shared>> -> memref<128x128xf32, #tpu.memory_space<vmem_shared>>
        tpu.wait_dma2 semaphore(%run_scoped3A : memref<!tpu.dma_semaphore, #tpu.memory_space<semaphore_mem>>) src(%arg11 : memref<128x128xf32, #tpu.memory_space<vmem>>) dst(%dma_wait3A_321 : memref<128x128xf32, #tpu.memory_space<vmem_shared>>)
        tpu.yield
      }) : () -> ()
      %mul3A_302 = arith.constant 640 : i32
      %mul3A_303 = arith.muli %arg1, %mul3A_302 : i32
      %add3A_304 = arith.constant 256 : i32
      %add3A_305 = arith.addi %mul3A_303, %add3A_304 : i32
      "tpu.region"() ({
        %run_scoped3A = tpu.sem_alloc : memref<!tpu.dma_semaphore, #tpu.memory_space<semaphore_mem>>
        %dma_start3A_314 = arith.constant 0 : i32
        %dma_start3A_315 = tpu.memref_slice %arg14[%add3A_305, %dma_start3A_314] : memref<10000x128xf32, #tpu.memory_space<vmem_shared>> -> memref<128x128xf32, #tpu.memory_space<vmem_shared>>
        %dma_start3A_316 = arith.constant 0 : i32
        %dma_start3A_317 = tpu.memref_slice %arg14[%add3A_305, %dma_start3A_316] : memref<10000x128xf32, #tpu.memory_space<vmem_shared>> -> memref<128x128xf32, #tpu.memory_space<vmem_shared>>
        tpu.enqueue_dma source(%arg11 : memref<128x128xf32, #tpu.memory_space<vmem>>) target(%dma_start3A_317 : memref<128x128xf32, #tpu.memory_space<vmem_shared>>) target_semaphore(%run_scoped3A : memref<!tpu.dma_semaphore, #tpu.memory_space<semaphore_mem>>)
        %dma_wait3A_318 = arith.constant 0 : i32
        %dma_wait3A_319 = tpu.memref_slice %arg14[%add3A_305, %dma_wait3A_318] : memref<10000x128xf32, #tpu.memory_space<vmem_shared>> -> memref<128x128xf32, #tpu.memory_space<vmem_shared>>
        %dma_wait3A_320 = arith.constant 0 : i32
        %dma_wait3A_321 = tpu.memref_slice %arg14[%add3A_305, %dma_wait3A_320] : memref<10000x128xf32, #tpu.memory_space<vmem_shared>> -> memref<128x128xf32, #tpu.memory_space<vmem_shared>>
        tpu.wait_dma2 semaphore(%run_scoped3A : memref<!tpu.dma_semaphore, #tpu.memory_space<semaphore_mem>>) src(%arg11 : memref<128x128xf32, #tpu.memory_space<vmem>>) dst(%dma_wait3A_321 : memref<128x128xf32, #tpu.memory_space<vmem_shared>>)
        tpu.yield
      }) : () -> ()
      %mul3A_306 = arith.constant 640 : i32
      %mul3A_307 = arith.muli %arg1, %mul3A_306 : i32
      %add3A_308 = arith.constant 384 : i32
      %add3A_309 = arith.addi %mul3A_307, %add3A_308 : i32
      "tpu.region"() ({
        %run_scoped3A = tpu.sem_alloc : memref<!tpu.dma_semaphore, #tpu.memory_space<semaphore_mem>>
        %dma_start3A_314 = arith.constant 0 : i32
        %dma_start3A_315 = tpu.memref_slice %arg14[%add3A_309, %dma_start3A_314] : memref<10000x128xf32, #tpu.memory_space<vmem_shared>> -> memref<128x128xf32, #tpu.memory_space<vmem_shared>>
        %dma_start3A_316 = arith.constant 0 : i32
        %dma_start3A_317 = tpu.memref_slice %arg14[%add3A_309, %dma_start3A_316] : memref<10000x128xf32, #tpu.memory_space<vmem_shared>> -> memref<128x128xf32, #tpu.memory_space<vmem_shared>>
        tpu.enqueue_dma source(%arg11 : memref<128x128xf32, #tpu.memory_space<vmem>>) target(%dma_start3A_317 : memref<128x128xf32, #tpu.memory_space<vmem_shared>>) target_semaphore(%run_scoped3A : memref<!tpu.dma_semaphore, #tpu.memory_space<semaphore_mem>>)
        %dma_wait3A_318 = arith.constant 0 : i32
        %dma_wait3A_319 = tpu.memref_slice %arg14[%add3A_309, %dma_wait3A_318] : memref<10000x128xf32, #tpu.memory_space<vmem_shared>> -> memref<128x128xf32, #tpu.memory_space<vmem_shared>>
        %dma_wait3A_320 = arith.constant 0 : i32
        %dma_wait3A_321 = tpu.memref_slice %arg14[%add3A_309, %dma_wait3A_320] : memref<10000x128xf32, #tpu.memory_space<vmem_shared>> -> memref<128x128xf32, #tpu.memory_space<vmem_shared>>
        tpu.wait_dma2 semaphore(%run_scoped3A : memref<!tpu.dma_semaphore, #tpu.memory_space<semaphore_mem>>) src(%arg11 : memref<128x128xf32, #tpu.memory_space<vmem>>) dst(%dma_wait3A_321 : memref<128x128xf32, #tpu.memory_space<vmem_shared>>)
        tpu.yield
      }) : () -> ()
      %mul3A_310 = arith.constant 640 : i32
      %mul3A_311 = arith.muli %arg1, %mul3A_310 : i32
      %add3A_312 = arith.constant 512 : i32
      %add3A_313 = arith.addi %mul3A_311, %add3A_312 : i32
      "tpu.region"() ({
        %run_scoped3A = tpu.sem_alloc : memref<!tpu.dma_semaphore, #tpu.memory_space<semaphore_mem>>
        %dma_start3A_314 = arith.constant 0 : i32
        %dma_start3A_315 = tpu.memref_slice %arg14[%add3A_313, %dma_start3A_314] : memref<10000x128xf32, #tpu.memory_space<vmem_shared>> -> memref<128x128xf32, #tpu.memory_space<vmem_shared>>
        %dma_start3A_316 = arith.constant 0 : i32
        %dma_start3A_317 = tpu.memref_slice %arg14[%add3A_313, %dma_start3A_316] : memref<10000x128xf32, #tpu.memory_space<vmem_shared>> -> memref<128x128xf32, #tpu.memory_space<vmem_shared>>
        tpu.enqueue_dma source(%arg11 : memref<128x128xf32, #tpu.memory_space<vmem>>) target(%dma_start3A_317 : memref<128x128xf32, #tpu.memory_space<vmem_shared>>) target_semaphore(%run_scoped3A : memref<!tpu.dma_semaphore, #tpu.memory_space<semaphore_mem>>)
        %dma_wait3A_318 = arith.constant 0 : i32
        %dma_wait3A_319 = tpu.memref_slice %arg14[%add3A_313, %dma_wait3A_318] : memref<10000x128xf32, #tpu.memory_space<vmem_shared>> -> memref<128x128xf32, #tpu.memory_space<vmem_shared>>
        %dma_wait3A_320 = arith.constant 0 : i32
        %dma_wait3A_321 = tpu.memref_slice %arg14[%add3A_313, %dma_wait3A_320] : memref<10000x128xf32, #tpu.memory_space<vmem_shared>> -> memref<128x128xf32, #tpu.memory_space<vmem_shared>>
        tpu.wait_dma2 semaphore(%run_scoped3A : memref<!tpu.dma_semaphore, #tpu.memory_space<semaphore_mem>>) src(%arg11 : memref<128x128xf32, #tpu.memory_space<vmem>>) dst(%dma_wait3A_321 : memref<128x128xf32, #tpu.memory_space<vmem_shared>>)
        tpu.yield
      }) : () -> ()
    } else {
    }
    %eq3A = arith.constant 15 : i32
    %eq3A_7 = arith.cmpi eq, %arg1, %eq3A : i32
    %convert_element_type3A_8 = arith.extui %eq3A_7 : i1 to i32
    %cond3A_9 = arith.constant 0 : i32
    %cond3A_10 = arith.cmpi ne, %convert_element_type3A_8, %cond3A_9 : i32
    scf.if %cond3A_10 {
      "tpu.region"() ({
        %run_scoped3A = tpu.sem_alloc : memref<!tpu.dma_semaphore, #tpu.memory_space<semaphore_mem>>
        %dma_start3A_294 = arith.constant 9600 : i32
        %dma_start3A_295 = arith.constant 0 : i32
        %dma_start3A_296 = tpu.memref_slice %arg14[%dma_start3A_294, %dma_start3A_295] : memref<10000x128xf32, #tpu.memory_space<vmem_shared>> -> memref<128x128xf32, #tpu.memory_space<vmem_shared>>
        %dma_start3A_297 = arith.constant 9600 : i32
        %dma_start3A_298 = arith.constant 0 : i32
        %dma_start3A_299 = tpu.memref_slice %arg14[%dma_start3A_297, %dma_start3A_298] : memref<10000x128xf32, #tpu.memory_space<vmem_shared>> -> memref<128x128xf32, #tpu.memory_space<vmem_shared>>
        tpu.enqueue_dma source(%arg11 : memref<128x128xf32, #tpu.memory_space<vmem>>) target(%dma_start3A_299 : memref<128x128xf32, #tpu.memory_space<vmem_shared>>) target_semaphore(%run_scoped3A : memref<!tpu.dma_semaphore, #tpu.memory_space<semaphore_mem>>)
        %dma_wait3A_300 = arith.constant 9600 : i32
        %dma_wait3A_301 = arith.constant 0 : i32
        %dma_wait3A_302 = tpu.memref_slice %arg14[%dma_wait3A_300, %dma_wait3A_301] : memref<10000x128xf32, #tpu.memory_space<vmem_shared>> -> memref<128x128xf32, #tpu.memory_space<vmem_shared>>
        %dma_wait3A_303 = arith.constant 9600 : i32
        %dma_wait3A_304 = arith.constant 0 : i32
        %dma_wait3A_305 = tpu.memref_slice %arg14[%dma_wait3A_303, %dma_wait3A_304] : memref<10000x128xf32, #tpu.memory_space<vmem_shared>> -> memref<128x128xf32, #tpu.memory_space<vmem_shared>>
        tpu.wait_dma2 semaphore(%run_scoped3A : memref<!tpu.dma_semaphore, #tpu.memory_space<semaphore_mem>>) src(%arg11 : memref<128x128xf32, #tpu.memory_space<vmem>>) dst(%dma_wait3A_305 : memref<128x128xf32, #tpu.memory_space<vmem_shared>>)
        tpu.yield
      }) : () -> ()
      "tpu.region"() ({
        %run_scoped3A = tpu.sem_alloc : memref<!tpu.dma_semaphore, #tpu.memory_space<semaphore_mem>>
        %dma_start3A_294 = arith.constant 9728 : i32
        %dma_start3A_295 = arith.constant 0 : i32
        %dma_start3A_296 = tpu.memref_slice %arg14[%dma_start3A_294, %dma_start3A_295] : memref<10000x128xf32, #tpu.memory_space<vmem_shared>> -> memref<128x128xf32, #tpu.memory_space<vmem_shared>>
        %dma_start3A_297 = arith.constant 9728 : i32
        %dma_start3A_298 = arith.constant 0 : i32
        %dma_start3A_299 = tpu.memref_slice %arg14[%dma_start3A_297, %dma_start3A_298] : memref<10000x128xf32, #tpu.memory_space<vmem_shared>> -> memref<128x128xf32, #tpu.memory_space<vmem_shared>>
        tpu.enqueue_dma source(%arg11 : memref<128x128xf32, #tpu.memory_space<vmem>>) target(%dma_start3A_299 : memref<128x128xf32, #tpu.memory_space<vmem_shared>>) target_semaphore(%run_scoped3A : memref<!tpu.dma_semaphore, #tpu.memory_space<semaphore_mem>>)
        %dma_wait3A_300 = arith.constant 9728 : i32
        %dma_wait3A_301 = arith.constant 0 : i32
        %dma_wait3A_302 = tpu.memref_slice %arg14[%dma_wait3A_300, %dma_wait3A_301] : memref<10000x128xf32, #tpu.memory_space<vmem_shared>> -> memref<128x128xf32, #tpu.memory_space<vmem_shared>>
        %dma_wait3A_303 = arith.constant 9728 : i32
        %dma_wait3A_304 = arith.constant 0 : i32
        %dma_wait3A_305 = tpu.memref_slice %arg14[%dma_wait3A_303, %dma_wait3A_304] : memref<10000x128xf32, #tpu.memory_space<vmem_shared>> -> memref<128x128xf32, #tpu.memory_space<vmem_shared>>
        tpu.wait_dma2 semaphore(%run_scoped3A : memref<!tpu.dma_semaphore, #tpu.memory_space<semaphore_mem>>) src(%arg11 : memref<128x128xf32, #tpu.memory_space<vmem>>) dst(%dma_wait3A_305 : memref<128x128xf32, #tpu.memory_space<vmem_shared>>)
        tpu.yield
      }) : () -> ()
      "tpu.region"() ({
        %run_scoped3A = tpu.sem_alloc : memref<!tpu.dma_semaphore, #tpu.memory_space<semaphore_mem>>
        %dma_start3A_294 = arith.constant 9856 : i32
        %dma_start3A_295 = arith.constant 0 : i32
        %dma_start3A_296 = tpu.memref_slice %arg14[%dma_start3A_294, %dma_start3A_295] : memref<10000x128xf32, #tpu.memory_space<vmem_shared>> -> memref<128x128xf32, #tpu.memory_space<vmem_shared>>
        %dma_start3A_297 = arith.constant 9856 : i32
        %dma_start3A_298 = arith.constant 0 : i32
        %dma_start3A_299 = tpu.memref_slice %arg14[%dma_start3A_297, %dma_start3A_298] : memref<10000x128xf32, #tpu.memory_space<vmem_shared>> -> memref<128x128xf32, #tpu.memory_space<vmem_shared>>
        tpu.enqueue_dma source(%arg11 : memref<128x128xf32, #tpu.memory_space<vmem>>) target(%dma_start3A_299 : memref<128x128xf32, #tpu.memory_space<vmem_shared>>) target_semaphore(%run_scoped3A : memref<!tpu.dma_semaphore, #tpu.memory_space<semaphore_mem>>)
        %dma_wait3A_300 = arith.constant 9856 : i32
        %dma_wait3A_301 = arith.constant 0 : i32
        %dma_wait3A_302 = tpu.memref_slice %arg14[%dma_wait3A_300, %dma_wait3A_301] : memref<10000x128xf32, #tpu.memory_space<vmem_shared>> -> memref<128x128xf32, #tpu.memory_space<vmem_shared>>
        %dma_wait3A_303 = arith.constant 9856 : i32
        %dma_wait3A_304 = arith.constant 0 : i32
        %dma_wait3A_305 = tpu.memref_slice %arg14[%dma_wait3A_303, %dma_wait3A_304] : memref<10000x128xf32, #tpu.memory_space<vmem_shared>> -> memref<128x128xf32, #tpu.memory_space<vmem_shared>>
        tpu.wait_dma2 semaphore(%run_scoped3A : memref<!tpu.dma_semaphore, #tpu.memory_space<semaphore_mem>>) src(%arg11 : memref<128x128xf32, #tpu.memory_space<vmem>>) dst(%dma_wait3A_305 : memref<128x128xf32, #tpu.memory_space<vmem_shared>>)
        tpu.yield
      }) : () -> ()
      "tpu.region"() ({
        %run_scoped3A = tpu.sem_alloc : memref<!tpu.dma_semaphore, #tpu.memory_space<semaphore_mem>>
        %dma_start3A_294 = arith.constant 0 : i32
        %dma_start3A_295 = arith.constant 0 : i32
        %dma_start3A_296 = tpu.memref_slice %arg11[%dma_start3A_294, %dma_start3A_295] : memref<128x128xf32, #tpu.memory_space<vmem>> -> memref<16x128xf32, #tpu.memory_space<vmem>>
        %dma_start3A_297 = arith.constant 9984 : i32
        %dma_start3A_298 = arith.constant 0 : i32
        %dma_start3A_299 = tpu.memref_slice %arg14[%dma_start3A_297, %dma_start3A_298] : memref<10000x128xf32, #tpu.memory_space<vmem_shared>> -> memref<16x128xf32, #tpu.memory_space<vmem_shared>>
        %dma_start3A_300 = arith.constant 9984 : i32
        %dma_start3A_301 = arith.constant 0 : i32
        %dma_start3A_302 = tpu.memref_slice %arg14[%dma_start3A_300, %dma_start3A_301] : memref<10000x128xf32, #tpu.memory_space<vmem_shared>> -> memref<16x128xf32, #tpu.memory_space<vmem_shared>>
        %dma_start3A_303 = arith.constant 0 : i32
        %dma_start3A_304 = arith.constant 0 : i32
        %dma_start3A_305 = tpu.memref_slice %arg11[%dma_start3A_303, %dma_start3A_304] : memref<128x128xf32, #tpu.memory_space<vmem>> -> memref<16x128xf32, #tpu.memory_space<vmem>>
        tpu.enqueue_dma source(%dma_start3A_305 : memref<16x128xf32, #tpu.memory_space<vmem>>) target(%dma_start3A_302 : memref<16x128xf32, #tpu.memory_space<vmem_shared>>) target_semaphore(%run_scoped3A : memref<!tpu.dma_semaphore, #tpu.memory_space<semaphore_mem>>)
        %dma_wait3A_306 = arith.constant 0 : i32
        %dma_wait3A_307 = arith.constant 0 : i32
        %dma_wait3A_308 = tpu.memref_slice %arg11[%dma_wait3A_306, %dma_wait3A_307] : memref<128x128xf32, #tpu.memory_space<vmem>> -> memref<16x128xf32, #tpu.memory_space<vmem>>
        %dma_wait3A_309 = arith.constant 9984 : i32
        %dma_wait3A_310 = arith.constant 0 : i32
        %dma_wait3A_311 = tpu.memref_slice %arg14[%dma_wait3A_309, %dma_wait3A_310] : memref<10000x128xf32, #tpu.memory_space<vmem_shared>> -> memref<16x128xf32, #tpu.memory_space<vmem_shared>>
        %dma_wait3A_312 = arith.constant 9984 : i32
        %dma_wait3A_313 = arith.constant 0 : i32
        %dma_wait3A_314 = tpu.memref_slice %arg14[%dma_wait3A_312, %dma_wait3A_313] : memref<10000x128xf32, #tpu.memory_space<vmem_shared>> -> memref<16x128xf32, #tpu.memory_space<vmem_shared>>
        %dma_wait3A_315 = arith.constant 0 : i32
        %dma_wait3A_316 = arith.constant 0 : i32
        %dma_wait3A_317 = tpu.memref_slice %arg11[%dma_wait3A_315, %dma_wait3A_316] : memref<128x128xf32, #tpu.memory_space<vmem>> -> memref<16x128xf32, #tpu.memory_space<vmem>>
        tpu.wait_dma2 semaphore(%run_scoped3A : memref<!tpu.dma_semaphore, #tpu.memory_space<semaphore_mem>>) src(%dma_wait3A_317 : memref<16x128xf32, #tpu.memory_space<vmem>>) dst(%dma_wait3A_314 : memref<16x128xf32, #tpu.memory_space<vmem_shared>>)
        tpu.yield
      }) : () -> ()
    } else {
    }
    %barrier3A = arith.constant 0 : index
    tpu.barrier barrier_id(%barrier3A)
    %add3A_11 = arith.constant 0 : i32
    %add3A_12 = arith.addi %add3A_11, %add3A : i32
    %mul3A_13 = arith.constant 128 : i32
    %mul3A_14 = arith.muli %add3A_12, %mul3A_13 : i32
    %dma_start3A = arith.constant 0 : i32
    %dma_start3A_15 = tpu.memref_slice %arg2[%dma_start3A, %mul3A_14] : memref<2x320000xi32, #tpu.memory_space<hbm>> -> memref<2x128xi32, #tpu.memory_space<hbm>>
    %dma_start3A_16 = arith.constant 0 : i32
    %dma_start3A_17 = tpu.memref_slice %arg2[%dma_start3A_16, %mul3A_14] : memref<2x320000xi32, #tpu.memory_space<hbm>> -> memref<2x128xi32, #tpu.memory_space<hbm>>
    tpu.enqueue_dma source(%dma_start3A_17 : memref<2x128xi32, #tpu.memory_space<hbm>>) target(%arg5 : memref<2x128xi32, #tpu.memory_space<vmem>>) target_semaphore(%arg15 : memref<!tpu.dma_semaphore, #tpu.memory_space<semaphore_mem>>)
    %add3A_18 = arith.constant 32 : i32
    %add3A_19 = arith.addi %add3A_18, %add3A : i32
    %mul3A_20 = arith.constant 128 : i32
    %mul3A_21 = arith.muli %add3A_19, %mul3A_20 : i32
    %dma_start3A_22 = arith.constant 0 : i32
    %dma_start3A_23 = tpu.memref_slice %arg2[%dma_start3A_22, %mul3A_21] : memref<2x320000xi32, #tpu.memory_space<hbm>> -> memref<2x128xi32, #tpu.memory_space<hbm>>
    %dma_start3A_24 = arith.constant 0 : i32
    %dma_start3A_25 = tpu.memref_slice %arg2[%dma_start3A_24, %mul3A_21] : memref<2x320000xi32, #tpu.memory_space<hbm>> -> memref<2x128xi32, #tpu.memory_space<hbm>>
    tpu.enqueue_dma source(%dma_start3A_25 : memref<2x128xi32, #tpu.memory_space<hbm>>) target(%arg6 : memref<2x128xi32, #tpu.memory_space<vmem>>) target_semaphore(%arg16 : memref<!tpu.dma_semaphore, #tpu.memory_space<semaphore_mem>>)
    %add3A_26 = arith.constant 64 : i32
    %add3A_27 = arith.addi %add3A_26, %add3A : i32
    %mul3A_28 = arith.constant 128 : i32
    %mul3A_29 = arith.muli %add3A_27, %mul3A_28 : i32
    %dma_start3A_30 = arith.constant 0 : i32
    %dma_start3A_31 = tpu.memref_slice %arg2[%dma_start3A_30, %mul3A_29] : memref<2x320000xi32, #tpu.memory_space<hbm>> -> memref<2x128xi32, #tpu.memory_space<hbm>>
    %dma_start3A_32 = arith.constant 0 : i32
    %dma_start3A_33 = tpu.memref_slice %arg2[%dma_start3A_32, %mul3A_29] : memref<2x320000xi32, #tpu.memory_space<hbm>> -> memref<2x128xi32, #tpu.memory_space<hbm>>
    tpu.enqueue_dma source(%dma_start3A_33 : memref<2x128xi32, #tpu.memory_space<hbm>>) target(%arg7 : memref<2x128xi32, #tpu.memory_space<vmem>>) target_semaphore(%arg17 : memref<!tpu.dma_semaphore, #tpu.memory_space<semaphore_mem>>)
    %add3A_34 = arith.constant 96 : i32
    %add3A_35 = arith.addi %add3A_34, %add3A : i32
    %mul3A_36 = arith.constant 128 : i32
    %mul3A_37 = arith.muli %add3A_35, %mul3A_36 : i32
    %dma_start3A_38 = arith.constant 0 : i32
    %dma_start3A_39 = tpu.memref_slice %arg2[%dma_start3A_38, %mul3A_37] : memref<2x320000xi32, #tpu.memory_space<hbm>> -> memref<2x128xi32, #tpu.memory_space<hbm>>
    %dma_start3A_40 = arith.constant 0 : i32
    %dma_start3A_41 = tpu.memref_slice %arg2[%dma_start3A_40, %mul3A_37] : memref<2x320000xi32, #tpu.memory_space<hbm>> -> memref<2x128xi32, #tpu.memory_space<hbm>>
    tpu.enqueue_dma source(%dma_start3A_41 : memref<2x128xi32, #tpu.memory_space<hbm>>) target(%arg8 : memref<2x128xi32, #tpu.memory_space<vmem>>) target_semaphore(%arg18 : memref<!tpu.dma_semaphore, #tpu.memory_space<semaphore_mem>>)
    %add3A_42 = arith.constant 128 : i32
    %add3A_43 = arith.addi %add3A_42, %add3A : i32
    %mul3A_44 = arith.constant 128 : i32
    %mul3A_45 = arith.muli %add3A_43, %mul3A_44 : i32
    %dma_start3A_46 = arith.constant 0 : i32
    %dma_start3A_47 = tpu.memref_slice %arg2[%dma_start3A_46, %mul3A_45] : memref<2x320000xi32, #tpu.memory_space<hbm>> -> memref<2x128xi32, #tpu.memory_space<hbm>>
    %dma_start3A_48 = arith.constant 0 : i32
    %dma_start3A_49 = tpu.memref_slice %arg2[%dma_start3A_48, %mul3A_45] : memref<2x320000xi32, #tpu.memory_space<hbm>> -> memref<2x128xi32, #tpu.memory_space<hbm>>
    tpu.enqueue_dma source(%dma_start3A_49 : memref<2x128xi32, #tpu.memory_space<hbm>>) target(%arg9 : memref<2x128xi32, #tpu.memory_space<vmem>>) target_semaphore(%arg19 : memref<!tpu.dma_semaphore, #tpu.memory_space<semaphore_mem>>)
    %add3A_50 = arith.constant 160 : i32
    %add3A_51 = arith.addi %add3A_50, %add3A : i32
    %mul3A_52 = arith.constant 128 : i32
    %mul3A_53 = arith.muli %add3A_51, %mul3A_52 : i32
    %dma_start3A_54 = arith.constant 0 : i32
    %dma_start3A_55 = tpu.memref_slice %arg2[%dma_start3A_54, %mul3A_53] : memref<2x320000xi32, #tpu.memory_space<hbm>> -> memref<2x128xi32, #tpu.memory_space<hbm>>
    %dma_start3A_56 = arith.constant 0 : i32
    %dma_start3A_57 = tpu.memref_slice %arg2[%dma_start3A_56, %mul3A_53] : memref<2x320000xi32, #tpu.memory_space<hbm>> -> memref<2x128xi32, #tpu.memory_space<hbm>>
    tpu.enqueue_dma source(%dma_start3A_57 : memref<2x128xi32, #tpu.memory_space<hbm>>) target(%arg10 : memref<2x128xi32, #tpu.memory_space<vmem>>) target_semaphore(%arg20 : memref<!tpu.dma_semaphore, #tpu.memory_space<semaphore_mem>>)
    %add3A_58 = arith.constant 0 : i32
    %add3A_59 = arith.addi %add3A_58, %add3A : i32
    %mul3A_60 = arith.constant 128 : i32
    %mul3A_61 = arith.muli %add3A_59, %mul3A_60 : i32
    %dma_wait3A = arith.constant 0 : i32
    %dma_wait3A_62 = tpu.memref_slice %arg2[%dma_wait3A, %mul3A_61] : memref<2x320000xi32, #tpu.memory_space<hbm>> -> memref<2x128xi32, #tpu.memory_space<hbm>>
    %dma_wait3A_63 = arith.constant 0 : i32
    %dma_wait3A_64 = tpu.memref_slice %arg2[%dma_wait3A_63, %mul3A_61] : memref<2x320000xi32, #tpu.memory_space<hbm>> -> memref<2x128xi32, #tpu.memory_space<hbm>>
    tpu.wait_dma2 semaphore(%arg15 : memref<!tpu.dma_semaphore, #tpu.memory_space<semaphore_mem>>) src(%dma_wait3A_64 : memref<2x128xi32, #tpu.memory_space<hbm>>) dst(%arg5 : memref<2x128xi32, #tpu.memory_space<vmem>>)
    %dma_start3A_65 = arith.constant 1 : i32
    %dma_start3A_66 = arith.constant 0 : i32
    %dma_start3A_67 = tpu.memref_slice %arg5[%dma_start3A_65, %dma_start3A_66] : memref<2x128xi32, #tpu.memory_space<vmem>> -> memref<1x128xi32, #tpu.memory_space<vmem>>
    %dma_start3A_68 = tpu.memref_squeeze %dma_start3A_67 : memref<1x128xi32, #tpu.memory_space<vmem>> -> memref<128xi32, #tpu.memory_space<vmem>>
    %dma_start3A_69 = arith.constant 0 : i32
    %dma_start3A_70 = arith.constant 0 : i32
    %dma_start3A_71 = tpu.memref_slice %arg3[%dma_start3A_69, %dma_start3A_70] : memref<10000x128xf32, #tpu.memory_space<hbm>> -> memref<10000x128xf32, #tpu.memory_space<hbm>>
    tpu.enqueue_indirect_dma source(%dma_start3A_71 : memref<10000x128xf32, #tpu.memory_space<hbm>>) target(%arg11 : memref<128x128xf32, #tpu.memory_space<vmem>>) offsets(%dma_start3A_68 : memref<128xi32, #tpu.memory_space<vmem>>) semaphore(%arg21 : memref<!tpu.dma_semaphore, #tpu.memory_space<semaphore_mem>>)
    %add3A_72 = arith.constant 32 : i32
    %add3A_73 = arith.addi %add3A_72, %add3A : i32
    %mul3A_74 = arith.constant 128 : i32
    %mul3A_75 = arith.muli %add3A_73, %mul3A_74 : i32
    %dma_wait3A_76 = arith.constant 0 : i32
    %dma_wait3A_77 = tpu.memref_slice %arg2[%dma_wait3A_76, %mul3A_75] : memref<2x320000xi32, #tpu.memory_space<hbm>> -> memref<2x128xi32, #tpu.memory_space<hbm>>
    %dma_wait3A_78 = arith.constant 0 : i32
    %dma_wait3A_79 = tpu.memref_slice %arg2[%dma_wait3A_78, %mul3A_75] : memref<2x320000xi32, #tpu.memory_space<hbm>> -> memref<2x128xi32, #tpu.memory_space<hbm>>
    tpu.wait_dma2 semaphore(%arg16 : memref<!tpu.dma_semaphore, #tpu.memory_space<semaphore_mem>>) src(%dma_wait3A_79 : memref<2x128xi32, #tpu.memory_space<hbm>>) dst(%arg6 : memref<2x128xi32, #tpu.memory_space<vmem>>)
    %dma_start3A_80 = arith.constant 1 : i32
    %dma_start3A_81 = arith.constant 0 : i32
    %dma_start3A_82 = tpu.memref_slice %arg6[%dma_start3A_80, %dma_start3A_81] : memref<2x128xi32, #tpu.memory_space<vmem>> -> memref<1x128xi32, #tpu.memory_space<vmem>>
    %dma_start3A_83 = tpu.memref_squeeze %dma_start3A_82 : memref<1x128xi32, #tpu.memory_space<vmem>> -> memref<128xi32, #tpu.memory_space<vmem>>
    %dma_start3A_84 = arith.constant 0 : i32
    %dma_start3A_85 = arith.constant 0 : i32
    %dma_start3A_86 = tpu.memref_slice %arg3[%dma_start3A_84, %dma_start3A_85] : memref<10000x128xf32, #tpu.memory_space<hbm>> -> memref<10000x128xf32, #tpu.memory_space<hbm>>
    tpu.enqueue_indirect_dma source(%dma_start3A_86 : memref<10000x128xf32, #tpu.memory_space<hbm>>) target(%arg12 : memref<128x128xf32, #tpu.memory_space<vmem>>) offsets(%dma_start3A_83 : memref<128xi32, #tpu.memory_space<vmem>>) semaphore(%arg22 : memref<!tpu.dma_semaphore, #tpu.memory_space<semaphore_mem>>)
    %dma_wait3A_87 = arith.constant 1 : i32
    %dma_wait3A_88 = arith.constant 0 : i32
    %dma_wait3A_89 = tpu.memref_slice %arg5[%dma_wait3A_87, %dma_wait3A_88] : memref<2x128xi32, #tpu.memory_space<vmem>> -> memref<1x128xi32, #tpu.memory_space<vmem>>
    %dma_wait3A_90 = tpu.memref_squeeze %dma_wait3A_89 : memref<1x128xi32, #tpu.memory_space<vmem>> -> memref<128xi32, #tpu.memory_space<vmem>>
    %dma_wait3A_91 = arith.constant 0 : i32
    %dma_wait3A_92 = arith.constant 0 : i32
    %dma_wait3A_93 = tpu.memref_slice %arg3[%dma_wait3A_91, %dma_wait3A_92] : memref<10000x128xf32, #tpu.memory_space<hbm>> -> memref<10000x128xf32, #tpu.memory_space<hbm>>
    tpu.wait_indirect_dma semaphore(%arg21 : memref<!tpu.dma_semaphore, #tpu.memory_space<semaphore_mem>>) src(%dma_wait3A_93 : memref<10000x128xf32, #tpu.memory_space<hbm>>) dst(%arg11 : memref<128x128xf32, #tpu.memory_space<vmem>>)
    %dma_start3A_94 = arith.constant 0 : i32
    %dma_start3A_95 = arith.constant 0 : i32
    %dma_start3A_96 = tpu.memref_slice %arg5[%dma_start3A_94, %dma_start3A_95] : memref<2x128xi32, #tpu.memory_space<vmem>> -> memref<1x128xi32, #tpu.memory_space<vmem>>
    %dma_start3A_97 = tpu.memref_squeeze %dma_start3A_96 : memref<1x128xi32, #tpu.memory_space<vmem>> -> memref<128xi32, #tpu.memory_space<vmem>>
    %dma_start3A_98 = arith.constant 0 : i32
    %dma_start3A_99 = arith.constant 0 : i32
    %dma_start3A_100 = tpu.memref_slice %arg14[%dma_start3A_98, %dma_start3A_99] : memref<10000x128xf32, #tpu.memory_space<vmem_shared>> -> memref<10000x128xf32, #tpu.memory_space<vmem_shared>>
    tpu.enqueue_indirect_dma source(%arg11 : memref<128x128xf32, #tpu.memory_space<vmem>>) target(%dma_start3A_100 : memref<10000x128xf32, #tpu.memory_space<vmem_shared>>) offsets(%dma_start3A_97 : memref<128xi32, #tpu.memory_space<vmem>>) semaphore(%arg24 : memref<!tpu.dma_semaphore, #tpu.memory_space<semaphore_mem>>) {add = true}
    %add3A_101 = arith.constant 64 : i32
    %add3A_102 = arith.addi %add3A_101, %add3A : i32
    %mul3A_103 = arith.constant 128 : i32
    %mul3A_104 = arith.muli %add3A_102, %mul3A_103 : i32
    %dma_wait3A_105 = arith.constant 0 : i32
    %dma_wait3A_106 = tpu.memref_slice %arg2[%dma_wait3A_105, %mul3A_104] : memref<2x320000xi32, #tpu.memory_space<hbm>> -> memref<2x128xi32, #tpu.memory_space<hbm>>
    %dma_wait3A_107 = arith.constant 0 : i32
    %dma_wait3A_108 = tpu.memref_slice %arg2[%dma_wait3A_107, %mul3A_104] : memref<2x320000xi32, #tpu.memory_space<hbm>> -> memref<2x128xi32, #tpu.memory_space<hbm>>
    tpu.wait_dma2 semaphore(%arg17 : memref<!tpu.dma_semaphore, #tpu.memory_space<semaphore_mem>>) src(%dma_wait3A_108 : memref<2x128xi32, #tpu.memory_space<hbm>>) dst(%arg7 : memref<2x128xi32, #tpu.memory_space<vmem>>)
    %dma_start3A_109 = arith.constant 1 : i32
    %dma_start3A_110 = arith.constant 0 : i32
    %dma_start3A_111 = tpu.memref_slice %arg7[%dma_start3A_109, %dma_start3A_110] : memref<2x128xi32, #tpu.memory_space<vmem>> -> memref<1x128xi32, #tpu.memory_space<vmem>>
    %dma_start3A_112 = tpu.memref_squeeze %dma_start3A_111 : memref<1x128xi32, #tpu.memory_space<vmem>> -> memref<128xi32, #tpu.memory_space<vmem>>
    %dma_start3A_113 = arith.constant 0 : i32
    %dma_start3A_114 = arith.constant 0 : i32
    %dma_start3A_115 = tpu.memref_slice %arg3[%dma_start3A_113, %dma_start3A_114] : memref<10000x128xf32, #tpu.memory_space<hbm>> -> memref<10000x128xf32, #tpu.memory_space<hbm>>
    tpu.enqueue_indirect_dma source(%dma_start3A_115 : memref<10000x128xf32, #tpu.memory_space<hbm>>) target(%arg13 : memref<128x128xf32, #tpu.memory_space<vmem>>) offsets(%dma_start3A_112 : memref<128xi32, #tpu.memory_space<vmem>>) semaphore(%arg23 : memref<!tpu.dma_semaphore, #tpu.memory_space<semaphore_mem>>)
    %dma_wait3A_116 = arith.constant 1 : i32
    %dma_wait3A_117 = arith.constant 0 : i32
    %dma_wait3A_118 = tpu.memref_slice %arg6[%dma_wait3A_116, %dma_wait3A_117] : memref<2x128xi32, #tpu.memory_space<vmem>> -> memref<1x128xi32, #tpu.memory_space<vmem>>
    %dma_wait3A_119 = tpu.memref_squeeze %dma_wait3A_118 : memref<1x128xi32, #tpu.memory_space<vmem>> -> memref<128xi32, #tpu.memory_space<vmem>>
    %dma_wait3A_120 = arith.constant 0 : i32
    %dma_wait3A_121 = arith.constant 0 : i32
    %dma_wait3A_122 = tpu.memref_slice %arg3[%dma_wait3A_120, %dma_wait3A_121] : memref<10000x128xf32, #tpu.memory_space<hbm>> -> memref<10000x128xf32, #tpu.memory_space<hbm>>
    tpu.wait_indirect_dma semaphore(%arg22 : memref<!tpu.dma_semaphore, #tpu.memory_space<semaphore_mem>>) src(%dma_wait3A_122 : memref<10000x128xf32, #tpu.memory_space<hbm>>) dst(%arg12 : memref<128x128xf32, #tpu.memory_space<vmem>>)
    %dma_start3A_123 = arith.constant 0 : i32
    %dma_start3A_124 = arith.constant 0 : i32
    %dma_start3A_125 = tpu.memref_slice %arg6[%dma_start3A_123, %dma_start3A_124] : memref<2x128xi32, #tpu.memory_space<vmem>> -> memref<1x128xi32, #tpu.memory_space<vmem>>
    %dma_start3A_126 = tpu.memref_squeeze %dma_start3A_125 : memref<1x128xi32, #tpu.memory_space<vmem>> -> memref<128xi32, #tpu.memory_space<vmem>>
    %dma_start3A_127 = arith.constant 0 : i32
    %dma_start3A_128 = arith.constant 0 : i32
    %dma_start3A_129 = tpu.memref_slice %arg14[%dma_start3A_127, %dma_start3A_128] : memref<10000x128xf32, #tpu.memory_space<vmem_shared>> -> memref<10000x128xf32, #tpu.memory_space<vmem_shared>>
    tpu.enqueue_indirect_dma source(%arg12 : memref<128x128xf32, #tpu.memory_space<vmem>>) target(%dma_start3A_129 : memref<10000x128xf32, #tpu.memory_space<vmem_shared>>) offsets(%dma_start3A_126 : memref<128xi32, #tpu.memory_space<vmem>>) semaphore(%arg25 : memref<!tpu.dma_semaphore, #tpu.memory_space<semaphore_mem>>) {add = true}
    %dma_wait3A_130 = arith.constant 0 : i32
    %dma_wait3A_131 = arith.constant 0 : i32
    %dma_wait3A_132 = tpu.memref_slice %arg5[%dma_wait3A_130, %dma_wait3A_131] : memref<2x128xi32, #tpu.memory_space<vmem>> -> memref<1x128xi32, #tpu.memory_space<vmem>>
    %dma_wait3A_133 = tpu.memref_squeeze %dma_wait3A_132 : memref<1x128xi32, #tpu.memory_space<vmem>> -> memref<128xi32, #tpu.memory_space<vmem>>
    %dma_wait3A_134 = arith.constant 0 : i32
    %dma_wait3A_135 = arith.constant 0 : i32
    %dma_wait3A_136 = tpu.memref_slice %arg14[%dma_wait3A_134, %dma_wait3A_135] : memref<10000x128xf32, #tpu.memory_space<vmem_shared>> -> memref<10000x128xf32, #tpu.memory_space<vmem_shared>>
    tpu.wait_indirect_dma semaphore(%arg24 : memref<!tpu.dma_semaphore, #tpu.memory_space<semaphore_mem>>) src(%arg11 : memref<128x128xf32, #tpu.memory_space<vmem>>) dst(%dma_wait3A_136 : memref<10000x128xf32, #tpu.memory_space<vmem_shared>>)
    %add3A_137 = arith.constant 96 : i32
    %add3A_138 = arith.addi %add3A_137, %add3A : i32
    %mul3A_139 = arith.constant 128 : i32
    %mul3A_140 = arith.muli %add3A_138, %mul3A_139 : i32
    %dma_wait3A_141 = arith.constant 0 : i32
    %dma_wait3A_142 = tpu.memref_slice %arg2[%dma_wait3A_141, %mul3A_140] : memref<2x320000xi32, #tpu.memory_space<hbm>> -> memref<2x128xi32, #tpu.memory_space<hbm>>
    %dma_wait3A_143 = arith.constant 0 : i32
    %dma_wait3A_144 = tpu.memref_slice %arg2[%dma_wait3A_143, %mul3A_140] : memref<2x320000xi32, #tpu.memory_space<hbm>> -> memref<2x128xi32, #tpu.memory_space<hbm>>
    tpu.wait_dma2 semaphore(%arg18 : memref<!tpu.dma_semaphore, #tpu.memory_space<semaphore_mem>>) src(%dma_wait3A_144 : memref<2x128xi32, #tpu.memory_space<hbm>>) dst(%arg8 : memref<2x128xi32, #tpu.memory_space<vmem>>)
    %dma_start3A_145 = arith.constant 1 : i32
    %dma_start3A_146 = arith.constant 0 : i32
    %dma_start3A_147 = tpu.memref_slice %arg8[%dma_start3A_145, %dma_start3A_146] : memref<2x128xi32, #tpu.memory_space<vmem>> -> memref<1x128xi32, #tpu.memory_space<vmem>>
    %dma_start3A_148 = tpu.memref_squeeze %dma_start3A_147 : memref<1x128xi32, #tpu.memory_space<vmem>> -> memref<128xi32, #tpu.memory_space<vmem>>
    %dma_start3A_149 = arith.constant 0 : i32
    %dma_start3A_150 = arith.constant 0 : i32
    %dma_start3A_151 = tpu.memref_slice %arg3[%dma_start3A_149, %dma_start3A_150] : memref<10000x128xf32, #tpu.memory_space<hbm>> -> memref<10000x128xf32, #tpu.memory_space<hbm>>
    tpu.enqueue_indirect_dma source(%dma_start3A_151 : memref<10000x128xf32, #tpu.memory_space<hbm>>) target(%arg11 : memref<128x128xf32, #tpu.memory_space<vmem>>) offsets(%dma_start3A_148 : memref<128xi32, #tpu.memory_space<vmem>>) semaphore(%arg21 : memref<!tpu.dma_semaphore, #tpu.memory_space<semaphore_mem>>)
    %scan3A_152 = arith.constant 0 : i32
    %scan3A_153 = arith.constant 12 : i32
    %scan3A_154 = arith.addi %scan3A_152, %scan3A_153 : i32
    %scan3A_155 = arith.constant 1 : i32
    scf.for %scan3A_294 = %scan3A_152 to %scan3A_154 step %scan3A_155  : i32 {
      %mul3A_295 = arith.constant 1 : i32
      %mul3A_296 = arith.muli %scan3A_294, %mul3A_295 : i32
      %add3A_297 = arith.constant 0 : i32
      %add3A_298 = arith.addi %add3A_297, %mul3A_296 : i32
      %mul3A_299 = arith.constant 6 : i32
      %mul3A_300 = arith.muli %add3A_298, %mul3A_299 : i32
      %add3A_301 = arith.constant 2 : i32
      %add3A_302 = arith.addi %add3A_301, %mul3A_300 : i32
      %add3A_303 = arith.constant 0 : i32
      %add3A_304 = arith.addi %add3A_302, %add3A_303 : i32
      %dma_wait3A_305 = arith.constant 1 : i32
      %dma_wait3A_306 = arith.constant 0 : i32
      %dma_wait3A_307 = tpu.memref_slice %arg7[%dma_wait3A_305, %dma_wait3A_306] : memref<2x128xi32, #tpu.memory_space<vmem>> -> memref<1x128xi32, #tpu.memory_space<vmem>>
      %dma_wait3A_308 = tpu.memref_squeeze %dma_wait3A_307 : memref<1x128xi32, #tpu.memory_space<vmem>> -> memref<128xi32, #tpu.memory_space<vmem>>
      %dma_wait3A_309 = arith.constant 0 : i32
      %dma_wait3A_310 = arith.constant 0 : i32
      %dma_wait3A_311 = tpu.memref_slice %arg3[%dma_wait3A_309, %dma_wait3A_310] : memref<10000x128xf32, #tpu.memory_space<hbm>> -> memref<10000x128xf32, #tpu.memory_space<hbm>>
      tpu.wait_indirect_dma semaphore(%arg23 : memref<!tpu.dma_semaphore, #tpu.memory_space<semaphore_mem>>) src(%dma_wait3A_311 : memref<10000x128xf32, #tpu.memory_space<hbm>>) dst(%arg13 : memref<128x128xf32, #tpu.memory_space<vmem>>)
      %dma_start3A_312 = arith.constant 0 : i32
      %dma_start3A_313 = arith.constant 0 : i32
      %dma_start3A_314 = tpu.memref_slice %arg7[%dma_start3A_312, %dma_start3A_313] : memref<2x128xi32, #tpu.memory_space<vmem>> -> memref<1x128xi32, #tpu.memory_space<vmem>>
      %dma_start3A_315 = tpu.memref_squeeze %dma_start3A_314 : memref<1x128xi32, #tpu.memory_space<vmem>> -> memref<128xi32, #tpu.memory_space<vmem>>
      %dma_start3A_316 = arith.constant 0 : i32
      %dma_start3A_317 = arith.constant 0 : i32
      %dma_start3A_318 = tpu.memref_slice %arg14[%dma_start3A_316, %dma_start3A_317] : memref<10000x128xf32, #tpu.memory_space<vmem_shared>> -> memref<10000x128xf32, #tpu.memory_space<vmem_shared>>
      tpu.enqueue_indirect_dma source(%arg13 : memref<128x128xf32, #tpu.memory_space<vmem>>) target(%dma_start3A_318 : memref<10000x128xf32, #tpu.memory_space<vmem_shared>>) offsets(%dma_start3A_315 : memref<128xi32, #tpu.memory_space<vmem>>) semaphore(%arg26 : memref<!tpu.dma_semaphore, #tpu.memory_space<semaphore_mem>>) {add = true}
      %dma_wait3A_319 = arith.constant 0 : i32
      %dma_wait3A_320 = arith.constant 0 : i32
      %dma_wait3A_321 = tpu.memref_slice %arg6[%dma_wait3A_319, %dma_wait3A_320] : memref<2x128xi32, #tpu.memory_space<vmem>> -> memref<1x128xi32, #tpu.memory_space<vmem>>
      %dma_wait3A_322 = tpu.memref_squeeze %dma_wait3A_321 : memref<1x128xi32, #tpu.memory_space<vmem>> -> memref<128xi32, #tpu.memory_space<vmem>>
      %dma_wait3A_323 = arith.constant 0 : i32
      %dma_wait3A_324 = arith.constant 0 : i32
      %dma_wait3A_325 = tpu.memref_slice %arg14[%dma_wait3A_323, %dma_wait3A_324] : memref<10000x128xf32, #tpu.memory_space<vmem_shared>> -> memref<10000x128xf32, #tpu.memory_space<vmem_shared>>
      tpu.wait_indirect_dma semaphore(%arg25 : memref<!tpu.dma_semaphore, #tpu.memory_space<semaphore_mem>>) src(%arg12 : memref<128x128xf32, #tpu.memory_space<vmem>>) dst(%dma_wait3A_325 : memref<10000x128xf32, #tpu.memory_space<vmem_shared>>)
      %add3A_326 = arith.constant 2 : i32
      %add3A_327 = arith.addi %add3A_304, %add3A_326 : i32
      %mul3A_328 = arith.constant 32 : i32
      %mul3A_329 = arith.muli %add3A_327, %mul3A_328 : i32
      %add3A_330 = arith.addi %mul3A_329, %add3A : i32
      %mul3A_331 = arith.constant 128 : i32
      %mul3A_332 = arith.muli %add3A_330, %mul3A_331 : i32
      %dma_wait3A_333 = arith.constant 0 : i32
      %dma_wait3A_334 = tpu.memref_slice %arg2[%dma_wait3A_333, %mul3A_332] : memref<2x320000xi32, #tpu.memory_space<hbm>> -> memref<2x128xi32, #tpu.memory_space<hbm>>
      %dma_wait3A_335 = arith.constant 0 : i32
      %dma_wait3A_336 = tpu.memref_slice %arg2[%dma_wait3A_335, %mul3A_332] : memref<2x320000xi32, #tpu.memory_space<hbm>> -> memref<2x128xi32, #tpu.memory_space<hbm>>
      tpu.wait_dma2 semaphore(%arg19 : memref<!tpu.dma_semaphore, #tpu.memory_space<semaphore_mem>>) src(%dma_wait3A_336 : memref<2x128xi32, #tpu.memory_space<hbm>>) dst(%arg9 : memref<2x128xi32, #tpu.memory_space<vmem>>)
      %dma_start3A_337 = arith.constant 1 : i32
      %dma_start3A_338 = arith.constant 0 : i32
      %dma_start3A_339 = tpu.memref_slice %arg9[%dma_start3A_337, %dma_start3A_338] : memref<2x128xi32, #tpu.memory_space<vmem>> -> memref<1x128xi32, #tpu.memory_space<vmem>>
      %dma_start3A_340 = tpu.memref_squeeze %dma_start3A_339 : memref<1x128xi32, #tpu.memory_space<vmem>> -> memref<128xi32, #tpu.memory_space<vmem>>
      %dma_start3A_341 = arith.constant 0 : i32
      %dma_start3A_342 = arith.constant 0 : i32
      %dma_start3A_343 = tpu.memref_slice %arg3[%dma_start3A_341, %dma_start3A_342] : memref<10000x128xf32, #tpu.memory_space<hbm>> -> memref<10000x128xf32, #tpu.memory_space<hbm>>
      tpu.enqueue_indirect_dma source(%dma_start3A_343 : memref<10000x128xf32, #tpu.memory_space<hbm>>) target(%arg12 : memref<128x128xf32, #tpu.memory_space<vmem>>) offsets(%dma_start3A_340 : memref<128xi32, #tpu.memory_space<vmem>>) semaphore(%arg22 : memref<!tpu.dma_semaphore, #tpu.memory_space<semaphore_mem>>)
      %add3A_344 = arith.constant 4 : i32
      %add3A_345 = arith.addi %add3A_304, %add3A_344 : i32
      %mul3A_346 = arith.constant 32 : i32
      %mul3A_347 = arith.muli %add3A_345, %mul3A_346 : i32
      %add3A_348 = arith.addi %mul3A_347, %add3A : i32
      %mul3A_349 = arith.constant 128 : i32
      %mul3A_350 = arith.muli %add3A_348, %mul3A_349 : i32
      %dma_start3A_351 = arith.constant 0 : i32
      %dma_start3A_352 = tpu.memref_slice %arg2[%dma_start3A_351, %mul3A_350] : memref<2x320000xi32, #tpu.memory_space<hbm>> -> memref<2x128xi32, #tpu.memory_space<hbm>>
      %dma_start3A_353 = arith.constant 0 : i32
      %dma_start3A_354 = tpu.memref_slice %arg2[%dma_start3A_353, %mul3A_350] : memref<2x320000xi32, #tpu.memory_space<hbm>> -> memref<2x128xi32, #tpu.memory_space<hbm>>
      tpu.enqueue_dma source(%dma_start3A_354 : memref<2x128xi32, #tpu.memory_space<hbm>>) target(%arg5 : memref<2x128xi32, #tpu.memory_space<vmem>>) target_semaphore(%arg15 : memref<!tpu.dma_semaphore, #tpu.memory_space<semaphore_mem>>)
      %add3A_355 = arith.constant 1 : i32
      %add3A_356 = arith.addi %add3A_302, %add3A_355 : i32
      %dma_wait3A_357 = arith.constant 1 : i32
      %dma_wait3A_358 = arith.constant 0 : i32
      %dma_wait3A_359 = tpu.memref_slice %arg8[%dma_wait3A_357, %dma_wait3A_358] : memref<2x128xi32, #tpu.memory_space<vmem>> -> memref<1x128xi32, #tpu.memory_space<vmem>>
      %dma_wait3A_360 = tpu.memref_squeeze %dma_wait3A_359 : memref<1x128xi32, #tpu.memory_space<vmem>> -> memref<128xi32, #tpu.memory_space<vmem>>
      %dma_wait3A_361 = arith.constant 0 : i32
      %dma_wait3A_362 = arith.constant 0 : i32
      %dma_wait3A_363 = tpu.memref_slice %arg3[%dma_wait3A_361, %dma_wait3A_362] : memref<10000x128xf32, #tpu.memory_space<hbm>> -> memref<10000x128xf32, #tpu.memory_space<hbm>>
      tpu.wait_indirect_dma semaphore(%arg21 : memref<!tpu.dma_semaphore, #tpu.memory_space<semaphore_mem>>) src(%dma_wait3A_363 : memref<10000x128xf32, #tpu.memory_space<hbm>>) dst(%arg11 : memref<128x128xf32, #tpu.memory_space<vmem>>)
      %dma_start3A_364 = arith.constant 0 : i32
      %dma_start3A_365 = arith.constant 0 : i32
      %dma_start3A_366 = tpu.memref_slice %arg8[%dma_start3A_364, %dma_start3A_365] : memref<2x128xi32, #tpu.memory_space<vmem>> -> memref<1x128xi32, #tpu.memory_space<vmem>>
      %dma_start3A_367 = tpu.memref_squeeze %dma_start3A_366 : memref<1x128xi32, #tpu.memory_space<vmem>> -> memref<128xi32, #tpu.memory_space<vmem>>
      %dma_start3A_368 = arith.constant 0 : i32
      %dma_start3A_369 = arith.constant 0 : i32
      %dma_start3A_370 = tpu.memref_slice %arg14[%dma_start3A_368, %dma_start3A_369] : memref<10000x128xf32, #tpu.memory_space<vmem_shared>> -> memref<10000x128xf32, #tpu.memory_space<vmem_shared>>
      tpu.enqueue_indirect_dma source(%arg11 : memref<128x128xf32, #tpu.memory_space<vmem>>) target(%dma_start3A_370 : memref<10000x128xf32, #tpu.memory_space<vmem_shared>>) offsets(%dma_start3A_367 : memref<128xi32, #tpu.memory_space<vmem>>) semaphore(%arg24 : memref<!tpu.dma_semaphore, #tpu.memory_space<semaphore_mem>>) {add = true}
      %dma_wait3A_371 = arith.constant 0 : i32
      %dma_wait3A_372 = arith.constant 0 : i32
      %dma_wait3A_373 = tpu.memref_slice %arg7[%dma_wait3A_371, %dma_wait3A_372] : memref<2x128xi32, #tpu.memory_space<vmem>> -> memref<1x128xi32, #tpu.memory_space<vmem>>
      %dma_wait3A_374 = tpu.memref_squeeze %dma_wait3A_373 : memref<1x128xi32, #tpu.memory_space<vmem>> -> memref<128xi32, #tpu.memory_space<vmem>>
      %dma_wait3A_375 = arith.constant 0 : i32
      %dma_wait3A_376 = arith.constant 0 : i32
      %dma_wait3A_377 = tpu.memref_slice %arg14[%dma_wait3A_375, %dma_wait3A_376] : memref<10000x128xf32, #tpu.memory_space<vmem_shared>> -> memref<10000x128xf32, #tpu.memory_space<vmem_shared>>
      tpu.wait_indirect_dma semaphore(%arg26 : memref<!tpu.dma_semaphore, #tpu.memory_space<semaphore_mem>>) src(%arg13 : memref<128x128xf32, #tpu.memory_space<vmem>>) dst(%dma_wait3A_377 : memref<10000x128xf32, #tpu.memory_space<vmem_shared>>)
      %add3A_378 = arith.constant 2 : i32
      %add3A_379 = arith.addi %add3A_356, %add3A_378 : i32
      %mul3A_380 = arith.constant 32 : i32
      %mul3A_381 = arith.muli %add3A_379, %mul3A_380 : i32
      %add3A_382 = arith.addi %mul3A_381, %add3A : i32
      %mul3A_383 = arith.constant 128 : i32
      %mul3A_384 = arith.muli %add3A_382, %mul3A_383 : i32
      %dma_wait3A_385 = arith.constant 0 : i32
      %dma_wait3A_386 = tpu.memref_slice %arg2[%dma_wait3A_385, %mul3A_384] : memref<2x320000xi32, #tpu.memory_space<hbm>> -> memref<2x128xi32, #tpu.memory_space<hbm>>
      %dma_wait3A_387 = arith.constant 0 : i32
      %dma_wait3A_388 = tpu.memref_slice %arg2[%dma_wait3A_387, %mul3A_384] : memref<2x320000xi32, #tpu.memory_space<hbm>> -> memref<2x128xi32, #tpu.memory_space<hbm>>
      tpu.wait_dma2 semaphore(%arg20 : memref<!tpu.dma_semaphore, #tpu.memory_space<semaphore_mem>>) src(%dma_wait3A_388 : memref<2x128xi32, #tpu.memory_space<hbm>>) dst(%arg10 : memref<2x128xi32, #tpu.memory_space<vmem>>)
      %dma_start3A_389 = arith.constant 1 : i32
      %dma_start3A_390 = arith.constant 0 : i32
      %dma_start3A_391 = tpu.memref_slice %arg10[%dma_start3A_389, %dma_start3A_390] : memref<2x128xi32, #tpu.memory_space<vmem>> -> memref<1x128xi32, #tpu.memory_space<vmem>>
      %dma_start3A_392 = tpu.memref_squeeze %dma_start3A_391 : memref<1x128xi32, #tpu.memory_space<vmem>> -> memref<128xi32, #tpu.memory_space<vmem>>
      %dma_start3A_393 = arith.constant 0 : i32
      %dma_start3A_394 = arith.constant 0 : i32
      %dma_start3A_395 = tpu.memref_slice %arg3[%dma_start3A_393, %dma_start3A_394] : memref<10000x128xf32, #tpu.memory_space<hbm>> -> memref<10000x128xf32, #tpu.memory_space<hbm>>
      tpu.enqueue_indirect_dma source(%dma_start3A_395 : memref<10000x128xf32, #tpu.memory_space<hbm>>) target(%arg13 : memref<128x128xf32, #tpu.memory_space<vmem>>) offsets(%dma_start3A_392 : memref<128xi32, #tpu.memory_space<vmem>>) semaphore(%arg23 : memref<!tpu.dma_semaphore, #tpu.memory_space<semaphore_mem>>)
      %add3A_396 = arith.constant 4 : i32
      %add3A_397 = arith.addi %add3A_356, %add3A_396 : i32
      %mul3A_398 = arith.constant 32 : i32
      %mul3A_399 = arith.muli %add3A_397, %mul3A_398 : i32
      %add3A_400 = arith.addi %mul3A_399, %add3A : i32
      %mul3A_401 = arith.constant 128 : i32
      %mul3A_402 = arith.muli %add3A_400, %mul3A_401 : i32
      %dma_start3A_403 = arith.constant 0 : i32
      %dma_start3A_404 = tpu.memref_slice %arg2[%dma_start3A_403, %mul3A_402] : memref<2x320000xi32, #tpu.memory_space<hbm>> -> memref<2x128xi32, #tpu.memory_space<hbm>>
      %dma_start3A_405 = arith.constant 0 : i32
      %dma_start3A_406 = tpu.memref_slice %arg2[%dma_start3A_405, %mul3A_402] : memref<2x320000xi32, #tpu.memory_space<hbm>> -> memref<2x128xi32, #tpu.memory_space<hbm>>
      tpu.enqueue_dma source(%dma_start3A_406 : memref<2x128xi32, #tpu.memory_space<hbm>>) target(%arg6 : memref<2x128xi32, #tpu.memory_space<vmem>>) target_semaphore(%arg16 : memref<!tpu.dma_semaphore, #tpu.memory_space<semaphore_mem>>)
      %add3A_407 = arith.constant 2 : i32
      %add3A_408 = arith.addi %add3A_302, %add3A_407 : i32
      %dma_wait3A_409 = arith.constant 1 : i32
      %dma_wait3A_410 = arith.constant 0 : i32
      %dma_wait3A_411 = tpu.memref_slice %arg9[%dma_wait3A_409, %dma_wait3A_410] : memref<2x128xi32, #tpu.memory_space<vmem>> -> memref<1x128xi32, #tpu.memory_space<vmem>>
      %dma_wait3A_412 = tpu.memref_squeeze %dma_wait3A_411 : memref<1x128xi32, #tpu.memory_space<vmem>> -> memref<128xi32, #tpu.memory_space<vmem>>
      %dma_wait3A_413 = arith.constant 0 : i32
      %dma_wait3A_414 = arith.constant 0 : i32
      %dma_wait3A_415 = tpu.memref_slice %arg3[%dma_wait3A_413, %dma_wait3A_414] : memref<10000x128xf32, #tpu.memory_space<hbm>> -> memref<10000x128xf32, #tpu.memory_space<hbm>>
      tpu.wait_indirect_dma semaphore(%arg22 : memref<!tpu.dma_semaphore, #tpu.memory_space<semaphore_mem>>) src(%dma_wait3A_415 : memref<10000x128xf32, #tpu.memory_space<hbm>>) dst(%arg12 : memref<128x128xf32, #tpu.memory_space<vmem>>)
      %dma_start3A_416 = arith.constant 0 : i32
      %dma_start3A_417 = arith.constant 0 : i32
      %dma_start3A_418 = tpu.memref_slice %arg9[%dma_start3A_416, %dma_start3A_417] : memref<2x128xi32, #tpu.memory_space<vmem>> -> memref<1x128xi32, #tpu.memory_space<vmem>>
      %dma_start3A_419 = tpu.memref_squeeze %dma_start3A_418 : memref<1x128xi32, #tpu.memory_space<vmem>> -> memref<128xi32, #tpu.memory_space<vmem>>
      %dma_start3A_420 = arith.constant 0 : i32
      %dma_start3A_421 = arith.constant 0 : i32
      %dma_start3A_422 = tpu.memref_slice %arg14[%dma_start3A_420, %dma_start3A_421] : memref<10000x128xf32, #tpu.memory_space<vmem_shared>> -> memref<10000x128xf32, #tpu.memory_space<vmem_shared>>
      tpu.enqueue_indirect_dma source(%arg12 : memref<128x128xf32, #tpu.memory_space<vmem>>) target(%dma_start3A_422 : memref<10000x128xf32, #tpu.memory_space<vmem_shared>>) offsets(%dma_start3A_419 : memref<128xi32, #tpu.memory_space<vmem>>) semaphore(%arg25 : memref<!tpu.dma_semaphore, #tpu.memory_space<semaphore_mem>>) {add = true}
      %dma_wait3A_423 = arith.constant 0 : i32
      %dma_wait3A_424 = arith.constant 0 : i32
      %dma_wait3A_425 = tpu.memref_slice %arg8[%dma_wait3A_423, %dma_wait3A_424] : memref<2x128xi32, #tpu.memory_space<vmem>> -> memref<1x128xi32, #tpu.memory_space<vmem>>
      %dma_wait3A_426 = tpu.memref_squeeze %dma_wait3A_425 : memref<1x128xi32, #tpu.memory_space<vmem>> -> memref<128xi32, #tpu.memory_space<vmem>>
      %dma_wait3A_427 = arith.constant 0 : i32
      %dma_wait3A_428 = arith.constant 0 : i32
      %dma_wait3A_429 = tpu.memref_slice %arg14[%dma_wait3A_427, %dma_wait3A_428] : memref<10000x128xf32, #tpu.memory_space<vmem_shared>> -> memref<10000x128xf32, #tpu.memory_space<vmem_shared>>
      tpu.wait_indirect_dma semaphore(%arg24 : memref<!tpu.dma_semaphore, #tpu.memory_space<semaphore_mem>>) src(%arg11 : memref<128x128xf32, #tpu.memory_space<vmem>>) dst(%dma_wait3A_429 : memref<10000x128xf32, #tpu.memory_space<vmem_shared>>)
      %add3A_430 = arith.constant 2 : i32
      %add3A_431 = arith.addi %add3A_408, %add3A_430 : i32
      %mul3A_432 = arith.constant 32 : i32
      %mul3A_433 = arith.muli %add3A_431, %mul3A_432 : i32
      %add3A_434 = arith.addi %mul3A_433, %add3A : i32
      %mul3A_435 = arith.constant 128 : i32
      %mul3A_436 = arith.muli %add3A_434, %mul3A_435 : i32
      %dma_wait3A_437 = arith.constant 0 : i32
      %dma_wait3A_438 = tpu.memref_slice %arg2[%dma_wait3A_437, %mul3A_436] : memref<2x320000xi32, #tpu.memory_space<hbm>> -> memref<2x128xi32, #tpu.memory_space<hbm>>
      %dma_wait3A_439 = arith.constant 0 : i32
      %dma_wait3A_440 = tpu.memref_slice %arg2[%dma_wait3A_439, %mul3A_436] : memref<2x320000xi32, #tpu.memory_space<hbm>> -> memref<2x128xi32, #tpu.memory_space<hbm>>
      tpu.wait_dma2 semaphore(%arg15 : memref<!tpu.dma_semaphore, #tpu.memory_space<semaphore_mem>>) src(%dma_wait3A_440 : memref<2x128xi32, #tpu.memory_space<hbm>>) dst(%arg5 : memref<2x128xi32, #tpu.memory_space<vmem>>)
      %dma_start3A_441 = arith.constant 1 : i32
      %dma_start3A_442 = arith.constant 0 : i32
      %dma_start3A_443 = tpu.memref_slice %arg5[%dma_start3A_441, %dma_start3A_442] : memref<2x128xi32, #tpu.memory_space<vmem>> -> memref<1x128xi32, #tpu.memory_space<vmem>>
      %dma_start3A_444 = tpu.memref_squeeze %dma_start3A_443 : memref<1x128xi32, #tpu.memory_space<vmem>> -> memref<128xi32, #tpu.memory_space<vmem>>
      %dma_start3A_445 = arith.constant 0 : i32
      %dma_start3A_446 = arith.constant 0 : i32
      %dma_start3A_447 = tpu.memref_slice %arg3[%dma_start3A_445, %dma_start3A_446] : memref<10000x128xf32, #tpu.memory_space<hbm>> -> memref<10000x128xf32, #tpu.memory_space<hbm>>
      tpu.enqueue_indirect_dma source(%dma_start3A_447 : memref<10000x128xf32, #tpu.memory_space<hbm>>) target(%arg11 : memref<128x128xf32, #tpu.memory_space<vmem>>) offsets(%dma_start3A_444 : memref<128xi32, #tpu.memory_space<vmem>>) semaphore(%arg21 : memref<!tpu.dma_semaphore, #tpu.memory_space<semaphore_mem>>)
      %add3A_448 = arith.constant 4 : i32
      %add3A_449 = arith.addi %add3A_408, %add3A_448 : i32
      %mul3A_450 = arith.constant 32 : i32
      %mul3A_451 = arith.muli %add3A_449, %mul3A_450 : i32
      %add3A_452 = arith.addi %mul3A_451, %add3A : i32
      %mul3A_453 = arith.constant 128 : i32
      %mul3A_454 = arith.muli %add3A_452, %mul3A_453 : i32
      %dma_start3A_455 = arith.constant 0 : i32
      %dma_start3A_456 = tpu.memref_slice %arg2[%dma_start3A_455, %mul3A_454] : memref<2x320000xi32, #tpu.memory_space<hbm>> -> memref<2x128xi32, #tpu.memory_space<hbm>>
      %dma_start3A_457 = arith.constant 0 : i32
      %dma_start3A_458 = tpu.memref_slice %arg2[%dma_start3A_457, %mul3A_454] : memref<2x320000xi32, #tpu.memory_space<hbm>> -> memref<2x128xi32, #tpu.memory_space<hbm>>
      tpu.enqueue_dma source(%dma_start3A_458 : memref<2x128xi32, #tpu.memory_space<hbm>>) target(%arg7 : memref<2x128xi32, #tpu.memory_space<vmem>>) target_semaphore(%arg17 : memref<!tpu.dma_semaphore, #tpu.memory_space<semaphore_mem>>)
      %add3A_459 = arith.constant 3 : i32
      %add3A_460 = arith.addi %add3A_302, %add3A_459 : i32
      %dma_wait3A_461 = arith.constant 1 : i32
      %dma_wait3A_462 = arith.constant 0 : i32
      %dma_wait3A_463 = tpu.memref_slice %arg10[%dma_wait3A_461, %dma_wait3A_462] : memref<2x128xi32, #tpu.memory_space<vmem>> -> memref<1x128xi32, #tpu.memory_space<vmem>>
      %dma_wait3A_464 = tpu.memref_squeeze %dma_wait3A_463 : memref<1x128xi32, #tpu.memory_space<vmem>> -> memref<128xi32, #tpu.memory_space<vmem>>
      %dma_wait3A_465 = arith.constant 0 : i32
      %dma_wait3A_466 = arith.constant 0 : i32
      %dma_wait3A_467 = tpu.memref_slice %arg3[%dma_wait3A_465, %dma_wait3A_466] : memref<10000x128xf32, #tpu.memory_space<hbm>> -> memref<10000x128xf32, #tpu.memory_space<hbm>>
      tpu.wait_indirect_dma semaphore(%arg23 : memref<!tpu.dma_semaphore, #tpu.memory_space<semaphore_mem>>) src(%dma_wait3A_467 : memref<10000x128xf32, #tpu.memory_space<hbm>>) dst(%arg13 : memref<128x128xf32, #tpu.memory_space<vmem>>)
      %dma_start3A_468 = arith.constant 0 : i32
      %dma_start3A_469 = arith.constant 0 : i32
      %dma_start3A_470 = tpu.memref_slice %arg10[%dma_start3A_468, %dma_start3A_469] : memref<2x128xi32, #tpu.memory_space<vmem>> -> memref<1x128xi32, #tpu.memory_space<vmem>>
      %dma_start3A_471 = tpu.memref_squeeze %dma_start3A_470 : memref<1x128xi32, #tpu.memory_space<vmem>> -> memref<128xi32, #tpu.memory_space<vmem>>
      %dma_start3A_472 = arith.constant 0 : i32
      %dma_start3A_473 = arith.constant 0 : i32
      %dma_start3A_474 = tpu.memref_slice %arg14[%dma_start3A_472, %dma_start3A_473] : memref<10000x128xf32, #tpu.memory_space<vmem_shared>> -> memref<10000x128xf32, #tpu.memory_space<vmem_shared>>
      tpu.enqueue_indirect_dma source(%arg13 : memref<128x128xf32, #tpu.memory_space<vmem>>) target(%dma_start3A_474 : memref<10000x128xf32, #tpu.memory_space<vmem_shared>>) offsets(%dma_start3A_471 : memref<128xi32, #tpu.memory_space<vmem>>) semaphore(%arg26 : memref<!tpu.dma_semaphore, #tpu.memory_space<semaphore_mem>>) {add = true}
      %dma_wait3A_475 = arith.constant 0 : i32
      %dma_wait3A_476 = arith.constant 0 : i32
      %dma_wait3A_477 = tpu.memref_slice %arg9[%dma_wait3A_475, %dma_wait3A_476] : memref<2x128xi32, #tpu.memory_space<vmem>> -> memref<1x128xi32, #tpu.memory_space<vmem>>
      %dma_wait3A_478 = tpu.memref_squeeze %dma_wait3A_477 : memref<1x128xi32, #tpu.memory_space<vmem>> -> memref<128xi32, #tpu.memory_space<vmem>>
      %dma_wait3A_479 = arith.constant 0 : i32
      %dma_wait3A_480 = arith.constant 0 : i32
      %dma_wait3A_481 = tpu.memref_slice %arg14[%dma_wait3A_479, %dma_wait3A_480] : memref<10000x128xf32, #tpu.memory_space<vmem_shared>> -> memref<10000x128xf32, #tpu.memory_space<vmem_shared>>
      tpu.wait_indirect_dma semaphore(%arg25 : memref<!tpu.dma_semaphore, #tpu.memory_space<semaphore_mem>>) src(%arg12 : memref<128x128xf32, #tpu.memory_space<vmem>>) dst(%dma_wait3A_481 : memref<10000x128xf32, #tpu.memory_space<vmem_shared>>)
      %add3A_482 = arith.constant 2 : i32
      %add3A_483 = arith.addi %add3A_460, %add3A_482 : i32
      %mul3A_484 = arith.constant 32 : i32
      %mul3A_485 = arith.muli %add3A_483, %mul3A_484 : i32
      %add3A_486 = arith.addi %mul3A_485, %add3A : i32
      %mul3A_487 = arith.constant 128 : i32
      %mul3A_488 = arith.muli %add3A_486, %mul3A_487 : i32
      %dma_wait3A_489 = arith.constant 0 : i32
      %dma_wait3A_490 = tpu.memref_slice %arg2[%dma_wait3A_489, %mul3A_488] : memref<2x320000xi32, #tpu.memory_space<hbm>> -> memref<2x128xi32, #tpu.memory_space<hbm>>
      %dma_wait3A_491 = arith.constant 0 : i32
      %dma_wait3A_492 = tpu.memref_slice %arg2[%dma_wait3A_491, %mul3A_488] : memref<2x320000xi32, #tpu.memory_space<hbm>> -> memref<2x128xi32, #tpu.memory_space<hbm>>
      tpu.wait_dma2 semaphore(%arg16 : memref<!tpu.dma_semaphore, #tpu.memory_space<semaphore_mem>>) src(%dma_wait3A_492 : memref<2x128xi32, #tpu.memory_space<hbm>>) dst(%arg6 : memref<2x128xi32, #tpu.memory_space<vmem>>)
      %dma_start3A_493 = arith.constant 1 : i32
      %dma_start3A_494 = arith.constant 0 : i32
      %dma_start3A_495 = tpu.memref_slice %arg6[%dma_start3A_493, %dma_start3A_494] : memref<2x128xi32, #tpu.memory_space<vmem>> -> memref<1x128xi32, #tpu.memory_space<vmem>>
      %dma_start3A_496 = tpu.memref_squeeze %dma_start3A_495 : memref<1x128xi32, #tpu.memory_space<vmem>> -> memref<128xi32, #tpu.memory_space<vmem>>
      %dma_start3A_497 = arith.constant 0 : i32
      %dma_start3A_498 = arith.constant 0 : i32
      %dma_start3A_499 = tpu.memref_slice %arg3[%dma_start3A_497, %dma_start3A_498] : memref<10000x128xf32, #tpu.memory_space<hbm>> -> memref<10000x128xf32, #tpu.memory_space<hbm>>
      tpu.enqueue_indirect_dma source(%dma_start3A_499 : memref<10000x128xf32, #tpu.memory_space<hbm>>) target(%arg12 : memref<128x128xf32, #tpu.memory_space<vmem>>) offsets(%dma_start3A_496 : memref<128xi32, #tpu.memory_space<vmem>>) semaphore(%arg22 : memref<!tpu.dma_semaphore, #tpu.memory_space<semaphore_mem>>)
      %add3A_500 = arith.constant 4 : i32
      %add3A_501 = arith.addi %add3A_460, %add3A_500 : i32
      %mul3A_502 = arith.constant 32 : i32
      %mul3A_503 = arith.muli %add3A_501, %mul3A_502 : i32
      %add3A_504 = arith.addi %mul3A_503, %add3A : i32
      %mul3A_505 = arith.constant 128 : i32
      %mul3A_506 = arith.muli %add3A_504, %mul3A_505 : i32
      %dma_start3A_507 = arith.constant 0 : i32
      %dma_start3A_508 = tpu.memref_slice %arg2[%dma_start3A_507, %mul3A_506] : memref<2x320000xi32, #tpu.memory_space<hbm>> -> memref<2x128xi32, #tpu.memory_space<hbm>>
      %dma_start3A_509 = arith.constant 0 : i32
      %dma_start3A_510 = tpu.memref_slice %arg2[%dma_start3A_509, %mul3A_506] : memref<2x320000xi32, #tpu.memory_space<hbm>> -> memref<2x128xi32, #tpu.memory_space<hbm>>
      tpu.enqueue_dma source(%dma_start3A_510 : memref<2x128xi32, #tpu.memory_space<hbm>>) target(%arg8 : memref<2x128xi32, #tpu.memory_space<vmem>>) target_semaphore(%arg18 : memref<!tpu.dma_semaphore, #tpu.memory_space<semaphore_mem>>)
      %add3A_511 = arith.constant 4 : i32
      %add3A_512 = arith.addi %add3A_302, %add3A_511 : i32
      %dma_wait3A_513 = arith.constant 1 : i32
      %dma_wait3A_514 = arith.constant 0 : i32
      %dma_wait3A_515 = tpu.memref_slice %arg5[%dma_wait3A_513, %dma_wait3A_514] : memref<2x128xi32, #tpu.memory_space<vmem>> -> memref<1x128xi32, #tpu.memory_space<vmem>>
      %dma_wait3A_516 = tpu.memref_squeeze %dma_wait3A_515 : memref<1x128xi32, #tpu.memory_space<vmem>> -> memref<128xi32, #tpu.memory_space<vmem>>
      %dma_wait3A_517 = arith.constant 0 : i32
      %dma_wait3A_518 = arith.constant 0 : i32
      %dma_wait3A_519 = tpu.memref_slice %arg3[%dma_wait3A_517, %dma_wait3A_518] : memref<10000x128xf32, #tpu.memory_space<hbm>> -> memref<10000x128xf32, #tpu.memory_space<hbm>>
      tpu.wait_indirect_dma semaphore(%arg21 : memref<!tpu.dma_semaphore, #tpu.memory_space<semaphore_mem>>) src(%dma_wait3A_519 : memref<10000x128xf32, #tpu.memory_space<hbm>>) dst(%arg11 : memref<128x128xf32, #tpu.memory_space<vmem>>)
      %dma_start3A_520 = arith.constant 0 : i32
      %dma_start3A_521 = arith.constant 0 : i32
      %dma_start3A_522 = tpu.memref_slice %arg5[%dma_start3A_520, %dma_start3A_521] : memref<2x128xi32, #tpu.memory_space<vmem>> -> memref<1x128xi32, #tpu.memory_space<vmem>>
      %dma_start3A_523 = tpu.memref_squeeze %dma_start3A_522 : memref<1x128xi32, #tpu.memory_space<vmem>> -> memref<128xi32, #tpu.memory_space<vmem>>
      %dma_start3A_524 = arith.constant 0 : i32
      %dma_start3A_525 = arith.constant 0 : i32
      %dma_start3A_526 = tpu.memref_slice %arg14[%dma_start3A_524, %dma_start3A_525] : memref<10000x128xf32, #tpu.memory_space<vmem_shared>> -> memref<10000x128xf32, #tpu.memory_space<vmem_shared>>
      tpu.enqueue_indirect_dma source(%arg11 : memref<128x128xf32, #tpu.memory_space<vmem>>) target(%dma_start3A_526 : memref<10000x128xf32, #tpu.memory_space<vmem_shared>>) offsets(%dma_start3A_523 : memref<128xi32, #tpu.memory_space<vmem>>) semaphore(%arg24 : memref<!tpu.dma_semaphore, #tpu.memory_space<semaphore_mem>>) {add = true}
      %dma_wait3A_527 = arith.constant 0 : i32
      %dma_wait3A_528 = arith.constant 0 : i32
      %dma_wait3A_529 = tpu.memref_slice %arg10[%dma_wait3A_527, %dma_wait3A_528] : memref<2x128xi32, #tpu.memory_space<vmem>> -> memref<1x128xi32, #tpu.memory_space<vmem>>
      %dma_wait3A_530 = tpu.memref_squeeze %dma_wait3A_529 : memref<1x128xi32, #tpu.memory_space<vmem>> -> memref<128xi32, #tpu.memory_space<vmem>>
      %dma_wait3A_531 = arith.constant 0 : i32
      %dma_wait3A_532 = arith.constant 0 : i32
      %dma_wait3A_533 = tpu.memref_slice %arg14[%dma_wait3A_531, %dma_wait3A_532] : memref<10000x128xf32, #tpu.memory_space<vmem_shared>> -> memref<10000x128xf32, #tpu.memory_space<vmem_shared>>
      tpu.wait_indirect_dma semaphore(%arg26 : memref<!tpu.dma_semaphore, #tpu.memory_space<semaphore_mem>>) src(%arg13 : memref<128x128xf32, #tpu.memory_space<vmem>>) dst(%dma_wait3A_533 : memref<10000x128xf32, #tpu.memory_space<vmem_shared>>)
      %add3A_534 = arith.constant 2 : i32
      %add3A_535 = arith.addi %add3A_512, %add3A_534 : i32
      %mul3A_536 = arith.constant 32 : i32
      %mul3A_537 = arith.muli %add3A_535, %mul3A_536 : i32
      %add3A_538 = arith.addi %mul3A_537, %add3A : i32
      %mul3A_539 = arith.constant 128 : i32
      %mul3A_540 = arith.muli %add3A_538, %mul3A_539 : i32
      %dma_wait3A_541 = arith.constant 0 : i32
      %dma_wait3A_542 = tpu.memref_slice %arg2[%dma_wait3A_541, %mul3A_540] : memref<2x320000xi32, #tpu.memory_space<hbm>> -> memref<2x128xi32, #tpu.memory_space<hbm>>
      %dma_wait3A_543 = arith.constant 0 : i32
      %dma_wait3A_544 = tpu.memref_slice %arg2[%dma_wait3A_543, %mul3A_540] : memref<2x320000xi32, #tpu.memory_space<hbm>> -> memref<2x128xi32, #tpu.memory_space<hbm>>
      tpu.wait_dma2 semaphore(%arg17 : memref<!tpu.dma_semaphore, #tpu.memory_space<semaphore_mem>>) src(%dma_wait3A_544 : memref<2x128xi32, #tpu.memory_space<hbm>>) dst(%arg7 : memref<2x128xi32, #tpu.memory_space<vmem>>)
      %dma_start3A_545 = arith.constant 1 : i32
      %dma_start3A_546 = arith.constant 0 : i32
      %dma_start3A_547 = tpu.memref_slice %arg7[%dma_start3A_545, %dma_start3A_546] : memref<2x128xi32, #tpu.memory_space<vmem>> -> memref<1x128xi32, #tpu.memory_space<vmem>>
      %dma_start3A_548 = tpu.memref_squeeze %dma_start3A_547 : memref<1x128xi32, #tpu.memory_space<vmem>> -> memref<128xi32, #tpu.memory_space<vmem>>
      %dma_start3A_549 = arith.constant 0 : i32
      %dma_start3A_550 = arith.constant 0 : i32
      %dma_start3A_551 = tpu.memref_slice %arg3[%dma_start3A_549, %dma_start3A_550] : memref<10000x128xf32, #tpu.memory_space<hbm>> -> memref<10000x128xf32, #tpu.memory_space<hbm>>
      tpu.enqueue_indirect_dma source(%dma_start3A_551 : memref<10000x128xf32, #tpu.memory_space<hbm>>) target(%arg13 : memref<128x128xf32, #tpu.memory_space<vmem>>) offsets(%dma_start3A_548 : memref<128xi32, #tpu.memory_space<vmem>>) semaphore(%arg23 : memref<!tpu.dma_semaphore, #tpu.memory_space<semaphore_mem>>)
      %add3A_552 = arith.constant 4 : i32
      %add3A_553 = arith.addi %add3A_512, %add3A_552 : i32
      %mul3A_554 = arith.constant 32 : i32
      %mul3A_555 = arith.muli %add3A_553, %mul3A_554 : i32
      %add3A_556 = arith.addi %mul3A_555, %add3A : i32
      %mul3A_557 = arith.constant 128 : i32
      %mul3A_558 = arith.muli %add3A_556, %mul3A_557 : i32
      %dma_start3A_559 = arith.constant 0 : i32
      %dma_start3A_560 = tpu.memref_slice %arg2[%dma_start3A_559, %mul3A_558] : memref<2x320000xi32, #tpu.memory_space<hbm>> -> memref<2x128xi32, #tpu.memory_space<hbm>>
      %dma_start3A_561 = arith.constant 0 : i32
      %dma_start3A_562 = tpu.memref_slice %arg2[%dma_start3A_561, %mul3A_558] : memref<2x320000xi32, #tpu.memory_space<hbm>> -> memref<2x128xi32, #tpu.memory_space<hbm>>
      tpu.enqueue_dma source(%dma_start3A_562 : memref<2x128xi32, #tpu.memory_space<hbm>>) target(%arg9 : memref<2x128xi32, #tpu.memory_space<vmem>>) target_semaphore(%arg19 : memref<!tpu.dma_semaphore, #tpu.memory_space<semaphore_mem>>)
      %add3A_563 = arith.constant 5 : i32
      %add3A_564 = arith.addi %add3A_302, %add3A_563 : i32
      %dma_wait3A_565 = arith.constant 1 : i32
      %dma_wait3A_566 = arith.constant 0 : i32
      %dma_wait3A_567 = tpu.memref_slice %arg6[%dma_wait3A_565, %dma_wait3A_566] : memref<2x128xi32, #tpu.memory_space<vmem>> -> memref<1x128xi32, #tpu.memory_space<vmem>>
      %dma_wait3A_568 = tpu.memref_squeeze %dma_wait3A_567 : memref<1x128xi32, #tpu.memory_space<vmem>> -> memref<128xi32, #tpu.memory_space<vmem>>
      %dma_wait3A_569 = arith.constant 0 : i32
      %dma_wait3A_570 = arith.constant 0 : i32
      %dma_wait3A_571 = tpu.memref_slice %arg3[%dma_wait3A_569, %dma_wait3A_570] : memref<10000x128xf32, #tpu.memory_space<hbm>> -> memref<10000x128xf32, #tpu.memory_space<hbm>>
      tpu.wait_indirect_dma semaphore(%arg22 : memref<!tpu.dma_semaphore, #tpu.memory_space<semaphore_mem>>) src(%dma_wait3A_571 : memref<10000x128xf32, #tpu.memory_space<hbm>>) dst(%arg12 : memref<128x128xf32, #tpu.memory_space<vmem>>)
      %dma_start3A_572 = arith.constant 0 : i32
      %dma_start3A_573 = arith.constant 0 : i32
      %dma_start3A_574 = tpu.memref_slice %arg6[%dma_start3A_572, %dma_start3A_573] : memref<2x128xi32, #tpu.memory_space<vmem>> -> memref<1x128xi32, #tpu.memory_space<vmem>>
      %dma_start3A_575 = tpu.memref_squeeze %dma_start3A_574 : memref<1x128xi32, #tpu.memory_space<vmem>> -> memref<128xi32, #tpu.memory_space<vmem>>
      %dma_start3A_576 = arith.constant 0 : i32
      %dma_start3A_577 = arith.constant 0 : i32
      %dma_start3A_578 = tpu.memref_slice %arg14[%dma_start3A_576, %dma_start3A_577] : memref<10000x128xf32, #tpu.memory_space<vmem_shared>> -> memref<10000x128xf32, #tpu.memory_space<vmem_shared>>
      tpu.enqueue_indirect_dma source(%arg12 : memref<128x128xf32, #tpu.memory_space<vmem>>) target(%dma_start3A_578 : memref<10000x128xf32, #tpu.memory_space<vmem_shared>>) offsets(%dma_start3A_575 : memref<128xi32, #tpu.memory_space<vmem>>) semaphore(%arg25 : memref<!tpu.dma_semaphore, #tpu.memory_space<semaphore_mem>>) {add = true}
      %dma_wait3A_579 = arith.constant 0 : i32
      %dma_wait3A_580 = arith.constant 0 : i32
      %dma_wait3A_581 = tpu.memref_slice %arg5[%dma_wait3A_579, %dma_wait3A_580] : memref<2x128xi32, #tpu.memory_space<vmem>> -> memref<1x128xi32, #tpu.memory_space<vmem>>
      %dma_wait3A_582 = tpu.memref_squeeze %dma_wait3A_581 : memref<1x128xi32, #tpu.memory_space<vmem>> -> memref<128xi32, #tpu.memory_space<vmem>>
      %dma_wait3A_583 = arith.constant 0 : i32
      %dma_wait3A_584 = arith.constant 0 : i32
      %dma_wait3A_585 = tpu.memref_slice %arg14[%dma_wait3A_583, %dma_wait3A_584] : memref<10000x128xf32, #tpu.memory_space<vmem_shared>> -> memref<10000x128xf32, #tpu.memory_space<vmem_shared>>
      tpu.wait_indirect_dma semaphore(%arg24 : memref<!tpu.dma_semaphore, #tpu.memory_space<semaphore_mem>>) src(%arg11 : memref<128x128xf32, #tpu.memory_space<vmem>>) dst(%dma_wait3A_585 : memref<10000x128xf32, #tpu.memory_space<vmem_shared>>)
      %add3A_586 = arith.constant 2 : i32
      %add3A_587 = arith.addi %add3A_564, %add3A_586 : i32
      %mul3A_588 = arith.constant 32 : i32
      %mul3A_589 = arith.muli %add3A_587, %mul3A_588 : i32
      %add3A_590 = arith.addi %mul3A_589, %add3A : i32
      %mul3A_591 = arith.constant 128 : i32
      %mul3A_592 = arith.muli %add3A_590, %mul3A_591 : i32
      %dma_wait3A_593 = arith.constant 0 : i32
      %dma_wait3A_594 = tpu.memref_slice %arg2[%dma_wait3A_593, %mul3A_592] : memref<2x320000xi32, #tpu.memory_space<hbm>> -> memref<2x128xi32, #tpu.memory_space<hbm>>
      %dma_wait3A_595 = arith.constant 0 : i32
      %dma_wait3A_596 = tpu.memref_slice %arg2[%dma_wait3A_595, %mul3A_592] : memref<2x320000xi32, #tpu.memory_space<hbm>> -> memref<2x128xi32, #tpu.memory_space<hbm>>
      tpu.wait_dma2 semaphore(%arg18 : memref<!tpu.dma_semaphore, #tpu.memory_space<semaphore_mem>>) src(%dma_wait3A_596 : memref<2x128xi32, #tpu.memory_space<hbm>>) dst(%arg8 : memref<2x128xi32, #tpu.memory_space<vmem>>)
      %dma_start3A_597 = arith.constant 1 : i32
      %dma_start3A_598 = arith.constant 0 : i32
      %dma_start3A_599 = tpu.memref_slice %arg8[%dma_start3A_597, %dma_start3A_598] : memref<2x128xi32, #tpu.memory_space<vmem>> -> memref<1x128xi32, #tpu.memory_space<vmem>>
      %dma_start3A_600 = tpu.memref_squeeze %dma_start3A_599 : memref<1x128xi32, #tpu.memory_space<vmem>> -> memref<128xi32, #tpu.memory_space<vmem>>
      %dma_start3A_601 = arith.constant 0 : i32
      %dma_start3A_602 = arith.constant 0 : i32
      %dma_start3A_603 = tpu.memref_slice %arg3[%dma_start3A_601, %dma_start3A_602] : memref<10000x128xf32, #tpu.memory_space<hbm>> -> memref<10000x128xf32, #tpu.memory_space<hbm>>
      tpu.enqueue_indirect_dma source(%dma_start3A_603 : memref<10000x128xf32, #tpu.memory_space<hbm>>) target(%arg11 : memref<128x128xf32, #tpu.memory_space<vmem>>) offsets(%dma_start3A_600 : memref<128xi32, #tpu.memory_space<vmem>>) semaphore(%arg21 : memref<!tpu.dma_semaphore, #tpu.memory_space<semaphore_mem>>)
      %add3A_604 = arith.constant 4 : i32
      %add3A_605 = arith.addi %add3A_564, %add3A_604 : i32
      %mul3A_606 = arith.constant 32 : i32
      %mul3A_607 = arith.muli %add3A_605, %mul3A_606 : i32
      %add3A_608 = arith.addi %mul3A_607, %add3A : i32
      %mul3A_609 = arith.constant 128 : i32
      %mul3A_610 = arith.muli %add3A_608, %mul3A_609 : i32
      %dma_start3A_611 = arith.constant 0 : i32
      %dma_start3A_612 = tpu.memref_slice %arg2[%dma_start3A_611, %mul3A_610] : memref<2x320000xi32, #tpu.memory_space<hbm>> -> memref<2x128xi32, #tpu.memory_space<hbm>>
      %dma_start3A_613 = arith.constant 0 : i32
      %dma_start3A_614 = tpu.memref_slice %arg2[%dma_start3A_613, %mul3A_610] : memref<2x320000xi32, #tpu.memory_space<hbm>> -> memref<2x128xi32, #tpu.memory_space<hbm>>
      tpu.enqueue_dma source(%dma_start3A_614 : memref<2x128xi32, #tpu.memory_space<hbm>>) target(%arg10 : memref<2x128xi32, #tpu.memory_space<vmem>>) target_semaphore(%arg20 : memref<!tpu.dma_semaphore, #tpu.memory_space<semaphore_mem>>)
    }
    %scan3A_156 = arith.constant 12 : i32
    %dma_wait3A_157 = arith.constant 1 : i32
    %dma_wait3A_158 = arith.constant 0 : i32
    %dma_wait3A_159 = tpu.memref_slice %arg7[%dma_wait3A_157, %dma_wait3A_158] : memref<2x128xi32, #tpu.memory_space<vmem>> -> memref<1x128xi32, #tpu.memory_space<vmem>>
    %dma_wait3A_160 = tpu.memref_squeeze %dma_wait3A_159 : memref<1x128xi32, #tpu.memory_space<vmem>> -> memref<128xi32, #tpu.memory_space<vmem>>
    %dma_wait3A_161 = arith.constant 0 : i32
    %dma_wait3A_162 = arith.constant 0 : i32
    %dma_wait3A_163 = tpu.memref_slice %arg3[%dma_wait3A_161, %dma_wait3A_162] : memref<10000x128xf32, #tpu.memory_space<hbm>> -> memref<10000x128xf32, #tpu.memory_space<hbm>>
    tpu.wait_indirect_dma semaphore(%arg23 : memref<!tpu.dma_semaphore, #tpu.memory_space<semaphore_mem>>) src(%dma_wait3A_163 : memref<10000x128xf32, #tpu.memory_space<hbm>>) dst(%arg13 : memref<128x128xf32, #tpu.memory_space<vmem>>)
    %dma_start3A_164 = arith.constant 0 : i32
    %dma_start3A_165 = arith.constant 0 : i32
    %dma_start3A_166 = tpu.memref_slice %arg7[%dma_start3A_164, %dma_start3A_165] : memref<2x128xi32, #tpu.memory_space<vmem>> -> memref<1x128xi32, #tpu.memory_space<vmem>>
    %dma_start3A_167 = tpu.memref_squeeze %dma_start3A_166 : memref<1x128xi32, #tpu.memory_space<vmem>> -> memref<128xi32, #tpu.memory_space<vmem>>
    %dma_start3A_168 = arith.constant 0 : i32
    %dma_start3A_169 = arith.constant 0 : i32
    %dma_start3A_170 = tpu.memref_slice %arg14[%dma_start3A_168, %dma_start3A_169] : memref<10000x128xf32, #tpu.memory_space<vmem_shared>> -> memref<10000x128xf32, #tpu.memory_space<vmem_shared>>
    tpu.enqueue_indirect_dma source(%arg13 : memref<128x128xf32, #tpu.memory_space<vmem>>) target(%dma_start3A_170 : memref<10000x128xf32, #tpu.memory_space<vmem_shared>>) offsets(%dma_start3A_167 : memref<128xi32, #tpu.memory_space<vmem>>) semaphore(%arg26 : memref<!tpu.dma_semaphore, #tpu.memory_space<semaphore_mem>>) {add = true}
    %dma_wait3A_171 = arith.constant 0 : i32
    %dma_wait3A_172 = arith.constant 0 : i32
    %dma_wait3A_173 = tpu.memref_slice %arg6[%dma_wait3A_171, %dma_wait3A_172] : memref<2x128xi32, #tpu.memory_space<vmem>> -> memref<1x128xi32, #tpu.memory_space<vmem>>
    %dma_wait3A_174 = tpu.memref_squeeze %dma_wait3A_173 : memref<1x128xi32, #tpu.memory_space<vmem>> -> memref<128xi32, #tpu.memory_space<vmem>>
    %dma_wait3A_175 = arith.constant 0 : i32
    %dma_wait3A_176 = arith.constant 0 : i32
    %dma_wait3A_177 = tpu.memref_slice %arg14[%dma_wait3A_175, %dma_wait3A_176] : memref<10000x128xf32, #tpu.memory_space<vmem_shared>> -> memref<10000x128xf32, #tpu.memory_space<vmem_shared>>
    tpu.wait_indirect_dma semaphore(%arg25 : memref<!tpu.dma_semaphore, #tpu.memory_space<semaphore_mem>>) src(%arg12 : memref<128x128xf32, #tpu.memory_space<vmem>>) dst(%dma_wait3A_177 : memref<10000x128xf32, #tpu.memory_space<vmem_shared>>)
    %add3A_178 = arith.constant 2432 : i32
    %add3A_179 = arith.addi %add3A_178, %add3A : i32
    %mul3A_180 = arith.constant 128 : i32
    %mul3A_181 = arith.muli %add3A_179, %mul3A_180 : i32
    %dma_wait3A_182 = arith.constant 0 : i32
    %dma_wait3A_183 = tpu.memref_slice %arg2[%dma_wait3A_182, %mul3A_181] : memref<2x320000xi32, #tpu.memory_space<hbm>> -> memref<2x128xi32, #tpu.memory_space<hbm>>
    %dma_wait3A_184 = arith.constant 0 : i32
    %dma_wait3A_185 = tpu.memref_slice %arg2[%dma_wait3A_184, %mul3A_181] : memref<2x320000xi32, #tpu.memory_space<hbm>> -> memref<2x128xi32, #tpu.memory_space<hbm>>
    tpu.wait_dma2 semaphore(%arg19 : memref<!tpu.dma_semaphore, #tpu.memory_space<semaphore_mem>>) src(%dma_wait3A_185 : memref<2x128xi32, #tpu.memory_space<hbm>>) dst(%arg9 : memref<2x128xi32, #tpu.memory_space<vmem>>)
    %dma_start3A_186 = arith.constant 1 : i32
    %dma_start3A_187 = arith.constant 0 : i32
    %dma_start3A_188 = tpu.memref_slice %arg9[%dma_start3A_186, %dma_start3A_187] : memref<2x128xi32, #tpu.memory_space<vmem>> -> memref<1x128xi32, #tpu.memory_space<vmem>>
    %dma_start3A_189 = tpu.memref_squeeze %dma_start3A_188 : memref<1x128xi32, #tpu.memory_space<vmem>> -> memref<128xi32, #tpu.memory_space<vmem>>
    %dma_start3A_190 = arith.constant 0 : i32
    %dma_start3A_191 = arith.constant 0 : i32
    %dma_start3A_192 = tpu.memref_slice %arg3[%dma_start3A_190, %dma_start3A_191] : memref<10000x128xf32, #tpu.memory_space<hbm>> -> memref<10000x128xf32, #tpu.memory_space<hbm>>
    tpu.enqueue_indirect_dma source(%dma_start3A_192 : memref<10000x128xf32, #tpu.memory_space<hbm>>) target(%arg12 : memref<128x128xf32, #tpu.memory_space<vmem>>) offsets(%dma_start3A_189 : memref<128xi32, #tpu.memory_space<vmem>>) semaphore(%arg22 : memref<!tpu.dma_semaphore, #tpu.memory_space<semaphore_mem>>)
    %dma_wait3A_193 = arith.constant 1 : i32
    %dma_wait3A_194 = arith.constant 0 : i32
    %dma_wait3A_195 = tpu.memref_slice %arg8[%dma_wait3A_193, %dma_wait3A_194] : memref<2x128xi32, #tpu.memory_space<vmem>> -> memref<1x128xi32, #tpu.memory_space<vmem>>
    %dma_wait3A_196 = tpu.memref_squeeze %dma_wait3A_195 : memref<1x128xi32, #tpu.memory_space<vmem>> -> memref<128xi32, #tpu.memory_space<vmem>>
    %dma_wait3A_197 = arith.constant 0 : i32
    %dma_wait3A_198 = arith.constant 0 : i32
    %dma_wait3A_199 = tpu.memref_slice %arg3[%dma_wait3A_197, %dma_wait3A_198] : memref<10000x128xf32, #tpu.memory_space<hbm>> -> memref<10000x128xf32, #tpu.memory_space<hbm>>
    tpu.wait_indirect_dma semaphore(%arg21 : memref<!tpu.dma_semaphore, #tpu.memory_space<semaphore_mem>>) src(%dma_wait3A_199 : memref<10000x128xf32, #tpu.memory_space<hbm>>) dst(%arg11 : memref<128x128xf32, #tpu.memory_space<vmem>>)
    %dma_start3A_200 = arith.constant 0 : i32
    %dma_start3A_201 = arith.constant 0 : i32
    %dma_start3A_202 = tpu.memref_slice %arg8[%dma_start3A_200, %dma_start3A_201] : memref<2x128xi32, #tpu.memory_space<vmem>> -> memref<1x128xi32, #tpu.memory_space<vmem>>
    %dma_start3A_203 = tpu.memref_squeeze %dma_start3A_202 : memref<1x128xi32, #tpu.memory_space<vmem>> -> memref<128xi32, #tpu.memory_space<vmem>>
    %dma_start3A_204 = arith.constant 0 : i32
    %dma_start3A_205 = arith.constant 0 : i32
    %dma_start3A_206 = tpu.memref_slice %arg14[%dma_start3A_204, %dma_start3A_205] : memref<10000x128xf32, #tpu.memory_space<vmem_shared>> -> memref<10000x128xf32, #tpu.memory_space<vmem_shared>>
    tpu.enqueue_indirect_dma source(%arg11 : memref<128x128xf32, #tpu.memory_space<vmem>>) target(%dma_start3A_206 : memref<10000x128xf32, #tpu.memory_space<vmem_shared>>) offsets(%dma_start3A_203 : memref<128xi32, #tpu.memory_space<vmem>>) semaphore(%arg24 : memref<!tpu.dma_semaphore, #tpu.memory_space<semaphore_mem>>) {add = true}
    %dma_wait3A_207 = arith.constant 0 : i32
    %dma_wait3A_208 = arith.constant 0 : i32
    %dma_wait3A_209 = tpu.memref_slice %arg7[%dma_wait3A_207, %dma_wait3A_208] : memref<2x128xi32, #tpu.memory_space<vmem>> -> memref<1x128xi32, #tpu.memory_space<vmem>>
    %dma_wait3A_210 = tpu.memref_squeeze %dma_wait3A_209 : memref<1x128xi32, #tpu.memory_space<vmem>> -> memref<128xi32, #tpu.memory_space<vmem>>
    %dma_wait3A_211 = arith.constant 0 : i32
    %dma_wait3A_212 = arith.constant 0 : i32
    %dma_wait3A_213 = tpu.memref_slice %arg14[%dma_wait3A_211, %dma_wait3A_212] : memref<10000x128xf32, #tpu.memory_space<vmem_shared>> -> memref<10000x128xf32, #tpu.memory_space<vmem_shared>>
    tpu.wait_indirect_dma semaphore(%arg26 : memref<!tpu.dma_semaphore, #tpu.memory_space<semaphore_mem>>) src(%arg13 : memref<128x128xf32, #tpu.memory_space<vmem>>) dst(%dma_wait3A_213 : memref<10000x128xf32, #tpu.memory_space<vmem_shared>>)
    %add3A_214 = arith.constant 2464 : i32
    %add3A_215 = arith.addi %add3A_214, %add3A : i32
    %mul3A_216 = arith.constant 128 : i32
    %mul3A_217 = arith.muli %add3A_215, %mul3A_216 : i32
    %dma_wait3A_218 = arith.constant 0 : i32
    %dma_wait3A_219 = tpu.memref_slice %arg2[%dma_wait3A_218, %mul3A_217] : memref<2x320000xi32, #tpu.memory_space<hbm>> -> memref<2x128xi32, #tpu.memory_space<hbm>>
    %dma_wait3A_220 = arith.constant 0 : i32
    %dma_wait3A_221 = tpu.memref_slice %arg2[%dma_wait3A_220, %mul3A_217] : memref<2x320000xi32, #tpu.memory_space<hbm>> -> memref<2x128xi32, #tpu.memory_space<hbm>>
    tpu.wait_dma2 semaphore(%arg20 : memref<!tpu.dma_semaphore, #tpu.memory_space<semaphore_mem>>) src(%dma_wait3A_221 : memref<2x128xi32, #tpu.memory_space<hbm>>) dst(%arg10 : memref<2x128xi32, #tpu.memory_space<vmem>>)
    %dma_start3A_222 = arith.constant 1 : i32
    %dma_start3A_223 = arith.constant 0 : i32
    %dma_start3A_224 = tpu.memref_slice %arg10[%dma_start3A_222, %dma_start3A_223] : memref<2x128xi32, #tpu.memory_space<vmem>> -> memref<1x128xi32, #tpu.memory_space<vmem>>
    %dma_start3A_225 = tpu.memref_squeeze %dma_start3A_224 : memref<1x128xi32, #tpu.memory_space<vmem>> -> memref<128xi32, #tpu.memory_space<vmem>>
    %dma_start3A_226 = arith.constant 0 : i32
    %dma_start3A_227 = arith.constant 0 : i32
    %dma_start3A_228 = tpu.memref_slice %arg3[%dma_start3A_226, %dma_start3A_227] : memref<10000x128xf32, #tpu.memory_space<hbm>> -> memref<10000x128xf32, #tpu.memory_space<hbm>>
    tpu.enqueue_indirect_dma source(%dma_start3A_228 : memref<10000x128xf32, #tpu.memory_space<hbm>>) target(%arg13 : memref<128x128xf32, #tpu.memory_space<vmem>>) offsets(%dma_start3A_225 : memref<128xi32, #tpu.memory_space<vmem>>) semaphore(%arg23 : memref<!tpu.dma_semaphore, #tpu.memory_space<semaphore_mem>>)
    %dma_wait3A_229 = arith.constant 1 : i32
    %dma_wait3A_230 = arith.constant 0 : i32
    %dma_wait3A_231 = tpu.memref_slice %arg9[%dma_wait3A_229, %dma_wait3A_230] : memref<2x128xi32, #tpu.memory_space<vmem>> -> memref<1x128xi32, #tpu.memory_space<vmem>>
    %dma_wait3A_232 = tpu.memref_squeeze %dma_wait3A_231 : memref<1x128xi32, #tpu.memory_space<vmem>> -> memref<128xi32, #tpu.memory_space<vmem>>
    %dma_wait3A_233 = arith.constant 0 : i32
    %dma_wait3A_234 = arith.constant 0 : i32
    %dma_wait3A_235 = tpu.memref_slice %arg3[%dma_wait3A_233, %dma_wait3A_234] : memref<10000x128xf32, #tpu.memory_space<hbm>> -> memref<10000x128xf32, #tpu.memory_space<hbm>>
    tpu.wait_indirect_dma semaphore(%arg22 : memref<!tpu.dma_semaphore, #tpu.memory_space<semaphore_mem>>) src(%dma_wait3A_235 : memref<10000x128xf32, #tpu.memory_space<hbm>>) dst(%arg12 : memref<128x128xf32, #tpu.memory_space<vmem>>)
    %dma_start3A_236 = arith.constant 0 : i32
    %dma_start3A_237 = arith.constant 0 : i32
    %dma_start3A_238 = tpu.memref_slice %arg9[%dma_start3A_236, %dma_start3A_237] : memref<2x128xi32, #tpu.memory_space<vmem>> -> memref<1x128xi32, #tpu.memory_space<vmem>>
    %dma_start3A_239 = tpu.memref_squeeze %dma_start3A_238 : memref<1x128xi32, #tpu.memory_space<vmem>> -> memref<128xi32, #tpu.memory_space<vmem>>
    %dma_start3A_240 = arith.constant 0 : i32
    %dma_start3A_241 = arith.constant 0 : i32
    %dma_start3A_242 = tpu.memref_slice %arg14[%dma_start3A_240, %dma_start3A_241] : memref<10000x128xf32, #tpu.memory_space<vmem_shared>> -> memref<10000x128xf32, #tpu.memory_space<vmem_shared>>
    tpu.enqueue_indirect_dma source(%arg12 : memref<128x128xf32, #tpu.memory_space<vmem>>) target(%dma_start3A_242 : memref<10000x128xf32, #tpu.memory_space<vmem_shared>>) offsets(%dma_start3A_239 : memref<128xi32, #tpu.memory_space<vmem>>) semaphore(%arg25 : memref<!tpu.dma_semaphore, #tpu.memory_space<semaphore_mem>>) {add = true}
    %dma_wait3A_243 = arith.constant 0 : i32
    %dma_wait3A_244 = arith.constant 0 : i32
    %dma_wait3A_245 = tpu.memref_slice %arg8[%dma_wait3A_243, %dma_wait3A_244] : memref<2x128xi32, #tpu.memory_space<vmem>> -> memref<1x128xi32, #tpu.memory_space<vmem>>
    %dma_wait3A_246 = tpu.memref_squeeze %dma_wait3A_245 : memref<1x128xi32, #tpu.memory_space<vmem>> -> memref<128xi32, #tpu.memory_space<vmem>>
    %dma_wait3A_247 = arith.constant 0 : i32
    %dma_wait3A_248 = arith.constant 0 : i32
    %dma_wait3A_249 = tpu.memref_slice %arg14[%dma_wait3A_247, %dma_wait3A_248] : memref<10000x128xf32, #tpu.memory_space<vmem_shared>> -> memref<10000x128xf32, #tpu.memory_space<vmem_shared>>
    tpu.wait_indirect_dma semaphore(%arg24 : memref<!tpu.dma_semaphore, #tpu.memory_space<semaphore_mem>>) src(%arg11 : memref<128x128xf32, #tpu.memory_space<vmem>>) dst(%dma_wait3A_249 : memref<10000x128xf32, #tpu.memory_space<vmem_shared>>)
    %dma_wait3A_250 = arith.constant 1 : i32
    %dma_wait3A_251 = arith.constant 0 : i32
    %dma_wait3A_252 = tpu.memref_slice %arg10[%dma_wait3A_250, %dma_wait3A_251] : memref<2x128xi32, #tpu.memory_space<vmem>> -> memref<1x128xi32, #tpu.memory_space<vmem>>
    %dma_wait3A_253 = tpu.memref_squeeze %dma_wait3A_252 : memref<1x128xi32, #tpu.memory_space<vmem>> -> memref<128xi32, #tpu.memory_space<vmem>>
    %dma_wait3A_254 = arith.constant 0 : i32
    %dma_wait3A_255 = arith.constant 0 : i32
    %dma_wait3A_256 = tpu.memref_slice %arg3[%dma_wait3A_254, %dma_wait3A_255] : memref<10000x128xf32, #tpu.memory_space<hbm>> -> memref<10000x128xf32, #tpu.memory_space<hbm>>
    tpu.wait_indirect_dma semaphore(%arg23 : memref<!tpu.dma_semaphore, #tpu.memory_space<semaphore_mem>>) src(%dma_wait3A_256 : memref<10000x128xf32, #tpu.memory_space<hbm>>) dst(%arg13 : memref<128x128xf32, #tpu.memory_space<vmem>>)
    %dma_start3A_257 = arith.constant 0 : i32
    %dma_start3A_258 = arith.constant 0 : i32
    %dma_start3A_259 = tpu.memref_slice %arg10[%dma_start3A_257, %dma_start3A_258] : memref<2x128xi32, #tpu.memory_space<vmem>> -> memref<1x128xi32, #tpu.memory_space<vmem>>
    %dma_start3A_260 = tpu.memref_squeeze %dma_start3A_259 : memref<1x128xi32, #tpu.memory_space<vmem>> -> memref<128xi32, #tpu.memory_space<vmem>>
    %dma_start3A_261 = arith.constant 0 : i32
    %dma_start3A_262 = arith.constant 0 : i32
    %dma_start3A_263 = tpu.memref_slice %arg14[%dma_start3A_261, %dma_start3A_262] : memref<10000x128xf32, #tpu.memory_space<vmem_shared>> -> memref<10000x128xf32, #tpu.memory_space<vmem_shared>>
    tpu.enqueue_indirect_dma source(%arg13 : memref<128x128xf32, #tpu.memory_space<vmem>>) target(%dma_start3A_263 : memref<10000x128xf32, #tpu.memory_space<vmem_shared>>) offsets(%dma_start3A_260 : memref<128xi32, #tpu.memory_space<vmem>>) semaphore(%arg26 : memref<!tpu.dma_semaphore, #tpu.memory_space<semaphore_mem>>) {add = true}
    %dma_wait3A_264 = arith.constant 0 : i32
    %dma_wait3A_265 = arith.constant 0 : i32
    %dma_wait3A_266 = tpu.memref_slice %arg9[%dma_wait3A_264, %dma_wait3A_265] : memref<2x128xi32, #tpu.memory_space<vmem>> -> memref<1x128xi32, #tpu.memory_space<vmem>>
    %dma_wait3A_267 = tpu.memref_squeeze %dma_wait3A_266 : memref<1x128xi32, #tpu.memory_space<vmem>> -> memref<128xi32, #tpu.memory_space<vmem>>
    %dma_wait3A_268 = arith.constant 0 : i32
    %dma_wait3A_269 = arith.constant 0 : i32
    %dma_wait3A_270 = tpu.memref_slice %arg14[%dma_wait3A_268, %dma_wait3A_269] : memref<10000x128xf32, #tpu.memory_space<vmem_shared>> -> memref<10000x128xf32, #tpu.memory_space<vmem_shared>>
    tpu.wait_indirect_dma semaphore(%arg25 : memref<!tpu.dma_semaphore, #tpu.memory_space<semaphore_mem>>) src(%arg12 : memref<128x128xf32, #tpu.memory_space<vmem>>) dst(%dma_wait3A_270 : memref<10000x128xf32, #tpu.memory_space<vmem_shared>>)
    %dma_wait3A_271 = arith.constant 0 : i32
    %dma_wait3A_272 = arith.constant 0 : i32
    %dma_wait3A_273 = tpu.memref_slice %arg10[%dma_wait3A_271, %dma_wait3A_272] : memref<2x128xi32, #tpu.memory_space<vmem>> -> memref<1x128xi32, #tpu.memory_space<vmem>>
    %dma_wait3A_274 = tpu.memref_squeeze %dma_wait3A_273 : memref<1x128xi32, #tpu.memory_space<vmem>> -> memref<128xi32, #tpu.memory_space<vmem>>
    %dma_wait3A_275 = arith.constant 0 : i32
    %dma_wait3A_276 = arith.constant 0 : i32
    %dma_wait3A_277 = tpu.memref_slice %arg14[%dma_wait3A_275, %dma_wait3A_276] : memref<10000x128xf32, #tpu.memory_space<vmem_shared>> -> memref<10000x128xf32, #tpu.memory_space<vmem_shared>>
    tpu.wait_indirect_dma semaphore(%arg26 : memref<!tpu.dma_semaphore, #tpu.memory_space<semaphore_mem>>) src(%arg13 : memref<128x128xf32, #tpu.memory_space<vmem>>) dst(%dma_wait3A_277 : memref<10000x128xf32, #tpu.memory_space<vmem_shared>>)
    %lt3A_278 = arith.constant 4 : i32
    %lt3A_279 = arith.cmpi slt, %add3A, %lt3A_278 : i32
    %convert_element_type3A_280 = arith.extui %lt3A_279 : i1 to i32
    %cond3A_281 = arith.constant 0 : i32
    %cond3A_282 = arith.cmpi ne, %convert_element_type3A_280, %cond3A_281 : i32
    scf.if %cond3A_282 {
      %add3A_294 = arith.constant 2496 : i32
      %add3A_295 = arith.addi %add3A_294, %add3A : i32
      %mul3A_296 = arith.constant 128 : i32
      %mul3A_297 = arith.muli %add3A_295, %mul3A_296 : i32
      "tpu.region"() ({
        %run_scoped3A_299 = tpu.sem_alloc : memref<!tpu.dma_semaphore, #tpu.memory_space<semaphore_mem>>
        %dma_start3A_300 = arith.constant 0 : i32
        %dma_start3A_301 = tpu.memref_slice %arg2[%dma_start3A_300, %mul3A_297] : memref<2x320000xi32, #tpu.memory_space<hbm>> -> memref<2x128xi32, #tpu.memory_space<hbm>>
        %dma_start3A_302 = arith.constant 0 : i32
        %dma_start3A_303 = tpu.memref_slice %arg2[%dma_start3A_302, %mul3A_297] : memref<2x320000xi32, #tpu.memory_space<hbm>> -> memref<2x128xi32, #tpu.memory_space<hbm>>
        tpu.enqueue_dma source(%dma_start3A_303 : memref<2x128xi32, #tpu.memory_space<hbm>>) target(%arg5 : memref<2x128xi32, #tpu.memory_space<vmem>>) target_semaphore(%run_scoped3A_299 : memref<!tpu.dma_semaphore, #tpu.memory_space<semaphore_mem>>)
        %dma_wait3A_304 = arith.constant 0 : i32
        %dma_wait3A_305 = tpu.memref_slice %arg2[%dma_wait3A_304, %mul3A_297] : memref<2x320000xi32, #tpu.memory_space<hbm>> -> memref<2x128xi32, #tpu.memory_space<hbm>>
        %dma_wait3A_306 = arith.constant 0 : i32
        %dma_wait3A_307 = tpu.memref_slice %arg2[%dma_wait3A_306, %mul3A_297] : memref<2x320000xi32, #tpu.memory_space<hbm>> -> memref<2x128xi32, #tpu.memory_space<hbm>>
        tpu.wait_dma2 semaphore(%run_scoped3A_299 : memref<!tpu.dma_semaphore, #tpu.memory_space<semaphore_mem>>) src(%dma_wait3A_307 : memref<2x128xi32, #tpu.memory_space<hbm>>) dst(%arg5 : memref<2x128xi32, #tpu.memory_space<vmem>>)
        tpu.yield
      }) : () -> ()
      %run_scoped3A = arith.constant 1 : i32
      "tpu.region"() ({
        %run_scoped3A_299 = tpu.sem_alloc : memref<!tpu.dma_semaphore, #tpu.memory_space<semaphore_mem>>
        %dma_start3A_300 = arith.constant 0 : i32
        %dma_start3A_301 = tpu.memref_slice %arg5[%run_scoped3A, %dma_start3A_300] : memref<2x128xi32, #tpu.memory_space<vmem>> -> memref<1x128xi32, #tpu.memory_space<vmem>>
        %dma_start3A_302 = tpu.memref_squeeze %dma_start3A_301 : memref<1x128xi32, #tpu.memory_space<vmem>> -> memref<128xi32, #tpu.memory_space<vmem>>
        %dma_start3A_303 = arith.constant 0 : i32
        %dma_start3A_304 = arith.constant 0 : i32
        %dma_start3A_305 = tpu.memref_slice %arg3[%dma_start3A_303, %dma_start3A_304] : memref<10000x128xf32, #tpu.memory_space<hbm>> -> memref<10000x128xf32, #tpu.memory_space<hbm>>
        tpu.enqueue_indirect_dma source(%dma_start3A_305 : memref<10000x128xf32, #tpu.memory_space<hbm>>) target(%arg11 : memref<128x128xf32, #tpu.memory_space<vmem>>) offsets(%dma_start3A_302 : memref<128xi32, #tpu.memory_space<vmem>>) semaphore(%run_scoped3A_299 : memref<!tpu.dma_semaphore, #tpu.memory_space<semaphore_mem>>)
        %dma_wait3A_306 = arith.constant 0 : i32
        %dma_wait3A_307 = tpu.memref_slice %arg5[%run_scoped3A, %dma_wait3A_306] : memref<2x128xi32, #tpu.memory_space<vmem>> -> memref<1x128xi32, #tpu.memory_space<vmem>>
        %dma_wait3A_308 = tpu.memref_squeeze %dma_wait3A_307 : memref<1x128xi32, #tpu.memory_space<vmem>> -> memref<128xi32, #tpu.memory_space<vmem>>
        %dma_wait3A_309 = arith.constant 0 : i32
        %dma_wait3A_310 = arith.constant 0 : i32
        %dma_wait3A_311 = tpu.memref_slice %arg3[%dma_wait3A_309, %dma_wait3A_310] : memref<10000x128xf32, #tpu.memory_space<hbm>> -> memref<10000x128xf32, #tpu.memory_space<hbm>>
        tpu.wait_indirect_dma semaphore(%run_scoped3A_299 : memref<!tpu.dma_semaphore, #tpu.memory_space<semaphore_mem>>) src(%dma_wait3A_311 : memref<10000x128xf32, #tpu.memory_space<hbm>>) dst(%arg11 : memref<128x128xf32, #tpu.memory_space<vmem>>)
        tpu.yield
      }) : () -> ()
      %run_scoped3A_298 = arith.constant 0 : i32
      "tpu.region"() ({
        %run_scoped3A_299 = tpu.sem_alloc : memref<!tpu.dma_semaphore, #tpu.memory_space<semaphore_mem>>
        %dma_start3A_300 = arith.constant 0 : i32
        %dma_start3A_301 = tpu.memref_slice %arg5[%run_scoped3A_298, %dma_start3A_300] : memref<2x128xi32, #tpu.memory_space<vmem>> -> memref<1x128xi32, #tpu.memory_space<vmem>>
        %dma_start3A_302 = tpu.memref_squeeze %dma_start3A_301 : memref<1x128xi32, #tpu.memory_space<vmem>> -> memref<128xi32, #tpu.memory_space<vmem>>
        %dma_start3A_303 = arith.constant 0 : i32
        %dma_start3A_304 = arith.constant 0 : i32
        %dma_start3A_305 = tpu.memref_slice %arg14[%dma_start3A_303, %dma_start3A_304] : memref<10000x128xf32, #tpu.memory_space<vmem_shared>> -> memref<10000x128xf32, #tpu.memory_space<vmem_shared>>
        tpu.enqueue_indirect_dma source(%arg11 : memref<128x128xf32, #tpu.memory_space<vmem>>) target(%dma_start3A_305 : memref<10000x128xf32, #tpu.memory_space<vmem_shared>>) offsets(%dma_start3A_302 : memref<128xi32, #tpu.memory_space<vmem>>) semaphore(%run_scoped3A_299 : memref<!tpu.dma_semaphore, #tpu.memory_space<semaphore_mem>>) {add = true}
        %dma_wait3A_306 = arith.constant 0 : i32
        %dma_wait3A_307 = tpu.memref_slice %arg5[%run_scoped3A_298, %dma_wait3A_306] : memref<2x128xi32, #tpu.memory_space<vmem>> -> memref<1x128xi32, #tpu.memory_space<vmem>>
        %dma_wait3A_308 = tpu.memref_squeeze %dma_wait3A_307 : memref<1x128xi32, #tpu.memory_space<vmem>> -> memref<128xi32, #tpu.memory_space<vmem>>
        %dma_wait3A_309 = arith.constant 0 : i32
        %dma_wait3A_310 = arith.constant 0 : i32
        %dma_wait3A_311 = tpu.memref_slice %arg14[%dma_wait3A_309, %dma_wait3A_310] : memref<10000x128xf32, #tpu.memory_space<vmem_shared>> -> memref<10000x128xf32, #tpu.memory_space<vmem_shared>>
        tpu.wait_indirect_dma semaphore(%run_scoped3A_299 : memref<!tpu.dma_semaphore, #tpu.memory_space<semaphore_mem>>) src(%arg11 : memref<128x128xf32, #tpu.memory_space<vmem>>) dst(%dma_wait3A_311 : memref<10000x128xf32, #tpu.memory_space<vmem_shared>>)
        tpu.yield
      }) : () -> ()
    } else {
    }
    %barrier3A_283 = arith.constant 0 : index
    tpu.barrier barrier_id(%barrier3A_283)
    %lt3A_284 = arith.constant 15 : i32
    %lt3A_285 = arith.cmpi slt, %arg1, %lt3A_284 : i32
    %convert_element_type3A_286 = arith.extui %lt3A_285 : i1 to i32
    %cond3A_287 = arith.constant 0 : i32
    %cond3A_288 = arith.cmpi ne, %convert_element_type3A_286, %cond3A_287 : i32
    scf.if %cond3A_288 {
      %mul3A_294 = arith.constant 640 : i32
      %mul3A_295 = arith.muli %arg1, %mul3A_294 : i32
      %mul3A_296 = arith.constant 640 : i32
      %mul3A_297 = arith.muli %arg1, %mul3A_296 : i32
      "tpu.region"() ({
        %run_scoped3A = tpu.sem_alloc : memref<!tpu.dma_semaphore, #tpu.memory_space<semaphore_mem>>
        %dma_start3A_298 = arith.constant 0 : i32
        %dma_start3A_299 = tpu.memref_slice %arg4[%arg0, %mul3A_297, %dma_start3A_298] : memref<2x10000x128xf32, #tpu.memory_space<hbm>> -> memref<1x640x128xf32, #tpu.memory_space<hbm>>
        %dma_start3A_300 = tpu.memref_squeeze %dma_start3A_299 : memref<1x640x128xf32, #tpu.memory_space<hbm>> -> memref<640x128xf32, #tpu.memory_space<hbm>>
        %dma_start3A_301 = arith.constant 0 : i32
        %dma_start3A_302 = tpu.memref_slice %arg14[%mul3A_295, %dma_start3A_301] : memref<10000x128xf32, #tpu.memory_space<vmem_shared>> -> memref<640x128xf32, #tpu.memory_space<vmem_shared>>
        tpu.enqueue_dma source(%dma_start3A_302 : memref<640x128xf32, #tpu.memory_space<vmem_shared>>) target(%dma_start3A_300 : memref<640x128xf32, #tpu.memory_space<hbm>>) target_semaphore(%run_scoped3A : memref<!tpu.dma_semaphore, #tpu.memory_space<semaphore_mem>>)
        %dma_wait3A_303 = arith.constant 0 : i32
        %dma_wait3A_304 = tpu.memref_slice %arg4[%arg0, %mul3A_297, %dma_wait3A_303] : memref<2x10000x128xf32, #tpu.memory_space<hbm>> -> memref<1x640x128xf32, #tpu.memory_space<hbm>>
        %dma_wait3A_305 = tpu.memref_squeeze %dma_wait3A_304 : memref<1x640x128xf32, #tpu.memory_space<hbm>> -> memref<640x128xf32, #tpu.memory_space<hbm>>
        %dma_wait3A_306 = arith.constant 0 : i32
        %dma_wait3A_307 = tpu.memref_slice %arg14[%mul3A_295, %dma_wait3A_306] : memref<10000x128xf32, #tpu.memory_space<vmem_shared>> -> memref<640x128xf32, #tpu.memory_space<vmem_shared>>
        tpu.wait_dma2 semaphore(%run_scoped3A : memref<!tpu.dma_semaphore, #tpu.memory_space<semaphore_mem>>) src(%dma_wait3A_307 : memref<640x128xf32, #tpu.memory_space<vmem_shared>>) dst(%dma_wait3A_305 : memref<640x128xf32, #tpu.memory_space<hbm>>)
        tpu.yield
      }) : () -> ()
    } else {
    }
    %eq3A_289 = arith.constant 15 : i32
    %eq3A_290 = arith.cmpi eq, %arg1, %eq3A_289 : i32
    %convert_element_type3A_291 = arith.extui %eq3A_290 : i1 to i32
    %cond3A_292 = arith.constant 0 : i32
    %cond3A_293 = arith.cmpi ne, %convert_element_type3A_291, %cond3A_292 : i32
    scf.if %cond3A_293 {
      "tpu.region"() ({
        %run_scoped3A = tpu.sem_alloc : memref<!tpu.dma_semaphore, #tpu.memory_space<semaphore_mem>>
        %dma_start3A_294 = arith.constant 9600 : i32
        %dma_start3A_295 = arith.constant 0 : i32
        %dma_start3A_296 = tpu.memref_slice %arg4[%arg0, %dma_start3A_294, %dma_start3A_295] : memref<2x10000x128xf32, #tpu.memory_space<hbm>> -> memref<1x400x128xf32, #tpu.memory_space<hbm>>
        %dma_start3A_297 = tpu.memref_squeeze %dma_start3A_296 : memref<1x400x128xf32, #tpu.memory_space<hbm>> -> memref<400x128xf32, #tpu.memory_space<hbm>>
        %dma_start3A_298 = arith.constant 9600 : i32
        %dma_start3A_299 = arith.constant 0 : i32
        %dma_start3A_300 = tpu.memref_slice %arg14[%dma_start3A_298, %dma_start3A_299] : memref<10000x128xf32, #tpu.memory_space<vmem_shared>> -> memref<400x128xf32, #tpu.memory_space<vmem_shared>>
        tpu.enqueue_dma source(%dma_start3A_300 : memref<400x128xf32, #tpu.memory_space<vmem_shared>>) target(%dma_start3A_297 : memref<400x128xf32, #tpu.memory_space<hbm>>) target_semaphore(%run_scoped3A : memref<!tpu.dma_semaphore, #tpu.memory_space<semaphore_mem>>)
        %dma_wait3A_301 = arith.constant 9600 : i32
        %dma_wait3A_302 = arith.constant 0 : i32
        %dma_wait3A_303 = tpu.memref_slice %arg4[%arg0, %dma_wait3A_301, %dma_wait3A_302] : memref<2x10000x128xf32, #tpu.memory_space<hbm>> -> memref<1x400x128xf32, #tpu.memory_space<hbm>>
        %dma_wait3A_304 = tpu.memref_squeeze %dma_wait3A_303 : memref<1x400x128xf32, #tpu.memory_space<hbm>> -> memref<400x128xf32, #tpu.memory_space<hbm>>
        %dma_wait3A_305 = arith.constant 9600 : i32
        %dma_wait3A_306 = arith.constant 0 : i32
        %dma_wait3A_307 = tpu.memref_slice %arg14[%dma_wait3A_305, %dma_wait3A_306] : memref<10000x128xf32, #tpu.memory_space<vmem_shared>> -> memref<400x128xf32, #tpu.memory_space<vmem_shared>>
        tpu.wait_dma2 semaphore(%run_scoped3A : memref<!tpu.dma_semaphore, #tpu.memory_space<semaphore_mem>>) src(%dma_wait3A_307 : memref<400x128xf32, #tpu.memory_space<vmem_shared>>) dst(%dma_wait3A_304 : memref<400x128xf32, #tpu.memory_space<hbm>>)
        tpu.yield
      }) : () -> ()
    } else {
    }
    return
  }
}

module attributes {stable_mosaic.version = 14 : i64} {
  func.func @body(%arg0: i32, %arg1: memref<2x1000x128xf32, #tpu.memory_space<vmem>>, %arg2: memref<2x1000x1xf32, #tpu.memory_space<vmem>>, %arg3: memref<128x128xf32, #tpu.memory_space<vmem>>, %arg4: memref<1000x128xf32, #tpu.memory_space<vmem>>) attributes {dimension_semantics = [#tpu.dimension_semantics<arbitrary>], iteration_bounds = array<i64: 10>, scalar_prefetch = 0 : i64, scratch_operands = 0 : i64, tpu.core_type = #tpu.core_type<tc>, window_params = [{transform_indices = @transform_0, window_bounds = array<i64: 2, 1000, 128>}, {transform_indices = @transform_1, window_bounds = array<i64: 2, 1000, 1>}, {pipeline_mode = #tpu.pipeline_mode<synchronous>, transform_indices = @transform_2, window_bounds = array<i64: 128, 128>}, {transform_indices = @transform_3, window_bounds = array<i64: 1000, 128>}]} {
    %get3A = arith.constant 0 : index
    %get3A_0 = arith.constant 0 : index
    %get3A_1 = arith.constant 0 : index
    %get3A_2 = vector.load %arg2[%get3A, %get3A_0, %get3A_1] : memref<2x1000x1xf32, #tpu.memory_space<vmem>>, vector<1x1000x1xf32>
    %get3A_3 = vector.shape_cast %get3A_2 : vector<1x1000x1xf32> to vector<1000x1xf32>
    %get3A_4 = arith.constant 1 : index
    %get3A_5 = arith.constant 0 : index
    %get3A_6 = arith.constant 0 : index
    %get3A_7 = vector.load %arg2[%get3A_4, %get3A_5, %get3A_6] : memref<2x1000x1xf32, #tpu.memory_space<vmem>>, vector<1x1000x1xf32>
    %get3A_8 = vector.shape_cast %get3A_7 : vector<1x1000x1xf32> to vector<1000x1xf32>
    %add3A = arith.addf %get3A_3, %get3A_8 : vector<1000x1xf32>
    %gt3A = arith.constant 0.000000e+00 : f32
    %gt3A_9 = vector.broadcast %gt3A : f32 to vector<1000x1xf32>
    %gt3A_10 = arith.cmpf ogt, %add3A, %gt3A_9 : vector<1000x1xf32>
    %div3A = arith.constant 1.000000e+00 : f32
    %div3A_11 = vector.broadcast %div3A : f32 to vector<1000x1xf32>
    %div3A_12 = arith.divf %div3A_11, %add3A : vector<1000x1xf32>
    %jit3A = arith.constant 0.000000e+00 : f32
    %broadcast_in_dim3A = vector.broadcast %jit3A : f32 to vector<1000x1xf32>
    %select_n3A = arith.select %gt3A_10, %div3A_12, %broadcast_in_dim3A : vector<1000x1xi1>, vector<1000x1xf32>
    %get3A_13 = arith.constant 0 : index
    %get3A_14 = arith.constant 0 : index
    %get3A_15 = arith.constant 0 : index
    %get3A_16 = vector.load %arg1[%get3A_13, %get3A_14, %get3A_15] : memref<2x1000x128xf32, #tpu.memory_space<vmem>>, vector<1x1000x128xf32>
    %get3A_17 = vector.shape_cast %get3A_16 : vector<1x1000x128xf32> to vector<1000x128xf32>
    %get3A_18 = arith.constant 1 : index
    %get3A_19 = arith.constant 0 : index
    %get3A_20 = arith.constant 0 : index
    %get3A_21 = vector.load %arg1[%get3A_18, %get3A_19, %get3A_20] : memref<2x1000x128xf32, #tpu.memory_space<vmem>>, vector<1x1000x128xf32>
    %get3A_22 = vector.shape_cast %get3A_21 : vector<1x1000x128xf32> to vector<1000x128xf32>
    %add3A_23 = arith.addf %get3A_17, %get3A_22 : vector<1000x128xf32>
    %get3A_24 = arith.constant 0 : index
    %get3A_25 = arith.constant 0 : index
    %get3A_26 = vector.load %arg3[%get3A_24, %get3A_25] : memref<128x128xf32, #tpu.memory_space<vmem>>, vector<128x128xf32>
    %dot_general3A = arith.constant dense<0.000000e+00> : vector<1000x128xf32>
    %dot_general3A_27 = tpu.matmul %add3A_23, %get3A_26, %dot_general3A {dimension_numbers = #tpu.dot_dimension_numbers<[1], [1], [0], [0], [0, 0, 1, 0], [], []>, transpose_lhs_hint = false} : vector<1000x128xf32>, vector<128x128xf32>, vector<1000x128xf32> -> vector<1000x128xf32>
    %mul3A = vector.broadcast %select_n3A : vector<1000x1xf32> to vector<1000x128xf32>
    %mul3A_28 = arith.mulf %dot_general3A_27, %mul3A : vector<1000x128xf32>
    %swap3A = arith.constant 0 : index
    %swap3A_29 = arith.constant 0 : index
    %swap3A_30 = vector.load %arg4[%swap3A, %swap3A_29] : memref<1000x128xf32, #tpu.memory_space<vmem>>, vector<1000x128xf32>
    tpu.vector_store %arg4[%swap3A, %swap3A_29], %mul3A_28 {strides = array<i32>} : memref<1000x128xf32, #tpu.memory_space<vmem>>, vector<1000x128xf32>,
    return
  }
  func.func @transform_0(%arg0: i32) -> (i32, i32, i32) {
    %c0_i32 = arith.constant 0 : i32
    %c0_i32_0 = arith.constant 0 : i32
    %c0_i32_1 = arith.constant 0 : i32
    return %c0_i32, %arg0, %c0_i32_0 : i32, i32, i32
  }
  func.func @transform_1(%arg0: i32) -> (i32, i32, i32) {
    %c0_i32 = arith.constant 0 : i32
    %c0_i32_0 = arith.constant 0 : i32
    %c0_i32_1 = arith.constant 0 : i32
    return %c0_i32, %arg0, %c0_i32_0 : i32, i32, i32
  }
  func.func @transform_2(%arg0: i32) -> (i32, i32) {
    %c0_i32 = arith.constant 0 : i32
    %c0_i32_0 = arith.constant 0 : i32
    %c0_i32_1 = arith.constant 0 : i32
    return %c0_i32, %c0_i32_0 : i32, i32
  }
  func.func @transform_3(%arg0: i32) -> (i32, i32) {
    %c0_i32 = arith.constant 0 : i32
    %c0_i32_0 = arith.constant 0 : i32
    return %arg0, %c0_i32 : i32, i32
  }
}

module attributes {stable_mosaic.version = 14 : i64} {
  func.func @body(%arg0: i32, %arg1: memref<2x1000x128xf32, #tpu.memory_space<vmem>>, %arg2: memref<2x1000x1xf32, #tpu.memory_space<vmem>>, %arg3: memref<1000x128xf32, #tpu.memory_space<vmem>>, %arg4: memref<128xf32, #tpu.memory_space<vmem>>, %arg5: memref<128xf32, #tpu.memory_space<vmem>>, %arg6: memref<128xf32, #tpu.memory_space<vmem>>, %arg7: memref<256x128xf32, #tpu.memory_space<vmem>>, %arg8: memref<256xf32, #tpu.memory_space<vmem>>, %arg9: memref<128x256xf32, #tpu.memory_space<vmem>>, %arg10: memref<128xf32, #tpu.memory_space<vmem>>, %arg11: memref<128xf32, #tpu.memory_space<vmem>>, %arg12: memref<128xf32, #tpu.memory_space<vmem>>, %arg13: memref<1000x128xf32, #tpu.memory_space<vmem>>) attributes {dimension_semantics = [#tpu.dimension_semantics<arbitrary>], iteration_bounds = array<i64: 10>, scalar_prefetch = 0 : i64, scratch_operands = 0 : i64, tpu.core_type = #tpu.core_type<tc>, window_params = [{transform_indices = @transform_0, window_bounds = array<i64: 2, 1000, 128>}, {transform_indices = @transform_1, window_bounds = array<i64: 2, 1000, 1>}, {transform_indices = @transform_2, window_bounds = array<i64: 1000, 128>}, {pipeline_mode = #tpu.pipeline_mode<synchronous>, transform_indices = @transform_3, window_bounds = array<i64: 128>}, {pipeline_mode = #tpu.pipeline_mode<synchronous>, transform_indices = @transform_4, window_bounds = array<i64: 128>}, {pipeline_mode = #tpu.pipeline_mode<synchronous>, transform_indices = @transform_5, window_bounds = array<i64: 128>}, {pipeline_mode = #tpu.pipeline_mode<synchronous>, transform_indices = @transform_6, window_bounds = array<i64: 256, 128>}, {pipeline_mode = #tpu.pipeline_mode<synchronous>, transform_indices = @transform_7, window_bounds = array<i64: 256>}, {pipeline_mode = #tpu.pipeline_mode<synchronous>, transform_indices = @transform_8, window_bounds = array<i64: 128, 256>}, {pipeline_mode = #tpu.pipeline_mode<synchronous>, transform_indices = @transform_9, window_bounds = array<i64: 128>}, {pipeline_mode = #tpu.pipeline_mode<synchronous>, transform_indices = @transform_10, window_bounds = array<i64: 128>}, {pipeline_mode = #tpu.pipeline_mode<synchronous>, transform_indices = @transform_11, window_bounds = array<i64: 128>}, {transform_indices = @transform_12, window_bounds = array<i64: 1000, 128>}]} {
    %get3A = arith.constant 0 : index
    %get3A_0 = arith.constant 0 : index
    %get3A_1 = arith.constant 0 : index
    %get3A_2 = vector.load %arg1[%get3A, %get3A_0, %get3A_1] : memref<2x1000x128xf32, #tpu.memory_space<vmem>>, vector<1x1000x128xf32>
    %get3A_3 = vector.shape_cast %get3A_2 : vector<1x1000x128xf32> to vector<1000x128xf32>
    %get3A_4 = arith.constant 1 : index
    %get3A_5 = arith.constant 0 : index
    %get3A_6 = arith.constant 0 : index
    %get3A_7 = vector.load %arg1[%get3A_4, %get3A_5, %get3A_6] : memref<2x1000x128xf32, #tpu.memory_space<vmem>>, vector<1x1000x128xf32>
    %get3A_8 = vector.shape_cast %get3A_7 : vector<1x1000x128xf32> to vector<1000x128xf32>
    %add3A = arith.addf %get3A_3, %get3A_8 : vector<1000x128xf32>
    %get3A_9 = arith.constant 0 : index
    %get3A_10 = arith.constant 0 : index
    %get3A_11 = arith.constant 0 : index
    %get3A_12 = vector.load %arg2[%get3A_9, %get3A_10, %get3A_11] : memref<2x1000x1xf32, #tpu.memory_space<vmem>>, vector<1x1000x1xf32>
    %get3A_13 = vector.shape_cast %get3A_12 : vector<1x1000x1xf32> to vector<1000x1xf32>
    %get3A_14 = arith.constant 1 : index
    %get3A_15 = arith.constant 0 : index
    %get3A_16 = arith.constant 0 : index
    %get3A_17 = vector.load %arg2[%get3A_14, %get3A_15, %get3A_16] : memref<2x1000x1xf32, #tpu.memory_space<vmem>>, vector<1x1000x1xf32>
    %get3A_18 = vector.shape_cast %get3A_17 : vector<1x1000x1xf32> to vector<1000x1xf32>
    %add3A_19 = arith.addf %get3A_13, %get3A_18 : vector<1000x1xf32>
    %gt3A = arith.constant 0.000000e+00 : f32
    %gt3A_20 = vector.broadcast %gt3A : f32 to vector<1000x1xf32>
    %gt3A_21 = arith.cmpf ogt, %add3A_19, %gt3A_20 : vector<1000x1xf32>
    %div3A = arith.constant 1.000000e+00 : f32
    %div3A_22 = vector.broadcast %div3A : f32 to vector<1000x1xf32>
    %div3A_23 = arith.divf %div3A_22, %add3A_19 : vector<1000x1xf32>
    %jit3A = arith.constant 0.000000e+00 : f32
    %broadcast_in_dim3A = vector.broadcast %jit3A : f32 to vector<1000x1xf32>
    %select_n3A = arith.select %gt3A_21, %div3A_23, %broadcast_in_dim3A : vector<1000x1xi1>, vector<1000x1xf32>
    %mul3A = vector.broadcast %select_n3A : vector<1000x1xf32> to vector<1000x128xf32>
    %mul3A_24 = arith.mulf %add3A, %mul3A : vector<1000x128xf32>
    %get3A_25 = arith.constant 0 : index
    %get3A_26 = vector.load %arg4[%get3A_25] : memref<128xf32, #tpu.memory_space<vmem>>, vector<128xf32>
    %broadcast_in_dim3A_27 = vector.shape_cast %get3A_26 : vector<128xf32> to vector<1x128xf32>
    %add3A_28 = vector.broadcast %broadcast_in_dim3A_27 : vector<1x128xf32> to vector<1000x128xf32>
    %add3A_29 = arith.addf %mul3A_24, %add3A_28 : vector<1000x128xf32>
    %reduce_sum3A = arith.constant dense<0.000000e+00> : vector<1000xf32>
    %reduce_sum3A_30 = vector.multi_reduction <add>, %add3A_29, %reduce_sum3A [1] : vector<1000x128xf32> to vector<1000xf32>
    %broadcast_in_dim3A_31 = vector.shape_cast %reduce_sum3A_30 : vector<1000xf32> to vector<1000x1xf32>
    %div3A_32 = arith.constant 1.280000e+02 : f32
    %div3A_33 = vector.broadcast %div3A_32 : f32 to vector<1000x1xf32>
    %div3A_34 = arith.divf %broadcast_in_dim3A_31, %div3A_33 : vector<1000x1xf32>
    %sub3A = vector.broadcast %div3A_34 : vector<1000x1xf32> to vector<1000x128xf32>
    %sub3A_35 = arith.subf %add3A_29, %sub3A : vector<1000x128xf32>
    %integer_pow3A = arith.mulf %sub3A_35, %sub3A_35 : vector<1000x128xf32>
    %reduce_sum3A_36 = arith.constant dense<0.000000e+00> : vector<1000xf32>
    %reduce_sum3A_37 = vector.multi_reduction <add>, %integer_pow3A, %reduce_sum3A_36 [1] : vector<1000x128xf32> to vector<1000xf32>
    %broadcast_in_dim3A_38 = vector.shape_cast %reduce_sum3A_37 : vector<1000xf32> to vector<1000x1xf32>
    %div3A_39 = arith.constant 1.280000e+02 : f32
    %div3A_40 = vector.broadcast %div3A_39 : f32 to vector<1000x1xf32>
    %div3A_41 = arith.divf %broadcast_in_dim3A_38, %div3A_40 : vector<1000x1xf32>
    %sub3A_42 = vector.broadcast %div3A_34 : vector<1000x1xf32> to vector<1000x128xf32>
    %sub3A_43 = arith.subf %add3A_29, %sub3A_42 : vector<1000x128xf32>
    %add3A_44 = arith.constant 9.99999974E-6 : f32
    %add3A_45 = vector.broadcast %add3A_44 : f32 to vector<1000x1xf32>
    %add3A_46 = arith.addf %div3A_41, %add3A_45 : vector<1000x1xf32>
    %sqrt3A = math.sqrt %add3A_46 : vector<1000x1xf32>
    %div3A_47 = vector.broadcast %sqrt3A : vector<1000x1xf32> to vector<1000x128xf32>
    %div3A_48 = arith.divf %sub3A_43, %div3A_47 : vector<1000x128xf32>
    %get3A_49 = arith.constant 0 : index
    %get3A_50 = vector.load %arg5[%get3A_49] : memref<128xf32, #tpu.memory_space<vmem>>, vector<128xf32>
    %broadcast_in_dim3A_51 = vector.shape_cast %get3A_50 : vector<128xf32> to vector<1x128xf32>
    %mul3A_52 = vector.broadcast %broadcast_in_dim3A_51 : vector<1x128xf32> to vector<1000x128xf32>
    %mul3A_53 = arith.mulf %div3A_48, %mul3A_52 : vector<1000x128xf32>
    %get3A_54 = arith.constant 0 : index
    %get3A_55 = vector.load %arg6[%get3A_54] : memref<128xf32, #tpu.memory_space<vmem>>, vector<128xf32>
    %broadcast_in_dim3A_56 = vector.shape_cast %get3A_55 : vector<128xf32> to vector<1x128xf32>
    %add3A_57 = vector.broadcast %broadcast_in_dim3A_56 : vector<1x128xf32> to vector<1000x128xf32>
    %add3A_58 = arith.addf %mul3A_53, %add3A_57 : vector<1000x128xf32>
    %max3A = arith.constant 0.000000e+00 : f32
    %max3A_59 = vector.broadcast %max3A : f32 to vector<1000x128xf32>
    %max3A_60 = arith.maximumf %add3A_58, %max3A_59 : vector<1000x128xf32>
    %get3A_61 = arith.constant 0 : index
    %get3A_62 = arith.constant 0 : index
    %get3A_63 = vector.load %arg3[%get3A_61, %get3A_62] : memref<1000x128xf32, #tpu.memory_space<vmem>>, vector<1000x128xf32>
    %add3A_64 = arith.addf %max3A_60, %get3A_63 : vector<1000x128xf32>
    %get3A_65 = arith.constant 0 : index
    %get3A_66 = arith.constant 0 : index
    %get3A_67 = vector.load %arg7[%get3A_65, %get3A_66] : memref<256x128xf32, #tpu.memory_space<vmem>>, vector<256x128xf32>
    %dot_general3A = arith.constant dense<0.000000e+00> : vector<1000x256xf32>
    %dot_general3A_68 = tpu.matmul %add3A_64, %get3A_67, %dot_general3A {dimension_numbers = #tpu.dot_dimension_numbers<[1], [1], [0], [0], [0, 0, 1, 0], [], []>, transpose_lhs_hint = false} : vector<1000x128xf32>, vector<256x128xf32>, vector<1000x256xf32> -> vector<1000x256xf32>
    %get3A_69 = arith.constant 0 : index
    %get3A_70 = vector.load %arg8[%get3A_69] : memref<256xf32, #tpu.memory_space<vmem>>, vector<256xf32>
    %broadcast_in_dim3A_71 = vector.shape_cast %get3A_70 : vector<256xf32> to vector<1x256xf32>
    %add3A_72 = vector.broadcast %broadcast_in_dim3A_71 : vector<1x256xf32> to vector<1000x256xf32>
    %add3A_73 = arith.addf %dot_general3A_68, %add3A_72 : vector<1000x256xf32>
    %max3A_74 = arith.constant 0.000000e+00 : f32
    %max3A_75 = vector.broadcast %max3A_74 : f32 to vector<1000x256xf32>
    %max3A_76 = arith.maximumf %add3A_73, %max3A_75 : vector<1000x256xf32>
    %get3A_77 = arith.constant 0 : index
    %get3A_78 = arith.constant 0 : index
    %get3A_79 = vector.load %arg9[%get3A_77, %get3A_78] : memref<128x256xf32, #tpu.memory_space<vmem>>, vector<128x256xf32>
    %dot_general3A_80 = arith.constant dense<0.000000e+00> : vector<1000x128xf32>
    %dot_general3A_81 = tpu.matmul %max3A_76, %get3A_79, %dot_general3A_80 {dimension_numbers = #tpu.dot_dimension_numbers<[1], [1], [0], [0], [0, 0, 1, 0], [], []>, transpose_lhs_hint = false} : vector<1000x256xf32>, vector<128x256xf32>, vector<1000x128xf32> -> vector<1000x128xf32>
    %get3A_82 = arith.constant 0 : index
    %get3A_83 = vector.load %arg10[%get3A_82] : memref<128xf32, #tpu.memory_space<vmem>>, vector<128xf32>
    %broadcast_in_dim3A_84 = vector.shape_cast %get3A_83 : vector<128xf32> to vector<1x128xf32>
    %add3A_85 = vector.broadcast %broadcast_in_dim3A_84 : vector<1x128xf32> to vector<1000x128xf32>
    %add3A_86 = arith.addf %dot_general3A_81, %add3A_85 : vector<1000x128xf32>
    %reduce_sum3A_87 = arith.constant dense<0.000000e+00> : vector<1000xf32>
    %reduce_sum3A_88 = vector.multi_reduction <add>, %add3A_86, %reduce_sum3A_87 [1] : vector<1000x128xf32> to vector<1000xf32>
    %broadcast_in_dim3A_89 = vector.shape_cast %reduce_sum3A_88 : vector<1000xf32> to vector<1000x1xf32>
    %div3A_90 = arith.constant 1.280000e+02 : f32
    %div3A_91 = vector.broadcast %div3A_90 : f32 to vector<1000x1xf32>
    %div3A_92 = arith.divf %broadcast_in_dim3A_89, %div3A_91 : vector<1000x1xf32>
    %sub3A_93 = vector.broadcast %div3A_92 : vector<1000x1xf32> to vector<1000x128xf32>
    %sub3A_94 = arith.subf %add3A_86, %sub3A_93 : vector<1000x128xf32>
    %integer_pow3A_95 = arith.mulf %sub3A_94, %sub3A_94 : vector<1000x128xf32>
    %reduce_sum3A_96 = arith.constant dense<0.000000e+00> : vector<1000xf32>
    %reduce_sum3A_97 = vector.multi_reduction <add>, %integer_pow3A_95, %reduce_sum3A_96 [1] : vector<1000x128xf32> to vector<1000xf32>
    %broadcast_in_dim3A_98 = vector.shape_cast %reduce_sum3A_97 : vector<1000xf32> to vector<1000x1xf32>
    %div3A_99 = arith.constant 1.280000e+02 : f32
    %div3A_100 = vector.broadcast %div3A_99 : f32 to vector<1000x1xf32>
    %div3A_101 = arith.divf %broadcast_in_dim3A_98, %div3A_100 : vector<1000x1xf32>
    %sub3A_102 = vector.broadcast %div3A_92 : vector<1000x1xf32> to vector<1000x128xf32>
    %sub3A_103 = arith.subf %add3A_86, %sub3A_102 : vector<1000x128xf32>
    %add3A_104 = arith.constant 9.99999974E-6 : f32
    %add3A_105 = vector.broadcast %add3A_104 : f32 to vector<1000x1xf32>
    %add3A_106 = arith.addf %div3A_101, %add3A_105 : vector<1000x1xf32>
    %sqrt3A_107 = math.sqrt %add3A_106 : vector<1000x1xf32>
    %div3A_108 = vector.broadcast %sqrt3A_107 : vector<1000x1xf32> to vector<1000x128xf32>
    %div3A_109 = arith.divf %sub3A_103, %div3A_108 : vector<1000x128xf32>
    %get3A_110 = arith.constant 0 : index
    %get3A_111 = vector.load %arg11[%get3A_110] : memref<128xf32, #tpu.memory_space<vmem>>, vector<128xf32>
    %broadcast_in_dim3A_112 = vector.shape_cast %get3A_111 : vector<128xf32> to vector<1x128xf32>
    %mul3A_113 = vector.broadcast %broadcast_in_dim3A_112 : vector<1x128xf32> to vector<1000x128xf32>
    %mul3A_114 = arith.mulf %div3A_109, %mul3A_113 : vector<1000x128xf32>
    %get3A_115 = arith.constant 0 : index
    %get3A_116 = vector.load %arg12[%get3A_115] : memref<128xf32, #tpu.memory_space<vmem>>, vector<128xf32>
    %broadcast_in_dim3A_117 = vector.shape_cast %get3A_116 : vector<128xf32> to vector<1x128xf32>
    %add3A_118 = vector.broadcast %broadcast_in_dim3A_117 : vector<1x128xf32> to vector<1000x128xf32>
    %add3A_119 = arith.addf %mul3A_114, %add3A_118 : vector<1000x128xf32>
    %add3A_120 = arith.addf %add3A_119, %add3A_64 : vector<1000x128xf32>
    %swap3A = arith.constant 0 : index
    %swap3A_121 = arith.constant 0 : index
    %swap3A_122 = vector.load %arg13[%swap3A, %swap3A_121] : memref<1000x128xf32, #tpu.memory_space<vmem>>, vector<1000x128xf32>
    tpu.vector_store %arg13[%swap3A, %swap3A_121], %add3A_120 {strides = array<i32>} : memref<1000x128xf32, #tpu.memory_space<vmem>>, vector<1000x128xf32>,
    return
  }
  func.func @transform_0(%arg0: i32) -> (i32, i32, i32) {
    %c0_i32 = arith.constant 0 : i32
    %c0_i32_0 = arith.constant 0 : i32
    %c0_i32_1 = arith.constant 0 : i32
    return %c0_i32, %arg0, %c0_i32_0 : i32, i32, i32
  }
  func.func @transform_1(%arg0: i32) -> (i32, i32, i32) {
    %c0_i32 = arith.constant 0 : i32
    %c0_i32_0 = arith.constant 0 : i32
    %c0_i32_1 = arith.constant 0 : i32
    return %c0_i32, %arg0, %c0_i32_0 : i32, i32, i32
  }
  func.func @transform_2(%arg0: i32) -> (i32, i32) {
    %c0_i32 = arith.constant 0 : i32
    %c0_i32_0 = arith.constant 0 : i32
    return %arg0, %c0_i32 : i32, i32
  }
  func.func @transform_3(%arg0: i32) -> i32 {
    %c0_i32 = arith.constant 0 : i32
    %c0_i32_0 = arith.constant 0 : i32
    return %c0_i32 : i32
  }
  func.func @transform_4(%arg0: i32) -> i32 {
    %c0_i32 = arith.constant 0 : i32
    %c0_i32_0 = arith.constant 0 : i32
    return %c0_i32 : i32
  }
  func.func @transform_5(%arg0: i32) -> i32 {
    %c0_i32 = arith.constant 0 : i32
    %c0_i32_0 = arith.constant 0 : i32
    return %c0_i32 : i32
  }
  func.func @transform_6(%arg0: i32) -> (i32, i32) {
    %c0_i32 = arith.constant 0 : i32
    %c0_i32_0 = arith.constant 0 : i32
    %c0_i32_1 = arith.constant 0 : i32
    return %c0_i32, %c0_i32_0 : i32, i32
  }
  func.func @transform_7(%arg0: i32) -> i32 {
    %c0_i32 = arith.constant 0 : i32
    %c0_i32_0 = arith.constant 0 : i32
    return %c0_i32 : i32
  }
  func.func @transform_8(%arg0: i32) -> (i32, i32) {
    %c0_i32 = arith.constant 0 : i32
    %c0_i32_0 = arith.constant 0 : i32
    %c0_i32_1 = arith.constant 0 : i32
    return %c0_i32, %c0_i32_0 : i32, i32
  }
  func.func @transform_9(%arg0: i32) -> i32 {
    %c0_i32 = arith.constant 0 : i32
    %c0_i32_0 = arith.constant 0 : i32
    return %c0_i32 : i32
  }
  func.func @transform_10(%arg0: i32) -> i32 {
    %c0_i32 = arith.constant 0 : i32
    %c0_i32_0 = arith.constant 0 : i32
    return %c0_i32 : i32
  }
  func.func @transform_11(%arg0: i32) -> i32 {
    %c0_i32 = arith.constant 0 : i32
    %c0_i32_0 = arith.constant 0 : i32
    return %c0_i32 : i32
  }
  func.func @transform_12(%arg0: i32) -> (i32, i32) {
    %c0_i32 = arith.constant 0 : i32
    %c0_i32_0 = arith.constant 0 : i32
    return %arg0, %c0_i32 : i32, i32
  }
}

</mosaic_0001>

<sc_bundles>
// kernel: kernel.6.cloned.1.call-start
scs
__scs_entry_jumppad:
0x0: {  	(pc) =	sbr.rel $0x88, $3  }
0x1: {  	(tag) =	ssettag $0x0;
	lr =	simm.s32 $0x1  }
0x2: {  	[smem:$0x3F94] =	sst lr;
	_ =	strace $0xD0000000  }
0x3: {  	_ = 	snop  }
0x4: {  	_ = 	snop  }
0x5: {  	_ = 	snop  }
0x6: {  	_ = 	snop  }
0x7: {  	_ = 	snop  }
__scs_overlays_trampoline_lowered:
0x8: {  	[smem:$0x3FA3] =	sst s0  }
0x9: {  	[smem:$0x3FA4] =	sst s1  }
0xa: {  	[smem:$0x3FA5] =	sst s2  }
0xb: {  	[smem:$0x3FA6] =	sst s3  }
0xc: {  	[smem:$0x3FA7] =	sst s4  }
0xd: {  	[smem:$0x3FA8] =	sst s5  }
0xe: {  	[smem:$0x3FA9] =	sst s6  }
0xf: {  	[smem:$0x3FAA] =	sst s7  }
0x10: {  	[smem:$0x3FAB] =	sst s8  }
0x11: {  	[smem:$0x3FAC] =	sst s9;
	s0 =	simm.s32 @!p0 $0x0  }
0x12: {  	s1 =	sld [smem:$0x3F92];
	s0 =	simm.s32 @p0 $0x1  }
0x13: {  	[smem:$0x3FAD] =	sst s0;
	s0 =	simm.s32 @!p1 $0x0  }
0x14: {  	s2 =	sld [smem:$0x3F91];
	s0 =	simm.s32 @p1 $0x1  }
0x15: {  	[smem:$0x3FAE] =	sst s0;
	s0 =	simm.s32 @!p2 $0x0  }
0x16: {  	s3 =	sld [smem:$0x3FDB];
	s0 =	simm.s32 @p2 $0x1  }
0x17: {  	s4 =	simm.s32 $0x1BF5;
	[smem:$0x3FB0] =	sst s0  }
0x18: {  	s0 =	sld [smem:$0x3F93];
	_ =	swait.ge [sflag:s4], $0x0  }
0x19: {  	s7 =	sld [smem:$0x3F94]  }
0x1a: {  	s8 =	sadd.s32 $0xFFFFE003, lr  }
0x1b: {  	s9 =	sadd.s32 $0xFFFFFEF7, lr;
	s5 =	simm.s32 $0xFFFFFFFF;
	p2 =	slt.u32 s8, $0xFFFFF086  }
0x1c: {  	p1 =	slt.u32 s9, $0xF7A;
	s5 =	simm.s32 @!p2 $0x0  }
0x1d: {  	s5 =	simm.s32 @p1 $0x1;
	p0 =	seq.s32 s7, s2  }
0x1e: {  	s7 =	smul.u32 @!p0 $0xF7A, s2;
	p2 =	seq.s32 @!p0 s5, $0x0  }
0x1f: {  	s9 =	smul.u32 $0xF7A, s1;
	s8 =	simm.s32 @!p0 $0x1BF5;
	p2 =	por !p2, p0  }
0x20: {  	[sflag:s8] =	ssyncset.s32 @!p0 $0xFFFFF086;
	s6 =	sadd.s32 @!p0 s3, s7;
	s7 =	simm.s32 @!p0 $0x108  }
0x21: {  	s3 =	sadd.s32 s3, s9;
	s6 =	sadd.s32 @!p0 $0x88, s6;
	s7 =	simm.s32 @p2 $0x1082  }
0x22: {  	[simem:s7], [sflag:s8] =	dma.local @!p0 [hbm:s6], $0xF7A  }
0x23: {  	s9 =	sor.u32 $0xD0000000, s2;
	s6 =	simm.s32 $0x108;
	_ =	swait.ge @!p0 [sflag:s8], $0x0  }
0x24: {  	s3 =	sadd.s32 $0x88, s3;
	s6 =	simm.s32 @!p1 $0x1082;
	[sflag:s4] =	ssyncset.s32 $0xFFFFF086  }
0x25: {  	[simem:s6], [sflag:s4] =	dma.local [hbm:s3], $0xF7A  }
0x26: {  	[smem:$0x3F94] =	sst s1;
	(tag) =	ssettag s2;
	_ =	strace s9  }
0x27: {  	s1 =	sld [smem:$0x3FA4]  }
0x28: {  	s2 =	sld [smem:$0x3FA5]  }
0x29: {  	s4 =	sld [smem:$0x3FA7]  }
0x2a: {  	p0 =	seq.s32 s5, $0x0;
	s5 =	sld [smem:$0x3FA8]  }
0x2b: {  	s6 =	sld [smem:$0x3FA9]  }
0x2c: {  	s7 =	sld [smem:$0x3FAA]  }
0x2d: {  	s3 =	simm.s32 $0x108;
	s8 =	sld [smem:$0x3FAB]  }
0x2e: {  	s3 =	simm.s32 @!p0 $0x1082;
	s9 =	sld [smem:$0x3FAC]  }
0x2f: {  	lr =	sadd.s32 s0, s3;
	s0 =	sld [smem:$0x3FA3]  }
0x30: {  	s3 =	sld [smem:$0x3FA6]  }
0x31: {  	[smem:$0x3FAF] =	sst s10  }
0x32: {  	s10 =	sld [smem:$0x3FAD];
	_ =	sdelay $0x3  }
0x33: {  	p0 =	seq.s32 s10, $0x1;
	s10 =	sld [smem:$0x3FAF];
	_ =	sdelay $0x3  }
0x34: {  	[smem:$0x3FAF] =	sst s10  }
0x35: {  	s10 =	sld [smem:$0x3FAE];
	_ =	sdelay $0x3  }
0x36: {  	p1 =	seq.s32 s10, $0x1;
	s10 =	sld [smem:$0x3FAF];
	_ =	sdelay $0x3  }
0x37: {  	[smem:$0x3FAF] =	sst s10  }
0x38: {  	s10 =	sld [smem:$0x3FB0]  }
0x39: {  	_ = 	snop;
	(pc) =	sbr.ind lr, $3  }
0x3a: {  	_ = 	snop  }
0x3b: {  	_ = 	snop  }
0x3c: {  	p2 =	seq.s32 s10, $0x1;
	s10 =	sld [smem:$0x3FAF]  }
0x3d: {  	_ =	shalt  }
0x3e: {  	_ =	shalt  }
0x3f: {  	_ =	shalt  }
0x40: {  	_ =	shalt  }
0x41: {  	_ =	shalt  }
0x42: {  	_ =	shalt  }
0x43: {  	_ =	shalt  }
0x44: {  	_ =	shalt  }
0x45: {  	_ =	shalt  }
0x46: {  	_ =	shalt  }
0x47: {  	_ =	shalt  }
0x48: {  	_ =	shalt  }
0x49: {  	_ =	shalt  }
0x4a: {  	_ =	shalt  }
0x4b: {  	_ =	shalt  }
0x4c: {  	_ =	shalt  }
0x4d: {  	_ =	shalt  }
0x4e: {  	_ =	shalt  }
0x4f: {  	_ =	shalt  }
0x50: {  	_ =	shalt  }
0x51: {  	_ =	shalt  }
0x52: {  	_ =	shalt  }
0x53: {  	_ =	shalt  }
0x54: {  	_ =	shalt  }
0x55: {  	_ =	shalt  }
0x56: {  	_ =	shalt  }
0x57: {  	_ =	shalt  }
0x58: {  	_ =	shalt  }
0x59: {  	_ =	shalt  }
0x5a: {  	_ =	shalt  }
0x5b: {  	_ =	shalt  }
0x5c: {  	_ =	shalt  }
0x5d: {  	_ =	shalt  }
0x5e: {  	_ =	shalt  }
0x5f: {  	_ =	shalt  }
0x60: {  	_ =	shalt  }
0x61: {  	_ =	shalt  }
0x62: {  	_ =	shalt  }
0x63: {  	_ =	shalt  }
0x64: {  	_ =	shalt  }
0x65: {  	_ =	shalt  }
0x66: {  	_ =	shalt  }
0x67: {  	_ =	shalt  }
0x68: {  	_ =	shalt  }
0x69: {  	_ =	shalt  }
0x6a: {  	_ =	shalt  }
0x6b: {  	_ =	shalt  }
0x6c: {  	_ =	shalt  }
0x6d: {  	_ =	shalt  }
0x6e: {  	_ =	shalt  }
0x6f: {  	_ =	shalt  }
0x70: {  	_ =	shalt  }
0x71: {  	_ =	shalt  }
0x72: {  	_ =	shalt  }
0x73: {  	_ =	shalt  }
0x74: {  	_ =	shalt  }
0x75: {  	_ =	shalt  }
0x76: {  	_ =	shalt  }
0x77: {  	_ =	shalt  }
0x78: {  	_ =	shalt  }
0x79: {  	_ =	shalt  }
0x7a: {  	_ =	shalt  }
0x7b: {  	_ =	shalt  }
0x7c: {  	_ =	shalt  }
0x7d: {  	_ =	shalt  }
0x7e: {  	_ =	shalt  }
0x7f: {  	_ =	shalt  }
0x80: {  	_ =	shalt  }
0x81: {  	_ =	shalt  }
0x82: {  	_ =	shalt  }
0x83: {  	_ =	shalt  }
0x84: {  	_ =	shalt  }
0x85: {  	_ =	shalt  }
0x86: {  	_ =	shalt  }
0x87: {  	_ =	shalt  }
.Lfunc_end0:
.L_simem_size_0:
called_computation_lowered:
.L_overlay_start_0:
0x88: {  	s2 =	sld [smem:$0x3FD9]  }
0x89: {  	s3 =	sld [smem:$0x3FFE];
	_ =	sdelay $0x1  }
0x8a: {  	s1 =	srdreg.scid  }
0x8b: {  	s0 =	sand.u32 $0x1, s1  }
0x8c: {  	s17 =	sshll.u32 s0, $0xA;
	s2 =	sadd.s32 s3, s2  }
0x8d: {  	s2 =	sadd.s32 s2, s17  }
0x8e: {  	[smem:$0x3FBB] =	sst s2  }
0x8f: {  	_ = 	snop  }
0x90: {  	s2 =	sld [smem:$0x3FC9]  }
0x91: {  	s18 =	sld [smem:$0x3FC8]  }
0x92: {  	s4 =	sld [smem:$0x3FC7]  }
0x93: {  	s5 =	sld [smem:$0x3FD0];
	(tm) =	ssettm $0x1  }
0x94: {  	s6 =	sld [smem:$0x3FFB];
	_ =	sdelay $0x3  }
0x95: {  	_ =	strace s6  }
0x96: {  	s6 =	sld [smem:$0x3FFC];
	_ =	sdelay $0x3  }
0x97: {  	_ =	strace s6  }
0x98: {  	s6 =	sld [smem:$0x3FFD];
	_ =	sdelay $0x3  }
0x99: {  	_ =	strace s6  }
0x9a: {  	_ =	strace $0x8FFFFFFF  }
0x9b: {  	s19 =	sld [smem:$0x3FDB];
	_ =	sdelay $0x1  }
0x9c: {  	s7 =	simm.s32 $_scs_section_size  }
0x9d: {  	s8 =	simm.s32 $_size__tile_overlayer_lowered;
	s9 =	simm.s32 $_tile_overlayer_lowered  }
0x9e: {  	s22 =	simm.s32 $0x1BFF;
	s21 =	sshll.u32 s9, $0x1;
	s6 =	sadd.s32 s7, s19  }
0x9f: {  	s10 =	simm.s32 $0x0;
	s20 =	sshll.u32 s8, $0x1;
	s8 =	sadd.s32 s21, s6  }
0xa0: {  	[timem:s10], [sflag:s22] =	dma.local [hbm:s8], s20  }
0xa1: {  	_ =	swait.ge [sflag:s22], s20  }
0xa2: {  	s7 =	ssub.s32 $0x0, s20;
	[sflag:s22] =	ssyncset.done $0x0  }
0xa3: {  	[sflag:s22] =	ssyncadd.s32 s7;
	_ =	sdelay $0x1  }
0xa4: {  	s23 =	simm.s32 $0x1B8B  }
0xa5: {  	_ =	swait.ge [sflag:s23], $0x1  }
0xa6: {  	[sflag:s23] =	ssyncset.done $0x0  }
0xa7: {  	s25 =	simm.s32 $0x1B8E;
	s24 =	sld [smem:$0x3FFE];
	[sflag:s23] =	ssyncadd.s32 $0xFFFFFFFF  }
0xa8: {  	s26 =	simm.s32 $execute0_lowered;
	[smem:$0x3FD2] =	sst s25  }
0xa9: {  	s8 =	sshll.u32 s26, $0x1;
	_ =	strace $0x80000046;
	[dreg:$0x1] =	wrdreg $0xFFFFFFFF  }
0xaa: {  	s28 =	simm.s32 $_size_execute0_lowered;
	s6 =	sadd.s32 s6, s8;
	[dreg:$0x0] =	wrdreg $0x0  }
0xab: {  	s8 =	sshll.u32 s28, $0x1;
	[dreg:$0x2] =	wrdreg s6  }
0xac: {  	[dreg:$0x3] =	wrdreg s8  }
0xad: {  	[dreg:$0x4] =	wrdreg $0xC0  }
0xae: {  	_ =	task [dreg:s10], $0x5FFFF  }
0xaf: {  	[dreg:$0x1] =	wrdreg $0xFFFFFFFF  }
0xb0: {  	[dreg:$0x0] =	wrdreg $0x60  }
0xb1: {  	[dreg:$0x2] =	wrdreg s18  }
0xb2: {  	[dreg:$0x3] =	wrdreg s2  }
0xb3: {  	[dreg:$0x4] =	wrdreg s4  }
0xb4: {  	[dreg:$0x5] =	wrdreg s24  }
0xb5: {  	[dreg:$0x6] =	wrdreg s5  }
0xb6: {  	[dreg:$0x7] =	wrdreg $0x86000  }
0xb7: {  	[dreg:$0x8] =	wrdreg $0x1E7800  }
0xb8: {  	[dreg:$0x9] =	wrdreg $0x1EA000  }
0xb9: {  	[dreg:$0xa] =	wrdreg $0x9  }
0xba: {  	_ =	task.clear_ibuf [dreg:s10], $0xBFFFF;
	_ =	strace $0x90000046  }
0xbb: {  	s29 =	simm.s32 $0x9;
	_ =	strace $0x80000048  }
0xbc: {  	_ =	swait.ge [sflag:s29], $0x1  }
0xbd: {  	[sflag:s29] =	ssyncadd.s32 $0xFFFFFFFF  }
0xbe: {  	_ =	strace $0x90000048  }
0xbf: {  	_ =	sfence  }
0xc0: {  	s30 =	sld [smem:$0x0];
	_ =	sdelay $0x2  }
0xc1: {  	s31 =	sshll.u32 s1, $0xD;
	s1 =	sshrl.u32 s1, $0x2  }
0xc2: {  	s3 =	sand.u32 $0x4000, s31;
	s1 =	sadd.s32 s1, s30  }
0xc3: {  	s0 =	sor.u32 s3, s0;
	s1 =	sshll.u32 s1, $0x11  }
0xc4: {  	s0 =	sor.u32 s1, s0  }
0xc5: {  	s0 =	sadd.s32 $0x8F2B, s0  }
0xc6: {  	[sflag:s0] =	ssyncadd.remote.s32 $0x1  }
0xc7: {  	_ =	sfence.sel $0xFFFF  }
0xc8: {  	[dreg:$0x0] =	wrdreg $0xFFFFFFFF;
	(pc) =	sbr.abs _section_cstart, $3  }
0xc9: {  	[dreg:$0x1] =	wrdreg $0xFFFFFFFF  }
0xca: {  	_ =	task.clear_ibuf [dreg:s10], $0x2FFFF;
	_ =	strace $0x9FFFFFFF  }
0xcb: {  	(tm) =	ssettm $0x7FFFFFFF  }
tec
execute0_lowered:
.L_overlay_start_1:
0x0: {  	(tag) =	ssettag $0x1  }
0x1: {  	s1 =	rddreg [dreg:$0x0]  }
0x2: {  	s28 =	rddreg [dreg:$0x1]  }
0x3: {  	s2 =	rddreg [dreg:$0x3]  }
0x4: {  	s5 =	rddreg [dreg:$0x4]  }
0x5: {  	s3 =	rddreg [dreg:$0x5]  }
0x6: {  	s23 =	rddreg [dreg:$0x6]  }
0x7: {  	s6 =	rddreg [dreg:$0x7];
	s7 =	simm.s32 $0x0;
	s15 =	stileid.u32  }
0x8: {  	s8 =	srdreg.scid;
	s30 =	simm.s32 $0xE;
	s29 =	simm.s32 $0x200  }
0x9: {  	[smem:$0x7FF] =	sst s7;
	s9 =	smul.u32 $0x50000, s15;
	s10 =	sadd.s32 $0x3000, s2  }
0xa: {  	s20 =	sadd.s32 $0x3600, s2;
	s8 =	sand.u32 $0x1, s8;
	s26 =	smul.u32 $0x14000, s15  }
0xb: {  	s31 =	sadd.s32 $0x12C000, s3;
	s16 =	sshll.u32 s15, $0x6;
	p0 =	sne.s32 s15, $0xF  }
0xc: {  	s17 =	sadd.s32 $0x138000, s3;
	_ =	strace $0x80000047;
	[dreg:$0xa] =	wrdreg s10  }
0xd: {  	s11 =	sshll.u32 s8, $0x4;
	s12 =	ssub.s32 $0x2, s8;
	[dreg:$0x10] =	wrdreg s31  }
0xe: {  	s22 =	smul.u32 $0x138800, s8;
	s8 =	sshll.u32 s8, $0x5;
	[dreg:$0x11] =	wrdreg s16  }
0xf: {  	p3 =	seq.s32 @p0 s15, $0x1;
	[dreg:$0x17] =	wrdreg s17;
	s17 =	simm.s32 $0x7  }
0x10: {  	s9 =	sshrl.u32 s9, $0x2;
	s2 =	sadd.s32 s11, s2;
	s13 =	sshrl.u32 s12, $0x1  }
0x11: {  	s4 =	sor.u32 s8, s16;
	s5 =	sadd.s32 s5, s11;
	p1 =	por p3, !p0  }
0x12: {  	s11 =	simm.s32 $0x600;
	s14 =	sadd.s32 s9, s3;
	s9 =	ssub.s32 s12, s13  }
0x13: {  	s0 =	sshrl.u32 s22, $0x3;
	s13 =	sadd.s32 s1, s4;
	[dreg:$0x15] =	wrdreg s5  }
0x14: {  	s1 =	sadd.s32 s16, s1;
	s16 =	sadd.s32 $0x134000, s3;
	[dreg:$0xb] =	wrdreg s14  }
0x15: {  	s12 =	sadd.s32 s26, s22;
	p4 =	sne.s32 @!p1 s15, $0x0;
	[dreg:$0x16] =	wrdreg s16  }
0x16: {  	p1 =	por !p3, !p0;
	s21 =	sadd.s32 $0x4000, s14;
	[dreg:$0x14] =	wrdreg s13  }
0x17: {  	s4 =	simm.s32 $0x4600;
	s24 =	sadd.s32 $0x8000, s14;
	[dreg:$0xc] =	wrdreg s21  }
0x18: {  	s5 =	simm.s32 $0xA;
	s25 =	sadd.s32 $0xC000, s14;
	[dreg:$0xd] =	wrdreg s24  }
0x19: {  	s14 =	sadd.s32 $0x10000, s14;
	s12 =	sshrl.u32 s12, $0x3;
	[dreg:$0xe] =	wrdreg s25  }
0x1a: {  	s1 =	sadd.s32 s8, s1;
	s18 =	sadd.s32 $0x400, s13;
	[dreg:$0xf] =	wrdreg s14  }
0x1b: {  	p2 =	por @p0 p4, p3;
	p3 =	por @p0 !p4, p3;
	[dreg:$0x9] =	wrdreg s1  }
0x1c: {  	s22 =	sadd.s32 $0x800, s13;
	s26 =	sadd.s32 $0x1400, s13;
	[dreg:$0x18] =	wrdreg s18  }
0x1d: {  	s31 =	sadd.s32 $0x13800, s13;
	s14 =	sadd.s32 s20, s0;
	[dreg:$0x1c] =	wrdreg s22  }
0x1e: {  	s10 =	sadd.s32 s20, s12;
	s12 =	sadd.s32 $0x130000, s3;
	[dreg:$0x1f] =	wrdreg s26  }
0x1f: {  	s20 =	sadd.s32 $0x51800, s2;
	s21 =	smax.u32 s9, $0x1;
	[smem:$0x7FD] =	sst s31  }
0x20: {  	p2 =	por p2, !p0;
	p3 =	por !p3, !p0;
	[dreg:$0x12] =	wrdreg s10  }
0x21: {  	s24 =	sadd.s32 $0xC00, s13;
	s25 =	sadd.s32 $0x1000, s13;
	[dreg:$0x13] =	wrdreg s12  }
0x22: {  	s1 =	simm.s32 $0x1BE80;
	s26 =	simm.s32 $0x9;
	[dreg:$0x1a] =	wrdreg s20  }
0x23: {  	s9 =	simm.s32 $0xD;
	s18 =	simm.s32 $0x100;
	[dreg:$0x1b] =	wrdreg s21  }
0x24: {  	s19 =	sadd.s32 $0x25800, s14;
	s0 =	simm.s32 @!p2 $0x0;
	[dreg:$0x1d] =	wrdreg s24  }
0x25: {  	[dreg:$0x1e] =	wrdreg s25;
	s12 =	simm.s32 $0x80;
	s0 =	simm.s32 @p2 $0x1  }
0x26: {  	s20 =	simm.s32 $0x1E600;
	[smem:$0x7F9] =	sst s0;
	s0 =	simm.s32 @!p3 $0x0  }
0x27: {  	s24 =	simm.s32 $0x8;
	p2 =	sgt.u32 s15, $0x1;
	s0 =	simm.s32 @p3 $0x1  }
.Ltmp0:
0x28: {  	[smem:$0x7FA] =	sst s0;
	s0 =	simm.s32 @!p2 $0x0;
	(pc) =	sbr.rel .LBB2_1-.Ltmp0, $4  }
0x29: {  	s14 =	simm.s32 $0xB;
	s0 =	simm.s32 @p2 $0x1;
	p2 =	seq.s32 s15, $0xF  }
0x2a: {  	s25 =	simm.s32 $0xC;
	[smem:$0x7FB] =	sst s0;
	s0 =	simm.s32 @!p2 $0x0  }
0x2b: {  	s10 =	simm.s32 $0x0;
	[dreg:$0x19] =	wrdreg s19;
	s0 =	simm.s32 @p2 $0x1  }
0x2c: {  	v0 =	vimm.f32 $0.0e+00;
	v1 =	vimm.f32 $1.000000000e+00;
	s21 =	simm.s32 $0x600;
	s19 =	simm.s32 $0x4;
	[smem:$0x7FC] =	sst s0  }
.LBB2_9:
0x2d: {  	s2 =	rddreg [dreg:$0x10];
	s16 =	simm.s32 $0xF  }
0x2e: {  	s15 =	rddreg [dreg:$0x19];
	s8 =	simm.s32 $0x1FCF;
	s2 =	sshrl.u32 s2, $0x3  }
0x2f: {  	[hbm:s15], [sflag:s8] =	dma.local [spmem:s2], $0x1900  }
0x30: {  	_ =	swait.ge [sflag:s16], $0x1900  }
0x31: {  	[sflag:s16] =	ssyncset.done $0x0  }
0x32: {  	[sflag:s16] =	ssyncadd.s32 $0xFFFFE700  }
.LBB2_10:
0x33: {  	s0 =	stileid.u32;
	s16 =	sshrl.u32 @p5 s23, $0x3  }
0x34: {  	s8 =	simm.s32 @p5 $0x1;
	s13 =	simm.s32 @p5 $0x20;
	s2 =	sshll.u32 @p5 s0, $0x6  }
0x35: {  	s31 =	simm.s32 @p5 $0x10;
	s15 =	rddreg [dreg:$0x15];
	s2 =	sor.u32 @p5 $0x1C0F, s2  }
0x36: {  	[hbm:s15@s13], [sflag:s2] =	dma.strided @p5 [spmem:s16@s31], $0x500, s8, $0x10   }
0x37: {  	s2 =	simm.s32 @p5 $0xF;
	s16 =	sshll.u32 @p6 s0, $0x6  }
0x38: {  	s0 =	simm.s32 @p6 $0x1;
	s8 =	simm.s32 @p6 $0x20;
	_ =	swait.ge @p5 [sflag:s2], $0x500  }
0x39: {  	s31 =	simm.s32 @p6 $0x10;
	[sflag:s2] =	ssyncset.done @p5 $0x0;
	s15 =	rddreg [dreg:$0x1a]  }
0x3a: {  	[sflag:s2] =	ssyncadd.s32 @p5 $0xFFFFFB00;
	s2 =	sor.u32 @p6 $0x1C0F, s16;
	s16 =	sshrl.u32 @p6 s6, $0x3  }
0x3b: {  	[hbm:s15@s8], [sflag:s2] =	dma.strided @p6 [spmem:s16@s31], $0x500, s0, $0x10   }
0x3c: {  	s2 =	simm.s32 @p6 $0xF  }
0x3d: {  	_ =	swait.ge @p6 [sflag:s2], $0x500  }
0x3e: {  	s10 =	sadd.s32 $0x1, s10;
	s31 =	rddreg [dreg:$0x1b]  }
0x3f: {  	p3 =	sne.s32 s10, s31  }
.Ltmp1:
0x40: {  	_ = 	snop;
	(pc) =	sbr.rel @!p3 .LBB2_11-.Ltmp1, $3  }
0x41: {  	_ =	sdelay $0x1  }
0x42: {  	[sflag:s2] =	ssyncset.done @p6 $0x0  }
0x43: {  	[sflag:s2] =	ssyncadd.s32 @p6 $0xFFFFFB00  }
.LBB2_1:
0x44: {  	[smem:$0x7F8] =	sst s10;
	s2 =	simm.s32 $0x0;
	s31 =	simm.s32 $0x200  }
.LBB2_2:
0x45: {  	p5 =	sne.s32 s31, $0xFE00;
	[tilespmem:s2+$0x670] =	vst v0  }
0x46: {  	[tilespmem:s2+$0x600] =	vst v0  }
0x47: {  	[tilespmem:s2+$0x610] =	vst v0  }
.Ltmp2:
0x48: {  	[tilespmem:s2+$0x620] =	vst v0;
	(pc) =	sbr.rel @p5 .LBB2_2-.Ltmp2, $4  }
0x49: {  	[tilespmem:s2+$0x630] =	vst v0  }
0x4a: {  	[tilespmem:s2+$0x640] =	vst v0  }
0x4b: {  	[tilespmem:s2+$0x650] =	vst v0  }
0x4c: {  	[tilespmem:s2+$0x660] =	vst v0;
	s2 =	sshra.s32 s31, $0x2;
	s31 =	sadd.s32 $0x200, s31  }
0x4d: {  	[tilespmem:s2+$0x670] =	vst v0  }
0x4e: {  	[tilespmem:s2+$0x600] =	vst v0  }
0x4f: {  	[tilespmem:s2+$0x610] =	vst v0  }
0x50: {  	[tilespmem:s2+$0x620] =	vst v0  }
0x51: {  	[tilespmem:s2+$0x630] =	vst v0  }
0x52: {  	[tilespmem:s2+$0x640] =	vst v0  }
0x53: {  	[tilespmem:s2+$0x650] =	vst v0  }
0x54: {  	[tilespmem:s2+$0x660] =	vst v0;
	s2 =	simm.s32 @p0 $0x600;
	s16 =	rddreg [dreg:$0xb];
	s31 =	simm.s32 @p0 $0xF  }
0x55: {  	[spmem:s16] =	stream.linear.scatter @p0 [tilespmem:s2], [sflag:$0xF], $0x4000, $0x38;
	[tilespmem:$0x1EC80] =	vst v63  }
0x56: {  	_ =	swait.ge @p0 [sflag:s31], $0x4000  }
0x57: {  	[sflag:s31] =	ssyncset.done @p0 $0x0  }
0x58: {  	s16 =	rddreg [dreg:$0xc];
	[sflag:s31] =	ssyncadd.s32 @p0 $0xFFFFC000  }
0x59: {  	[spmem:s16] =	stream.linear.scatter @p0 [tilespmem:s2], [sflag:$0xF], $0x4000, $0x38;
	[tilespmem:$0x1EC80] =	vst v63  }
0x5a: {  	_ =	swait.ge @p0 [sflag:s31], $0x4000  }
0x5b: {  	[sflag:s31] =	ssyncset.done @p0 $0x0  }
0x5c: {  	s16 =	rddreg [dreg:$0xd];
	[sflag:s31] =	ssyncadd.s32 @p0 $0xFFFFC000  }
0x5d: {  	[spmem:s16] =	stream.linear.scatter @p0 [tilespmem:s2], [sflag:$0xF], $0x4000, $0x38;
	[tilespmem:$0x1EC80] =	vst v63  }
0x5e: {  	_ =	swait.ge @p0 [sflag:s31], $0x4000  }
0x5f: {  	[sflag:s31] =	ssyncset.done @p0 $0x0  }
0x60: {  	s16 =	rddreg [dreg:$0xe];
	[sflag:s31] =	ssyncadd.s32 @p0 $0xFFFFC000  }
0x61: {  	[spmem:s16] =	stream.linear.scatter @p0 [tilespmem:s2], [sflag:$0xF], $0x4000, $0x38;
	[tilespmem:$0x1EC80] =	vst v63  }
0x62: {  	_ =	swait.ge @p0 [sflag:s31], $0x4000  }
0x63: {  	[sflag:s31] =	ssyncset.done @p0 $0x0  }
0x64: {  	s16 =	rddreg [dreg:$0xf];
	[sflag:s31] =	ssyncadd.s32 @p0 $0xFFFFC000  }
0x65: {  	[spmem:s16] =	stream.linear.scatter @p0 [tilespmem:s2], [sflag:$0xF], $0x4000, $0x38;
	[tilespmem:$0x1EC80] =	vst v63  }
0x66: {  	_ =	swait.ge @p0 [sflag:s31], $0x4000  }
0x67: {  	s2 =	sshrl.u32 @!p1 s6, $0x3;
	[sflag:s31] =	ssyncset.done @p0 $0x0  }
0x68: {  	s16 =	rddreg [dreg:$0xa];
	[sflag:s31] =	ssyncadd.s32 @p0 $0xFFFFC000;
	s31 =	simm.s32 @!p1 $0x1C4F  }
0x69: {  	[spmem:s2], [sflag:s31] =	dma.local @!p1 [hbm:s16], $0x500  }
0x6a: {  	s2 =	simm.s32 @!p1 $0xF  }
0x6b: {  	_ =	swait.ge @!p1 [sflag:s2], $0x500  }
0x6c: {  	s0 =	sld [smem:$0x7F9];
	_ =	sdelay $0x2  }
0x6d: {  	[sflag:s2] =	ssyncset.done @!p1 $0x0;
	p2 =	seq.s32 s0, $0x1  }
0x6e: {  	[sflag:s2] =	ssyncadd.s32 @!p1 $0xFFFFFB00;
	s2 =	sshrl.u32 @!p2 s23, $0x3;
	s31 =	simm.s32 @!p2 $0x1C0F  }
0x6f: {  	[spmem:s2], [sflag:s31] =	dma.local @!p2 [hbm:s16], $0x500  }
0x70: {  	s2 =	simm.s32 @!p2 $0xF  }
0x71: {  	_ =	swait.ge @!p2 [sflag:s2], $0x500  }
0x72: {  	s31 =	simm.s32 @!p0 $0xF;
	[sflag:s2] =	ssyncset.done @!p2 $0x0  }
0x73: {  	s16 =	rddreg [dreg:$0x10];
	[sflag:s2] =	ssyncadd.s32 @!p2 $0xFFFFFB00;
	s2 =	simm.s32 @!p0 $0x600  }
0x74: {  	[spmem:s16] =	stream.linear.scatter @!p0 [tilespmem:s2], [sflag:$0xF], $0x4000, $0x38;
	[tilespmem:$0x1EC80] =	vst v63  }
0x75: {  	_ =	swait.ge @!p0 [sflag:s31], $0x4000  }
0x76: {  	[sflag:s31] =	ssyncset.done @!p0 $0x0  }
0x77: {  	s16 =	rddreg [dreg:$0x13];
	[sflag:s31] =	ssyncadd.s32 @!p0 $0xFFFFC000  }
0x78: {  	[spmem:s16] =	stream.linear.scatter @!p0 [tilespmem:s2], [sflag:$0xF], $0x4000, $0x38;
	[tilespmem:$0x1EC80] =	vst v63  }
0x79: {  	_ =	swait.ge @!p0 [sflag:s31], $0x4000  }
0x7a: {  	[sflag:s31] =	ssyncset.done @!p0 $0x0  }
0x7b: {  	s15 =	rddreg [dreg:$0x16];
	[sflag:s31] =	ssyncadd.s32 @!p0 $0xFFFFC000  }
0x7c: {  	[spmem:s15] =	stream.linear.scatter @!p0 [tilespmem:s2], [sflag:$0xF], $0x4000, $0x38;
	[tilespmem:$0x1EC80] =	vst v63  }
0x7d: {  	_ =	swait.ge @!p0 [sflag:s31], $0x4000  }
0x7e: {  	[sflag:s31] =	ssyncset.done @!p0 $0x0  }
0x7f: {  	s15 =	rddreg [dreg:$0x17];
	[sflag:s31] =	ssyncadd.s32 @!p0 $0xFFFFC000  }
0x80: {  	[spmem:s15] =	stream.linear.scatter @!p0 [tilespmem:s2], [sflag:$0xF], $0x800, $0x38;
	[tilespmem:$0x1EC80] =	vst v63  }
0x81: {  	_ =	swait.ge @!p0 [sflag:s31], $0x800  }
0x82: {  	[sflag:s31] =	ssyncset.done @!p0 $0x0  }
0x83: {  	[sflag:s31] =	ssyncadd.s32 @!p0 $0xFFFFF800  }
0x84: {  	s13 =	simm.s32 $0xF;
	s2 =	simm.s32 $0x0;
	s10 =	rddreg [dreg:$0x2]  }
0x85: {  	[tilespmem:s1], [sflag:$0xF] =	stream.linear.gather [hbm4b:s10+s2], $0x2780, $0x38;
	[tilespmem:$0x1EC80] =	vst v63  }
0x86: {  	_ =	swait.ge [sflag:s13], $0x2780  }
0x87: {  	[sflag:s13] =	ssyncset.done $0x0  }
0x88: {  	[sflag:s13] =	ssyncadd.s32 $0xFFFFD880  }
0x89: {  	[tilespmem:$0x1E600] =	vst v1  }
0x8a: {  	[tilespmem:$0x1E610] =	vst v1  }
0x8b: {  	[tilespmem:$0x1E620] =	vst v1  }
0x8c: {  	[tilespmem:$0x1E630] =	vst v1  }
0x8d: {  	[tilespmem:$0x1E640] =	vst v1  }
0x8e: {  	[tilespmem:$0x1E650] =	vst v1  }
0x8f: {  	[tilespmem:$0x1E660] =	vst v1  }
0x90: {  	[tilespmem:$0x1E670] =	vst v1  }
0x91: {  	[bflag:$0x0] =	sbarrier.arrive $0xFFFF  }
0x92: {  	s15 =	rddreg [dreg:$0x14]  }
0x93: {  	[tilespmem:s2], [sflag:$0x1] =	stream.linear.gather [hbm4b:s15+s2], $0x100, $0x38;
	[tilespmem:$0x1EC80] =	vst v63  }
0x94: {  	s22 =	simm.s32 $0x100;
	s16 =	rddreg [dreg:$0x18]  }
0x95: {  	[tilespmem:s22], [sflag:$0x2] =	stream.linear.gather [hbm4b:s16+s2], $0x100, $0x38;
	[tilespmem:$0x1EC80] =	vst v63  }
0x96: {  	s10 =	simm.s32 $0x200;
	s31 =	rddreg [dreg:$0x1c]  }
0x97: {  	[tilespmem:s10], [sflag:$0x3] =	stream.linear.gather [hbm4b:s31+s2], $0x100, $0x38;
	[tilespmem:$0x1EC80] =	vst v63  }
0x98: {  	s8 =	simm.s32 $0x300;
	s0 =	rddreg [dreg:$0x1d]  }
0x99: {  	[tilespmem:s8], [sflag:$0x4] =	stream.linear.gather [hbm4b:s0+s2], $0x100, $0x38;
	[tilespmem:$0x1EC80] =	vst v63  }
0x9a: {  	s13 =	rddreg [dreg:$0x1e];
	s8 =	simm.s32 $0x400  }
0x9b: {  	[tilespmem:s8], [sflag:$0x5] =	stream.linear.gather [hbm4b:s13+s2], $0x100, $0x38;
	[tilespmem:$0x1EC80] =	vst v63  }
0x9c: {  	s16 =	rddreg [dreg:$0x1f];
	s22 =	simm.s32 $0x500;
	s31 =	simm.s32 $0x1  }
0x9d: {  	[tilespmem:s22], [sflag:$0x6] =	stream.linear.gather [hbm4b:s16+s2], $0x100, $0x38;
	[tilespmem:$0x1EC80] =	vst v63  }
0x9e: {  	_ =	swait.ge [sflag:s31], $0x100  }
0x9f: {  	[sflag:s31] =	ssyncset.done $0x0  }
0xa0: {  	[sflag:s31] =	ssyncadd.s32 $0xFFFFFF00  }
0xa1: {  	[tilespmem:s11], [sflag:$0x7] =	stream.indirect.gather [hbm4b:s28+s12], $0x80, s2, s12, $0xb8;
	[tilespmem:$0x1EC80] =	vst v63  }
0xa2: {  	_ =	swait.ge [sflag:s17], $0x4000  }
0xa3: {  	[sflag:s17] =	ssyncset.done $0x0  }
0xa4: {  	s8 =	simm.s32 $0x2;
	[sflag:s17] =	ssyncadd.s32 $0xFFFFC000  }
0xa5: {  	[spmem:s3] =	stream.indirect.scatter.add.f32 [tilespmem:s11], [sflag:$0x9], $0x80, s12, s12, $0xb8;
	[tilespmem:$0x1EC80] =	vst v63  }
0xa6: {  	_ =	swait.ge [sflag:s8], $0x100  }
0xa7: {  	[sflag:s8] =	ssyncset.done $0x0  }
0xa8: {  	s13 =	simm.s32 $0x100;
	[sflag:s8] =	ssyncadd.s32 $0xFFFFFF00  }
0xa9: {  	[tilespmem:s4], [sflag:$0x8] =	stream.indirect.gather [hbm4b:s28+s12], $0x80, s13, s12, $0xb8;
	[tilespmem:$0x1EC80] =	vst v63  }
0xaa: {  	_ = 	snop  }
0xab: {  	[spmem:s23] =	stream.indirect.scatter.add.f32 [tilespmem:s20], [sflag:$0xB], $0x1, s12, s12, $0xb8;
	[tilespmem:$0x1EC80] =	vst v63  }
0xac: {  	v2 =	vld [tilespmem:$0x80];
	_ =	sdelay $0x5  }
0xad: {  	v3 =	vld [tilespmem:$0x90];
	_ =	sdelay $0x1  }
0xae: {  	v2 =	vld.idx.msk [tilespmem:v2+s1+$0x0], $0xffff;
	_ =	sdelay $0x3  }
0xaf: {  	v4 =	vld [tilespmem:$0xA0]  }
0xb0: {  	[tilespmem:$0x1E680] =	vst v2  }
0xb1: {  	v2 =	vld.idx.msk [tilespmem:v3+s1+$0x0], $0xffff;
	_ =	sdelay $0x3  }
0xb2: {  	v3 =	vld [tilespmem:$0xB0]  }
0xb3: {  	[tilespmem:$0x1E690] =	vst v2  }
0xb4: {  	v2 =	vld.idx.msk [tilespmem:v4+s1+$0x0], $0xffff;
	_ =	sdelay $0x3  }
0xb5: {  	v59 =	vld [tilespmem:$0xC0]  }
0xb6: {  	[tilespmem:$0x1E6A0] =	vst v2  }
0xb7: {  	v2 =	vld.idx.msk [tilespmem:v3+s1+$0x0], $0xffff;
	_ =	sdelay $0x3  }
0xb8: {  	v3 =	vld [tilespmem:$0xD0]  }
0xb9: {  	[tilespmem:$0x1E6B0] =	vst v2  }
0xba: {  	v2 =	vld.idx.msk [tilespmem:v59+s1+$0x0], $0xffff;
	_ =	sdelay $0x3  }
0xbb: {  	v60 =	vld [tilespmem:$0xE0]  }
0xbc: {  	[tilespmem:$0x1E6C0] =	vst v2  }
0xbd: {  	v2 =	vld.idx.msk [tilespmem:v3+s1+$0x0], $0xffff;
	_ =	sdelay $0x3  }
0xbe: {  	v3 =	vld [tilespmem:$0xF0]  }
0xbf: {  	[tilespmem:$0x1E6D0] =	vst v2  }
0xc0: {  	v2 =	vld.idx.msk [tilespmem:v60+s1+$0x0], $0xffff;
	_ =	sdelay $0x4  }
0xc1: {  	[tilespmem:$0x1E6E0] =	vst v2  }
0xc2: {  	v2 =	vld.idx.msk [tilespmem:v3+s1+$0x0], $0xffff;
	_ =	sdelay $0x4  }
0xc3: {  	s15 =	simm.s32 $0x1E680;
	[tilespmem:$0x1E6F0] =	vst v2  }
0xc4: {  	[spmem:s6] =	stream.indirect.scatter.add.f32 [tilespmem:s15], [sflag:$0xD], $0x1, s2, s12, $0xb8;
	[tilespmem:$0x1EC80] =	vst v63  }
0xc5: {  	_ =	swait.ge [sflag:s24], $0x4000  }
0xc6: {  	[sflag:s24] =	ssyncset.done $0x0  }
0xc7: {  	s16 =	simm.s32 $0x180;
	[sflag:s24] =	ssyncadd.s32 $0xFFFFC000  }
0xc8: {  	[spmem:s3] =	stream.indirect.scatter.add.f32 [tilespmem:s4], [sflag:$0xA], $0x80, s16, s12, $0xb8;
	[tilespmem:$0x1EC80] =	vst v63  }
0xc9: {  	_ =	swait.ge [sflag:s26], $0x4000  }
0xca: {  	[sflag:s26] =	ssyncset.done $0x0  }
0xcb: {  	s8 =	simm.s32 $0x3;
	[sflag:s26] =	ssyncadd.s32 $0xFFFFC000  }
0xcc: {  	_ =	swait.ge [sflag:s8], $0x100  }
0xcd: {  	[sflag:s8] =	ssyncset.done $0x0  }
0xce: {  	[sflag:s8] =	ssyncadd.s32 $0xFFFFFF00  }
0xcf: {  	[tilespmem:s11], [sflag:$0x7] =	stream.indirect.gather [hbm4b:s28+s12], $0x80, s10, s12, $0xb8;
	[tilespmem:$0x1EC80] =	vst v63  }
0xd0: {  	_ = 	snop  }
0xd1: {  	[spmem:s23] =	stream.indirect.scatter.add.f32 [tilespmem:s20], [sflag:$0xC], $0x1, s16, s12, $0xb8;
	[tilespmem:$0x1EC80] =	vst v63  }
0xd2: {  	v2 =	vld [tilespmem:$0x180];
	_ =	sdelay $0x5  }
0xd3: {  	v3 =	vld [tilespmem:$0x190];
	_ =	sdelay $0x1  }
0xd4: {  	v2 =	vld.idx.msk [tilespmem:v2+s1+$0x0], $0xffff;
	_ =	sdelay $0x3  }
0xd5: {  	v61 =	vld [tilespmem:$0x1A0]  }
0xd6: {  	[tilespmem:$0x1E700] =	vst v2  }
0xd7: {  	v2 =	vld.idx.msk [tilespmem:v3+s1+$0x0], $0xffff;
	_ =	sdelay $0x3  }
0xd8: {  	v3 =	vld [tilespmem:$0x1B0]  }
0xd9: {  	[tilespmem:$0x1E710] =	vst v2  }
0xda: {  	v2 =	vld.idx.msk [tilespmem:v61+s1+$0x0], $0xffff;
	_ =	sdelay $0x3  }
0xdb: {  	v62 =	vld [tilespmem:$0x1C0]  }
0xdc: {  	[tilespmem:$0x1E720] =	vst v2  }
0xdd: {  	v2 =	vld.idx.msk [tilespmem:v3+s1+$0x0], $0xffff;
	_ =	sdelay $0x3  }
0xde: {  	v3 =	vld [tilespmem:$0x1D0]  }
0xdf: {  	[tilespmem:$0x1E730] =	vst v2  }
0xe0: {  	v2 =	vld.idx.msk [tilespmem:v62+s1+$0x0], $0xffff;
	_ =	sdelay $0x3  }
0xe1: {  	v63 =	vld [tilespmem:$0x1E0]  }
0xe2: {  	[tilespmem:$0x1E740] =	vst v2  }
0xe3: {  	v2 =	vld.idx.msk [tilespmem:v3+s1+$0x0], $0xffff;
	_ =	sdelay $0x3  }
0xe4: {  	v3 =	vld [tilespmem:$0x1F0]  }
0xe5: {  	[tilespmem:$0x1E750] =	vst v2  }
0xe6: {  	v2 =	vld.idx.msk [tilespmem:v63+s1+$0x0], $0xffff;
	_ =	sdelay $0x4  }
0xe7: {  	s22 =	sld [smem:$0x7FA];
	[tilespmem:$0x1E760] =	vst v2  }
0xe8: {  	v2 =	vld.idx.msk [tilespmem:v3+s1+$0x0], $0xffff  }
0xe9: {  	p6 =	por @p0 $0x0, $0x0  }
0xea: {  	p4 =	por @!p2 $0x0, $0x0;
	p3 =	por @!p2 $0x1, $0x1;
	p2 =	seq.s32 s22, $0x1  }
0xeb: {  	p5 =	por @p0 $0x0, $0x0;
	s31 =	simm.s32 $0x1E700;
	p6 =	por @!p2 p4, p4  }
0xec: {  	p4 =	por @!p1 $0x0, $0x0;
	p5 =	por @!p2 p3, p3;
	p3 =	por @!p1 $0x1, $0x1  }
0xed: {  	p6 =	por @!p1 p3, p3;
	p5 =	por @!p1 p4, p4;
	p3 =	por @!p0 $0x0, $0x0;
	[tilespmem:$0x1E770] =	vst v2  }
0xee: {  	[spmem:s6] =	stream.indirect.scatter.add.f32 [tilespmem:s31], [sflag:$0xE], $0x1, s13, s12, $0xb8;
	[tilespmem:$0x1EC80] =	vst v63  }
0xef: {  	p6 =	por @!p0 p3, p3;
	p5 =	por @!p0 p3, p3;
	s13 =	simm.s32 $0x4600  }
.LBB2_4:
0xf0: {  	_ =	swait.ge [sflag:s17], $0x4000  }
0xf1: {  	[sflag:s17] =	ssyncset.done $0x0  }
0xf2: {  	s0 =	simm.s32 $0x280;
	[sflag:s17] =	ssyncadd.s32 $0xFFFFC000  }
0xf3: {  	[spmem:s3] =	stream.indirect.scatter.add.f32 [tilespmem:s21], [sflag:$0x9], $0x80, s0, s12, $0xb8;
	[tilespmem:$0x1EC80] =	vst v63  }
0xf4: {  	_ =	swait.ge [sflag:s5], $0x4000  }
0xf5: {  	[sflag:s5] =	ssyncset.done $0x0  }
0xf6: {  	[sflag:s5] =	ssyncadd.s32 $0xFFFFC000  }
0xf7: {  	_ =	swait.ge [sflag:s19], $0x100  }
0xf8: {  	[sflag:s19] =	ssyncset.done $0x0  }
0xf9: {  	s4 =	simm.s32 $0x300;
	[sflag:s19] =	ssyncadd.s32 $0xFFFFFF00  }
0xfa: {  	[tilespmem:s13], [sflag:$0x8] =	stream.indirect.gather [hbm4b:s28+s12], $0x80, s4, s12, $0xb8;
	[tilespmem:$0x1EC80] =	vst v63  }
0xfb: {  	_ =	swait.ge [sflag:s14], $0x80  }
0xfc: {  	[sflag:s14] =	ssyncset.done $0x0  }
0xfd: {  	[sflag:s14] =	ssyncadd.s32 $0xFFFFFF80  }
0xfe: {  	_ =	swait.ge [sflag:s9], $0x80  }
0xff: {  	s31 =	rddreg [dreg:$0x9]  }
0x100: {  	[sflag:s9] =	ssyncset.done $0x0;
	s31 =	sadd.s32 s2, s31  }
0x101: {  	[sflag:s9] =	ssyncadd.s32 $0xFFFFFF80;
	s16 =	sadd.s32 $0x1800, s31  }
0x102: {  	[tilespmem:s7], [sflag:$0x1] =	stream.linear.gather [hbm4b:s16+s7], $0x100, $0x38;
	[tilespmem:$0x1EC80] =	vst v63  }
0x103: {  	_ = 	snop  }
0x104: {  	[spmem:s23] =	stream.indirect.scatter.add.f32 [tilespmem:s20], [sflag:$0xB], $0x1, s0, s12, $0xb8;
	[tilespmem:$0x1EC80] =	vst v63  }
0x105: {  	v2 =	vld [tilespmem:$0x280];
	_ =	sdelay $0x5  }
0x106: {  	v3 =	vld [tilespmem:$0x290];
	_ =	sdelay $0x1  }
0x107: {  	v2 =	vld.idx.msk [tilespmem:v2+s1+$0x0], $0xffff;
	_ =	sdelay $0x3  }
0x108: {  	v4 =	vld [tilespmem:$0x2A0]  }
0x109: {  	[tilespmem:$0x1E680] =	vst v2  }
0x10a: {  	v2 =	vld.idx.msk [tilespmem:v3+s1+$0x0], $0xffff;
	_ =	sdelay $0x3  }
0x10b: {  	v3 =	vld [tilespmem:$0x2B0]  }
0x10c: {  	[tilespmem:$0x1E690] =	vst v2  }
0x10d: {  	v2 =	vld.idx.msk [tilespmem:v4+s1+$0x0], $0xffff;
	_ =	sdelay $0x3  }
0x10e: {  	v47 =	vld [tilespmem:$0x2C0]  }
0x10f: {  	[tilespmem:$0x1E6A0] =	vst v2  }
0x110: {  	v2 =	vld.idx.msk [tilespmem:v3+s1+$0x0], $0xffff;
	_ =	sdelay $0x3  }
0x111: {  	v3 =	vld [tilespmem:$0x2D0]  }
0x112: {  	[tilespmem:$0x1E6B0] =	vst v2  }
0x113: {  	v2 =	vld.idx.msk [tilespmem:v47+s1+$0x0], $0xffff;
	_ =	sdelay $0x3  }
0x114: {  	v48 =	vld [tilespmem:$0x2E0]  }
0x115: {  	[tilespmem:$0x1E6C0] =	vst v2  }
0x116: {  	v2 =	vld.idx.msk [tilespmem:v3+s1+$0x0], $0xffff;
	_ =	sdelay $0x3  }
0x117: {  	v3 =	vld [tilespmem:$0x2F0]  }
0x118: {  	[tilespmem:$0x1E6D0] =	vst v2  }
0x119: {  	v2 =	vld.idx.msk [tilespmem:v48+s1+$0x0], $0xffff;
	_ =	sdelay $0x4  }
0x11a: {  	[tilespmem:$0x1E6E0] =	vst v2  }
0x11b: {  	v2 =	vld.idx.msk [tilespmem:v3+s1+$0x0], $0xffff;
	_ =	sdelay $0x4  }
0x11c: {  	s0 =	simm.s32 $0x1E680;
	[tilespmem:$0x1E6F0] =	vst v2  }
0x11d: {  	[spmem:s6] =	stream.indirect.scatter.add.f32 [tilespmem:s0], [sflag:$0xD], $0x1, s29, s12, $0xb8;
	[tilespmem:$0x1EC80] =	vst v63  }
0x11e: {  	_ =	swait.ge [sflag:s24], $0x4000  }
0x11f: {  	[sflag:s24] =	ssyncset.done $0x0  }
0x120: {  	s11 =	simm.s32 $0x380;
	[sflag:s24] =	ssyncadd.s32 $0xFFFFC000  }
0x121: {  	[spmem:s3] =	stream.indirect.scatter.add.f32 [tilespmem:s13], [sflag:$0xA], $0x80, s11, s12, $0xb8;
	[tilespmem:$0x1EC80] =	vst v63  }
0x122: {  	_ =	swait.ge [sflag:s26], $0x4000  }
0x123: {  	[sflag:s26] =	ssyncset.done $0x0  }
0x124: {  	s10 =	simm.s32 $0x5;
	[sflag:s26] =	ssyncadd.s32 $0xFFFFC000  }
0x125: {  	_ =	swait.ge [sflag:s10], $0x100  }
0x126: {  	[sflag:s10] =	ssyncset.done $0x0  }
0x127: {  	[sflag:s10] =	ssyncadd.s32 $0xFFFFFF00;
	s10 =	simm.s32 $0x400  }
0x128: {  	[tilespmem:s21], [sflag:$0x7] =	stream.indirect.gather [hbm4b:s28+s12], $0x80, s10, s12, $0xb8;
	[tilespmem:$0x1EC80] =	vst v63  }
0x129: {  	_ =	swait.ge [sflag:s25], $0x80  }
0x12a: {  	[sflag:s25] =	ssyncset.done $0x0  }
0x12b: {  	[sflag:s25] =	ssyncadd.s32 $0xFFFFFF80  }
0x12c: {  	_ =	swait.ge [sflag:s30], $0x80  }
0x12d: {  	[sflag:s30] =	ssyncset.done $0x0  }
0x12e: {  	s15 =	sadd.s32 $0x1C00, s31;
	[sflag:s30] =	ssyncadd.s32 $0xFFFFFF80  }
0x12f: {  	[tilespmem:s18], [sflag:$0x2] =	stream.linear.gather [hbm4b:s15+s7], $0x100, $0x38;
	[tilespmem:$0x1EC80] =	vst v63  }
0x130: {  	_ = 	snop  }
0x131: {  	[spmem:s23] =	stream.indirect.scatter.add.f32 [tilespmem:s20], [sflag:$0xC], $0x1, s11, s12, $0xb8;
	[tilespmem:$0x1EC80] =	vst v63  }
0x132: {  	v2 =	vld [tilespmem:$0x380];
	_ =	sdelay $0x5  }
0x133: {  	v3 =	vld [tilespmem:$0x390];
	_ =	sdelay $0x1  }
0x134: {  	v2 =	vld.idx.msk [tilespmem:v2+s1+$0x0], $0xffff;
	_ =	sdelay $0x3  }
0x135: {  	v49 =	vld [tilespmem:$0x3A0]  }
0x136: {  	[tilespmem:$0x1E700] =	vst v2  }
0x137: {  	v2 =	vld.idx.msk [tilespmem:v3+s1+$0x0], $0xffff;
	_ =	sdelay $0x3  }
0x138: {  	v3 =	vld [tilespmem:$0x3B0]  }
0x139: {  	[tilespmem:$0x1E710] =	vst v2  }
0x13a: {  	v2 =	vld.idx.msk [tilespmem:v49+s1+$0x0], $0xffff;
	_ =	sdelay $0x3  }
0x13b: {  	v50 =	vld [tilespmem:$0x3C0]  }
0x13c: {  	[tilespmem:$0x1E720] =	vst v2  }
0x13d: {  	v2 =	vld.idx.msk [tilespmem:v3+s1+$0x0], $0xffff;
	_ =	sdelay $0x3  }
0x13e: {  	v3 =	vld [tilespmem:$0x3D0]  }
0x13f: {  	[tilespmem:$0x1E730] =	vst v2  }
0x140: {  	v2 =	vld.idx.msk [tilespmem:v50+s1+$0x0], $0xffff;
	_ =	sdelay $0x3  }
0x141: {  	v51 =	vld [tilespmem:$0x3E0]  }
0x142: {  	[tilespmem:$0x1E740] =	vst v2  }
0x143: {  	v2 =	vld.idx.msk [tilespmem:v3+s1+$0x0], $0xffff;
	_ =	sdelay $0x3  }
0x144: {  	v3 =	vld [tilespmem:$0x3F0]  }
0x145: {  	[tilespmem:$0x1E750] =	vst v2  }
0x146: {  	v2 =	vld.idx.msk [tilespmem:v51+s1+$0x0], $0xffff;
	_ =	sdelay $0x4  }
0x147: {  	[tilespmem:$0x1E760] =	vst v2  }
0x148: {  	v2 =	vld.idx.msk [tilespmem:v3+s1+$0x0], $0xffff;
	_ =	sdelay $0x4  }
0x149: {  	s15 =	simm.s32 $0x1E700;
	[tilespmem:$0x1E770] =	vst v2  }
0x14a: {  	[spmem:s6] =	stream.indirect.scatter.add.f32 [tilespmem:s15], [sflag:$0xE], $0x1, s4, s12, $0xb8;
	[tilespmem:$0x1EC80] =	vst v63  }
0x14b: {  	_ =	swait.ge [sflag:s17], $0x4000  }
0x14c: {  	[sflag:s17] =	ssyncset.done $0x0  }
0x14d: {  	s22 =	simm.s32 $0x480;
	[sflag:s17] =	ssyncadd.s32 $0xFFFFC000  }
0x14e: {  	[spmem:s3] =	stream.indirect.scatter.add.f32 [tilespmem:s21], [sflag:$0x9], $0x80, s22, s12, $0xb8;
	[tilespmem:$0x1EC80] =	vst v63  }
0x14f: {  	_ =	swait.ge [sflag:s5], $0x4000  }
0x150: {  	[sflag:s5] =	ssyncset.done $0x0  }
0x151: {  	s20 =	simm.s32 $0x6;
	[sflag:s5] =	ssyncadd.s32 $0xFFFFC000  }
0x152: {  	_ =	swait.ge [sflag:s20], $0x100  }
0x153: {  	[sflag:s20] =	ssyncset.done $0x0  }
0x154: {  	[sflag:s20] =	ssyncadd.s32 $0xFFFFFF00;
	s20 =	simm.s32 $0x500  }
0x155: {  	[tilespmem:s13], [sflag:$0x8] =	stream.indirect.gather [hbm4b:s28+s12], $0x80, s20, s12, $0xb8;
	[tilespmem:$0x1EC80] =	vst v63  }
0x156: {  	_ =	swait.ge [sflag:s14], $0x80  }
0x157: {  	[sflag:s14] =	ssyncset.done $0x0  }
0x158: {  	[sflag:s14] =	ssyncadd.s32 $0xFFFFFF80  }
0x159: {  	_ =	swait.ge [sflag:s9], $0x80  }
0x15a: {  	[sflag:s9] =	ssyncset.done $0x0  }
0x15b: {  	s16 =	sadd.s32 $0x2000, s31;
	[sflag:s9] =	ssyncadd.s32 $0xFFFFFF80  }
0x15c: {  	[tilespmem:s29], [sflag:$0x3] =	stream.linear.gather [hbm4b:s16+s7], $0x100, $0x38;
	[tilespmem:$0x1EC80] =	vst v63  }
0x15d: {  	s11 =	simm.s32 $0x1E600  }
0x15e: {  	[spmem:s23] =	stream.indirect.scatter.add.f32 [tilespmem:s11], [sflag:$0xB], $0x1, s22, s12, $0xb8;
	[tilespmem:$0x1EC80] =	vst v63  }
0x15f: {  	v2 =	vld [tilespmem:$0x480];
	_ =	sdelay $0x5  }
0x160: {  	v3 =	vld [tilespmem:$0x490];
	_ =	sdelay $0x1  }
0x161: {  	v2 =	vld.idx.msk [tilespmem:v2+s1+$0x0], $0xffff;
	_ =	sdelay $0x3  }
0x162: {  	v52 =	vld [tilespmem:$0x4A0]  }
0x163: {  	[tilespmem:$0x1E680] =	vst v2  }
0x164: {  	v2 =	vld.idx.msk [tilespmem:v3+s1+$0x0], $0xffff;
	_ =	sdelay $0x3  }
0x165: {  	v3 =	vld [tilespmem:$0x4B0]  }
0x166: {  	[tilespmem:$0x1E690] =	vst v2  }
0x167: {  	v2 =	vld.idx.msk [tilespmem:v52+s1+$0x0], $0xffff;
	_ =	sdelay $0x3  }
0x168: {  	v53 =	vld [tilespmem:$0x4C0]  }
0x169: {  	[tilespmem:$0x1E6A0] =	vst v2  }
0x16a: {  	v2 =	vld.idx.msk [tilespmem:v3+s1+$0x0], $0xffff;
	_ =	sdelay $0x3  }
0x16b: {  	v3 =	vld [tilespmem:$0x4D0]  }
0x16c: {  	[tilespmem:$0x1E6B0] =	vst v2  }
0x16d: {  	v2 =	vld.idx.msk [tilespmem:v53+s1+$0x0], $0xffff;
	_ =	sdelay $0x3  }
0x16e: {  	v54 =	vld [tilespmem:$0x4E0]  }
0x16f: {  	[tilespmem:$0x1E6C0] =	vst v2  }
0x170: {  	v2 =	vld.idx.msk [tilespmem:v3+s1+$0x0], $0xffff;
	_ =	sdelay $0x3  }
0x171: {  	v3 =	vld [tilespmem:$0x4F0]  }
0x172: {  	[tilespmem:$0x1E6D0] =	vst v2  }
0x173: {  	v2 =	vld.idx.msk [tilespmem:v54+s1+$0x0], $0xffff;
	_ =	sdelay $0x4  }
0x174: {  	[tilespmem:$0x1E6E0] =	vst v2  }
0x175: {  	v2 =	vld.idx.msk [tilespmem:v3+s1+$0x0], $0xffff;
	_ =	sdelay $0x4  }
0x176: {  	[tilespmem:$0x1E6F0] =	vst v2  }
0x177: {  	[spmem:s6] =	stream.indirect.scatter.add.f32 [tilespmem:s0], [sflag:$0xD], $0x1, s10, s12, $0xb8;
	[tilespmem:$0x1EC80] =	vst v63  }
0x178: {  	_ =	swait.ge [sflag:s24], $0x4000  }
0x179: {  	[sflag:s24] =	ssyncset.done $0x0  }
0x17a: {  	s22 =	simm.s32 $0x580;
	[sflag:s24] =	ssyncadd.s32 $0xFFFFC000  }
0x17b: {  	[spmem:s3] =	stream.indirect.scatter.add.f32 [tilespmem:s13], [sflag:$0xA], $0x80, s22, s12, $0xb8;
	[tilespmem:$0x1EC80] =	vst v63  }
0x17c: {  	_ =	swait.ge [sflag:s26], $0x4000  }
0x17d: {  	[sflag:s26] =	ssyncset.done $0x0  }
0x17e: {  	s16 =	simm.s32 $0x1;
	[sflag:s26] =	ssyncadd.s32 $0xFFFFC000  }
0x17f: {  	_ =	swait.ge [sflag:s16], $0x100  }
0x180: {  	[sflag:s16] =	ssyncset.done $0x0  }
0x181: {  	[sflag:s16] =	ssyncadd.s32 $0xFFFFFF00  }
0x182: {  	[tilespmem:s21], [sflag:$0x7] =	stream.indirect.gather [hbm4b:s28+s12], $0x80, s7, s12, $0xb8;
	[tilespmem:$0x1EC80] =	vst v63  }
0x183: {  	_ =	swait.ge [sflag:s25], $0x80  }
0x184: {  	[sflag:s25] =	ssyncset.done $0x0  }
0x185: {  	[sflag:s25] =	ssyncadd.s32 $0xFFFFFF80  }
0x186: {  	_ =	swait.ge [sflag:s30], $0x80  }
0x187: {  	[sflag:s30] =	ssyncset.done $0x0  }
0x188: {  	s16 =	sadd.s32 $0x2400, s31;
	[sflag:s30] =	ssyncadd.s32 $0xFFFFFF80  }
0x189: {  	[tilespmem:s4], [sflag:$0x4] =	stream.linear.gather [hbm4b:s16+s7], $0x100, $0x38;
	[tilespmem:$0x1EC80] =	vst v63  }
0x18a: {  	_ = 	snop  }
0x18b: {  	[spmem:s23] =	stream.indirect.scatter.add.f32 [tilespmem:s11], [sflag:$0xC], $0x1, s22, s12, $0xb8;
	[tilespmem:$0x1EC80] =	vst v63  }
0x18c: {  	v2 =	vld [tilespmem:$0x580];
	_ =	sdelay $0x5  }
0x18d: {  	v3 =	vld [tilespmem:$0x590];
	_ =	sdelay $0x1  }
0x18e: {  	v2 =	vld.idx.msk [tilespmem:v2+s1+$0x0], $0xffff;
	_ =	sdelay $0x3  }
0x18f: {  	v55 =	vld [tilespmem:$0x5A0]  }
0x190: {  	[tilespmem:$0x1E700] =	vst v2  }
0x191: {  	v2 =	vld.idx.msk [tilespmem:v3+s1+$0x0], $0xffff;
	_ =	sdelay $0x3  }
0x192: {  	v3 =	vld [tilespmem:$0x5B0]  }
0x193: {  	[tilespmem:$0x1E710] =	vst v2  }
0x194: {  	v2 =	vld.idx.msk [tilespmem:v55+s1+$0x0], $0xffff;
	_ =	sdelay $0x3  }
0x195: {  	v56 =	vld [tilespmem:$0x5C0]  }
0x196: {  	[tilespmem:$0x1E720] =	vst v2  }
0x197: {  	v2 =	vld.idx.msk [tilespmem:v3+s1+$0x0], $0xffff;
	_ =	sdelay $0x3  }
0x198: {  	v3 =	vld [tilespmem:$0x5D0]  }
0x199: {  	[tilespmem:$0x1E730] =	vst v2  }
0x19a: {  	v2 =	vld.idx.msk [tilespmem:v56+s1+$0x0], $0xffff;
	_ =	sdelay $0x3  }
0x19b: {  	v57 =	vld [tilespmem:$0x5E0]  }
0x19c: {  	[tilespmem:$0x1E740] =	vst v2  }
0x19d: {  	v2 =	vld.idx.msk [tilespmem:v3+s1+$0x0], $0xffff;
	_ =	sdelay $0x3  }
0x19e: {  	v3 =	vld [tilespmem:$0x5F0]  }
0x19f: {  	[tilespmem:$0x1E750] =	vst v2  }
0x1a0: {  	v2 =	vld.idx.msk [tilespmem:v57+s1+$0x0], $0xffff;
	_ =	sdelay $0x4  }
0x1a1: {  	[tilespmem:$0x1E760] =	vst v2  }
0x1a2: {  	v2 =	vld.idx.msk [tilespmem:v3+s1+$0x0], $0xffff;
	_ =	sdelay $0x4  }
0x1a3: {  	[tilespmem:$0x1E770] =	vst v2  }
0x1a4: {  	[spmem:s6] =	stream.indirect.scatter.add.f32 [tilespmem:s15], [sflag:$0xE], $0x1, s20, s12, $0xb8;
	[tilespmem:$0x1EC80] =	vst v63  }
0x1a5: {  	_ =	swait.ge [sflag:s17], $0x4000  }
0x1a6: {  	[sflag:s17] =	ssyncset.done $0x0  }
0x1a7: {  	[sflag:s17] =	ssyncadd.s32 $0xFFFFC000  }
0x1a8: {  	[spmem:s3] =	stream.indirect.scatter.add.f32 [tilespmem:s21], [sflag:$0x9], $0x80, s12, s12, $0xb8;
	[tilespmem:$0x1EC80] =	vst v63  }
0x1a9: {  	_ =	swait.ge [sflag:s5], $0x4000  }
0x1aa: {  	[sflag:s5] =	ssyncset.done $0x0  }
0x1ab: {  	s22 =	simm.s32 $0x2;
	[sflag:s5] =	ssyncadd.s32 $0xFFFFC000  }
0x1ac: {  	_ =	swait.ge [sflag:s22], $0x100  }
0x1ad: {  	[sflag:s22] =	ssyncset.done $0x0  }
0x1ae: {  	[sflag:s22] =	ssyncadd.s32 $0xFFFFFF00  }
0x1af: {  	[tilespmem:s13], [sflag:$0x8] =	stream.indirect.gather [hbm4b:s28+s12], $0x80, s18, s12, $0xb8;
	[tilespmem:$0x1EC80] =	vst v63  }
0x1b0: {  	_ =	swait.ge [sflag:s14], $0x80  }
0x1b1: {  	[sflag:s14] =	ssyncset.done $0x0  }
0x1b2: {  	[sflag:s14] =	ssyncadd.s32 $0xFFFFFF80  }
0x1b3: {  	_ =	swait.ge [sflag:s9], $0x80  }
0x1b4: {  	[sflag:s9] =	ssyncset.done $0x0  }
0x1b5: {  	s4 =	sadd.s32 $0x2800, s31;
	[sflag:s9] =	ssyncadd.s32 $0xFFFFFF80  }
0x1b6: {  	[tilespmem:s10], [sflag:$0x5] =	stream.linear.gather [hbm4b:s4+s7], $0x100, $0x38;
	[tilespmem:$0x1EC80] =	vst v63  }
0x1b7: {  	_ = 	snop  }
0x1b8: {  	[spmem:s23] =	stream.indirect.scatter.add.f32 [tilespmem:s11], [sflag:$0xB], $0x1, s12, s12, $0xb8;
	[tilespmem:$0x1EC80] =	vst v63  }
0x1b9: {  	v2 =	vld [tilespmem:$0x80];
	_ =	sdelay $0x5  }
0x1ba: {  	v3 =	vld [tilespmem:$0x90];
	_ =	sdelay $0x1  }
0x1bb: {  	v2 =	vld.idx.msk [tilespmem:v2+s1+$0x0], $0xffff;
	_ =	sdelay $0x3  }
0x1bc: {  	v58 =	vld [tilespmem:$0xA0]  }
0x1bd: {  	[tilespmem:$0x1E680] =	vst v2  }
0x1be: {  	v2 =	vld.idx.msk [tilespmem:v3+s1+$0x0], $0xffff;
	_ =	sdelay $0x3  }
0x1bf: {  	v3 =	vld [tilespmem:$0xB0]  }
0x1c0: {  	[tilespmem:$0x1E690] =	vst v2  }
0x1c1: {  	v2 =	vld.idx.msk [tilespmem:v58+s1+$0x0], $0xffff;
	_ =	sdelay $0x3  }
0x1c2: {  	v59 =	vld [tilespmem:$0xC0]  }
0x1c3: {  	[tilespmem:$0x1E6A0] =	vst v2  }
0x1c4: {  	v2 =	vld.idx.msk [tilespmem:v3+s1+$0x0], $0xffff;
	_ =	sdelay $0x3  }
0x1c5: {  	v3 =	vld [tilespmem:$0xD0]  }
0x1c6: {  	[tilespmem:$0x1E6B0] =	vst v2  }
0x1c7: {  	v2 =	vld.idx.msk [tilespmem:v59+s1+$0x0], $0xffff;
	_ =	sdelay $0x3  }
0x1c8: {  	v60 =	vld [tilespmem:$0xE0]  }
0x1c9: {  	[tilespmem:$0x1E6C0] =	vst v2  }
0x1ca: {  	v2 =	vld.idx.msk [tilespmem:v3+s1+$0x0], $0xffff;
	_ =	sdelay $0x3  }
0x1cb: {  	v3 =	vld [tilespmem:$0xF0]  }
0x1cc: {  	[tilespmem:$0x1E6D0] =	vst v2  }
0x1cd: {  	v2 =	vld.idx.msk [tilespmem:v60+s1+$0x0], $0xffff;
	_ =	sdelay $0x4  }
0x1ce: {  	[tilespmem:$0x1E6E0] =	vst v2  }
0x1cf: {  	v2 =	vld.idx.msk [tilespmem:v3+s1+$0x0], $0xffff;
	_ =	sdelay $0x4  }
0x1d0: {  	[tilespmem:$0x1E6F0] =	vst v2  }
0x1d1: {  	[spmem:s6] =	stream.indirect.scatter.add.f32 [tilespmem:s0], [sflag:$0xD], $0x1, s7, s12, $0xb8;
	[tilespmem:$0x1EC80] =	vst v63  }
0x1d2: {  	_ =	swait.ge [sflag:s24], $0x4000  }
0x1d3: {  	[sflag:s24] =	ssyncset.done $0x0  }
0x1d4: {  	s22 =	simm.s32 $0x180;
	[sflag:s24] =	ssyncadd.s32 $0xFFFFC000  }
0x1d5: {  	[spmem:s3] =	stream.indirect.scatter.add.f32 [tilespmem:s13], [sflag:$0xA], $0x80, s22, s12, $0xb8;
	[tilespmem:$0x1EC80] =	vst v63  }
0x1d6: {  	_ =	swait.ge [sflag:s26], $0x4000  }
0x1d7: {  	[sflag:s26] =	ssyncset.done $0x0  }
0x1d8: {  	[sflag:s26] =	ssyncadd.s32 $0xFFFFC000  }
0x1d9: {  	_ =	swait.ge [sflag:s8], $0x100  }
0x1da: {  	[sflag:s8] =	ssyncset.done $0x0  }
0x1db: {  	[sflag:s8] =	ssyncadd.s32 $0xFFFFFF00  }
0x1dc: {  	[tilespmem:s21], [sflag:$0x7] =	stream.indirect.gather [hbm4b:s28+s12], $0x80, s29, s12, $0xb8;
	[tilespmem:$0x1EC80] =	vst v63  }
0x1dd: {  	_ =	swait.ge [sflag:s25], $0x80  }
0x1de: {  	[sflag:s25] =	ssyncset.done $0x0  }
0x1df: {  	[sflag:s25] =	ssyncadd.s32 $0xFFFFFF80  }
0x1e0: {  	_ =	swait.ge [sflag:s30], $0x80  }
0x1e1: {  	[sflag:s30] =	ssyncset.done $0x0  }
0x1e2: {  	s31 =	sadd.s32 $0x2C00, s31;
	[sflag:s30] =	ssyncadd.s32 $0xFFFFFF80  }
0x1e3: {  	[tilespmem:s20], [sflag:$0x6] =	stream.linear.gather [hbm4b:s31+s7], $0x100, $0x38;
	[tilespmem:$0x1EC80] =	vst v63  }
0x1e4: {  	s20 =	simm.s32 $0x1E600  }
0x1e5: {  	[spmem:s23] =	stream.indirect.scatter.add.f32 [tilespmem:s20], [sflag:$0xC], $0x1, s22, s12, $0xb8;
	[tilespmem:$0x1EC80] =	vst v63  }
0x1e6: {  	v2 =	vld [tilespmem:$0x180];
	_ =	sdelay $0x5  }
0x1e7: {  	v3 =	vld [tilespmem:$0x190];
	_ =	sdelay $0x1  }
0x1e8: {  	v2 =	vld.idx.msk [tilespmem:v2+s1+$0x0], $0xffff;
	_ =	sdelay $0x3  }
0x1e9: {  	v61 =	vld [tilespmem:$0x1A0]  }
0x1ea: {  	[tilespmem:$0x1E700] =	vst v2  }
0x1eb: {  	v2 =	vld.idx.msk [tilespmem:v3+s1+$0x0], $0xffff;
	_ =	sdelay $0x3  }
0x1ec: {  	v3 =	vld [tilespmem:$0x1B0]  }
0x1ed: {  	[tilespmem:$0x1E710] =	vst v2  }
0x1ee: {  	v2 =	vld.idx.msk [tilespmem:v61+s1+$0x0], $0xffff;
	_ =	sdelay $0x3  }
0x1ef: {  	v62 =	vld [tilespmem:$0x1C0]  }
0x1f0: {  	[tilespmem:$0x1E720] =	vst v2  }
0x1f1: {  	v2 =	vld.idx.msk [tilespmem:v3+s1+$0x0], $0xffff;
	_ =	sdelay $0x3  }
0x1f2: {  	v3 =	vld [tilespmem:$0x1D0]  }
0x1f3: {  	[tilespmem:$0x1E730] =	vst v2  }
0x1f4: {  	v2 =	vld.idx.msk [tilespmem:v62+s1+$0x0], $0xffff;
	_ =	sdelay $0x3  }
0x1f5: {  	v63 =	vld [tilespmem:$0x1E0]  }
0x1f6: {  	[tilespmem:$0x1E740] =	vst v2  }
0x1f7: {  	v2 =	vld.idx.msk [tilespmem:v3+s1+$0x0], $0xffff;
	_ =	sdelay $0x3  }
0x1f8: {  	v3 =	vld [tilespmem:$0x1F0]  }
0x1f9: {  	[tilespmem:$0x1E750] =	vst v2  }
0x1fa: {  	v2 =	vld.idx.msk [tilespmem:v63+s1+$0x0], $0xffff;
	_ =	sdelay $0x4  }
0x1fb: {  	[tilespmem:$0x1E760] =	vst v2  }
0x1fc: {  	v2 =	vld.idx.msk [tilespmem:v3+s1+$0x0], $0xffff  }
0x1fd: {  	p3 =	sne.s32 s2, $0x10800  }
.Ltmp3:
0x1fe: {  	_ = 	snop;
	(pc) =	sbr.rel @p3 .LBB2_4-.Ltmp3, $3  }
0x1ff: {  	_ =	sdelay $0x1  }
0x200: {  	s2 =	sadd.s32 $0x1800, s2;
	s4 =	simm.s32 $0x200;
	[tilespmem:$0x1E770] =	vst v2  }
0x201: {  	[spmem:s6] =	stream.indirect.scatter.add.f32 [tilespmem:s15], [sflag:$0xE], $0x1, s18, s12, $0xb8;
	[tilespmem:$0x1EC80] =	vst v63  }
0x202: {  	_ =	swait.ge [sflag:s17], $0x4000  }
0x203: {  	[sflag:s17] =	ssyncset.done $0x0  }
0x204: {  	s0 =	simm.s32 $0x280;
	[sflag:s17] =	ssyncadd.s32 $0xFFFFC000  }
0x205: {  	[spmem:s3] =	stream.indirect.scatter.add.f32 [tilespmem:s21], [sflag:$0x9], $0x80, s0, s12, $0xb8;
	[tilespmem:$0x1EC80] =	vst v63  }
0x206: {  	_ =	swait.ge [sflag:s5], $0x4000  }
0x207: {  	[sflag:s5] =	ssyncset.done $0x0  }
0x208: {  	[sflag:s5] =	ssyncadd.s32 $0xFFFFC000  }
0x209: {  	_ =	swait.ge [sflag:s19], $0x100  }
0x20a: {  	[sflag:s19] =	ssyncset.done $0x0  }
0x20b: {  	s2 =	simm.s32 $0x300;
	[sflag:s19] =	ssyncadd.s32 $0xFFFFFF00  }
0x20c: {  	[tilespmem:s13], [sflag:$0x8] =	stream.indirect.gather [hbm4b:s28+s12], $0x80, s2, s12, $0xb8;
	[tilespmem:$0x1EC80] =	vst v63  }
0x20d: {  	_ =	swait.ge [sflag:s14], $0x80  }
0x20e: {  	[sflag:s14] =	ssyncset.done $0x0  }
0x20f: {  	[sflag:s14] =	ssyncadd.s32 $0xFFFFFF80  }
0x210: {  	_ =	swait.ge [sflag:s9], $0x80  }
0x211: {  	[sflag:s9] =	ssyncset.done $0x0  }
0x212: {  	[sflag:s9] =	ssyncadd.s32 $0xFFFFFF80  }
0x213: {  	[spmem:s23] =	stream.indirect.scatter.add.f32 [tilespmem:s20], [sflag:$0xB], $0x1, s0, s12, $0xb8;
	[tilespmem:$0x1EC80] =	vst v63  }
0x214: {  	v2 =	vld [tilespmem:$0x280];
	_ =	sdelay $0x5  }
0x215: {  	v3 =	vld [tilespmem:$0x290];
	_ =	sdelay $0x1  }
0x216: {  	v2 =	vld.idx.msk [tilespmem:v2+s1+$0x0], $0xffff;
	_ =	sdelay $0x3  }
0x217: {  	v4 =	vld [tilespmem:$0x2A0]  }
0x218: {  	[tilespmem:$0x1E680] =	vst v2  }
0x219: {  	v2 =	vld.idx.msk [tilespmem:v3+s1+$0x0], $0xffff;
	_ =	sdelay $0x3  }
0x21a: {  	v3 =	vld [tilespmem:$0x2B0]  }
0x21b: {  	[tilespmem:$0x1E690] =	vst v2  }
0x21c: {  	v2 =	vld.idx.msk [tilespmem:v4+s1+$0x0], $0xffff;
	_ =	sdelay $0x3  }
0x21d: {  	v53 =	vld [tilespmem:$0x2C0]  }
0x21e: {  	[tilespmem:$0x1E6A0] =	vst v2  }
0x21f: {  	v2 =	vld.idx.msk [tilespmem:v3+s1+$0x0], $0xffff;
	_ =	sdelay $0x3  }
0x220: {  	v3 =	vld [tilespmem:$0x2D0]  }
0x221: {  	[tilespmem:$0x1E6B0] =	vst v2  }
0x222: {  	v2 =	vld.idx.msk [tilespmem:v53+s1+$0x0], $0xffff;
	_ =	sdelay $0x3  }
0x223: {  	v54 =	vld [tilespmem:$0x2E0]  }
0x224: {  	[tilespmem:$0x1E6C0] =	vst v2  }
0x225: {  	v2 =	vld.idx.msk [tilespmem:v3+s1+$0x0], $0xffff;
	_ =	sdelay $0x3  }
0x226: {  	v3 =	vld [tilespmem:$0x2F0]  }
0x227: {  	[tilespmem:$0x1E6D0] =	vst v2  }
0x228: {  	v2 =	vld.idx.msk [tilespmem:v54+s1+$0x0], $0xffff;
	_ =	sdelay $0x4  }
0x229: {  	[tilespmem:$0x1E6E0] =	vst v2  }
0x22a: {  	v2 =	vld.idx.msk [tilespmem:v3+s1+$0x0], $0xffff;
	_ =	sdelay $0x4  }
0x22b: {  	s0 =	simm.s32 $0x1E680;
	[tilespmem:$0x1E6F0] =	vst v2  }
0x22c: {  	[spmem:s6] =	stream.indirect.scatter.add.f32 [tilespmem:s0], [sflag:$0xD], $0x1, s4, s12, $0xb8;
	[tilespmem:$0x1EC80] =	vst v63  }
0x22d: {  	_ =	swait.ge [sflag:s24], $0x4000  }
0x22e: {  	[sflag:s24] =	ssyncset.done $0x0  }
0x22f: {  	s22 =	simm.s32 $0x380;
	[sflag:s24] =	ssyncadd.s32 $0xFFFFC000  }
0x230: {  	[spmem:s3] =	stream.indirect.scatter.add.f32 [tilespmem:s13], [sflag:$0xA], $0x80, s22, s12, $0xb8;
	[tilespmem:$0x1EC80] =	vst v63  }
0x231: {  	_ =	swait.ge [sflag:s26], $0x4000  }
0x232: {  	[sflag:s26] =	ssyncset.done $0x0  }
0x233: {  	s8 =	simm.s32 $0x5;
	[sflag:s26] =	ssyncadd.s32 $0xFFFFC000  }
0x234: {  	_ =	swait.ge [sflag:s8], $0x100  }
0x235: {  	[sflag:s8] =	ssyncset.done $0x0  }
0x236: {  	s31 =	simm.s32 $0x400;
	[sflag:s8] =	ssyncadd.s32 $0xFFFFFF00  }
0x237: {  	[tilespmem:s21], [sflag:$0x7] =	stream.indirect.gather [hbm4b:s28+s12], $0x80, s31, s12, $0xb8;
	[tilespmem:$0x1EC80] =	vst v63  }
0x238: {  	_ =	swait.ge [sflag:s25], $0x80  }
0x239: {  	[sflag:s25] =	ssyncset.done $0x0  }
0x23a: {  	[sflag:s25] =	ssyncadd.s32 $0xFFFFFF80  }
0x23b: {  	_ =	swait.ge [sflag:s30], $0x80  }
0x23c: {  	[sflag:s30] =	ssyncset.done $0x0  }
0x23d: {  	[sflag:s30] =	ssyncadd.s32 $0xFFFFFF80  }
0x23e: {  	[spmem:s23] =	stream.indirect.scatter.add.f32 [tilespmem:s20], [sflag:$0xC], $0x1, s22, s12, $0xb8;
	[tilespmem:$0x1EC80] =	vst v63  }
0x23f: {  	v2 =	vld [tilespmem:$0x380];
	_ =	sdelay $0x5  }
0x240: {  	v3 =	vld [tilespmem:$0x390];
	_ =	sdelay $0x1  }
0x241: {  	v2 =	vld.idx.msk [tilespmem:v2+s1+$0x0], $0xffff;
	_ =	sdelay $0x3  }
0x242: {  	v55 =	vld [tilespmem:$0x3A0]  }
0x243: {  	[tilespmem:$0x1E700] =	vst v2  }
0x244: {  	v2 =	vld.idx.msk [tilespmem:v3+s1+$0x0], $0xffff;
	_ =	sdelay $0x3  }
0x245: {  	v3 =	vld [tilespmem:$0x3B0]  }
0x246: {  	[tilespmem:$0x1E710] =	vst v2  }
0x247: {  	v2 =	vld.idx.msk [tilespmem:v55+s1+$0x0], $0xffff;
	_ =	sdelay $0x3  }
0x248: {  	v56 =	vld [tilespmem:$0x3C0]  }
0x249: {  	[tilespmem:$0x1E720] =	vst v2  }
0x24a: {  	v2 =	vld.idx.msk [tilespmem:v3+s1+$0x0], $0xffff;
	_ =	sdelay $0x3  }
0x24b: {  	v3 =	vld [tilespmem:$0x3D0]  }
0x24c: {  	[tilespmem:$0x1E730] =	vst v2  }
0x24d: {  	v2 =	vld.idx.msk [tilespmem:v56+s1+$0x0], $0xffff;
	_ =	sdelay $0x3  }
0x24e: {  	v57 =	vld [tilespmem:$0x3E0]  }
0x24f: {  	[tilespmem:$0x1E740] =	vst v2  }
0x250: {  	v2 =	vld.idx.msk [tilespmem:v3+s1+$0x0], $0xffff;
	_ =	sdelay $0x3  }
0x251: {  	v3 =	vld [tilespmem:$0x3F0]  }
0x252: {  	[tilespmem:$0x1E750] =	vst v2  }
0x253: {  	v2 =	vld.idx.msk [tilespmem:v57+s1+$0x0], $0xffff;
	_ =	sdelay $0x4  }
0x254: {  	[tilespmem:$0x1E760] =	vst v2  }
0x255: {  	v2 =	vld.idx.msk [tilespmem:v3+s1+$0x0], $0xffff;
	_ =	sdelay $0x4  }
0x256: {  	s11 =	simm.s32 $0x1E700;
	[tilespmem:$0x1E770] =	vst v2  }
0x257: {  	[spmem:s6] =	stream.indirect.scatter.add.f32 [tilespmem:s11], [sflag:$0xE], $0x1, s2, s12, $0xb8;
	[tilespmem:$0x1EC80] =	vst v63  }
0x258: {  	_ =	swait.ge [sflag:s17], $0x4000  }
0x259: {  	[sflag:s17] =	ssyncset.done $0x0  }
0x25a: {  	s10 =	simm.s32 $0x480;
	[sflag:s17] =	ssyncadd.s32 $0xFFFFC000  }
0x25b: {  	[spmem:s3] =	stream.indirect.scatter.add.f32 [tilespmem:s21], [sflag:$0x9], $0x80, s10, s12, $0xb8;
	[tilespmem:$0x1EC80] =	vst v63  }
0x25c: {  	_ =	swait.ge [sflag:s5], $0x4000  }
0x25d: {  	[sflag:s5] =	ssyncset.done $0x0  }
0x25e: {  	s15 =	simm.s32 $0x6;
	[sflag:s5] =	ssyncadd.s32 $0xFFFFC000  }
0x25f: {  	_ =	swait.ge [sflag:s15], $0x100  }
0x260: {  	[sflag:s15] =	ssyncset.done $0x0  }
0x261: {  	s16 =	simm.s32 $0x500;
	[sflag:s15] =	ssyncadd.s32 $0xFFFFFF00  }
0x262: {  	[tilespmem:s13], [sflag:$0x8] =	stream.indirect.gather [hbm4b:s28+s12], $0x80, s16, s12, $0xb8;
	[tilespmem:$0x1EC80] =	vst v63  }
0x263: {  	_ =	swait.ge [sflag:s14], $0x80  }
0x264: {  	[sflag:s14] =	ssyncset.done $0x0  }
0x265: {  	[sflag:s14] =	ssyncadd.s32 $0xFFFFFF80  }
0x266: {  	_ =	swait.ge [sflag:s9], $0x80  }
0x267: {  	[sflag:s9] =	ssyncset.done $0x0  }
0x268: {  	[sflag:s9] =	ssyncadd.s32 $0xFFFFFF80  }
0x269: {  	[spmem:s23] =	stream.indirect.scatter.add.f32 [tilespmem:s20], [sflag:$0xB], $0x1, s10, s12, $0xb8;
	[tilespmem:$0x1EC80] =	vst v63  }
0x26a: {  	v2 =	vld [tilespmem:$0x480];
	_ =	sdelay $0x5  }
0x26b: {  	v3 =	vld [tilespmem:$0x490];
	_ =	sdelay $0x1  }
0x26c: {  	v2 =	vld.idx.msk [tilespmem:v2+s1+$0x0], $0xffff;
	_ =	sdelay $0x3  }
0x26d: {  	v58 =	vld [tilespmem:$0x4A0]  }
0x26e: {  	[tilespmem:$0x1E680] =	vst v2  }
0x26f: {  	v2 =	vld.idx.msk [tilespmem:v3+s1+$0x0], $0xffff;
	_ =	sdelay $0x3  }
0x270: {  	v3 =	vld [tilespmem:$0x4B0]  }
0x271: {  	[tilespmem:$0x1E690] =	vst v2  }
0x272: {  	v2 =	vld.idx.msk [tilespmem:v58+s1+$0x0], $0xffff;
	_ =	sdelay $0x3  }
0x273: {  	v59 =	vld [tilespmem:$0x4C0]  }
0x274: {  	[tilespmem:$0x1E6A0] =	vst v2  }
0x275: {  	v2 =	vld.idx.msk [tilespmem:v3+s1+$0x0], $0xffff;
	_ =	sdelay $0x3  }
0x276: {  	v3 =	vld [tilespmem:$0x4D0]  }
0x277: {  	[tilespmem:$0x1E6B0] =	vst v2  }
0x278: {  	v2 =	vld.idx.msk [tilespmem:v59+s1+$0x0], $0xffff;
	_ =	sdelay $0x3  }
0x279: {  	v60 =	vld [tilespmem:$0x4E0]  }
0x27a: {  	[tilespmem:$0x1E6C0] =	vst v2  }
0x27b: {  	v2 =	vld.idx.msk [tilespmem:v3+s1+$0x0], $0xffff;
	_ =	sdelay $0x3  }
0x27c: {  	v3 =	vld [tilespmem:$0x4F0]  }
0x27d: {  	[tilespmem:$0x1E6D0] =	vst v2  }
0x27e: {  	v2 =	vld.idx.msk [tilespmem:v60+s1+$0x0], $0xffff;
	_ =	sdelay $0x4  }
0x27f: {  	[tilespmem:$0x1E6E0] =	vst v2  }
0x280: {  	v2 =	vld.idx.msk [tilespmem:v3+s1+$0x0], $0xffff;
	_ =	sdelay $0x4  }
0x281: {  	[tilespmem:$0x1E6F0] =	vst v2  }
0x282: {  	[spmem:s6] =	stream.indirect.scatter.add.f32 [tilespmem:s0], [sflag:$0xD], $0x1, s31, s12, $0xb8;
	[tilespmem:$0x1EC80] =	vst v63  }
0x283: {  	_ =	swait.ge [sflag:s24], $0x4000  }
0x284: {  	[sflag:s24] =	ssyncset.done $0x0  }
0x285: {  	s22 =	simm.s32 $0x580;
	[sflag:s24] =	ssyncadd.s32 $0xFFFFC000  }
0x286: {  	[spmem:s3] =	stream.indirect.scatter.add.f32 [tilespmem:s13], [sflag:$0xA], $0x80, s22, s12, $0xb8;
	[tilespmem:$0x1EC80] =	vst v63  }
0x287: {  	_ =	swait.ge [sflag:s26], $0x4000  }
0x288: {  	[sflag:s26] =	ssyncset.done $0x0  }
0x289: {  	[sflag:s26] =	ssyncadd.s32 $0xFFFFC000  }
0x28a: {  	_ =	swait.ge [sflag:s25], $0x80  }
0x28b: {  	[sflag:s25] =	ssyncset.done $0x0  }
0x28c: {  	[sflag:s25] =	ssyncadd.s32 $0xFFFFFF80  }
0x28d: {  	_ =	swait.ge [sflag:s30], $0x80  }
0x28e: {  	[sflag:s30] =	ssyncset.done $0x0  }
0x28f: {  	[sflag:s30] =	ssyncadd.s32 $0xFFFFFF80  }
0x290: {  	[spmem:s23] =	stream.indirect.scatter.add.f32 [tilespmem:s20], [sflag:$0xC], $0x1, s22, s12, $0xb8;
	[tilespmem:$0x1EC80] =	vst v63  }
0x291: {  	v2 =	vld [tilespmem:$0x580];
	_ =	sdelay $0x5  }
0x292: {  	v3 =	vld [tilespmem:$0x590];
	_ =	sdelay $0x1  }
0x293: {  	v2 =	vld.idx.msk [tilespmem:v2+s1+$0x0], $0xffff;
	_ =	sdelay $0x3  }
0x294: {  	v61 =	vld [tilespmem:$0x5A0]  }
0x295: {  	[tilespmem:$0x1E700] =	vst v2  }
0x296: {  	v2 =	vld.idx.msk [tilespmem:v3+s1+$0x0], $0xffff;
	_ =	sdelay $0x3  }
0x297: {  	v3 =	vld [tilespmem:$0x5B0]  }
0x298: {  	[tilespmem:$0x1E710] =	vst v2  }
0x299: {  	v2 =	vld.idx.msk [tilespmem:v61+s1+$0x0], $0xffff;
	_ =	sdelay $0x3  }
0x29a: {  	v62 =	vld [tilespmem:$0x5C0]  }
0x29b: {  	[tilespmem:$0x1E720] =	vst v2  }
0x29c: {  	v2 =	vld.idx.msk [tilespmem:v3+s1+$0x0], $0xffff;
	_ =	sdelay $0x3  }
0x29d: {  	v3 =	vld [tilespmem:$0x5D0]  }
0x29e: {  	[tilespmem:$0x1E730] =	vst v2  }
0x29f: {  	v2 =	vld.idx.msk [tilespmem:v62+s1+$0x0], $0xffff;
	_ =	sdelay $0x3  }
0x2a0: {  	v63 =	vld [tilespmem:$0x5E0]  }
0x2a1: {  	[tilespmem:$0x1E740] =	vst v2  }
0x2a2: {  	v2 =	vld.idx.msk [tilespmem:v3+s1+$0x0], $0xffff;
	_ =	sdelay $0x3  }
0x2a3: {  	v3 =	vld [tilespmem:$0x5F0]  }
0x2a4: {  	[tilespmem:$0x1E750] =	vst v2  }
0x2a5: {  	v2 =	vld.idx.msk [tilespmem:v63+s1+$0x0], $0xffff;
	_ =	sdelay $0x4  }
0x2a6: {  	[tilespmem:$0x1E760] =	vst v2  }
0x2a7: {  	v2 =	vld.idx.msk [tilespmem:v3+s1+$0x0], $0xffff;
	_ =	sdelay $0x4  }
0x2a8: {  	[tilespmem:$0x1E770] =	vst v2  }
0x2a9: {  	[spmem:s6] =	stream.indirect.scatter.add.f32 [tilespmem:s11], [sflag:$0xE], $0x1, s16, s12, $0xb8;
	[tilespmem:$0x1EC80] =	vst v63  }
0x2aa: {  	_ =	swait.ge [sflag:s5], $0x4000  }
0x2ab: {  	[sflag:s5] =	ssyncset.done $0x0  }
0x2ac: {  	[sflag:s5] =	ssyncadd.s32 $0xFFFFC000  }
0x2ad: {  	_ =	swait.ge [sflag:s14], $0x80  }
0x2ae: {  	[sflag:s14] =	ssyncset.done $0x0  }
0x2af: {  	[sflag:s14] =	ssyncadd.s32 $0xFFFFFF80  }
0x2b0: {  	_ =	swait.ge [sflag:s9], $0x80  }
0x2b1: {  	[sflag:s9] =	ssyncset.done $0x0  }
0x2b2: {  	[sflag:s9] =	ssyncadd.s32 $0xFFFFFF80  }
0x2b3: {  	_ =	swait.ge [sflag:s25], $0x80  }
0x2b4: {  	[sflag:s25] =	ssyncset.done $0x0  }
0x2b5: {  	[sflag:s25] =	ssyncadd.s32 $0xFFFFFF80  }
0x2b6: {  	_ =	swait.ge [sflag:s30], $0x80  }
0x2b7: {  	s31 =	sld [smem:$0x7FB];
	_ =	sdelay $0x2  }
0x2b8: {  	p2 =	seq.s32 s31, $0x1  }
.Ltmp4:
0x2b9: {  	_ = 	snop;
	(pc) =	sbr.rel @p2 .LBB2_7-.Ltmp4, $3  }
0x2ba: {  	_ =	sdelay $0x1  }
0x2bb: {  	s4 =	simm.s32 $0x4600;
	[sflag:s30] =	ssyncset.done $0x0  }
0x2bc: {  	s10 =	simm.s32 $0x1E680;
	s11 =	simm.s32 $0x600;
	[sflag:s30] =	ssyncadd.s32 $0xFFFFFF80  }
0x2bd: {  	s2 =	sld [smem:$0x7FD];
	_ =	sdelay $0x1  }
0x2be: {  	s15 =	simm.s32 $0xF  }
0x2bf: {  	[tilespmem:s7], [sflag:$0xF] =	stream.linear.gather [hbm4b:s2+s7], $0x100, $0x38;
	[tilespmem:$0x1EC80] =	vst v63  }
0x2c0: {  	_ =	swait.ge [sflag:s15], $0x100  }
0x2c1: {  	[sflag:s15] =	ssyncset.done $0x0  }
0x2c2: {  	[sflag:s15] =	ssyncadd.s32 $0xFFFFFF00  }
0x2c3: {  	[tilespmem:s11], [sflag:$0xF] =	stream.indirect.gather [hbm4b:s28+s12], $0x80, s7, s12, $0xb8;
	[tilespmem:$0x1EC80] =	vst v63  }
0x2c4: {  	_ =	swait.ge [sflag:s15], $0x4000  }
0x2c5: {  	[sflag:s15] =	ssyncset.done $0x0  }
0x2c6: {  	[sflag:s15] =	ssyncadd.s32 $0xFFFFC000  }
0x2c7: {  	[spmem:s3] =	stream.indirect.scatter.add.f32 [tilespmem:s11], [sflag:$0xF], $0x80, s12, s12, $0xb8;
	[tilespmem:$0x1EC80] =	vst v63  }
0x2c8: {  	_ =	swait.ge [sflag:s15], $0x4000  }
0x2c9: {  	[sflag:s15] =	ssyncset.done $0x0  }
0x2ca: {  	[sflag:s15] =	ssyncadd.s32 $0xFFFFC000  }
0x2cb: {  	[spmem:s23] =	stream.indirect.scatter.add.f32 [tilespmem:s20], [sflag:$0xF], $0x1, s12, s12, $0xb8;
	[tilespmem:$0x1EC80] =	vst v63  }
0x2cc: {  	_ =	swait.ge [sflag:s15], $0x80  }
0x2cd: {  	[sflag:s15] =	ssyncset.done $0x0  }
0x2ce: {  	[sflag:s15] =	ssyncadd.s32 $0xFFFFFF80  }
0x2cf: {  	v2 =	vld [tilespmem:$0x80];
	_ =	sdelay $0x5  }
0x2d0: {  	v3 =	vld [tilespmem:$0x90];
	_ =	sdelay $0x1  }
0x2d1: {  	v2 =	vld.idx.msk [tilespmem:v2+s1+$0x0], $0xffff;
	_ =	sdelay $0x3  }
0x2d2: {  	v4 =	vld [tilespmem:$0xA0]  }
0x2d3: {  	[tilespmem:$0x1E680] =	vst v2  }
0x2d4: {  	v2 =	vld.idx.msk [tilespmem:v3+s1+$0x0], $0xffff;
	_ =	sdelay $0x3  }
0x2d5: {  	v3 =	vld [tilespmem:$0xB0]  }
0x2d6: {  	[tilespmem:$0x1E690] =	vst v2  }
0x2d7: {  	v2 =	vld.idx.msk [tilespmem:v4+s1+$0x0], $0xffff;
	_ =	sdelay $0x3  }
0x2d8: {  	v62 =	vld [tilespmem:$0xC0]  }
0x2d9: {  	[tilespmem:$0x1E6A0] =	vst v2  }
0x2da: {  	v2 =	vld.idx.msk [tilespmem:v3+s1+$0x0], $0xffff;
	_ =	sdelay $0x3  }
0x2db: {  	v3 =	vld [tilespmem:$0xD0]  }
0x2dc: {  	[tilespmem:$0x1E6B0] =	vst v2  }
0x2dd: {  	v2 =	vld.idx.msk [tilespmem:v62+s1+$0x0], $0xffff;
	_ =	sdelay $0x3  }
0x2de: {  	v63 =	vld [tilespmem:$0xE0]  }
0x2df: {  	[tilespmem:$0x1E6C0] =	vst v2  }
0x2e0: {  	v2 =	vld.idx.msk [tilespmem:v3+s1+$0x0], $0xffff;
	_ =	sdelay $0x3  }
0x2e1: {  	v3 =	vld [tilespmem:$0xF0]  }
0x2e2: {  	[tilespmem:$0x1E6D0] =	vst v2  }
0x2e3: {  	v2 =	vld.idx.msk [tilespmem:v63+s1+$0x0], $0xffff;
	_ =	sdelay $0x4  }
0x2e4: {  	[tilespmem:$0x1E6E0] =	vst v2  }
0x2e5: {  	v2 =	vld.idx.msk [tilespmem:v3+s1+$0x0], $0xffff;
	_ =	sdelay $0x4  }
0x2e6: {  	[tilespmem:$0x1E6F0] =	vst v2  }
0x2e7: {  	[spmem:s6] =	stream.indirect.scatter.add.f32 [tilespmem:s10], [sflag:$0xF], $0x1, s7, s12, $0xb8;
	[tilespmem:$0x1EC80] =	vst v63  }
.Ltmp5:
0x2e8: {  	_ =	swait.ge [sflag:s15], $0x80;
	(pc) =	sbr.rel .LBB2_8-.Ltmp5, $4  }
0x2e9: {  	[sflag:s15] =	ssyncset.done $0x0  }
0x2ea: {  	[sflag:s15] =	ssyncadd.s32 $0xFFFFFF80  }
0x2eb: {  	[bflag:$0x0] =	sbarrier.arrive $0xFFFF  }
0x2ec: {  	s10 =	sld [smem:$0x7F8]  }
.LBB2_7:
0x2ed: {  	[bflag:$0x0] =	sbarrier.arrive $0xFFFF  }
0x2ee: {  	s0 =	sld [smem:$0x7FC];
	_ =	sdelay $0x2  }
0x2ef: {  	p2 =	seq.s32 s0, $0x1  }
.Ltmp6:
0x2f0: {  	_ = 	snop;
	(pc) =	sbr.rel @p2 .LBB2_9-.Ltmp6, $2  }
0x2f1: {  	_ =	sdelay $0x2  }
0x2f2: {  	s15 =	simm.s32 $0xF;
	s10 =	sld [smem:$0x7F8]  }
.LBB2_8:
0x2f3: {  	s2 =	rddreg [dreg:$0x11]  }
0x2f4: {  	s16 =	rddreg [dreg:$0xb]  }
0x2f5: {  	s31 =	rddreg [dreg:$0x12]  }
.Ltmp7:
0x2f6: {  	s2 =	sor.u32 $0x1C0F, s2;
	s16 =	sshrl.u32 s16, $0x3;
	(pc) =	sbr.rel .LBB2_10-.Ltmp7, $4  }
0x2f7: {  	[hbm:s31], [sflag:s2] =	dma.local [spmem:s16], $0x2800  }
0x2f8: {  	_ =	swait.ge [sflag:s15], $0x2800  }
0x2f9: {  	[sflag:s15] =	ssyncset.done $0x0  }
0x2fa: {  	[sflag:s15] =	ssyncadd.s32 $0xFFFFD800  }
.LBB2_11:
0x2fb: {  	_ =	sfence.sel $0x180000  }
0x2fc: {  	[bflag:$0x0] =	sbarrier.arrive $0xFFFF  }
0x2fd: {  	_ =	strace $0x90000047  }
0x2fe: {  	s0 =	stileid.u32;
	[bflag:$0x2] =	sbarrier.arrive $0xFFFF  }
0x2ff: {  	p0 =	sne.s32 s0, $0x0;
	s0 =	rddreg [dreg:$0x8]  }
0x300: {  	s0 =	sadd.s32 @!p0 $0x100000, s0  }
0x301: {  	[sflag:s0] =	ssyncadd.tile.s32 @!p0 $0x1;
	_ =	shalt  }
.Lfunc_end2:
_tile_overlayer_lowered:
.L_overlay_start_2:
0x302: {  	(tag) =	ssettag $0x2  }
0x303: {  	s0 =	rddreg [dreg:$0x0];
	s2 =	stileid.u32  }
0x304: {  	s1 =	rddreg [dreg:$0x1];
	p0 =	sne.s32 s2, $0x0  }
0x305: {  	s3 =	rddreg [dreg:$0x2];
	[bflag:$0x3] =	sbarrier.arrive $0xFFFF;
	s2 =	simm.s32 @!p0 $0x1C0F  }
0x306: {  	[timem:s3], [sflag:s2] =	dma.local @!p0 [hbm:s0], s1  }
0x307: {  	s0 =	simm.s32 @!p0 $0xF  }
0x308: {  	_ =	swait.ge @!p0 [sflag:s0], s1  }
0x309: {  	s1 =	ssub.s32 @!p0 $0x0, s1;
	[sflag:s0] =	ssyncset.done @!p0 $0x0  }
0x30a: {  	[sflag:s0] =	ssyncadd.s32 @!p0 s1  }
0x30b: {  	[bflag:$0x3] =	sbarrier.arrive $0xFFFF  }
0x30c: {  	_ =	shalt  }

// kernel: kernel.9.cloned.1.call-start
scs
__scs_entry_jumppad:
0x0: {  	(pc) =	sbr.rel $0x88, $3  }
0x1: {  	(tag) =	ssettag $0x0;
	lr =	simm.s32 $0x1  }
0x2: {  	[smem:$0x3F94] =	sst lr;
	_ =	strace $0xD0000000  }
0x3: {  	_ = 	snop  }
0x4: {  	_ = 	snop  }
0x5: {  	_ = 	snop  }
0x6: {  	_ = 	snop  }
0x7: {  	_ = 	snop  }
__scs_overlays_trampoline_lowered:
0x8: {  	[smem:$0x3FA3] =	sst s0  }
0x9: {  	[smem:$0x3FA4] =	sst s1  }
0xa: {  	[smem:$0x3FA5] =	sst s2  }
0xb: {  	[smem:$0x3FA6] =	sst s3  }
0xc: {  	[smem:$0x3FA7] =	sst s4  }
0xd: {  	[smem:$0x3FA8] =	sst s5  }
0xe: {  	[smem:$0x3FA9] =	sst s6  }
0xf: {  	[smem:$0x3FAA] =	sst s7  }
0x10: {  	[smem:$0x3FAB] =	sst s8  }
0x11: {  	[smem:$0x3FAC] =	sst s9;
	s0 =	simm.s32 @!p0 $0x0  }
0x12: {  	s1 =	sld [smem:$0x3F92];
	s0 =	simm.s32 @p0 $0x1  }
0x13: {  	[smem:$0x3FAD] =	sst s0;
	s0 =	simm.s32 @!p1 $0x0  }
0x14: {  	s2 =	sld [smem:$0x3F91];
	s0 =	simm.s32 @p1 $0x1  }
0x15: {  	[smem:$0x3FAE] =	sst s0;
	s0 =	simm.s32 @!p2 $0x0  }
0x16: {  	s3 =	sld [smem:$0x3FDB];
	s0 =	simm.s32 @p2 $0x1  }
0x17: {  	s4 =	simm.s32 $0x1BF5;
	[smem:$0x3FB0] =	sst s0  }
0x18: {  	s0 =	sld [smem:$0x3F93];
	_ =	swait.ge [sflag:s4], $0x0  }
0x19: {  	s7 =	sld [smem:$0x3F94]  }
0x1a: {  	s8 =	sadd.s32 $0xFFFFE003, lr  }
0x1b: {  	s9 =	sadd.s32 $0xFFFFFEF7, lr;
	s5 =	simm.s32 $0xFFFFFFFF;
	p2 =	slt.u32 s8, $0xFFFFF086  }
0x1c: {  	p1 =	slt.u32 s9, $0xF7A;
	s5 =	simm.s32 @!p2 $0x0  }
0x1d: {  	s5 =	simm.s32 @p1 $0x1;
	p0 =	seq.s32 s7, s2  }
0x1e: {  	s7 =	smul.u32 @!p0 $0xF7A, s2;
	p2 =	seq.s32 @!p0 s5, $0x0  }
0x1f: {  	s9 =	smul.u32 $0xF7A, s1;
	s8 =	simm.s32 @!p0 $0x1BF5;
	p2 =	por !p2, p0  }
0x20: {  	[sflag:s8] =	ssyncset.s32 @!p0 $0xFFFFF086;
	s6 =	sadd.s32 @!p0 s3, s7;
	s7 =	simm.s32 @!p0 $0x108  }
0x21: {  	s3 =	sadd.s32 s3, s9;
	s6 =	sadd.s32 @!p0 $0x88, s6;
	s7 =	simm.s32 @p2 $0x1082  }
0x22: {  	[simem:s7], [sflag:s8] =	dma.local @!p0 [hbm:s6], $0xF7A  }
0x23: {  	s9 =	sor.u32 $0xD0000000, s2;
	s6 =	simm.s32 $0x108;
	_ =	swait.ge @!p0 [sflag:s8], $0x0  }
0x24: {  	s3 =	sadd.s32 $0x88, s3;
	s6 =	simm.s32 @!p1 $0x1082;
	[sflag:s4] =	ssyncset.s32 $0xFFFFF086  }
0x25: {  	[simem:s6], [sflag:s4] =	dma.local [hbm:s3], $0xF7A  }
0x26: {  	[smem:$0x3F94] =	sst s1;
	(tag) =	ssettag s2;
	_ =	strace s9  }
0x27: {  	s1 =	sld [smem:$0x3FA4]  }
0x28: {  	s2 =	sld [smem:$0x3FA5]  }
0x29: {  	s4 =	sld [smem:$0x3FA7]  }
0x2a: {  	p0 =	seq.s32 s5, $0x0;
	s5 =	sld [smem:$0x3FA8]  }
0x2b: {  	s6 =	sld [smem:$0x3FA9]  }
0x2c: {  	s7 =	sld [smem:$0x3FAA]  }
0x2d: {  	s3 =	simm.s32 $0x108;
	s8 =	sld [smem:$0x3FAB]  }
0x2e: {  	s3 =	simm.s32 @!p0 $0x1082;
	s9 =	sld [smem:$0x3FAC]  }
0x2f: {  	lr =	sadd.s32 s0, s3;
	s0 =	sld [smem:$0x3FA3]  }
0x30: {  	s3 =	sld [smem:$0x3FA6]  }
0x31: {  	[smem:$0x3FAF] =	sst s10  }
0x32: {  	s10 =	sld [smem:$0x3FAD];
	_ =	sdelay $0x3  }
0x33: {  	p0 =	seq.s32 s10, $0x1;
	s10 =	sld [smem:$0x3FAF];
	_ =	sdelay $0x3  }
0x34: {  	[smem:$0x3FAF] =	sst s10  }
0x35: {  	s10 =	sld [smem:$0x3FAE];
	_ =	sdelay $0x3  }
0x36: {  	p1 =	seq.s32 s10, $0x1;
	s10 =	sld [smem:$0x3FAF];
	_ =	sdelay $0x3  }
0x37: {  	[smem:$0x3FAF] =	sst s10  }
0x38: {  	s10 =	sld [smem:$0x3FB0]  }
0x39: {  	_ = 	snop;
	(pc) =	sbr.ind lr, $3  }
0x3a: {  	_ = 	snop  }
0x3b: {  	_ = 	snop  }
0x3c: {  	p2 =	seq.s32 s10, $0x1;
	s10 =	sld [smem:$0x3FAF]  }
0x3d: {  	_ =	shalt  }
0x3e: {  	_ =	shalt  }
0x3f: {  	_ =	shalt  }
0x40: {  	_ =	shalt  }
0x41: {  	_ =	shalt  }
0x42: {  	_ =	shalt  }
0x43: {  	_ =	shalt  }
0x44: {  	_ =	shalt  }
0x45: {  	_ =	shalt  }
0x46: {  	_ =	shalt  }
0x47: {  	_ =	shalt  }
0x48: {  	_ =	shalt  }
0x49: {  	_ =	shalt  }
0x4a: {  	_ =	shalt  }
0x4b: {  	_ =	shalt  }
0x4c: {  	_ =	shalt  }
0x4d: {  	_ =	shalt  }
0x4e: {  	_ =	shalt  }
0x4f: {  	_ =	shalt  }
0x50: {  	_ =	shalt  }
0x51: {  	_ =	shalt  }
0x52: {  	_ =	shalt  }
0x53: {  	_ =	shalt  }
0x54: {  	_ =	shalt  }
0x55: {  	_ =	shalt  }
0x56: {  	_ =	shalt  }
0x57: {  	_ =	shalt  }
0x58: {  	_ =	shalt  }
0x59: {  	_ =	shalt  }
0x5a: {  	_ =	shalt  }
0x5b: {  	_ =	shalt  }
0x5c: {  	_ =	shalt  }
0x5d: {  	_ =	shalt  }
0x5e: {  	_ =	shalt  }
0x5f: {  	_ =	shalt  }
0x60: {  	_ =	shalt  }
0x61: {  	_ =	shalt  }
0x62: {  	_ =	shalt  }
0x63: {  	_ =	shalt  }
0x64: {  	_ =	shalt  }
0x65: {  	_ =	shalt  }
0x66: {  	_ =	shalt  }
0x67: {  	_ =	shalt  }
0x68: {  	_ =	shalt  }
0x69: {  	_ =	shalt  }
0x6a: {  	_ =	shalt  }
0x6b: {  	_ =	shalt  }
0x6c: {  	_ =	shalt  }
0x6d: {  	_ =	shalt  }
0x6e: {  	_ =	shalt  }
0x6f: {  	_ =	shalt  }
0x70: {  	_ =	shalt  }
0x71: {  	_ =	shalt  }
0x72: {  	_ =	shalt  }
0x73: {  	_ =	shalt  }
0x74: {  	_ =	shalt  }
0x75: {  	_ =	shalt  }
0x76: {  	_ =	shalt  }
0x77: {  	_ =	shalt  }
0x78: {  	_ =	shalt  }
0x79: {  	_ =	shalt  }
0x7a: {  	_ =	shalt  }
0x7b: {  	_ =	shalt  }
0x7c: {  	_ =	shalt  }
0x7d: {  	_ =	shalt  }
0x7e: {  	_ =	shalt  }
0x7f: {  	_ =	shalt  }
0x80: {  	_ =	shalt  }
0x81: {  	_ =	shalt  }
0x82: {  	_ =	shalt  }
0x83: {  	_ =	shalt  }
0x84: {  	_ =	shalt  }
0x85: {  	_ =	shalt  }
0x86: {  	_ =	shalt  }
0x87: {  	_ =	shalt  }
.Lfunc_end0:
.L_simem_size_0:
called_computation.1_lowered:
.L_overlay_start_0:
0x88: {  	s2 =	sld [smem:$0x3FD9]  }
0x89: {  	s3 =	sld [smem:$0x3FFE];
	_ =	sdelay $0x1  }
0x8a: {  	s1 =	srdreg.scid  }
0x8b: {  	s0 =	sand.u32 $0x1, s1  }
0x8c: {  	s17 =	sshll.u32 s0, $0xA;
	s2 =	sadd.s32 s3, s2  }
0x8d: {  	s2 =	sadd.s32 s2, s17  }
0x8e: {  	[smem:$0x3FBB] =	sst s2  }
0x8f: {  	_ = 	snop  }
0x90: {  	s2 =	sld [smem:$0x3FC8]  }
0x91: {  	s18 =	sld [smem:$0x3FD0];
	(tm) =	ssettm $0x1  }
0x92: {  	s4 =	sld [smem:$0x3FFB];
	_ =	sdelay $0x3  }
0x93: {  	_ =	strace s4  }
0x94: {  	s4 =	sld [smem:$0x3FFC];
	_ =	sdelay $0x3  }
0x95: {  	_ =	strace s4  }
0x96: {  	s4 =	sld [smem:$0x3FFD];
	_ =	sdelay $0x3  }
0x97: {  	_ =	strace s4  }
0x98: {  	_ =	strace $0x8FFFFFFF  }
0x99: {  	s19 =	sld [smem:$0x3FDB];
	_ =	sdelay $0x1  }
0x9a: {  	s5 =	simm.s32 $_scs_section_size  }
0x9b: {  	s6 =	simm.s32 $_size__tile_overlayer_lowered;
	s7 =	simm.s32 $_tile_overlayer_lowered  }
0x9c: {  	s22 =	simm.s32 $0x1BFF;
	s21 =	sshll.u32 s7, $0x1;
	s4 =	sadd.s32 s5, s19  }
0x9d: {  	s8 =	simm.s32 $0x0;
	s20 =	sshll.u32 s6, $0x1;
	s6 =	sadd.s32 s21, s4  }
0x9e: {  	[timem:s8], [sflag:s22] =	dma.local [hbm:s6], s20  }
0x9f: {  	_ =	swait.ge [sflag:s22], s20  }
0xa0: {  	s5 =	ssub.s32 $0x0, s20;
	[sflag:s22] =	ssyncset.done $0x0  }
0xa1: {  	[sflag:s22] =	ssyncadd.s32 s5;
	_ =	sdelay $0x1  }
0xa2: {  	s23 =	simm.s32 $0x1B8B  }
0xa3: {  	_ =	swait.ge [sflag:s23], $0x1  }
0xa4: {  	[sflag:s23] =	ssyncset.done $0x0  }
0xa5: {  	s25 =	simm.s32 $0x1B8E;
	s24 =	sld [smem:$0x3FFE];
	[sflag:s23] =	ssyncadd.s32 $0xFFFFFFFF  }
0xa6: {  	s26 =	simm.s32 $execute0_lowered;
	[smem:$0x3FD2] =	sst s25  }
0xa7: {  	s6 =	sshll.u32 s26, $0x1;
	_ =	strace $0x80000049;
	[dreg:$0x1] =	wrdreg $0xFFFFFFFF  }
0xa8: {  	s28 =	simm.s32 $_size_execute0_lowered;
	s4 =	sadd.s32 s4, s6;
	[dreg:$0x0] =	wrdreg $0x0  }
0xa9: {  	s6 =	sshll.u32 s28, $0x1;
	[dreg:$0x2] =	wrdreg s4  }
0xaa: {  	[dreg:$0x3] =	wrdreg s6  }
0xab: {  	[dreg:$0x4] =	wrdreg $0xC0  }
0xac: {  	_ =	task [dreg:s8], $0x5FFFF  }
0xad: {  	[dreg:$0x1] =	wrdreg $0xFFFFFFFF  }
0xae: {  	[dreg:$0x0] =	wrdreg $0x60  }
0xaf: {  	[dreg:$0x2] =	wrdreg s2  }
0xb0: {  	[dreg:$0x3] =	wrdreg s18  }
0xb1: {  	[dreg:$0x4] =	wrdreg s24  }
0xb2: {  	[dreg:$0x5] =	wrdreg $0xC6000  }
0xb3: {  	[dreg:$0x6] =	wrdreg $0x9  }
0xb4: {  	_ =	task.clear_ibuf [dreg:s8], $0x7FFFF;
	_ =	strace $0x90000049  }
0xb5: {  	s29 =	simm.s32 $0x9;
	_ =	strace $0x8000004B  }
0xb6: {  	_ =	swait.ge [sflag:s29], $0x1  }
0xb7: {  	[sflag:s29] =	ssyncadd.s32 $0xFFFFFFFF  }
0xb8: {  	_ =	strace $0x9000004B  }
0xb9: {  	_ =	sfence  }
0xba: {  	s30 =	sld [smem:$0x0];
	_ =	sdelay $0x2  }
0xbb: {  	s31 =	sshll.u32 s1, $0xD;
	s1 =	sshrl.u32 s1, $0x2  }
0xbc: {  	s3 =	sand.u32 $0x4000, s31;
	s1 =	sadd.s32 s1, s30  }
0xbd: {  	s0 =	sor.u32 s3, s0;
	s1 =	sshll.u32 s1, $0x11  }
0xbe: {  	s0 =	sor.u32 s1, s0  }
0xbf: {  	s0 =	sadd.s32 $0x8F2B, s0  }
0xc0: {  	[sflag:s0] =	ssyncadd.remote.s32 $0x1  }
0xc1: {  	_ =	sfence.sel $0xFFFF  }
0xc2: {  	[dreg:$0x0] =	wrdreg $0xFFFFFFFF;
	(pc) =	sbr.abs _section_cstart, $3  }
0xc3: {  	[dreg:$0x1] =	wrdreg $0xFFFFFFFF  }
0xc4: {  	_ =	task.clear_ibuf [dreg:s8], $0x2FFFF;
	_ =	strace $0x9FFFFFFF  }
0xc5: {  	(tm) =	ssettm $0x7FFFFFFF  }
tec
execute0_lowered:
.L_overlay_start_1:
0x0: {  	(tag) =	ssettag $0x1  }
0x1: {  	s0 =	rddreg [dreg:$0x0]  }
0x2: {  	s2 =	rddreg [dreg:$0x1]  }
0x3: {  	s1 =	rddreg [dreg:$0x2]  }
0x4: {  	s3 =	rddreg [dreg:$0x3]  }
0x5: {  	s10 =	stileid.u32;
	s5 =	srdreg.scid;
	s4 =	simm.s32 $0x0  }
0x6: {  	s28 =	simm.s32 $0x300;
	s29 =	simm.s32 $0x400;
	s30 =	simm.s32 $0x500  }
0x7: {  	s31 =	simm.s32 $0x1;
	s6 =	smul.u32 $0x50000, s10;
	s5 =	sand.u32 $0x1, s5  }
0x8: {  	[smem:$0x7FF] =	sst s4;
	s1 =	sadd.s32 $0x3000, s1;
	s25 =	sadd.s32 $0x12C000, s3  }
0x9: {  	s11 =	sshll.u32 s10, $0x6;
	s12 =	sadd.s32 $0x130000, s3;
	s14 =	sadd.s32 $0x134000, s3  }
0xa: {  	s15 =	smul.u32 $0x14000, s10;
	_ =	strace $0x8000004A;
	[dreg:$0xb] =	wrdreg s25  }
0xb: {  	s16 =	sadd.s32 $0x138000, s3;
	p0 =	seq.s32 s10, $0xF;
	[dreg:$0xd] =	wrdreg s12  }
0xc: {  	p1 =	sgt.u32 s10, $0x1;
	s7 =	ssub.s32 $0x2, s5;
	[dreg:$0xe] =	wrdreg s14  }
0xd: {  	s26 =	sshll.u32 s5, $0x5;
	s5 =	smul.u32 $0x138800, s5;
	[dreg:$0x10] =	wrdreg s16  }
0xe: {  	[dreg:$0xc] =	wrdreg s11;
	s16 =	simm.s32 $0x9;
	s14 =	simm.s32 $0x580  }
0xf: {  	s6 =	sshrl.u32 s6, $0x2;
	s8 =	sshrl.u32 s7, $0x1;
	s13 =	sor.u32 s26, s11  }
0x10: {  	s9 =	sadd.s32 s6, s3;
	s6 =	ssub.s32 s7, s8;
	s12 =	sadd.s32 s0, s13  }
0x11: {  	s20 =	sshrl.u32 s5, $0x3;
	s5 =	sadd.s32 s15, s5;
	[dreg:$0x6] =	wrdreg s9  }
0x12: {  	s0 =	sadd.s32 s11, s0;
	s21 =	sadd.s32 $0x4000, s9;
	[dreg:$0xf] =	wrdreg s12  }
0x13: {  	s11 =	simm.s32 $0x7;
	s22 =	sadd.s32 $0x8000, s9;
	[dreg:$0x7] =	wrdreg s21  }
0x14: {  	s8 =	simm.s32 $0x8600;
	s23 =	sadd.s32 $0xC000, s9;
	[dreg:$0x8] =	wrdreg s22  }
0x15: {  	s13 =	simm.s32 $0x4;
	s24 =	sadd.s32 $0x10000, s9;
	[dreg:$0x9] =	wrdreg s23  }
0x16: {  	s17 =	sadd.s32 $0x400, s12;
	s18 =	sadd.s32 $0x800, s12;
	[dreg:$0xa] =	wrdreg s24  }
0x17: {  	s19 =	sadd.s32 $0xC00, s12;
	s5 =	sshrl.u32 s5, $0x3;
	[dreg:$0x11] =	wrdreg s17  }
0x18: {  	s0 =	sadd.s32 s26, s0;
	s25 =	sadd.s32 $0x13800, s12;
	[dreg:$0x12] =	wrdreg s18  }
0x19: {  	s26 =	smax.u32 s6, $0x1;
	s6 =	simm.s32 $0x3;
	[dreg:$0x13] =	wrdreg s19  }
0x1a: {  	s9 =	simm.s32 $0x8;
	s21 =	sadd.s32 $0x1000, s12;
	[dreg:$0x18] =	wrdreg s25  }
0x1b: {  	s22 =	sadd.s32 s1, s20;
	s1 =	sadd.s32 s1, s5;
	[dreg:$0x19] =	wrdreg s26  }
0x1c: {  	s23 =	sadd.s32 $0x1400, s12;
	[dreg:$0x5] =	wrdreg s0;
	s25 =	simm.s32 $0x100  }
0x1d: {  	s26 =	simm.s32 $0x200;
	s0 =	simm.s32 $0x600;
	s20 =	simm.s32 $0x4600  }
.Ltmp0:
0x1e: {  	s12 =	simm.s32 $0xA;
	[dreg:$0x14] =	wrdreg s21;
	(pc) =	sbr.rel .LBB2_1-.Ltmp0, $4  }
0x1f: {  	s17 =	simm.s32 $0xB;
	s18 =	simm.s32 $0x5;
	[dreg:$0x15] =	wrdreg s1  }
0x20: {  	s19 =	simm.s32 $0x480;
	s5 =	simm.s32 $0x0;
	[dreg:$0x16] =	wrdreg s23  }
0x21: {  	s24 =	sadd.s32 $0x25800, s22;
	s1 =	simm.s32 $0x80;
	s22 =	simm.s32 $0x2  }
0x22: {  	v0 =	vimm.f32 $0.0e+00;
	s21 =	simm.s32 $0xC;
	[dreg:$0x17] =	wrdreg s24;
	s24 =	simm.s32 $0x6  }
.LBB2_9:
0x23: {  	s5 =	rddreg [dreg:$0xb]  }
0x24: {  	s10 =	rddreg [dreg:$0x17];
	s15 =	simm.s32 $0x1FCD;
	s5 =	sshrl.u32 s5, $0x3  }
0x25: {  	[hbm:s10], [sflag:s15] =	dma.local [spmem:s5], $0x1900  }
0x26: {  	_ =	swait.ge [sflag:s7], $0x1900  }
0x27: {  	[sflag:s7] =	ssyncset.done $0x0  }
0x28: {  	[sflag:s7] =	ssyncadd.s32 $0xFFFFE700;
	s7 =	rddreg [dreg:$0x1a]  }
.LBB2_10:
0x29: {  	s7 =	sadd.s32 $0x1, s7;
	s5 =	rddreg [dreg:$0x19]  }
0x2a: {  	p2 =	sne.s32 s7, s5  }
.Ltmp1:
0x2b: {  	_ = 	snop;
	(pc) =	sbr.rel @!p2 .LBB2_11-.Ltmp1, $2  }
0x2c: {  	_ =	sdelay $0x2  }
0x2d: {  	s5 =	smov.u32 s7  }
.LBB2_1:
0x2e: {  	[dreg:$0x1a] =	wrdreg s5;
	s5 =	simm.s32 $0x0;
	s10 =	simm.s32 $0x200  }
.LBB2_2:
0x2f: {  	p2 =	sne.s32 s10, $0xFE00;
	[tilespmem:s5+$0x670] =	vst v0  }
0x30: {  	[tilespmem:s5+$0x600] =	vst v0  }
0x31: {  	[tilespmem:s5+$0x610] =	vst v0  }
.Ltmp2:
0x32: {  	[tilespmem:s5+$0x620] =	vst v0;
	(pc) =	sbr.rel @p2 .LBB2_2-.Ltmp2, $4  }
0x33: {  	[tilespmem:s5+$0x630] =	vst v0  }
0x34: {  	[tilespmem:s5+$0x640] =	vst v0  }
0x35: {  	[tilespmem:s5+$0x650] =	vst v0  }
0x36: {  	[tilespmem:s5+$0x660] =	vst v0;
	s5 =	sshra.s32 s10, $0x2;
	s10 =	sadd.s32 $0x200, s10  }
0x37: {  	[tilespmem:s5+$0x670] =	vst v0  }
0x38: {  	[tilespmem:s5+$0x600] =	vst v0  }
0x39: {  	[tilespmem:s5+$0x610] =	vst v0  }
0x3a: {  	[tilespmem:s5+$0x620] =	vst v0  }
0x3b: {  	[tilespmem:s5+$0x630] =	vst v0  }
0x3c: {  	[tilespmem:s5+$0x640] =	vst v0  }
0x3d: {  	[tilespmem:s5+$0x650] =	vst v0  }
0x3e: {  	[tilespmem:s5+$0x660] =	vst v0;
	s5 =	simm.s32 @p0 $0x600;
	s10 =	rddreg [dreg:$0xb]  }
0x3f: {  	[spmem:s10] =	stream.linear.scatter @p0 [tilespmem:s5], [sflag:$0xD], $0x4000, $0x38;
	[tilespmem:$0x1FE80] =	vst v63  }
0x40: {  	s10 =	simm.s32 @p0 $0xD  }
0x41: {  	_ =	swait.ge @p0 [sflag:s10], $0x4000  }
0x42: {  	[sflag:s10] =	ssyncset.done @p0 $0x0  }
0x43: {  	s23 =	rddreg [dreg:$0xd];
	[sflag:s10] =	ssyncadd.s32 @p0 $0xFFFFC000  }
0x44: {  	[spmem:s23] =	stream.linear.scatter @p0 [tilespmem:s5], [sflag:$0xD], $0x4000, $0x38;
	[tilespmem:$0x1FE80] =	vst v63  }
0x45: {  	_ =	swait.ge @p0 [sflag:s10], $0x4000  }
0x46: {  	[sflag:s10] =	ssyncset.done @p0 $0x0  }
0x47: {  	s23 =	rddreg [dreg:$0xe];
	[sflag:s10] =	ssyncadd.s32 @p0 $0xFFFFC000  }
0x48: {  	[spmem:s23] =	stream.linear.scatter @p0 [tilespmem:s5], [sflag:$0xD], $0x4000, $0x38;
	[tilespmem:$0x1FE80] =	vst v63  }
0x49: {  	_ =	swait.ge @p0 [sflag:s10], $0x4000  }
0x4a: {  	[sflag:s10] =	ssyncset.done @p0 $0x0  }
0x4b: {  	s23 =	rddreg [dreg:$0x10];
	[sflag:s10] =	ssyncadd.s32 @p0 $0xFFFFC000  }
0x4c: {  	[spmem:s23] =	stream.linear.scatter @p0 [tilespmem:s5], [sflag:$0xD], $0x800, $0x38;
	[tilespmem:$0x1FE80] =	vst v63  }
0x4d: {  	_ =	swait.ge @p0 [sflag:s10], $0x800  }
0x4e: {  	[sflag:s10] =	ssyncset.done @p0 $0x0  }
0x4f: {  	s5 =	simm.s32 @!p0 $0x600;
	[sflag:s10] =	ssyncadd.s32 @p0 $0xFFFFF800;
	s10 =	rddreg [dreg:$0x6]  }
0x50: {  	[spmem:s10] =	stream.linear.scatter @!p0 [tilespmem:s5], [sflag:$0xD], $0x4000, $0x38;
	[tilespmem:$0x1FE80] =	vst v63  }
0x51: {  	s10 =	simm.s32 @!p0 $0xD  }
0x52: {  	_ =	swait.ge @!p0 [sflag:s10], $0x4000  }
0x53: {  	[sflag:s10] =	ssyncset.done @!p0 $0x0  }
0x54: {  	s23 =	rddreg [dreg:$0x7];
	[sflag:s10] =	ssyncadd.s32 @!p0 $0xFFFFC000  }
0x55: {  	[spmem:s23] =	stream.linear.scatter @!p0 [tilespmem:s5], [sflag:$0xD], $0x4000, $0x38;
	[tilespmem:$0x1FE80] =	vst v63  }
0x56: {  	_ =	swait.ge @!p0 [sflag:s10], $0x4000  }
0x57: {  	[sflag:s10] =	ssyncset.done @!p0 $0x0  }
0x58: {  	s23 =	rddreg [dreg:$0x8];
	[sflag:s10] =	ssyncadd.s32 @!p0 $0xFFFFC000  }
0x59: {  	[spmem:s23] =	stream.linear.scatter @!p0 [tilespmem:s5], [sflag:$0xD], $0x4000, $0x38;
	[tilespmem:$0x1FE80] =	vst v63  }
0x5a: {  	_ =	swait.ge @!p0 [sflag:s10], $0x4000  }
0x5b: {  	[sflag:s10] =	ssyncset.done @!p0 $0x0  }
0x5c: {  	s23 =	rddreg [dreg:$0x9];
	[sflag:s10] =	ssyncadd.s32 @!p0 $0xFFFFC000  }
0x5d: {  	[spmem:s23] =	stream.linear.scatter @!p0 [tilespmem:s5], [sflag:$0xD], $0x4000, $0x38;
	[tilespmem:$0x1FE80] =	vst v63  }
0x5e: {  	_ =	swait.ge @!p0 [sflag:s10], $0x4000  }
0x5f: {  	[sflag:s10] =	ssyncset.done @!p0 $0x0  }
0x60: {  	s23 =	rddreg [dreg:$0xa];
	[sflag:s10] =	ssyncadd.s32 @!p0 $0xFFFFC000  }
0x61: {  	[spmem:s23] =	stream.linear.scatter @!p0 [tilespmem:s5], [sflag:$0xD], $0x4000, $0x38;
	[tilespmem:$0x1FE80] =	vst v63  }
0x62: {  	_ =	swait.ge @!p0 [sflag:s10], $0x4000  }
0x63: {  	[sflag:s10] =	ssyncset.done @!p0 $0x0  }
0x64: {  	[sflag:s10] =	ssyncadd.s32 @!p0 $0xFFFFC000  }
0x65: {  	[bflag:$0x0] =	sbarrier.arrive $0xFFFF  }
0x66: {  	s5 =	simm.s32 $0x0;
	s15 =	rddreg [dreg:$0xf]  }
0x67: {  	[tilespmem:s5], [sflag:$0x1] =	stream.linear.gather [hbm4b:s15+s5], $0x100, $0x38;
	[tilespmem:$0x1FE80] =	vst v63  }
0x68: {  	s23 =	rddreg [dreg:$0x11]  }
0x69: {  	[tilespmem:s25], [sflag:$0x2] =	stream.linear.gather [hbm4b:s23+s5], $0x100, $0x38;
	[tilespmem:$0x1FE80] =	vst v63  }
0x6a: {  	s7 =	rddreg [dreg:$0x12]  }
0x6b: {  	[tilespmem:s26], [sflag:$0x3] =	stream.linear.gather [hbm4b:s7+s5], $0x100, $0x38;
	[tilespmem:$0x1FE80] =	vst v63  }
0x6c: {  	s15 =	rddreg [dreg:$0x13]  }
0x6d: {  	[tilespmem:s28], [sflag:$0x4] =	stream.linear.gather [hbm4b:s15+s5], $0x100, $0x38;
	[tilespmem:$0x1FE80] =	vst v63  }
0x6e: {  	s23 =	rddreg [dreg:$0x14]  }
0x6f: {  	[tilespmem:s29], [sflag:$0x5] =	stream.linear.gather [hbm4b:s23+s5], $0x100, $0x38;
	[tilespmem:$0x1FE80] =	vst v63  }
0x70: {  	s7 =	rddreg [dreg:$0x16]  }
0x71: {  	[tilespmem:s30], [sflag:$0x6] =	stream.linear.gather [hbm4b:s7+s5], $0x100, $0x38;
	[tilespmem:$0x1FE80] =	vst v63  }
0x72: {  	_ =	swait.ge [sflag:s31], $0x100  }
0x73: {  	[sflag:s31] =	ssyncset.done $0x0  }
0x74: {  	[sflag:s31] =	ssyncadd.s32 $0xFFFFFF00  }
0x75: {  	[tilespmem:s0], [sflag:$0x7] =	stream.indirect.gather [hbm4b:s2+s1], $0x80, s1, s1, $0xb8;
	[tilespmem:$0x1FE80] =	vst v63  }
0x76: {  	_ =	swait.ge [sflag:s22], $0x100  }
0x77: {  	[sflag:s22] =	ssyncset.done $0x0  }
0x78: {  	s7 =	simm.s32 $0x180;
	[sflag:s22] =	ssyncadd.s32 $0xFFFFFF00  }
0x79: {  	[tilespmem:s20], [sflag:$0x8] =	stream.indirect.gather [hbm4b:s2+s1], $0x80, s7, s1, $0xb8;
	[tilespmem:$0x1FE80] =	vst v63  }
0x7a: {  	_ =	swait.ge [sflag:s11], $0x4000  }
0x7b: {  	[sflag:s11] =	ssyncset.done $0x0  }
0x7c: {  	[sflag:s11] =	ssyncadd.s32 $0xFFFFC000  }
0x7d: {  	[spmem:s3] =	stream.indirect.scatter.add.f32 [tilespmem:s0], [sflag:$0xA], $0x80, s5, s1, $0xb8;
	[tilespmem:$0x1FE80] =	vst v63  }
0x7e: {  	_ =	swait.ge [sflag:s6], $0x100  }
0x7f: {  	[sflag:s6] =	ssyncset.done $0x0  }
0x80: {  	s15 =	simm.s32 $0x280;
	[sflag:s6] =	ssyncadd.s32 $0xFFFFFF00  }
0x81: {  	[tilespmem:s8], [sflag:$0x9] =	stream.indirect.gather [hbm4b:s2+s1], $0x80, s15, s1, $0xb8;
	[tilespmem:$0x1FE80] =	vst v63  }
0x82: {  	_ =	swait.ge [sflag:s9], $0x4000  }
0x83: {  	[sflag:s9] =	ssyncset.done $0x0  }
0x84: {  	[sflag:s9] =	ssyncadd.s32 $0xFFFFC000  }
0x85: {  	[spmem:s3] =	stream.indirect.scatter.add.f32 [tilespmem:s20], [sflag:$0xB], $0x80, s25, s1, $0xb8;
	[tilespmem:$0x1FE80] =	vst v63  }
0x86: {  	_ =	swait.ge [sflag:s12], $0x4000  }
0x87: {  	[sflag:s12] =	ssyncset.done $0x0  }
0x88: {  	[sflag:s12] =	ssyncadd.s32 $0xFFFFC000  }
0x89: {  	_ =	swait.ge [sflag:s13], $0x100  }
0x8a: {  	[sflag:s13] =	ssyncset.done $0x0  }
0x8b: {  	s23 =	simm.s32 $0x380;
	[sflag:s13] =	ssyncadd.s32 $0xFFFFFF00  }
0x8c: {  	[tilespmem:s0], [sflag:$0x7] =	stream.indirect.gather [hbm4b:s2+s1], $0x80, s23, s1, $0xb8;
	[tilespmem:$0x1FE80] =	vst v63  }
0x8d: {  	_ =	swait.ge [sflag:s16], $0x4000  }
0x8e: {  	[sflag:s16] =	ssyncset.done $0x0  }
0x8f: {  	[sflag:s16] =	ssyncadd.s32 $0xFFFFC000  }
0x90: {  	[spmem:s3] =	stream.indirect.scatter.add.f32 [tilespmem:s8], [sflag:$0xC], $0x80, s26, s1, $0xb8;
	[tilespmem:$0x1FE80] =	vst v63  }
0x91: {  	_ =	swait.ge [sflag:s17], $0x4000  }
0x92: {  	[sflag:s17] =	ssyncset.done $0x0  }
0x93: {  	[sflag:s17] =	ssyncadd.s32 $0xFFFFC000  }
0x94: {  	_ =	swait.ge [sflag:s18], $0x100  }
0x95: {  	[sflag:s18] =	ssyncset.done $0x0;
	s10 =	rddreg [dreg:$0x5]  }
0x96: {  	[sflag:s18] =	ssyncadd.s32 $0xFFFFFF00;
	s5 =	sadd.s32 $0x0, s10  }
0x97: {  	[tilespmem:s20], [sflag:$0x8] =	stream.indirect.gather [hbm4b:s2+s1], $0x80, s19, s1, $0xb8;
	[tilespmem:$0x1FE80] =	vst v63  }
0x98: {  	s10 =	sadd.s32 $0x1800, s5  }
0x99: {  	[tilespmem:s4], [sflag:$0x1] =	stream.linear.gather [hbm4b:s10+s4], $0x100, $0x38;
	[tilespmem:$0x1FE80] =	vst v63  }
0x9a: {  	_ =	swait.ge [sflag:s11], $0x4000  }
0x9b: {  	[sflag:s11] =	ssyncset.done $0x0  }
0x9c: {  	[sflag:s11] =	ssyncadd.s32 $0xFFFFC000  }
0x9d: {  	[spmem:s3] =	stream.indirect.scatter.add.f32 [tilespmem:s0], [sflag:$0xA], $0x80, s28, s1, $0xb8;
	[tilespmem:$0x1FE80] =	vst v63  }
0x9e: {  	_ =	swait.ge [sflag:s21], $0x4000  }
0x9f: {  	[sflag:s21] =	ssyncset.done $0x0  }
0xa0: {  	[sflag:s21] =	ssyncadd.s32 $0xFFFFC000  }
0xa1: {  	_ =	swait.ge [sflag:s24], $0x100  }
0xa2: {  	[sflag:s24] =	ssyncset.done $0x0  }
0xa3: {  	[sflag:s24] =	ssyncadd.s32 $0xFFFFFF00  }
0xa4: {  	[tilespmem:s8], [sflag:$0x9] =	stream.indirect.gather [hbm4b:s2+s1], $0x80, s14, s1, $0xb8;
	[tilespmem:$0x1FE80] =	vst v63  }
0xa5: {  	s10 =	sadd.s32 $0x1C00, s5  }
0xa6: {  	[tilespmem:s25], [sflag:$0x2] =	stream.linear.gather [hbm4b:s10+s4], $0x100, $0x38;
	[tilespmem:$0x1FE80] =	vst v63  }
0xa7: {  	_ =	swait.ge [sflag:s9], $0x4000  }
0xa8: {  	[sflag:s9] =	ssyncset.done $0x0  }
0xa9: {  	[sflag:s9] =	ssyncadd.s32 $0xFFFFC000  }
0xaa: {  	[spmem:s3] =	stream.indirect.scatter.add.f32 [tilespmem:s20], [sflag:$0xB], $0x80, s29, s1, $0xb8;
	[tilespmem:$0x1FE80] =	vst v63  }
0xab: {  	_ =	swait.ge [sflag:s12], $0x4000  }
0xac: {  	[sflag:s12] =	ssyncset.done $0x0  }
0xad: {  	[sflag:s12] =	ssyncadd.s32 $0xFFFFC000  }
0xae: {  	_ =	swait.ge [sflag:s31], $0x100  }
0xaf: {  	[sflag:s31] =	ssyncset.done $0x0  }
0xb0: {  	[sflag:s31] =	ssyncadd.s32 $0xFFFFFF00  }
0xb1: {  	[tilespmem:s0], [sflag:$0x7] =	stream.indirect.gather [hbm4b:s2+s1], $0x80, s1, s1, $0xb8;
	[tilespmem:$0x1FE80] =	vst v63  }
0xb2: {  	s10 =	sadd.s32 $0x2000, s5  }
0xb3: {  	[tilespmem:s26], [sflag:$0x3] =	stream.linear.gather [hbm4b:s10+s4], $0x100, $0x38;
	[tilespmem:$0x1FE80] =	vst v63  }
0xb4: {  	_ =	swait.ge [sflag:s16], $0x4000  }
0xb5: {  	[sflag:s16] =	ssyncset.done $0x0  }
0xb6: {  	[sflag:s16] =	ssyncadd.s32 $0xFFFFC000  }
0xb7: {  	[spmem:s3] =	stream.indirect.scatter.add.f32 [tilespmem:s8], [sflag:$0xC], $0x80, s30, s1, $0xb8;
	[tilespmem:$0x1FE80] =	vst v63  }
0xb8: {  	_ =	swait.ge [sflag:s17], $0x4000  }
0xb9: {  	[sflag:s17] =	ssyncset.done $0x0  }
0xba: {  	[sflag:s17] =	ssyncadd.s32 $0xFFFFC000  }
0xbb: {  	_ =	swait.ge [sflag:s22], $0x100  }
0xbc: {  	[sflag:s22] =	ssyncset.done $0x0  }
0xbd: {  	[sflag:s22] =	ssyncadd.s32 $0xFFFFFF00  }
0xbe: {  	[tilespmem:s20], [sflag:$0x8] =	stream.indirect.gather [hbm4b:s2+s1], $0x80, s7, s1, $0xb8;
	[tilespmem:$0x1FE80] =	vst v63  }
0xbf: {  	s10 =	sadd.s32 $0x2400, s5  }
0xc0: {  	[tilespmem:s28], [sflag:$0x4] =	stream.linear.gather [hbm4b:s10+s4], $0x100, $0x38;
	[tilespmem:$0x1FE80] =	vst v63  }
0xc1: {  	_ =	swait.ge [sflag:s11], $0x4000  }
0xc2: {  	[sflag:s11] =	ssyncset.done $0x0  }
0xc3: {  	[sflag:s11] =	ssyncadd.s32 $0xFFFFC000  }
0xc4: {  	[spmem:s3] =	stream.indirect.scatter.add.f32 [tilespmem:s0], [sflag:$0xA], $0x80, s4, s1, $0xb8;
	[tilespmem:$0x1FE80] =	vst v63  }
0xc5: {  	_ =	swait.ge [sflag:s21], $0x4000  }
0xc6: {  	[sflag:s21] =	ssyncset.done $0x0  }
0xc7: {  	[sflag:s21] =	ssyncadd.s32 $0xFFFFC000  }
0xc8: {  	_ =	swait.ge [sflag:s6], $0x100  }
0xc9: {  	[sflag:s6] =	ssyncset.done $0x0  }
0xca: {  	[sflag:s6] =	ssyncadd.s32 $0xFFFFFF00  }
0xcb: {  	[tilespmem:s8], [sflag:$0x9] =	stream.indirect.gather [hbm4b:s2+s1], $0x80, s15, s1, $0xb8;
	[tilespmem:$0x1FE80] =	vst v63  }
0xcc: {  	s10 =	sadd.s32 $0x2800, s5  }
0xcd: {  	[tilespmem:s29], [sflag:$0x5] =	stream.linear.gather [hbm4b:s10+s4], $0x100, $0x38;
	[tilespmem:$0x1FE80] =	vst v63  }
0xce: {  	_ =	swait.ge [sflag:s9], $0x4000  }
0xcf: {  	[sflag:s9] =	ssyncset.done $0x0  }
0xd0: {  	[sflag:s9] =	ssyncadd.s32 $0xFFFFC000  }
0xd1: {  	[spmem:s3] =	stream.indirect.scatter.add.f32 [tilespmem:s20], [sflag:$0xB], $0x80, s25, s1, $0xb8;
	[tilespmem:$0x1FE80] =	vst v63  }
0xd2: {  	_ =	swait.ge [sflag:s12], $0x4000  }
0xd3: {  	[sflag:s12] =	ssyncset.done $0x0  }
0xd4: {  	[sflag:s12] =	ssyncadd.s32 $0xFFFFC000  }
0xd5: {  	_ =	swait.ge [sflag:s13], $0x100  }
0xd6: {  	[sflag:s13] =	ssyncset.done $0x0  }
0xd7: {  	s5 =	sadd.s32 $0x2C00, s5;
	s10 =	simm.s32 $0x1800;
	[sflag:s13] =	ssyncadd.s32 $0xFFFFFF00  }
0xd8: {  	[tilespmem:s0], [sflag:$0x7] =	stream.indirect.gather [hbm4b:s2+s1], $0x80, s23, s1, $0xb8;
	[tilespmem:$0x1FE80] =	vst v63  }
.LBB2_4:
0xd9: {  	[tilespmem:s30], [sflag:$0x6] =	stream.linear.gather [hbm4b:s5+s4], $0x100, $0x38;
	[tilespmem:$0x1FE80] =	vst v63  }
0xda: {  	_ =	swait.ge [sflag:s16], $0x4000  }
0xdb: {  	[sflag:s16] =	ssyncset.done $0x0  }
0xdc: {  	[sflag:s16] =	ssyncadd.s32 $0xFFFFC000  }
0xdd: {  	[spmem:s3] =	stream.indirect.scatter.add.f32 [tilespmem:s8], [sflag:$0xC], $0x80, s26, s1, $0xb8;
	[tilespmem:$0x1FE80] =	vst v63  }
0xde: {  	_ =	swait.ge [sflag:s17], $0x4000  }
0xdf: {  	[sflag:s17] =	ssyncset.done $0x0  }
0xe0: {  	[sflag:s17] =	ssyncadd.s32 $0xFFFFC000  }
0xe1: {  	_ =	swait.ge [sflag:s18], $0x100  }
0xe2: {  	s5 =	smov.u32 s10;
	[sflag:s18] =	ssyncset.done $0x0;
	s23 =	rddreg [dreg:$0x5]  }
0xe3: {  	[sflag:s18] =	ssyncadd.s32 $0xFFFFFF00;
	s5 =	sadd.s32 s5, s23  }
0xe4: {  	[tilespmem:s20], [sflag:$0x8] =	stream.indirect.gather [hbm4b:s2+s1], $0x80, s19, s1, $0xb8;
	[tilespmem:$0x1FE80] =	vst v63  }
0xe5: {  	s23 =	sadd.s32 $0x1800, s5  }
0xe6: {  	[tilespmem:s4], [sflag:$0x1] =	stream.linear.gather [hbm4b:s23+s4], $0x100, $0x38;
	[tilespmem:$0x1FE80] =	vst v63  }
0xe7: {  	_ =	swait.ge [sflag:s11], $0x4000  }
0xe8: {  	[sflag:s11] =	ssyncset.done $0x0  }
0xe9: {  	[sflag:s11] =	ssyncadd.s32 $0xFFFFC000  }
0xea: {  	[spmem:s3] =	stream.indirect.scatter.add.f32 [tilespmem:s0], [sflag:$0xA], $0x80, s28, s1, $0xb8;
	[tilespmem:$0x1FE80] =	vst v63  }
0xeb: {  	_ =	swait.ge [sflag:s21], $0x4000  }
0xec: {  	[sflag:s21] =	ssyncset.done $0x0  }
0xed: {  	[sflag:s21] =	ssyncadd.s32 $0xFFFFC000  }
0xee: {  	_ =	swait.ge [sflag:s24], $0x100  }
0xef: {  	[sflag:s24] =	ssyncset.done $0x0  }
0xf0: {  	[sflag:s24] =	ssyncadd.s32 $0xFFFFFF00  }
0xf1: {  	[tilespmem:s8], [sflag:$0x9] =	stream.indirect.gather [hbm4b:s2+s1], $0x80, s14, s1, $0xb8;
	[tilespmem:$0x1FE80] =	vst v63  }
0xf2: {  	s23 =	sadd.s32 $0x1C00, s5  }
0xf3: {  	[tilespmem:s25], [sflag:$0x2] =	stream.linear.gather [hbm4b:s23+s4], $0x100, $0x38;
	[tilespmem:$0x1FE80] =	vst v63  }
0xf4: {  	_ =	swait.ge [sflag:s9], $0x4000  }
0xf5: {  	[sflag:s9] =	ssyncset.done $0x0  }
0xf6: {  	[sflag:s9] =	ssyncadd.s32 $0xFFFFC000  }
0xf7: {  	[spmem:s3] =	stream.indirect.scatter.add.f32 [tilespmem:s20], [sflag:$0xB], $0x80, s29, s1, $0xb8;
	[tilespmem:$0x1FE80] =	vst v63  }
0xf8: {  	_ =	swait.ge [sflag:s12], $0x4000  }
0xf9: {  	[sflag:s12] =	ssyncset.done $0x0  }
0xfa: {  	[sflag:s12] =	ssyncadd.s32 $0xFFFFC000  }
0xfb: {  	_ =	swait.ge [sflag:s31], $0x100  }
0xfc: {  	[sflag:s31] =	ssyncset.done $0x0  }
0xfd: {  	[sflag:s31] =	ssyncadd.s32 $0xFFFFFF00  }
0xfe: {  	[tilespmem:s0], [sflag:$0x7] =	stream.indirect.gather [hbm4b:s2+s1], $0x80, s1, s1, $0xb8;
	[tilespmem:$0x1FE80] =	vst v63  }
0xff: {  	s23 =	sadd.s32 $0x2000, s5  }
0x100: {  	[tilespmem:s26], [sflag:$0x3] =	stream.linear.gather [hbm4b:s23+s4], $0x100, $0x38;
	[tilespmem:$0x1FE80] =	vst v63  }
0x101: {  	_ =	swait.ge [sflag:s16], $0x4000  }
0x102: {  	[sflag:s16] =	ssyncset.done $0x0  }
0x103: {  	[sflag:s16] =	ssyncadd.s32 $0xFFFFC000  }
0x104: {  	[spmem:s3] =	stream.indirect.scatter.add.f32 [tilespmem:s8], [sflag:$0xC], $0x80, s30, s1, $0xb8;
	[tilespmem:$0x1FE80] =	vst v63  }
0x105: {  	_ =	swait.ge [sflag:s17], $0x4000  }
0x106: {  	[sflag:s17] =	ssyncset.done $0x0  }
0x107: {  	[sflag:s17] =	ssyncadd.s32 $0xFFFFC000  }
0x108: {  	_ =	swait.ge [sflag:s22], $0x100  }
0x109: {  	[sflag:s22] =	ssyncset.done $0x0  }
0x10a: {  	[sflag:s22] =	ssyncadd.s32 $0xFFFFFF00  }
0x10b: {  	[tilespmem:s20], [sflag:$0x8] =	stream.indirect.gather [hbm4b:s2+s1], $0x80, s7, s1, $0xb8;
	[tilespmem:$0x1FE80] =	vst v63  }
0x10c: {  	s23 =	sadd.s32 $0x2400, s5  }
0x10d: {  	[tilespmem:s28], [sflag:$0x4] =	stream.linear.gather [hbm4b:s23+s4], $0x100, $0x38;
	[tilespmem:$0x1FE80] =	vst v63  }
0x10e: {  	_ =	swait.ge [sflag:s11], $0x4000  }
0x10f: {  	[sflag:s11] =	ssyncset.done $0x0  }
0x110: {  	[sflag:s11] =	ssyncadd.s32 $0xFFFFC000  }
0x111: {  	[spmem:s3] =	stream.indirect.scatter.add.f32 [tilespmem:s0], [sflag:$0xA], $0x80, s4, s1, $0xb8;
	[tilespmem:$0x1FE80] =	vst v63  }
0x112: {  	_ =	swait.ge [sflag:s21], $0x4000  }
0x113: {  	[sflag:s21] =	ssyncset.done $0x0  }
0x114: {  	[sflag:s21] =	ssyncadd.s32 $0xFFFFC000  }
0x115: {  	_ =	swait.ge [sflag:s6], $0x100  }
0x116: {  	[sflag:s6] =	ssyncset.done $0x0  }
0x117: {  	[sflag:s6] =	ssyncadd.s32 $0xFFFFFF00  }
0x118: {  	[tilespmem:s8], [sflag:$0x9] =	stream.indirect.gather [hbm4b:s2+s1], $0x80, s15, s1, $0xb8;
	[tilespmem:$0x1FE80] =	vst v63  }
0x119: {  	s23 =	sadd.s32 $0x2800, s5  }
0x11a: {  	[tilespmem:s29], [sflag:$0x5] =	stream.linear.gather [hbm4b:s23+s4], $0x100, $0x38;
	[tilespmem:$0x1FE80] =	vst v63  }
0x11b: {  	_ =	swait.ge [sflag:s9], $0x4000  }
0x11c: {  	[sflag:s9] =	ssyncset.done $0x0  }
0x11d: {  	[sflag:s9] =	ssyncadd.s32 $0xFFFFC000  }
0x11e: {  	[spmem:s3] =	stream.indirect.scatter.add.f32 [tilespmem:s20], [sflag:$0xB], $0x80, s25, s1, $0xb8;
	[tilespmem:$0x1FE80] =	vst v63  }
0x11f: {  	_ =	swait.ge [sflag:s12], $0x4000  }
0x120: {  	p2 =	sne.s32 s10, $0x10800;
	[sflag:s12] =	ssyncset.done $0x0  }
.Ltmp3:
0x121: {  	[sflag:s12] =	ssyncadd.s32 $0xFFFFC000;
	(pc) =	sbr.rel @p2 .LBB2_4-.Ltmp3, $4  }
0x122: {  	_ =	swait.ge [sflag:s13], $0x100  }
0x123: {  	s10 =	sadd.s32 $0x1800, s10;
	[sflag:s13] =	ssyncset.done $0x0  }
0x124: {  	s5 =	sadd.s32 $0x2C00, s5;
	s23 =	simm.s32 $0x380;
	[sflag:s13] =	ssyncadd.s32 $0xFFFFFF00  }
0x125: {  	[tilespmem:s0], [sflag:$0x7] =	stream.indirect.gather [hbm4b:s2+s1], $0x80, s23, s1, $0xb8;
	[tilespmem:$0x1FE80] =	vst v63  }
0x126: {  	[tilespmem:s30], [sflag:$0x6] =	stream.linear.gather [hbm4b:s5+s4], $0x100, $0x38;
	[tilespmem:$0x1FE80] =	vst v63  }
0x127: {  	_ =	swait.ge [sflag:s16], $0x4000  }
0x128: {  	[sflag:s16] =	ssyncset.done $0x0  }
0x129: {  	[sflag:s16] =	ssyncadd.s32 $0xFFFFC000  }
0x12a: {  	[spmem:s3] =	stream.indirect.scatter.add.f32 [tilespmem:s8], [sflag:$0xC], $0x80, s26, s1, $0xb8;
	[tilespmem:$0x1FE80] =	vst v63  }
0x12b: {  	_ =	swait.ge [sflag:s17], $0x4000  }
0x12c: {  	[sflag:s17] =	ssyncset.done $0x0  }
0x12d: {  	[sflag:s17] =	ssyncadd.s32 $0xFFFFC000  }
0x12e: {  	_ =	swait.ge [sflag:s18], $0x100  }
0x12f: {  	[sflag:s18] =	ssyncset.done $0x0  }
0x130: {  	[sflag:s18] =	ssyncadd.s32 $0xFFFFFF00  }
0x131: {  	[tilespmem:s20], [sflag:$0x8] =	stream.indirect.gather [hbm4b:s2+s1], $0x80, s19, s1, $0xb8;
	[tilespmem:$0x1FE80] =	vst v63  }
0x132: {  	_ =	swait.ge [sflag:s11], $0x4000  }
0x133: {  	[sflag:s11] =	ssyncset.done $0x0  }
0x134: {  	[sflag:s11] =	ssyncadd.s32 $0xFFFFC000  }
0x135: {  	[spmem:s3] =	stream.indirect.scatter.add.f32 [tilespmem:s0], [sflag:$0xA], $0x80, s28, s1, $0xb8;
	[tilespmem:$0x1FE80] =	vst v63  }
0x136: {  	_ =	swait.ge [sflag:s21], $0x4000  }
0x137: {  	[sflag:s21] =	ssyncset.done $0x0  }
0x138: {  	[sflag:s21] =	ssyncadd.s32 $0xFFFFC000  }
0x139: {  	_ =	swait.ge [sflag:s24], $0x100  }
0x13a: {  	[sflag:s24] =	ssyncset.done $0x0  }
0x13b: {  	[sflag:s24] =	ssyncadd.s32 $0xFFFFFF00  }
0x13c: {  	[tilespmem:s8], [sflag:$0x9] =	stream.indirect.gather [hbm4b:s2+s1], $0x80, s14, s1, $0xb8;
	[tilespmem:$0x1FE80] =	vst v63  }
0x13d: {  	_ =	swait.ge [sflag:s9], $0x4000  }
0x13e: {  	[sflag:s9] =	ssyncset.done $0x0  }
0x13f: {  	[sflag:s9] =	ssyncadd.s32 $0xFFFFC000  }
0x140: {  	[spmem:s3] =	stream.indirect.scatter.add.f32 [tilespmem:s20], [sflag:$0xB], $0x80, s29, s1, $0xb8;
	[tilespmem:$0x1FE80] =	vst v63  }
0x141: {  	_ =	swait.ge [sflag:s12], $0x4000  }
0x142: {  	[sflag:s12] =	ssyncset.done $0x0  }
0x143: {  	[sflag:s12] =	ssyncadd.s32 $0xFFFFC000  }
0x144: {  	_ =	swait.ge [sflag:s16], $0x4000  }
0x145: {  	[sflag:s16] =	ssyncset.done $0x0  }
0x146: {  	[sflag:s16] =	ssyncadd.s32 $0xFFFFC000  }
0x147: {  	[spmem:s3] =	stream.indirect.scatter.add.f32 [tilespmem:s8], [sflag:$0xC], $0x80, s30, s1, $0xb8;
	[tilespmem:$0x1FE80] =	vst v63  }
0x148: {  	_ =	swait.ge [sflag:s17], $0x4000  }
.Ltmp4:
0x149: {  	[sflag:s17] =	ssyncset.done $0x0;
	(pc) =	sbr.rel @p1 .LBB2_7-.Ltmp4, $4  }
0x14a: {  	[sflag:s17] =	ssyncadd.s32 $0xFFFFC000  }
0x14b: {  	_ =	swait.ge [sflag:s21], $0x4000  }
0x14c: {  	[sflag:s21] =	ssyncset.done $0x0  }
0x14d: {  	[sflag:s21] =	ssyncadd.s32 $0xFFFFC000  }
0x14e: {  	s5 =	rddreg [dreg:$0x18];
	s7 =	simm.s32 $0xD  }
0x14f: {  	[tilespmem:s4], [sflag:$0xD] =	stream.linear.gather [hbm4b:s5+s4], $0x100, $0x38;
	[tilespmem:$0x1FE80] =	vst v63  }
0x150: {  	_ =	swait.ge [sflag:s7], $0x100  }
0x151: {  	[sflag:s7] =	ssyncset.done $0x0  }
0x152: {  	[sflag:s7] =	ssyncadd.s32 $0xFFFFFF00  }
0x153: {  	[tilespmem:s0], [sflag:$0xD] =	stream.indirect.gather [hbm4b:s2+s1], $0x80, s1, s1, $0xb8;
	[tilespmem:$0x1FE80] =	vst v63  }
0x154: {  	_ =	swait.ge [sflag:s7], $0x4000  }
0x155: {  	[sflag:s7] =	ssyncset.done $0x0  }
0x156: {  	[sflag:s7] =	ssyncadd.s32 $0xFFFFC000  }
0x157: {  	[spmem:s3] =	stream.indirect.scatter.add.f32 [tilespmem:s0], [sflag:$0xD], $0x80, s4, s1, $0xb8;
	[tilespmem:$0x1FE80] =	vst v63  }
.Ltmp5:
0x158: {  	_ =	swait.ge [sflag:s7], $0x4000;
	(pc) =	sbr.rel .LBB2_8-.Ltmp5, $3  }
0x159: {  	[sflag:s7] =	ssyncset.done $0x0  }
0x15a: {  	[sflag:s7] =	ssyncadd.s32 $0xFFFFC000  }
0x15b: {  	[bflag:$0x0] =	sbarrier.arrive $0xFFFF;
	_ =	sdelay $0x1  }
.LBB2_7:
.Ltmp6:
0x15c: {  	(pc) =	sbr.rel @p0 .LBB2_9-.Ltmp6, $3  }
0x15d: {  	_ =	sdelay $0x1  }
0x15e: {  	[bflag:$0x0] =	sbarrier.arrive $0xFFFF  }
0x15f: {  	s7 =	simm.s32 $0xD  }
.LBB2_8:
0x160: {  	s5 =	rddreg [dreg:$0xc]  }
0x161: {  	s10 =	rddreg [dreg:$0x6]  }
0x162: {  	s23 =	rddreg [dreg:$0x15]  }
.Ltmp7:
0x163: {  	s5 =	sor.u32 $0x1C0D, s5;
	s10 =	sshrl.u32 s10, $0x3;
	(pc) =	sbr.rel .LBB2_10-.Ltmp7, $4  }
0x164: {  	[hbm:s23], [sflag:s5] =	dma.local [spmem:s10], $0x2800  }
0x165: {  	_ =	swait.ge [sflag:s7], $0x2800  }
0x166: {  	[sflag:s7] =	ssyncset.done $0x0  }
0x167: {  	[sflag:s7] =	ssyncadd.s32 $0xFFFFD800;
	s7 =	rddreg [dreg:$0x1a]  }
.LBB2_11:
0x168: {  	_ =	sfence.sel $0x180000  }
0x169: {  	[bflag:$0x0] =	sbarrier.arrive $0xFFFF  }
0x16a: {  	_ =	strace $0x9000004A  }
0x16b: {  	s0 =	stileid.u32;
	[bflag:$0x2] =	sbarrier.arrive $0xFFFF  }
0x16c: {  	p0 =	sne.s32 s0, $0x0;
	s0 =	rddreg [dreg:$0x4]  }
0x16d: {  	s0 =	sadd.s32 @!p0 $0x100000, s0  }
0x16e: {  	[sflag:s0] =	ssyncadd.tile.s32 @!p0 $0x1;
	_ =	shalt  }
.Lfunc_end2:
_tile_overlayer_lowered:
.L_overlay_start_2:
0x16f: {  	(tag) =	ssettag $0x2  }
0x170: {  	s0 =	rddreg [dreg:$0x0];
	s2 =	stileid.u32  }
0x171: {  	s1 =	rddreg [dreg:$0x1];
	p0 =	sne.s32 s2, $0x0  }
0x172: {  	s3 =	rddreg [dreg:$0x2];
	[bflag:$0x3] =	sbarrier.arrive $0xFFFF;
	s2 =	simm.s32 @!p0 $0x1C0D  }
0x173: {  	[timem:s3], [sflag:s2] =	dma.local @!p0 [hbm:s0], s1  }
0x174: {  	s0 =	simm.s32 @!p0 $0xD  }
0x175: {  	_ =	swait.ge @!p0 [sflag:s0], s1  }
0x176: {  	s1 =	ssub.s32 @!p0 $0x0, s1;
	[sflag:s0] =	ssyncset.done @!p0 $0x0  }
0x177: {  	[sflag:s0] =	ssyncadd.s32 @!p0 s1  }
0x178: {  	[bflag:$0x3] =	sbarrier.arrive $0xFFFF  }
0x179: {  	_ =	shalt  }

</sc_bundles>
